<compile_context>
chip_gen: v7x
topology: tpu7x:2x2x1
jax: 0.10.2.dev20260603
libtpu: 0.0.44.dev20260713+nightly
codegen_flags: <defaults>
</compile_context>

<pallas_src>
import functools

import jax
import jax.numpy as jnp
from jax import lax
from jax.experimental import pallas as pl
from jax.experimental.pallas import tpu as pltpu
from jax.experimental.pallas import tpu_sc as plsc

_N = 10000
_E = 160000
_D = 256
_MSG = 128
_OUT = 128
_ACT = 8
_NA = 1000

_NC = 2
_NS = 16
_NW = _NC * _NS


_GSUB = 5
_GCH = _GSUB * 128
_PKW = 128


def _sc_gather(p, q, ei3, base, gnch):
    ec = gnch * _GCH
    gmaxit = (gnch + _NS - 1) // _NS
    mesh = plsc.VectorSubcoreMesh(core_axis_name="c", subcore_axis_name="s")

    @functools.partial(
        pl.kernel,
        mesh=mesh,
        out_type=[
            jax.ShapeDtypeStruct((ec, _PKW), jnp.float32),
            jax.ShapeDtypeStruct((ec, _PKW), jnp.float32),
        ],
        scratch_types=[
            pltpu.VMEM_SHARED((_N, _PKW), jnp.float32),
            pltpu.VMEM((_GSUB, 128), jnp.int32),
            pltpu.VMEM((2, 128, _PKW), jnp.float32),
            pltpu.SemaphoreType.DMA,
            pltpu.SemaphoreType.DMA,
        ],
    )
    def gather_kernel(p_hbm, q_hbm, ei_hbm, ps_hbm, qr_hbm,
                      table, idx_v, buf, sem_g, sem_w):
        c = lax.axis_index("c")
        s = lax.axis_index("s")

        @pl.loop(0, _ZMAXIT)
        def _(jj):
            ch = s + _NS * jj

            @pl.when(ch < _ZNCH)
            def _():
                sl = pl.ds(ch * _ZROWS, _ZROWS)

                @pl.when(c == 0)
                def _():
                    pltpu.sync_copy(p_hbm.at[sl], table.at[sl])

                @pl.when(c == 1)
                def _():
                    pltpu.sync_copy(q_hbm.at[sl], table.at[sl])

        plsc.subcore_barrier()

        def chunk(k, which, out_hbm):
            pltpu.sync_copy(ei_hbm.at[which, base + k], idx_v)
            writes = [None, None]
            for j in range(_GSUB):
                b = j % 2
                if writes[b] is not None:
                    writes[b].wait()
                pltpu.async_copy(table.at[idx_v.at[j]], buf.at[b],
                                 sem_g).wait()
                writes[b] = pltpu.async_copy(
                    buf.at[b], out_hbm.at[pl.ds(k * _GCH + j * 128, 128)],
                    sem_w)
            writes[0].wait()
            writes[1].wait()

        @pl.loop(0, gmaxit)
        def _(jj):
            k = s + _NS * jj

            @pl.when(k < gnch)
            def _():
                @pl.when(c == 0)
                def _():
                    chunk(k, 0, ps_hbm)

                @pl.when(c == 1)
                def _():
                    chunk(k, 1, qr_hbm)

    return gather_kernel(p, q, ei3)



_SSUB = 5
_SCH = _SSUB * 128
_ZROWS = 80
_ZNCH = _N // _ZROWS
_ZMAXIT = (_ZNCH + _NS - 1) // _NS


def _sc_scatter_add(parts, ei3, zrows):
    nparts = len(parts)
    bases = [b for (_, b, _) in parts]
    snchs = [n for (_, _, n) in parts]
    mesh = plsc.VectorSubcoreMesh(core_axis_name="c", subcore_axis_name="s")

    @functools.partial(
        pl.kernel,
        mesh=mesh,
        out_type=jax.ShapeDtypeStruct((_NC, _N, _MSG), jnp.float32),
        scratch_types=[
            pltpu.VMEM((_SSUB, 128), jnp.int32),
            pltpu.VMEM((2, 128, _MSG), jnp.float32),
            pltpu.VMEM((_ZROWS, _MSG), jnp.float32),
            pltpu.VMEM_SHARED((_N, _MSG), jnp.float32),
            pltpu.SemaphoreType.DMA,
        ],
    )
    def scatter_kernel(*args):
        m_hbms = args[:nparts]
        ei_hbm, z_hbm, out_hbm, idx_v, mbuf, zbuf, acc, sem_m = args[nparts:]
        c = lax.axis_index("c")
        s = lax.axis_index("s")

        pltpu.sync_copy(z_hbm, zbuf)

        @pl.loop(0, _ZMAXIT)
        def _(jj):
            ch = s + _NS * jj

            @pl.when(ch < _ZNCH)
            def _():
                pltpu.sync_copy(zbuf, acc.at[pl.ds(ch * _ZROWS, _ZROWS)])

        plsc.subcore_barrier()

        for m_hbm, base, snch in zip(m_hbms, bases, snchs):
            hmaxit = (snch // 2 + _NS - 1) // _NS

            @pl.loop(0, hmaxit)
            def _(jj, m_hbm=m_hbm, base=base, snch=snch):
                t = 2 * (s + _NS * jj) + c

                @pl.when(t < snch)
                def _():
                    pltpu.sync_copy(ei_hbm.at[1, base + t], idx_v)
                    loads = [None, None]
                    loads[0] = pltpu.async_copy(
                        m_hbm.at[pl.ds(t * _SCH, 128)], mbuf.at[0], sem_m)
                    for j in range(_SSUB):
                        if j + 1 < _SSUB:
                            loads[(j + 1) % 2] = pltpu.async_copy(
                                m_hbm.at[pl.ds(t * _SCH + (j + 1) * 128, 128)],
                                mbuf.at[(j + 1) % 2], sem_m)
                        loads[j % 2].wait()
                        pltpu.sync_copy(mbuf.at[j % 2],
                                        acc.at[idx_v.at[j]], add=True)

        plsc.subcore_barrier()

        @pl.loop(0, _ZMAXIT)
        def _(jj):
            ch = s + _NS * jj

            @pl.when(ch < _ZNCH)
            def _():
                pltpu.sync_copy(acc.at[pl.ds(ch * _ZROWS, _ZROWS)],
                                out_hbm.at[c, pl.ds(ch * _ZROWS, _ZROWS)])

    return scatter_kernel(*[m for (m, _, _) in parts], ei3, zrows)



def _pack_pair(v16):
    vb = lax.bitcast_convert_type(v16, jnp.uint16)
    w = (vb[:, :128].astype(jnp.uint32)
         | (vb[:, 128:].astype(jnp.uint32) << 16))
    return lax.bitcast_convert_type(w, jnp.float32)


def _unpack_pair(wf):
    w = lax.bitcast_convert_type(wf, jnp.uint32)
    lo = lax.bitcast_convert_type((w & 0xFFFF).astype(jnp.uint16), jnp.bfloat16)
    hi = lax.bitcast_convert_type((w >> 16).astype(jnp.uint16), jnp.bfloat16)
    return lo, hi


def _pq_body(x_ref, w1a_ref, w1b_ref, b1_ref, p_ref, q_ref):
    xb = x_ref[...].astype(jnp.bfloat16)
    p = (jnp.dot(xb, w1a_ref[...], preferred_element_type=jnp.float32)
         + b1_ref[...])
    q = jnp.dot(xb, w1b_ref[...], preferred_element_type=jnp.float32)
    p_ref[...] = _pack_pair(p.astype(jnp.bfloat16))
    q_ref[...] = _pack_pair(q.astype(jnp.bfloat16))


def _edge_body(ps_ref, qr_ref, w2a_ref, w2b_ref, b2_ref, w3_ref, b3_ref, m_ref):
    ps_a, ps_b = _unpack_pair(ps_ref[...])
    qr_a, qr_b = _unpack_pair(qr_ref[...])
    h1a = jnp.maximum(ps_a + qr_a, 0)
    h1b = jnp.maximum(ps_b + qr_b, 0)
    h2 = (jnp.dot(h1a, w2a_ref[...], preferred_element_type=jnp.float32)
          + jnp.dot(h1b, w2b_ref[...], preferred_element_type=jnp.float32)
          + b2_ref[...])
    h2 = jnp.maximum(h2, 0.0).astype(jnp.bfloat16)
    m_ref[...] = (jnp.dot(h2, w3_ref[...], preferred_element_type=jnp.float32)
                  + b3_ref[...])


def _node_body(ag0_ref, ag1_ref, x_ref, wa1_ref, ba1_ref, wa2_ref, ba2_ref,
               wu1a_ref, wu1b_ref, bu1_ref, wu2_ref, bu2_ref,
               wu3_ref, bu3_ref, wh1_ref, bh1_ref, wh2_ref, bh2_ref,
               wm_ref, bm_ref, wl_ref, bl_ref, out_ref, act_ref):
    aggr = (jnp.sum(ag0_ref[...], axis=0)
            + jnp.sum(ag1_ref[...], axis=0)).astype(jnp.bfloat16)
    a = jnp.maximum(
        jnp.dot(aggr, wa1_ref[...], preferred_element_type=jnp.float32)
        + ba1_ref[...], 0.0).astype(jnp.bfloat16)
    a = jnp.maximum(
        jnp.dot(a, wa2_ref[...], preferred_element_type=jnp.float32)
        + ba2_ref[...], 0.0).astype(jnp.bfloat16)
    h = jnp.maximum(
        jnp.dot(x_ref[...].astype(jnp.bfloat16), wu1a_ref[...],
                preferred_element_type=jnp.float32)
        + jnp.dot(a, wu1b_ref[...], preferred_element_type=jnp.float32)
        + bu1_ref[...], 0.0).astype(jnp.bfloat16)
    h = jnp.maximum(
        jnp.dot(h, wu2_ref[...], preferred_element_type=jnp.float32)
        + bu2_ref[...], 0.0).astype(jnp.bfloat16)
    nodes = (jnp.dot(h, wu3_ref[...], preferred_element_type=jnp.float32)
             + bu3_ref[...])
    out_ref[...] = nodes

    @pl.when(pl.program_id(0) == 0)
    def _():
        z = jnp.maximum(
            jnp.dot(nodes[:_NA], wh1_ref[...],
                    preferred_element_type=jnp.float32) + bh1_ref[...], 0.0)
        z = jnp.maximum(
            jnp.dot(z, wh2_ref[...], preferred_element_type=jnp.float32)
            + bh2_ref[...], 0.0)
        mean = (jnp.dot(z, wm_ref[...], preferred_element_type=jnp.float32)
                + bm_ref[...])
        ls = jnp.clip(
            jnp.dot(z, wl_ref[...], preferred_element_type=jnp.float32)
            + bl_ref[...], -20.0, 2.0)
        act_ref[...] = jnp.concatenate([mean, jnp.exp(ls)], axis=-1)


def _full(shape):
    return pl.BlockSpec(shape, lambda *a: tuple(0 for _ in shape))


_BN = 2000
_BE = 8000


def _tc_pq(x, w1a, w1b, b1):
    grid = (_N // _BN,)
    return pl.pallas_call(
        _pq_body,
        grid=grid,
        in_specs=[
            pl.BlockSpec((_BN, _D), lambda i: (i, 0)),
            _full((_D, 256)),
            _full((_D, 256)),
            _full((1, 256)),
        ],
        out_specs=[
            pl.BlockSpec((_BN, _PKW), lambda i: (i, 0)),
            pl.BlockSpec((_BN, _PKW), lambda i: (i, 0)),
        ],
        out_shape=[
            jax.ShapeDtypeStruct((_N, _PKW), jnp.float32),
            jax.ShapeDtypeStruct((_N, _PKW), jnp.float32),
        ],
    )(x, w1a, w1b, b1)


def _tc_edge_mlp(ps, qr, w2a, w2b, b2, w3, b3):
    grid = (ps.shape[0] // _BE,)
    return pl.pallas_call(
        _edge_body,
        grid=grid,
        in_specs=[
            pl.BlockSpec((_BE, _PKW), lambda i: (i, 0)),
            pl.BlockSpec((_BE, _PKW), lambda i: (i, 0)),
            _full((128, 256)),
            _full((128, 256)),
            _full((1, 256)),
            _full((256, _MSG)),
            _full((1, _MSG)),
        ],
        out_specs=pl.BlockSpec((_BE, _MSG), lambda i: (i, 0)),
        out_shape=jax.ShapeDtypeStruct((ps.shape[0], _MSG), jnp.float32),
    )(ps, qr, w2a, w2b, b2, w3, b3)


def _tc_node_mlp(ag0, ag1, x, wa1, ba1, wa2, ba2, wu1a, wu1b, bu1, wu2, bu2,
                 wu3, bu3, wh1, bh1, wh2, bh2, wm, bm, wl, bl):
    grid = (_N // _BN,)
    return pl.pallas_call(
        _node_body,
        grid=grid,
        in_specs=[
            pl.BlockSpec((_NC, _BN, _MSG), lambda i: (0, i, 0)),
            pl.BlockSpec((_NC, _BN, _MSG), lambda i: (0, i, 0)),
            pl.BlockSpec((_BN, _D), lambda i: (i, 0)),
            _full((_MSG, 128)),
            _full((1, 128)),
            _full((128, 128)),
            _full((1, 128)),
            _full((_D, 256)),
            _full((128, 256)),
            _full((1, 256)),
            _full((256, 256)),
            _full((1, 256)),
            _full((256, _OUT)),
            _full((1, _OUT)),
            _full((_OUT, 256)),
            _full((1, 256)),
            _full((256, 256)),
            _full((1, 256)),
            _full((256, _ACT)),
            _full((1, _ACT)),
            _full((256, _ACT)),
            _full((1, _ACT)),
        ],
        out_specs=[
            pl.BlockSpec((_BN, _OUT), lambda i: (i, 0)),
            _full((_NA, 2 * _ACT)),
        ],
        out_shape=[
            jax.ShapeDtypeStruct((_N, _OUT), jnp.float32),
            jax.ShapeDtypeStruct((_NA, 2 * _ACT), jnp.float32),
        ],
    )(ag0, ag1, x, wa1, ba1, wa2, ba2, wu1a, wu1b, bu1, wu2, bu2, wu3, bu3,
      wh1, bh1, wh2, bh2, wm, bm, wl, bl)


def kernel(x, edge_index, Wm1, bm1, Wm2, bm2, Wm3, bm3, Wa1, ba1, Wa2, ba2,
           Wu1, bu1, Wu2, bu2, Wu3, bu3, Wh1, bh1, Wh2, bh2,
           Wmean, bmean, Wls, bls):
    ei3 = edge_index.reshape(2, _E // _GCH, _GSUB, 128)

    bf = jnp.bfloat16
    w1a, w1b = Wm1[:_D].astype(bf), Wm1[_D:].astype(bf)
    wu1a, wu1b = Wu1[:_D].astype(bf), Wu1[_D:].astype(bf)

    p, q = _tc_pq(x, w1a, w1b, bm1.reshape(1, -1))
    zrows = jnp.zeros((_ZROWS, _MSG), jnp.float32)
    w2a = Wm2[:128].astype(bf)
    w2b = Wm2[128:].astype(bf)
    w3 = Wm3.astype(bf)

    nch = _E // _GCH
    npart = 2
    pch = nch // npart
    ms = []
    for k in range(npart):
        ps, qr = _sc_gather(p, q, ei3, k * pch, pch)
        ms.append((_tc_edge_mlp(ps, qr, w2a, w2b, bm2.reshape(1, -1),
                                w3, bm3.reshape(1, -1)), k * pch, pch))
    ag0 = _sc_scatter_add(ms[:1], ei3, zrows)
    ag1 = _sc_scatter_add(ms[1:], ei3, zrows)
    nodes, act = _tc_node_mlp(
        ag0, ag1, x, Wa1.astype(bf), ba1.reshape(1, -1),
        Wa2.astype(bf), ba2.reshape(1, -1),
        wu1a, wu1b, bu1.reshape(1, -1),
        Wu2.astype(bf), bu2.reshape(1, -1),
        Wu3.astype(bf), bu3.reshape(1, -1),
        Wh1, bh1.reshape(1, -1), Wh2, bh2.reshape(1, -1),
        Wmean, bmean.reshape(1, -1), Wls, bls.reshape(1, -1))
    return act

# --- scband reference (transcript-rebuilt; emitter-appended) ---
"""Pipeline reference for scband-actor-with-gnn-90391881711791 (READ-ONLY COPY).

The authoritative reference and input builder live on the scoring server;
editing this copy changes nothing except your own understanding.
"""

import jax, jax.numpy as jnp
import numpy as np

N = 10000
E = 160000
D = 256
MSG = 128
OUT = 128
ACT = 8
NA = 1000


def _w(k, fan_in, fan_out):
    return jax.random.normal(k, (fan_in, fan_out), dtype=jnp.float32) * (1.0 / np.sqrt(fan_in))


def setup_inputs(seed: int = 0):
    key = jax.random.key(seed)
    ks = jax.random.split(key, 32)
    inp = {}
    inp["x"] = jax.random.normal(ks[0], (N, D), dtype=jnp.float32)
    inp["edge_index"] = jax.random.randint(ks[1], (2, E), 0, N, dtype=jnp.int32)
    inp["Wm1"] = _w(ks[2], 2 * D, 256); inp["bm1"] = jnp.zeros((256,), jnp.float32)
    inp["Wm2"] = _w(ks[3], 256, 256); inp["bm2"] = jnp.zeros((256,), jnp.float32)
    inp["Wm3"] = _w(ks[4], 256, MSG); inp["bm3"] = jnp.zeros((MSG,), jnp.float32)
    inp["Wa1"] = _w(ks[5], MSG, 128); inp["ba1"] = jnp.zeros((128,), jnp.float32)
    inp["Wa2"] = _w(ks[6], 128, 128); inp["ba2"] = jnp.zeros((128,), jnp.float32)
    inp["Wu1"] = _w(ks[7], D + 128, 256); inp["bu1"] = jnp.zeros((256,), jnp.float32)
    inp["Wu2"] = _w(ks[8], 256, 256); inp["bu2"] = jnp.zeros((256,), jnp.float32)
    inp["Wu3"] = _w(ks[9], 256, OUT); inp["bu3"] = jnp.zeros((OUT,), jnp.float32)
    inp["Wh1"] = _w(ks[10], OUT, 256); inp["bh1"] = jnp.zeros((256,), jnp.float32)
    inp["Wh2"] = _w(ks[11], 256, 256); inp["bh2"] = jnp.zeros((256,), jnp.float32)
    inp["Wmean"] = _w(ks[12], 256, ACT); inp["bmean"] = jnp.zeros((ACT,), jnp.float32)
    inp["Wls"] = _w(ks[13], 256, ACT); inp["bls"] = jnp.zeros((ACT,), jnp.float32)
    return inp


def reference(x, edge_index, Wm1, bm1, Wm2, bm2, Wm3, bm3, Wa1, ba1, Wa2, ba2, Wu1, bu1, Wu2, bu2, Wu3, bu3, Wh1, bh1, Wh2, bh2, Wmean, bmean, Wls, bls):
    relu = jax.nn.relu
    senders = edge_index[0]
    receivers = edge_index[1]
    # message MLP over (src, dst) features: hid_size_msg=(256,256) -> msg_dim=128
    m_in = jnp.concatenate([x[senders], x[receivers]], axis=-1)
    m = relu(m_in @ Wm1 + bm1)
    m = relu(m @ Wm2 + bm2)
    m = m @ Wm3 + bm3
    # aggregate messages by destination node (scatter-add)
    aggr = jax.ops.segment_sum(m, receivers, num_segments=x.shape[0])
    # aggregation MLP: hid_size_aggr=(128,128)
    a = relu(aggr @ Wa1 + ba1)
    a = relu(a @ Wa2 + ba2)
    # node update MLP: hid_size_update=(256,256) -> out_dim=128
    u_in = jnp.concatenate([x, a], axis=-1)
    h = relu(u_in @ Wu1 + bu1)
    h = relu(h @ Wu2 + bu2)
    nodes = h @ Wu3 + bu3
    # extract agent-node features (node_type=0 == first NA nodes)
    feats = nodes[:NA]
    # actor head
    z = relu(feats @ Wh1 + bh1)
    z = relu(z @ Wh2 + bh2)
    mean = z @ Wmean + bmean
    log_std = jnp.clip(z @ Wls + bls, -20.0, 2.0)
    std = jnp.exp(log_std)
    return jnp.concatenate([mean, std], axis=-1)

if __name__ == "__main__":
    import jax
    _d = setup_inputs()
    print(jax.jit(kernel)(*tuple(_d.values())))

</pallas_src>

<mosaic_0001>
#map = affine_map<(d0, d1) -> (0, 0)>
#map1 = affine_map<(d0, d1) -> (0, 0, 0, 0)>
#map2 = affine_map<(d0, d1) -> (0, 0, 0)>
module attributes {stable_mosaic.version = 14 : i64} {
  func.func @scatter_kernel(%arg0: i32, %arg1: i32, %arg2: memref<80000x128xf32, #tpu.memory_space<hbm>>, %arg3: memref<2x250x5x128xi32, #tpu.memory_space<hbm>>, %arg4: memref<80x128xf32, #tpu.memory_space<hbm>>, %arg5: memref<2x10000x128xf32, #tpu.memory_space<hbm>>, %arg6: memref<5x128xi32, #tpu.memory_space<vmem>>, %arg7: memref<2x128x128xf32, #tpu.memory_space<vmem>>, %arg8: memref<80x128xf32, #tpu.memory_space<vmem>>, %arg9: memref<10000x128xf32, #tpu.memory_space<vmem_shared>>, %arg10: memref<!tpu.dma_semaphore, #tpu.memory_space<semaphore_mem>>) attributes {dimension_semantics = [#tpu.dimension_semantics<core_parallel>, #tpu.dimension_semantics<subcore_parallel>], iteration_bounds = array<i64: 2, 16>, scalar_prefetch = 0 : i64, scratch_operands = 5 : i64, tpu.core_type = #tpu.core_type<sc_vector_subcore>, window_params = [{transform_indices = #map}, {transform_indices = #map1}, {transform_indices = #map}, {transform_indices = #map2}]} {
    "tpu.region"() ({
      %run_scoped3A = tpu.sem_alloc : memref<!tpu.dma_semaphore, #tpu.memory_space<semaphore_mem>>
      tpu.enqueue_dma source(%arg4 : memref<80x128xf32, #tpu.memory_space<hbm>>) target(%arg8 : memref<80x128xf32, #tpu.memory_space<vmem>>) target_semaphore(%run_scoped3A : memref<!tpu.dma_semaphore, #tpu.memory_space<semaphore_mem>>)
      tpu.wait_dma2 semaphore(%run_scoped3A : memref<!tpu.dma_semaphore, #tpu.memory_space<semaphore_mem>>) src(%arg4 : memref<80x128xf32, #tpu.memory_space<hbm>>) dst(%arg8 : memref<80x128xf32, #tpu.memory_space<vmem>>)
      tpu.yield
    }) : () -> ()
    %scan3A = arith.constant 0 : i32
    %scan3A_0 = arith.constant 8 : i32
    %scan3A_1 = arith.addi %scan3A, %scan3A_0 : i32
    %scan3A_2 = arith.constant 1 : i32
    scf.for %scan3A_15 = %scan3A to %scan3A_1 step %scan3A_2  : i32 {
      %mul3A = arith.constant 1 : i32
      %mul3A_16 = arith.muli %scan3A_15, %mul3A : i32
      %add3A = arith.constant 0 : i32
      %add3A_17 = arith.addi %add3A, %mul3A_16 : i32
      %mul3A_18 = arith.constant 16 : i32
      %mul3A_19 = arith.muli %mul3A_18, %add3A_17 : i32
      %add3A_20 = arith.addi %arg1, %mul3A_19 : i32
      %lt3A = arith.constant 125 : i32
      %lt3A_21 = arith.cmpi slt, %add3A_20, %lt3A : i32
      %convert_element_type3A = arith.extui %lt3A_21 : i1 to i32
      %cond3A = arith.constant 0 : i32
      %cond3A_22 = arith.cmpi ne, %convert_element_type3A, %cond3A : i32
      scf.if %cond3A_22 {
        %mul3A_23 = arith.constant 80 : i32
        %mul3A_24 = arith.muli %add3A_20, %mul3A_23 : i32
        "tpu.region"() ({
          %run_scoped3A = tpu.sem_alloc : memref<!tpu.dma_semaphore, #tpu.memory_space<semaphore_mem>>
          %dma_start3A = arith.constant 0 : i32
          %dma_start3A_25 = tpu.memref_slice %arg9[%mul3A_24, %dma_start3A] : memref<10000x128xf32, #tpu.memory_space<vmem_shared>> -> memref<80x128xf32, #tpu.memory_space<vmem_shared>>
          %dma_start3A_26 = arith.constant 0 : i32
          %dma_start3A_27 = tpu.memref_slice %arg9[%mul3A_24, %dma_start3A_26] : memref<10000x128xf32, #tpu.memory_space<vmem_shared>> -> memref<80x128xf32, #tpu.memory_space<vmem_shared>>
          tpu.enqueue_dma source(%arg8 : memref<80x128xf32, #tpu.memory_space<vmem>>) target(%dma_start3A_27 : memref<80x128xf32, #tpu.memory_space<vmem_shared>>) target_semaphore(%run_scoped3A : memref<!tpu.dma_semaphore, #tpu.memory_space<semaphore_mem>>)
          %dma_wait3A = arith.constant 0 : i32
          %dma_wait3A_28 = tpu.memref_slice %arg9[%mul3A_24, %dma_wait3A] : memref<10000x128xf32, #tpu.memory_space<vmem_shared>> -> memref<80x128xf32, #tpu.memory_space<vmem_shared>>
          %dma_wait3A_29 = arith.constant 0 : i32
          %dma_wait3A_30 = tpu.memref_slice %arg9[%mul3A_24, %dma_wait3A_29] : memref<10000x128xf32, #tpu.memory_space<vmem_shared>> -> memref<80x128xf32, #tpu.memory_space<vmem_shared>>
          tpu.wait_dma2 semaphore(%run_scoped3A : memref<!tpu.dma_semaphore, #tpu.memory_space<semaphore_mem>>) src(%arg8 : memref<80x128xf32, #tpu.memory_space<vmem>>) dst(%dma_wait3A_30 : memref<80x128xf32, #tpu.memory_space<vmem_shared>>)
          tpu.yield
        }) : () -> ()
      } else {
      }
    }
    %scan3A_3 = arith.constant 8 : i32
    %barrier3A = arith.constant 0 : index
    tpu.barrier barrier_id(%barrier3A)
    %scan3A_4 = arith.constant 0 : i32
    %scan3A_5 = arith.constant 4 : i32
    %scan3A_6 = arith.addi %scan3A_4, %scan3A_5 : i32
    %scan3A_7 = arith.constant 1 : i32
    scf.for %scan3A_15 = %scan3A_4 to %scan3A_6 step %scan3A_7  : i32 {
      %mul3A = arith.constant 1 : i32
      %mul3A_16 = arith.muli %scan3A_15, %mul3A : i32
      %add3A = arith.constant 0 : i32
      %add3A_17 = arith.addi %add3A, %mul3A_16 : i32
      %mul3A_18 = arith.constant 16 : i32
      %mul3A_19 = arith.muli %mul3A_18, %add3A_17 : i32
      %add3A_20 = arith.addi %arg1, %mul3A_19 : i32
      %mul3A_21 = arith.constant 2 : i32
      %mul3A_22 = arith.muli %mul3A_21, %add3A_20 : i32
      %add3A_23 = arith.addi %mul3A_22, %arg0 : i32
      %lt3A = arith.constant 125 : i32
      %lt3A_24 = arith.cmpi slt, %add3A_23, %lt3A : i32
      %convert_element_type3A = arith.extui %lt3A_24 : i1 to i32
      %cond3A = arith.constant 0 : i32
      %cond3A_25 = arith.cmpi ne, %convert_element_type3A, %cond3A : i32
      scf.if %cond3A_25 {
        %add3A_26 = arith.constant 0 : i32
        %add3A_27 = arith.addi %add3A_26, %add3A_23 : i32
        %run_scoped3A = arith.constant 1 : i32
        "tpu.region"() ({
          %run_scoped3A_184 = tpu.sem_alloc : memref<!tpu.dma_semaphore, #tpu.memory_space<semaphore_mem>>
          %dma_start3A_185 = arith.constant 0 : i32
          %dma_start3A_186 = arith.constant 0 : i32
          %dma_start3A_187 = tpu.memref_slice %arg3[%run_scoped3A, %add3A_27, %dma_start3A_185, %dma_start3A_186] : memref<2x250x5x128xi32, #tpu.memory_space<hbm>> -> memref<1x1x5x128xi32, #tpu.memory_space<hbm>>
          %dma_start3A_188 = tpu.memref_squeeze %dma_start3A_187 : memref<1x1x5x128xi32, #tpu.memory_space<hbm>> -> memref<5x128xi32, #tpu.memory_space<hbm>>
          %dma_start3A_189 = arith.constant 0 : i32
          %dma_start3A_190 = arith.constant 0 : i32
          %dma_start3A_191 = tpu.memref_slice %arg3[%run_scoped3A, %add3A_27, %dma_start3A_189, %dma_start3A_190] : memref<2x250x5x128xi32, #tpu.memory_space<hbm>> -> memref<1x1x5x128xi32, #tpu.memory_space<hbm>>
          %dma_start3A_192 = tpu.memref_squeeze %dma_start3A_191 : memref<1x1x5x128xi32, #tpu.memory_space<hbm>> -> memref<5x128xi32, #tpu.memory_space<hbm>>
          tpu.enqueue_dma source(%dma_start3A_192 : memref<5x128xi32, #tpu.memory_space<hbm>>) target(%arg6 : memref<5x128xi32, #tpu.memory_space<vmem>>) target_semaphore(%run_scoped3A_184 : memref<!tpu.dma_semaphore, #tpu.memory_space<semaphore_mem>>)
          %dma_wait3A_193 = arith.constant 0 : i32
          %dma_wait3A_194 = arith.constant 0 : i32
          %dma_wait3A_195 = tpu.memref_slice %arg3[%run_scoped3A, %add3A_27, %dma_wait3A_193, %dma_wait3A_194] : memref<2x250x5x128xi32, #tpu.memory_space<hbm>> -> memref<1x1x5x128xi32, #tpu.memory_space<hbm>>
          %dma_wait3A_196 = tpu.memref_squeeze %dma_wait3A_195 : memref<1x1x5x128xi32, #tpu.memory_space<hbm>> -> memref<5x128xi32, #tpu.memory_space<hbm>>
          %dma_wait3A_197 = arith.constant 0 : i32
          %dma_wait3A_198 = arith.constant 0 : i32
          %dma_wait3A_199 = tpu.memref_slice %arg3[%run_scoped3A, %add3A_27, %dma_wait3A_197, %dma_wait3A_198] : memref<2x250x5x128xi32, #tpu.memory_space<hbm>> -> memref<1x1x5x128xi32, #tpu.memory_space<hbm>>
          %dma_wait3A_200 = tpu.memref_squeeze %dma_wait3A_199 : memref<1x1x5x128xi32, #tpu.memory_space<hbm>> -> memref<5x128xi32, #tpu.memory_space<hbm>>
          tpu.wait_dma2 semaphore(%run_scoped3A_184 : memref<!tpu.dma_semaphore, #tpu.memory_space<semaphore_mem>>) src(%dma_wait3A_200 : memref<5x128xi32, #tpu.memory_space<hbm>>) dst(%arg6 : memref<5x128xi32, #tpu.memory_space<vmem>>)
          tpu.yield
        }) : () -> ()
        %mul3A_28 = arith.constant 640 : i32
        %mul3A_29 = arith.muli %add3A_23, %mul3A_28 : i32
        %dma_start3A = arith.constant 0 : i32
        %dma_start3A_30 = arith.constant 0 : i32
        %dma_start3A_31 = arith.constant 0 : i32
        %dma_start3A_32 = tpu.memref_slice %arg7[%dma_start3A, %dma_start3A_30, %dma_start3A_31] : memref<2x128x128xf32, #tpu.memory_space<vmem>> -> memref<1x128x128xf32, #tpu.memory_space<vmem>>
        %dma_start3A_33 = tpu.memref_squeeze %dma_start3A_32 : memref<1x128x128xf32, #tpu.memory_space<vmem>> -> memref<128x128xf32, #tpu.memory_space<vmem>>
        %dma_start3A_34 = arith.constant 0 : i32
        %dma_start3A_35 = tpu.memref_slice %arg2[%mul3A_29, %dma_start3A_34] : memref<80000x128xf32, #tpu.memory_space<hbm>> -> memref<128x128xf32, #tpu.memory_space<hbm>>
        %dma_start3A_36 = arith.constant 0 : i32
        %dma_start3A_37 = arith.constant 0 : i32
        %dma_start3A_38 = tpu.memref_slice %arg7[%dma_start3A, %dma_start3A_36, %dma_start3A_37] : memref<2x128x128xf32, #tpu.memory_space<vmem>> -> memref<1x128x128xf32, #tpu.memory_space<vmem>>
        %dma_start3A_39 = tpu.memref_squeeze %dma_start3A_38 : memref<1x128x128xf32, #tpu.memory_space<vmem>> -> memref<128x128xf32, #tpu.memory_space<vmem>>
        %dma_start3A_40 = arith.constant 0 : i32
        %dma_start3A_41 = tpu.memref_slice %arg2[%mul3A_29, %dma_start3A_40] : memref<80000x128xf32, #tpu.memory_space<hbm>> -> memref<128x128xf32, #tpu.memory_space<hbm>>
        tpu.enqueue_dma source(%dma_start3A_41 : memref<128x128xf32, #tpu.memory_space<hbm>>) target(%dma_start3A_39 : memref<128x128xf32, #tpu.memory_space<vmem>>) target_semaphore(%arg10 : memref<!tpu.dma_semaphore, #tpu.memory_space<semaphore_mem>>)
        %mul3A_42 = arith.constant 640 : i32
        %mul3A_43 = arith.muli %add3A_23, %mul3A_42 : i32
        %add3A_44 = arith.constant 128 : i32
        %add3A_45 = arith.addi %mul3A_43, %add3A_44 : i32
        %dma_start3A_46 = arith.constant 1 : i32
        %dma_start3A_47 = arith.constant 0 : i32
        %dma_start3A_48 = arith.constant 0 : i32
        %dma_start3A_49 = tpu.memref_slice %arg7[%dma_start3A_46, %dma_start3A_47, %dma_start3A_48] : memref<2x128x128xf32, #tpu.memory_space<vmem>> -> memref<1x128x128xf32, #tpu.memory_space<vmem>>
        %dma_start3A_50 = tpu.memref_squeeze %dma_start3A_49 : memref<1x128x128xf32, #tpu.memory_space<vmem>> -> memref<128x128xf32, #tpu.memory_space<vmem>>
        %dma_start3A_51 = arith.constant 0 : i32
        %dma_start3A_52 = tpu.memref_slice %arg2[%add3A_45, %dma_start3A_51] : memref<80000x128xf32, #tpu.memory_space<hbm>> -> memref<128x128xf32, #tpu.memory_space<hbm>>
        %dma_start3A_53 = arith.constant 0 : i32
        %dma_start3A_54 = arith.constant 0 : i32
        %dma_start3A_55 = tpu.memref_slice %arg7[%dma_start3A_46, %dma_start3A_53, %dma_start3A_54] : memref<2x128x128xf32, #tpu.memory_space<vmem>> -> memref<1x128x128xf32, #tpu.memory_space<vmem>>
        %dma_start3A_56 = tpu.memref_squeeze %dma_start3A_55 : memref<1x128x128xf32, #tpu.memory_space<vmem>> -> memref<128x128xf32, #tpu.memory_space<vmem>>
        %dma_start3A_57 = arith.constant 0 : i32
        %dma_start3A_58 = tpu.memref_slice %arg2[%add3A_45, %dma_start3A_57] : memref<80000x128xf32, #tpu.memory_space<hbm>> -> memref<128x128xf32, #tpu.memory_space<hbm>>
        tpu.enqueue_dma source(%dma_start3A_58 : memref<128x128xf32, #tpu.memory_space<hbm>>) target(%dma_start3A_56 : memref<128x128xf32, #tpu.memory_space<vmem>>) target_semaphore(%arg10 : memref<!tpu.dma_semaphore, #tpu.memory_space<semaphore_mem>>)
        %dma_wait3A = arith.constant 0 : i32
        %dma_wait3A_59 = arith.constant 0 : i32
        %dma_wait3A_60 = arith.constant 0 : i32
        %dma_wait3A_61 = tpu.memref_slice %arg7[%dma_wait3A, %dma_wait3A_59, %dma_wait3A_60] : memref<2x128x128xf32, #tpu.memory_space<vmem>> -> memref<1x128x128xf32, #tpu.memory_space<vmem>>
        %dma_wait3A_62 = tpu.memref_squeeze %dma_wait3A_61 : memref<1x128x128xf32, #tpu.memory_space<vmem>> -> memref<128x128xf32, #tpu.memory_space<vmem>>
        %dma_wait3A_63 = arith.constant 0 : i32
        %dma_wait3A_64 = tpu.memref_slice %arg2[%mul3A_29, %dma_wait3A_63] : memref<80000x128xf32, #tpu.memory_space<hbm>> -> memref<128x128xf32, #tpu.memory_space<hbm>>
        %dma_wait3A_65 = arith.constant 0 : i32
        %dma_wait3A_66 = arith.constant 0 : i32
        %dma_wait3A_67 = tpu.memref_slice %arg7[%dma_wait3A, %dma_wait3A_65, %dma_wait3A_66] : memref<2x128x128xf32, #tpu.memory_space<vmem>> -> memref<1x128x128xf32, #tpu.memory_space<vmem>>
        %dma_wait3A_68 = tpu.memref_squeeze %dma_wait3A_67 : memref<1x128x128xf32, #tpu.memory_space<vmem>> -> memref<128x128xf32, #tpu.memory_space<vmem>>
        %dma_wait3A_69 = arith.constant 0 : i32
        %dma_wait3A_70 = tpu.memref_slice %arg2[%mul3A_29, %dma_wait3A_69] : memref<80000x128xf32, #tpu.memory_space<hbm>> -> memref<128x128xf32, #tpu.memory_space<hbm>>
        tpu.wait_dma2 semaphore(%arg10 : memref<!tpu.dma_semaphore, #tpu.memory_space<semaphore_mem>>) src(%dma_wait3A_70 : memref<128x128xf32, #tpu.memory_space<hbm>>) dst(%dma_wait3A_68 : memref<128x128xf32, #tpu.memory_space<vmem>>)
        %run_scoped3A_71 = arith.constant 0 : i32
        %run_scoped3A_72 = arith.constant 0 : i32
        "tpu.region"() ({
          %run_scoped3A_184 = tpu.sem_alloc : memref<!tpu.dma_semaphore, #tpu.memory_space<semaphore_mem>>
          %dma_start3A_185 = arith.constant 0 : i32
          %dma_start3A_186 = arith.constant 0 : i32
          %dma_start3A_187 = tpu.memref_slice %arg7[%run_scoped3A_71, %dma_start3A_185, %dma_start3A_186] : memref<2x128x128xf32, #tpu.memory_space<vmem>> -> memref<1x128x128xf32, #tpu.memory_space<vmem>>
          %dma_start3A_188 = tpu.memref_squeeze %dma_start3A_187 : memref<1x128x128xf32, #tpu.memory_space<vmem>> -> memref<128x128xf32, #tpu.memory_space<vmem>>
          %dma_start3A_189 = arith.constant 0 : i32
          %dma_start3A_190 = tpu.memref_slice %arg6[%run_scoped3A_72, %dma_start3A_189] : memref<5x128xi32, #tpu.memory_space<vmem>> -> memref<1x128xi32, #tpu.memory_space<vmem>>
          %dma_start3A_191 = tpu.memref_squeeze %dma_start3A_190 : memref<1x128xi32, #tpu.memory_space<vmem>> -> memref<128xi32, #tpu.memory_space<vmem>>
          %dma_start3A_192 = arith.constant 0 : i32
          %dma_start3A_193 = arith.constant 0 : i32
          %dma_start3A_194 = tpu.memref_slice %arg9[%dma_start3A_192, %dma_start3A_193] : memref<10000x128xf32, #tpu.memory_space<vmem_shared>> -> memref<10000x128xf32, #tpu.memory_space<vmem_shared>>
          tpu.enqueue_indirect_dma source(%dma_start3A_188 : memref<128x128xf32, #tpu.memory_space<vmem>>) target(%dma_start3A_194 : memref<10000x128xf32, #tpu.memory_space<vmem_shared>>) offsets(%dma_start3A_191 : memref<128xi32, #tpu.memory_space<vmem>>) semaphore(%run_scoped3A_184 : memref<!tpu.dma_semaphore, #tpu.memory_space<semaphore_mem>>) {add = true}
          %dma_wait3A_195 = arith.constant 0 : i32
          %dma_wait3A_196 = arith.constant 0 : i32
          %dma_wait3A_197 = tpu.memref_slice %arg7[%run_scoped3A_71, %dma_wait3A_195, %dma_wait3A_196] : memref<2x128x128xf32, #tpu.memory_space<vmem>> -> memref<1x128x128xf32, #tpu.memory_space<vmem>>
          %dma_wait3A_198 = tpu.memref_squeeze %dma_wait3A_197 : memref<1x128x128xf32, #tpu.memory_space<vmem>> -> memref<128x128xf32, #tpu.memory_space<vmem>>
          %dma_wait3A_199 = arith.constant 0 : i32
          %dma_wait3A_200 = tpu.memref_slice %arg6[%run_scoped3A_72, %dma_wait3A_199] : memref<5x128xi32, #tpu.memory_space<vmem>> -> memref<1x128xi32, #tpu.memory_space<vmem>>
          %dma_wait3A_201 = tpu.memref_squeeze %dma_wait3A_200 : memref<1x128xi32, #tpu.memory_space<vmem>> -> memref<128xi32, #tpu.memory_space<vmem>>
          %dma_wait3A_202 = arith.constant 0 : i32
          %dma_wait3A_203 = arith.constant 0 : i32
          %dma_wait3A_204 = tpu.memref_slice %arg9[%dma_wait3A_202, %dma_wait3A_203] : memref<10000x128xf32, #tpu.memory_space<vmem_shared>> -> memref<10000x128xf32, #tpu.memory_space<vmem_shared>>
          tpu.wait_indirect_dma semaphore(%run_scoped3A_184 : memref<!tpu.dma_semaphore, #tpu.memory_space<semaphore_mem>>) src(%dma_wait3A_198 : memref<128x128xf32, #tpu.memory_space<vmem>>) dst(%dma_wait3A_204 : memref<10000x128xf32, #tpu.memory_space<vmem_shared>>)
          tpu.yield
        }) : () -> ()
        %mul3A_73 = arith.constant 640 : i32
        %mul3A_74 = arith.muli %add3A_23, %mul3A_73 : i32
        %add3A_75 = arith.constant 256 : i32
        %add3A_76 = arith.addi %mul3A_74, %add3A_75 : i32
        %dma_start3A_77 = arith.constant 0 : i32
        %dma_start3A_78 = arith.constant 0 : i32
        %dma_start3A_79 = arith.constant 0 : i32
        %dma_start3A_80 = tpu.memref_slice %arg7[%dma_start3A_77, %dma_start3A_78, %dma_start3A_79] : memref<2x128x128xf32, #tpu.memory_space<vmem>> -> memref<1x128x128xf32, #tpu.memory_space<vmem>>
        %dma_start3A_81 = tpu.memref_squeeze %dma_start3A_80 : memref<1x128x128xf32, #tpu.memory_space<vmem>> -> memref<128x128xf32, #tpu.memory_space<vmem>>
        %dma_start3A_82 = arith.constant 0 : i32
        %dma_start3A_83 = tpu.memref_slice %arg2[%add3A_76, %dma_start3A_82] : memref<80000x128xf32, #tpu.memory_space<hbm>> -> memref<128x128xf32, #tpu.memory_space<hbm>>
        %dma_start3A_84 = arith.constant 0 : i32
        %dma_start3A_85 = arith.constant 0 : i32
        %dma_start3A_86 = tpu.memref_slice %arg7[%dma_start3A_77, %dma_start3A_84, %dma_start3A_85] : memref<2x128x128xf32, #tpu.memory_space<vmem>> -> memref<1x128x128xf32, #tpu.memory_space<vmem>>
        %dma_start3A_87 = tpu.memref_squeeze %dma_start3A_86 : memref<1x128x128xf32, #tpu.memory_space<vmem>> -> memref<128x128xf32, #tpu.memory_space<vmem>>
        %dma_start3A_88 = arith.constant 0 : i32
        %dma_start3A_89 = tpu.memref_slice %arg2[%add3A_76, %dma_start3A_88] : memref<80000x128xf32, #tpu.memory_space<hbm>> -> memref<128x128xf32, #tpu.memory_space<hbm>>
        tpu.enqueue_dma source(%dma_start3A_89 : memref<128x128xf32, #tpu.memory_space<hbm>>) target(%dma_start3A_87 : memref<128x128xf32, #tpu.memory_space<vmem>>) target_semaphore(%arg10 : memref<!tpu.dma_semaphore, #tpu.memory_space<semaphore_mem>>)
        %dma_wait3A_90 = arith.constant 1 : i32
        %dma_wait3A_91 = arith.constant 0 : i32
        %dma_wait3A_92 = arith.constant 0 : i32
        %dma_wait3A_93 = tpu.memref_slice %arg7[%dma_wait3A_90, %dma_wait3A_91, %dma_wait3A_92] : memref<2x128x128xf32, #tpu.memory_space<vmem>> -> memref<1x128x128xf32, #tpu.memory_space<vmem>>
        %dma_wait3A_94 = tpu.memref_squeeze %dma_wait3A_93 : memref<1x128x128xf32, #tpu.memory_space<vmem>> -> memref<128x128xf32, #tpu.memory_space<vmem>>
        %dma_wait3A_95 = arith.constant 0 : i32
        %dma_wait3A_96 = tpu.memref_slice %arg2[%add3A_45, %dma_wait3A_95] : memref<80000x128xf32, #tpu.memory_space<hbm>> -> memref<128x128xf32, #tpu.memory_space<hbm>>
        %dma_wait3A_97 = arith.constant 0 : i32
        %dma_wait3A_98 = arith.constant 0 : i32
        %dma_wait3A_99 = tpu.memref_slice %arg7[%dma_wait3A_90, %dma_wait3A_97, %dma_wait3A_98] : memref<2x128x128xf32, #tpu.memory_space<vmem>> -> memref<1x128x128xf32, #tpu.memory_space<vmem>>
        %dma_wait3A_100 = tpu.memref_squeeze %dma_wait3A_99 : memref<1x128x128xf32, #tpu.memory_space<vmem>> -> memref<128x128xf32, #tpu.memory_space<vmem>>
        %dma_wait3A_101 = arith.constant 0 : i32
        %dma_wait3A_102 = tpu.memref_slice %arg2[%add3A_45, %dma_wait3A_101] : memref<80000x128xf32, #tpu.memory_space<hbm>> -> memref<128x128xf32, #tpu.memory_space<hbm>>
        tpu.wait_dma2 semaphore(%arg10 : memref<!tpu.dma_semaphore, #tpu.memory_space<semaphore_mem>>) src(%dma_wait3A_102 : memref<128x128xf32, #tpu.memory_space<hbm>>) dst(%dma_wait3A_100 : memref<128x128xf32, #tpu.memory_space<vmem>>)
        %run_scoped3A_103 = arith.constant 1 : i32
        %run_scoped3A_104 = arith.constant 1 : i32
        "tpu.region"() ({
          %run_scoped3A_184 = tpu.sem_alloc : memref<!tpu.dma_semaphore, #tpu.memory_space<semaphore_mem>>
          %dma_start3A_185 = arith.constant 0 : i32
          %dma_start3A_186 = arith.constant 0 : i32
          %dma_start3A_187 = tpu.memref_slice %arg7[%run_scoped3A_103, %dma_start3A_185, %dma_start3A_186] : memref<2x128x128xf32, #tpu.memory_space<vmem>> -> memref<1x128x128xf32, #tpu.memory_space<vmem>>
          %dma_start3A_188 = tpu.memref_squeeze %dma_start3A_187 : memref<1x128x128xf32, #tpu.memory_space<vmem>> -> memref<128x128xf32, #tpu.memory_space<vmem>>
          %dma_start3A_189 = arith.constant 0 : i32
          %dma_start3A_190 = tpu.memref_slice %arg6[%run_scoped3A_104, %dma_start3A_189] : memref<5x128xi32, #tpu.memory_space<vmem>> -> memref<1x128xi32, #tpu.memory_space<vmem>>
          %dma_start3A_191 = tpu.memref_squeeze %dma_start3A_190 : memref<1x128xi32, #tpu.memory_space<vmem>> -> memref<128xi32, #tpu.memory_space<vmem>>
          %dma_start3A_192 = arith.constant 0 : i32
          %dma_start3A_193 = arith.constant 0 : i32
          %dma_start3A_194 = tpu.memref_slice %arg9[%dma_start3A_192, %dma_start3A_193] : memref<10000x128xf32, #tpu.memory_space<vmem_shared>> -> memref<10000x128xf32, #tpu.memory_space<vmem_shared>>
          tpu.enqueue_indirect_dma source(%dma_start3A_188 : memref<128x128xf32, #tpu.memory_space<vmem>>) target(%dma_start3A_194 : memref<10000x128xf32, #tpu.memory_space<vmem_shared>>) offsets(%dma_start3A_191 : memref<128xi32, #tpu.memory_space<vmem>>) semaphore(%run_scoped3A_184 : memref<!tpu.dma_semaphore, #tpu.memory_space<semaphore_mem>>) {add = true}
          %dma_wait3A_195 = arith.constant 0 : i32
          %dma_wait3A_196 = arith.constant 0 : i32
          %dma_wait3A_197 = tpu.memref_slice %arg7[%run_scoped3A_103, %dma_wait3A_195, %dma_wait3A_196] : memref<2x128x128xf32, #tpu.memory_space<vmem>> -> memref<1x128x128xf32, #tpu.memory_space<vmem>>
          %dma_wait3A_198 = tpu.memref_squeeze %dma_wait3A_197 : memref<1x128x128xf32, #tpu.memory_space<vmem>> -> memref<128x128xf32, #tpu.memory_space<vmem>>
          %dma_wait3A_199 = arith.constant 0 : i32
          %dma_wait3A_200 = tpu.memref_slice %arg6[%run_scoped3A_104, %dma_wait3A_199] : memref<5x128xi32, #tpu.memory_space<vmem>> -> memref<1x128xi32, #tpu.memory_space<vmem>>
          %dma_wait3A_201 = tpu.memref_squeeze %dma_wait3A_200 : memref<1x128xi32, #tpu.memory_space<vmem>> -> memref<128xi32, #tpu.memory_space<vmem>>
          %dma_wait3A_202 = arith.constant 0 : i32
          %dma_wait3A_203 = arith.constant 0 : i32
          %dma_wait3A_204 = tpu.memref_slice %arg9[%dma_wait3A_202, %dma_wait3A_203] : memref<10000x128xf32, #tpu.memory_space<vmem_shared>> -> memref<10000x128xf32, #tpu.memory_space<vmem_shared>>
          tpu.wait_indirect_dma semaphore(%run_scoped3A_184 : memref<!tpu.dma_semaphore, #tpu.memory_space<semaphore_mem>>) src(%dma_wait3A_198 : memref<128x128xf32, #tpu.memory_space<vmem>>) dst(%dma_wait3A_204 : memref<10000x128xf32, #tpu.memory_space<vmem_shared>>)
          tpu.yield
        }) : () -> ()
        %mul3A_105 = arith.constant 640 : i32
        %mul3A_106 = arith.muli %add3A_23, %mul3A_105 : i32
        %add3A_107 = arith.constant 384 : i32
        %add3A_108 = arith.addi %mul3A_106, %add3A_107 : i32
        %dma_start3A_109 = arith.constant 1 : i32
        %dma_start3A_110 = arith.constant 0 : i32
        %dma_start3A_111 = arith.constant 0 : i32
        %dma_start3A_112 = tpu.memref_slice %arg7[%dma_start3A_109, %dma_start3A_110, %dma_start3A_111] : memref<2x128x128xf32, #tpu.memory_space<vmem>> -> memref<1x128x128xf32, #tpu.memory_space<vmem>>
        %dma_start3A_113 = tpu.memref_squeeze %dma_start3A_112 : memref<1x128x128xf32, #tpu.memory_space<vmem>> -> memref<128x128xf32, #tpu.memory_space<vmem>>
        %dma_start3A_114 = arith.constant 0 : i32
        %dma_start3A_115 = tpu.memref_slice %arg2[%add3A_108, %dma_start3A_114] : memref<80000x128xf32, #tpu.memory_space<hbm>> -> memref<128x128xf32, #tpu.memory_space<hbm>>
        %dma_start3A_116 = arith.constant 0 : i32
        %dma_start3A_117 = arith.constant 0 : i32
        %dma_start3A_118 = tpu.memref_slice %arg7[%dma_start3A_109, %dma_start3A_116, %dma_start3A_117] : memref<2x128x128xf32, #tpu.memory_space<vmem>> -> memref<1x128x128xf32, #tpu.memory_space<vmem>>
        %dma_start3A_119 = tpu.memref_squeeze %dma_start3A_118 : memref<1x128x128xf32, #tpu.memory_space<vmem>> -> memref<128x128xf32, #tpu.memory_space<vmem>>
        %dma_start3A_120 = arith.constant 0 : i32
        %dma_start3A_121 = tpu.memref_slice %arg2[%add3A_108, %dma_start3A_120] : memref<80000x128xf32, #tpu.memory_space<hbm>> -> memref<128x128xf32, #tpu.memory_space<hbm>>
        tpu.enqueue_dma source(%dma_start3A_121 : memref<128x128xf32, #tpu.memory_space<hbm>>) target(%dma_start3A_119 : memref<128x128xf32, #tpu.memory_space<vmem>>) target_semaphore(%arg10 : memref<!tpu.dma_semaphore, #tpu.memory_space<semaphore_mem>>)
        %dma_wait3A_122 = arith.constant 0 : i32
        %dma_wait3A_123 = arith.constant 0 : i32
        %dma_wait3A_124 = arith.constant 0 : i32
        %dma_wait3A_125 = tpu.memref_slice %arg7[%dma_wait3A_122, %dma_wait3A_123, %dma_wait3A_124] : memref<2x128x128xf32, #tpu.memory_space<vmem>> -> memref<1x128x128xf32, #tpu.memory_space<vmem>>
        %dma_wait3A_126 = tpu.memref_squeeze %dma_wait3A_125 : memref<1x128x128xf32, #tpu.memory_space<vmem>> -> memref<128x128xf32, #tpu.memory_space<vmem>>
        %dma_wait3A_127 = arith.constant 0 : i32
        %dma_wait3A_128 = tpu.memref_slice %arg2[%add3A_76, %dma_wait3A_127] : memref<80000x128xf32, #tpu.memory_space<hbm>> -> memref<128x128xf32, #tpu.memory_space<hbm>>
        %dma_wait3A_129 = arith.constant 0 : i32
        %dma_wait3A_130 = arith.constant 0 : i32
        %dma_wait3A_131 = tpu.memref_slice %arg7[%dma_wait3A_122, %dma_wait3A_129, %dma_wait3A_130] : memref<2x128x128xf32, #tpu.memory_space<vmem>> -> memref<1x128x128xf32, #tpu.memory_space<vmem>>
        %dma_wait3A_132 = tpu.memref_squeeze %dma_wait3A_131 : memref<1x128x128xf32, #tpu.memory_space<vmem>> -> memref<128x128xf32, #tpu.memory_space<vmem>>
        %dma_wait3A_133 = arith.constant 0 : i32
        %dma_wait3A_134 = tpu.memref_slice %arg2[%add3A_76, %dma_wait3A_133] : memref<80000x128xf32, #tpu.memory_space<hbm>> -> memref<128x128xf32, #tpu.memory_space<hbm>>
        tpu.wait_dma2 semaphore(%arg10 : memref<!tpu.dma_semaphore, #tpu.memory_space<semaphore_mem>>) src(%dma_wait3A_134 : memref<128x128xf32, #tpu.memory_space<hbm>>) dst(%dma_wait3A_132 : memref<128x128xf32, #tpu.memory_space<vmem>>)
        %run_scoped3A_135 = arith.constant 0 : i32
        %run_scoped3A_136 = arith.constant 2 : i32
        "tpu.region"() ({
          %run_scoped3A_184 = tpu.sem_alloc : memref<!tpu.dma_semaphore, #tpu.memory_space<semaphore_mem>>
          %dma_start3A_185 = arith.constant 0 : i32
          %dma_start3A_186 = arith.constant 0 : i32
          %dma_start3A_187 = tpu.memref_slice %arg7[%run_scoped3A_135, %dma_start3A_185, %dma_start3A_186] : memref<2x128x128xf32, #tpu.memory_space<vmem>> -> memref<1x128x128xf32, #tpu.memory_space<vmem>>
          %dma_start3A_188 = tpu.memref_squeeze %dma_start3A_187 : memref<1x128x128xf32, #tpu.memory_space<vmem>> -> memref<128x128xf32, #tpu.memory_space<vmem>>
          %dma_start3A_189 = arith.constant 0 : i32
          %dma_start3A_190 = tpu.memref_slice %arg6[%run_scoped3A_136, %dma_start3A_189] : memref<5x128xi32, #tpu.memory_space<vmem>> -> memref<1x128xi32, #tpu.memory_space<vmem>>
          %dma_start3A_191 = tpu.memref_squeeze %dma_start3A_190 : memref<1x128xi32, #tpu.memory_space<vmem>> -> memref<128xi32, #tpu.memory_space<vmem>>
          %dma_start3A_192 = arith.constant 0 : i32
          %dma_start3A_193 = arith.constant 0 : i32
          %dma_start3A_194 = tpu.memref_slice %arg9[%dma_start3A_192, %dma_start3A_193] : memref<10000x128xf32, #tpu.memory_space<vmem_shared>> -> memref<10000x128xf32, #tpu.memory_space<vmem_shared>>
          tpu.enqueue_indirect_dma source(%dma_start3A_188 : memref<128x128xf32, #tpu.memory_space<vmem>>) target(%dma_start3A_194 : memref<10000x128xf32, #tpu.memory_space<vmem_shared>>) offsets(%dma_start3A_191 : memref<128xi32, #tpu.memory_space<vmem>>) semaphore(%run_scoped3A_184 : memref<!tpu.dma_semaphore, #tpu.memory_space<semaphore_mem>>) {add = true}
          %dma_wait3A_195 = arith.constant 0 : i32
          %dma_wait3A_196 = arith.constant 0 : i32
          %dma_wait3A_197 = tpu.memref_slice %arg7[%run_scoped3A_135, %dma_wait3A_195, %dma_wait3A_196] : memref<2x128x128xf32, #tpu.memory_space<vmem>> -> memref<1x128x128xf32, #tpu.memory_space<vmem>>
          %dma_wait3A_198 = tpu.memref_squeeze %dma_wait3A_197 : memref<1x128x128xf32, #tpu.memory_space<vmem>> -> memref<128x128xf32, #tpu.memory_space<vmem>>
          %dma_wait3A_199 = arith.constant 0 : i32
          %dma_wait3A_200 = tpu.memref_slice %arg6[%run_scoped3A_136, %dma_wait3A_199] : memref<5x128xi32, #tpu.memory_space<vmem>> -> memref<1x128xi32, #tpu.memory_space<vmem>>
          %dma_wait3A_201 = tpu.memref_squeeze %dma_wait3A_200 : memref<1x128xi32, #tpu.memory_space<vmem>> -> memref<128xi32, #tpu.memory_space<vmem>>
          %dma_wait3A_202 = arith.constant 0 : i32
          %dma_wait3A_203 = arith.constant 0 : i32
          %dma_wait3A_204 = tpu.memref_slice %arg9[%dma_wait3A_202, %dma_wait3A_203] : memref<10000x128xf32, #tpu.memory_space<vmem_shared>> -> memref<10000x128xf32, #tpu.memory_space<vmem_shared>>
          tpu.wait_indirect_dma semaphore(%run_scoped3A_184 : memref<!tpu.dma_semaphore, #tpu.memory_space<semaphore_mem>>) src(%dma_wait3A_198 : memref<128x128xf32, #tpu.memory_space<vmem>>) dst(%dma_wait3A_204 : memref<10000x128xf32, #tpu.memory_space<vmem_shared>>)
          tpu.yield
        }) : () -> ()
        %mul3A_137 = arith.constant 640 : i32
        %mul3A_138 = arith.muli %add3A_23, %mul3A_137 : i32
        %add3A_139 = arith.constant 512 : i32
        %add3A_140 = arith.addi %mul3A_138, %add3A_139 : i32
        %dma_start3A_141 = arith.constant 0 : i32
        %dma_start3A_142 = arith.constant 0 : i32
        %dma_start3A_143 = arith.constant 0 : i32
        %dma_start3A_144 = tpu.memref_slice %arg7[%dma_start3A_141, %dma_start3A_142, %dma_start3A_143] : memref<2x128x128xf32, #tpu.memory_space<vmem>> -> memref<1x128x128xf32, #tpu.memory_space<vmem>>
        %dma_start3A_145 = tpu.memref_squeeze %dma_start3A_144 : memref<1x128x128xf32, #tpu.memory_space<vmem>> -> memref<128x128xf32, #tpu.memory_space<vmem>>
        %dma_start3A_146 = arith.constant 0 : i32
        %dma_start3A_147 = tpu.memref_slice %arg2[%add3A_140, %dma_start3A_146] : memref<80000x128xf32, #tpu.memory_space<hbm>> -> memref<128x128xf32, #tpu.memory_space<hbm>>
        %dma_start3A_148 = arith.constant 0 : i32
        %dma_start3A_149 = arith.constant 0 : i32
        %dma_start3A_150 = tpu.memref_slice %arg7[%dma_start3A_141, %dma_start3A_148, %dma_start3A_149] : memref<2x128x128xf32, #tpu.memory_space<vmem>> -> memref<1x128x128xf32, #tpu.memory_space<vmem>>
        %dma_start3A_151 = tpu.memref_squeeze %dma_start3A_150 : memref<1x128x128xf32, #tpu.memory_space<vmem>> -> memref<128x128xf32, #tpu.memory_space<vmem>>
        %dma_start3A_152 = arith.constant 0 : i32
        %dma_start3A_153 = tpu.memref_slice %arg2[%add3A_140, %dma_start3A_152] : memref<80000x128xf32, #tpu.memory_space<hbm>> -> memref<128x128xf32, #tpu.memory_space<hbm>>
        tpu.enqueue_dma source(%dma_start3A_153 : memref<128x128xf32, #tpu.memory_space<hbm>>) target(%dma_start3A_151 : memref<128x128xf32, #tpu.memory_space<vmem>>) target_semaphore(%arg10 : memref<!tpu.dma_semaphore, #tpu.memory_space<semaphore_mem>>)
        %dma_wait3A_154 = arith.constant 1 : i32
        %dma_wait3A_155 = arith.constant 0 : i32
        %dma_wait3A_156 = arith.constant 0 : i32
        %dma_wait3A_157 = tpu.memref_slice %arg7[%dma_wait3A_154, %dma_wait3A_155, %dma_wait3A_156] : memref<2x128x128xf32, #tpu.memory_space<vmem>> -> memref<1x128x128xf32, #tpu.memory_space<vmem>>
        %dma_wait3A_158 = tpu.memref_squeeze %dma_wait3A_157 : memref<1x128x128xf32, #tpu.memory_space<vmem>> -> memref<128x128xf32, #tpu.memory_space<vmem>>
        %dma_wait3A_159 = arith.constant 0 : i32
        %dma_wait3A_160 = tpu.memref_slice %arg2[%add3A_108, %dma_wait3A_159] : memref<80000x128xf32, #tpu.memory_space<hbm>> -> memref<128x128xf32, #tpu.memory_space<hbm>>
        %dma_wait3A_161 = arith.constant 0 : i32
        %dma_wait3A_162 = arith.constant 0 : i32
        %dma_wait3A_163 = tpu.memref_slice %arg7[%dma_wait3A_154, %dma_wait3A_161, %dma_wait3A_162] : memref<2x128x128xf32, #tpu.memory_space<vmem>> -> memref<1x128x128xf32, #tpu.memory_space<vmem>>
        %dma_wait3A_164 = tpu.memref_squeeze %dma_wait3A_163 : memref<1x128x128xf32, #tpu.memory_space<vmem>> -> memref<128x128xf32, #tpu.memory_space<vmem>>
        %dma_wait3A_165 = arith.constant 0 : i32
        %dma_wait3A_166 = tpu.memref_slice %arg2[%add3A_108, %dma_wait3A_165] : memref<80000x128xf32, #tpu.memory_space<hbm>> -> memref<128x128xf32, #tpu.memory_space<hbm>>
        tpu.wait_dma2 semaphore(%arg10 : memref<!tpu.dma_semaphore, #tpu.memory_space<semaphore_mem>>) src(%dma_wait3A_166 : memref<128x128xf32, #tpu.memory_space<hbm>>) dst(%dma_wait3A_164 : memref<128x128xf32, #tpu.memory_space<vmem>>)
        %run_scoped3A_167 = arith.constant 1 : i32
        %run_scoped3A_168 = arith.constant 3 : i32
        "tpu.region"() ({
          %run_scoped3A_184 = tpu.sem_alloc : memref<!tpu.dma_semaphore, #tpu.memory_space<semaphore_mem>>
          %dma_start3A_185 = arith.constant 0 : i32
          %dma_start3A_186 = arith.constant 0 : i32
          %dma_start3A_187 = tpu.memref_slice %arg7[%run_scoped3A_167, %dma_start3A_185, %dma_start3A_186] : memref<2x128x128xf32, #tpu.memory_space<vmem>> -> memref<1x128x128xf32, #tpu.memory_space<vmem>>
          %dma_start3A_188 = tpu.memref_squeeze %dma_start3A_187 : memref<1x128x128xf32, #tpu.memory_space<vmem>> -> memref<128x128xf32, #tpu.memory_space<vmem>>
          %dma_start3A_189 = arith.constant 0 : i32
          %dma_start3A_190 = tpu.memref_slice %arg6[%run_scoped3A_168, %dma_start3A_189] : memref<5x128xi32, #tpu.memory_space<vmem>> -> memref<1x128xi32, #tpu.memory_space<vmem>>
          %dma_start3A_191 = tpu.memref_squeeze %dma_start3A_190 : memref<1x128xi32, #tpu.memory_space<vmem>> -> memref<128xi32, #tpu.memory_space<vmem>>
          %dma_start3A_192 = arith.constant 0 : i32
          %dma_start3A_193 = arith.constant 0 : i32
          %dma_start3A_194 = tpu.memref_slice %arg9[%dma_start3A_192, %dma_start3A_193] : memref<10000x128xf32, #tpu.memory_space<vmem_shared>> -> memref<10000x128xf32, #tpu.memory_space<vmem_shared>>
          tpu.enqueue_indirect_dma source(%dma_start3A_188 : memref<128x128xf32, #tpu.memory_space<vmem>>) target(%dma_start3A_194 : memref<10000x128xf32, #tpu.memory_space<vmem_shared>>) offsets(%dma_start3A_191 : memref<128xi32, #tpu.memory_space<vmem>>) semaphore(%run_scoped3A_184 : memref<!tpu.dma_semaphore, #tpu.memory_space<semaphore_mem>>) {add = true}
          %dma_wait3A_195 = arith.constant 0 : i32
          %dma_wait3A_196 = arith.constant 0 : i32
          %dma_wait3A_197 = tpu.memref_slice %arg7[%run_scoped3A_167, %dma_wait3A_195, %dma_wait3A_196] : memref<2x128x128xf32, #tpu.memory_space<vmem>> -> memref<1x128x128xf32, #tpu.memory_space<vmem>>
          %dma_wait3A_198 = tpu.memref_squeeze %dma_wait3A_197 : memref<1x128x128xf32, #tpu.memory_space<vmem>> -> memref<128x128xf32, #tpu.memory_space<vmem>>
          %dma_wait3A_199 = arith.constant 0 : i32
          %dma_wait3A_200 = tpu.memref_slice %arg6[%run_scoped3A_168, %dma_wait3A_199] : memref<5x128xi32, #tpu.memory_space<vmem>> -> memref<1x128xi32, #tpu.memory_space<vmem>>
          %dma_wait3A_201 = tpu.memref_squeeze %dma_wait3A_200 : memref<1x128xi32, #tpu.memory_space<vmem>> -> memref<128xi32, #tpu.memory_space<vmem>>
          %dma_wait3A_202 = arith.constant 0 : i32
          %dma_wait3A_203 = arith.constant 0 : i32
          %dma_wait3A_204 = tpu.memref_slice %arg9[%dma_wait3A_202, %dma_wait3A_203] : memref<10000x128xf32, #tpu.memory_space<vmem_shared>> -> memref<10000x128xf32, #tpu.memory_space<vmem_shared>>
          tpu.wait_indirect_dma semaphore(%run_scoped3A_184 : memref<!tpu.dma_semaphore, #tpu.memory_space<semaphore_mem>>) src(%dma_wait3A_198 : memref<128x128xf32, #tpu.memory_space<vmem>>) dst(%dma_wait3A_204 : memref<10000x128xf32, #tpu.memory_space<vmem_shared>>)
          tpu.yield
        }) : () -> ()
        %dma_wait3A_169 = arith.constant 0 : i32
        %dma_wait3A_170 = arith.constant 0 : i32
        %dma_wait3A_171 = arith.constant 0 : i32
        %dma_wait3A_172 = tpu.memref_slice %arg7[%dma_wait3A_169, %dma_wait3A_170, %dma_wait3A_171] : memref<2x128x128xf32, #tpu.memory_space<vmem>> -> memref<1x128x128xf32, #tpu.memory_space<vmem>>
        %dma_wait3A_173 = tpu.memref_squeeze %dma_wait3A_172 : memref<1x128x128xf32, #tpu.memory_space<vmem>> -> memref<128x128xf32, #tpu.memory_space<vmem>>
        %dma_wait3A_174 = arith.constant 0 : i32
        %dma_wait3A_175 = tpu.memref_slice %arg2[%add3A_140, %dma_wait3A_174] : memref<80000x128xf32, #tpu.memory_space<hbm>> -> memref<128x128xf32, #tpu.memory_space<hbm>>
        %dma_wait3A_176 = arith.constant 0 : i32
        %dma_wait3A_177 = arith.constant 0 : i32
        %dma_wait3A_178 = tpu.memref_slice %arg7[%dma_wait3A_169, %dma_wait3A_176, %dma_wait3A_177] : memref<2x128x128xf32, #tpu.memory_space<vmem>> -> memref<1x128x128xf32, #tpu.memory_space<vmem>>
        %dma_wait3A_179 = tpu.memref_squeeze %dma_wait3A_178 : memref<1x128x128xf32, #tpu.memory_space<vmem>> -> memref<128x128xf32, #tpu.memory_space<vmem>>
        %dma_wait3A_180 = arith.constant 0 : i32
        %dma_wait3A_181 = tpu.memref_slice %arg2[%add3A_140, %dma_wait3A_180] : memref<80000x128xf32, #tpu.memory_space<hbm>> -> memref<128x128xf32, #tpu.memory_space<hbm>>
        tpu.wait_dma2 semaphore(%arg10 : memref<!tpu.dma_semaphore, #tpu.memory_space<semaphore_mem>>) src(%dma_wait3A_181 : memref<128x128xf32, #tpu.memory_space<hbm>>) dst(%dma_wait3A_179 : memref<128x128xf32, #tpu.memory_space<vmem>>)
        %run_scoped3A_182 = arith.constant 0 : i32
        %run_scoped3A_183 = arith.constant 4 : i32
        "tpu.region"() ({
          %run_scoped3A_184 = tpu.sem_alloc : memref<!tpu.dma_semaphore, #tpu.memory_space<semaphore_mem>>
          %dma_start3A_185 = arith.constant 0 : i32
          %dma_start3A_186 = arith.constant 0 : i32
          %dma_start3A_187 = tpu.memref_slice %arg7[%run_scoped3A_182, %dma_start3A_185, %dma_start3A_186] : memref<2x128x128xf32, #tpu.memory_space<vmem>> -> memref<1x128x128xf32, #tpu.memory_space<vmem>>
          %dma_start3A_188 = tpu.memref_squeeze %dma_start3A_187 : memref<1x128x128xf32, #tpu.memory_space<vmem>> -> memref<128x128xf32, #tpu.memory_space<vmem>>
          %dma_start3A_189 = arith.constant 0 : i32
          %dma_start3A_190 = tpu.memref_slice %arg6[%run_scoped3A_183, %dma_start3A_189] : memref<5x128xi32, #tpu.memory_space<vmem>> -> memref<1x128xi32, #tpu.memory_space<vmem>>
          %dma_start3A_191 = tpu.memref_squeeze %dma_start3A_190 : memref<1x128xi32, #tpu.memory_space<vmem>> -> memref<128xi32, #tpu.memory_space<vmem>>
          %dma_start3A_192 = arith.constant 0 : i32
          %dma_start3A_193 = arith.constant 0 : i32
          %dma_start3A_194 = tpu.memref_slice %arg9[%dma_start3A_192, %dma_start3A_193] : memref<10000x128xf32, #tpu.memory_space<vmem_shared>> -> memref<10000x128xf32, #tpu.memory_space<vmem_shared>>
          tpu.enqueue_indirect_dma source(%dma_start3A_188 : memref<128x128xf32, #tpu.memory_space<vmem>>) target(%dma_start3A_194 : memref<10000x128xf32, #tpu.memory_space<vmem_shared>>) offsets(%dma_start3A_191 : memref<128xi32, #tpu.memory_space<vmem>>) semaphore(%run_scoped3A_184 : memref<!tpu.dma_semaphore, #tpu.memory_space<semaphore_mem>>) {add = true}
          %dma_wait3A_195 = arith.constant 0 : i32
          %dma_wait3A_196 = arith.constant 0 : i32
          %dma_wait3A_197 = tpu.memref_slice %arg7[%run_scoped3A_182, %dma_wait3A_195, %dma_wait3A_196] : memref<2x128x128xf32, #tpu.memory_space<vmem>> -> memref<1x128x128xf32, #tpu.memory_space<vmem>>
          %dma_wait3A_198 = tpu.memref_squeeze %dma_wait3A_197 : memref<1x128x128xf32, #tpu.memory_space<vmem>> -> memref<128x128xf32, #tpu.memory_space<vmem>>
          %dma_wait3A_199 = arith.constant 0 : i32
          %dma_wait3A_200 = tpu.memref_slice %arg6[%run_scoped3A_183, %dma_wait3A_199] : memref<5x128xi32, #tpu.memory_space<vmem>> -> memref<1x128xi32, #tpu.memory_space<vmem>>
          %dma_wait3A_201 = tpu.memref_squeeze %dma_wait3A_200 : memref<1x128xi32, #tpu.memory_space<vmem>> -> memref<128xi32, #tpu.memory_space<vmem>>
          %dma_wait3A_202 = arith.constant 0 : i32
          %dma_wait3A_203 = arith.constant 0 : i32
          %dma_wait3A_204 = tpu.memref_slice %arg9[%dma_wait3A_202, %dma_wait3A_203] : memref<10000x128xf32, #tpu.memory_space<vmem_shared>> -> memref<10000x128xf32, #tpu.memory_space<vmem_shared>>
          tpu.wait_indirect_dma semaphore(%run_scoped3A_184 : memref<!tpu.dma_semaphore, #tpu.memory_space<semaphore_mem>>) src(%dma_wait3A_198 : memref<128x128xf32, #tpu.memory_space<vmem>>) dst(%dma_wait3A_204 : memref<10000x128xf32, #tpu.memory_space<vmem_shared>>)
          tpu.yield
        }) : () -> ()
      } else {
      }
    }
    %scan3A_8 = arith.constant 4 : i32
    %barrier3A_9 = arith.constant 0 : index
    tpu.barrier barrier_id(%barrier3A_9)
    %scan3A_10 = arith.constant 0 : i32
    %scan3A_11 = arith.constant 8 : i32
    %scan3A_12 = arith.addi %scan3A_10, %scan3A_11 : i32
    %scan3A_13 = arith.constant 1 : i32
    scf.for %scan3A_15 = %scan3A_10 to %scan3A_12 step %scan3A_13  : i32 {
      %mul3A = arith.constant 1 : i32
      %mul3A_16 = arith.muli %scan3A_15, %mul3A : i32
      %add3A = arith.constant 0 : i32
      %add3A_17 = arith.addi %add3A, %mul3A_16 : i32
      %mul3A_18 = arith.constant 16 : i32
      %mul3A_19 = arith.muli %mul3A_18, %add3A_17 : i32
      %add3A_20 = arith.addi %arg1, %mul3A_19 : i32
      %lt3A = arith.constant 125 : i32
      %lt3A_21 = arith.cmpi slt, %add3A_20, %lt3A : i32
      %convert_element_type3A = arith.extui %lt3A_21 : i1 to i32
      %cond3A = arith.constant 0 : i32
      %cond3A_22 = arith.cmpi ne, %convert_element_type3A, %cond3A : i32
      scf.if %cond3A_22 {
        %mul3A_23 = arith.constant 80 : i32
        %mul3A_24 = arith.muli %add3A_20, %mul3A_23 : i32
        %mul3A_25 = arith.constant 80 : i32
        %mul3A_26 = arith.muli %add3A_20, %mul3A_25 : i32
        "tpu.region"() ({
          %run_scoped3A = tpu.sem_alloc : memref<!tpu.dma_semaphore, #tpu.memory_space<semaphore_mem>>
          %dma_start3A = arith.constant 0 : i32
          %dma_start3A_27 = tpu.memref_slice %arg5[%arg0, %mul3A_26, %dma_start3A] : memref<2x10000x128xf32, #tpu.memory_space<hbm>> -> memref<1x80x128xf32, #tpu.memory_space<hbm>>
          %dma_start3A_28 = tpu.memref_squeeze %dma_start3A_27 : memref<1x80x128xf32, #tpu.memory_space<hbm>> -> memref<80x128xf32, #tpu.memory_space<hbm>>
          %dma_start3A_29 = arith.constant 0 : i32
          %dma_start3A_30 = tpu.memref_slice %arg9[%mul3A_24, %dma_start3A_29] : memref<10000x128xf32, #tpu.memory_space<vmem_shared>> -> memref<80x128xf32, #tpu.memory_space<vmem_shared>>
          tpu.enqueue_dma source(%dma_start3A_30 : memref<80x128xf32, #tpu.memory_space<vmem_shared>>) target(%dma_start3A_28 : memref<80x128xf32, #tpu.memory_space<hbm>>) target_semaphore(%run_scoped3A : memref<!tpu.dma_semaphore, #tpu.memory_space<semaphore_mem>>)
          %dma_wait3A = arith.constant 0 : i32
          %dma_wait3A_31 = tpu.memref_slice %arg5[%arg0, %mul3A_26, %dma_wait3A] : memref<2x10000x128xf32, #tpu.memory_space<hbm>> -> memref<1x80x128xf32, #tpu.memory_space<hbm>>
          %dma_wait3A_32 = tpu.memref_squeeze %dma_wait3A_31 : memref<1x80x128xf32, #tpu.memory_space<hbm>> -> memref<80x128xf32, #tpu.memory_space<hbm>>
          %dma_wait3A_33 = arith.constant 0 : i32
          %dma_wait3A_34 = tpu.memref_slice %arg9[%mul3A_24, %dma_wait3A_33] : memref<10000x128xf32, #tpu.memory_space<vmem_shared>> -> memref<80x128xf32, #tpu.memory_space<vmem_shared>>
          tpu.wait_dma2 semaphore(%run_scoped3A : memref<!tpu.dma_semaphore, #tpu.memory_space<semaphore_mem>>) src(%dma_wait3A_34 : memref<80x128xf32, #tpu.memory_space<vmem_shared>>) dst(%dma_wait3A_32 : memref<80x128xf32, #tpu.memory_space<hbm>>)
          tpu.yield
        }) : () -> ()
      } else {
      }
    }
    %scan3A_14 = arith.constant 8 : i32
    return
  }
}

#map = affine_map<(d0, d1) -> (0, 0)>
#map1 = affine_map<(d0, d1) -> (0, 0, 0, 0)>
module attributes {stable_mosaic.version = 14 : i64} {
  func.func @gather_kernel(%arg0: i32, %arg1: i32, %arg2: memref<10000x128xf32, #tpu.memory_space<hbm>>, %arg3: memref<10000x128xf32, #tpu.memory_space<hbm>>, %arg4: memref<2x250x5x128xi32, #tpu.memory_space<hbm>>, %arg5: memref<80000x128xf32, #tpu.memory_space<hbm>>, %arg6: memref<80000x128xf32, #tpu.memory_space<hbm>>, %arg7: memref<10000x128xf32, #tpu.memory_space<vmem_shared>>, %arg8: memref<5x128xi32, #tpu.memory_space<vmem>>, %arg9: memref<2x128x128xf32, #tpu.memory_space<vmem>>, %arg10: memref<!tpu.dma_semaphore, #tpu.memory_space<semaphore_mem>>, %arg11: memref<!tpu.dma_semaphore, #tpu.memory_space<semaphore_mem>>) attributes {dimension_semantics = [#tpu.dimension_semantics<core_parallel>, #tpu.dimension_semantics<subcore_parallel>], iteration_bounds = array<i64: 2, 16>, scalar_prefetch = 0 : i64, scratch_operands = 5 : i64, tpu.core_type = #tpu.core_type<sc_vector_subcore>, window_params = [{transform_indices = #map}, {transform_indices = #map}, {transform_indices = #map1}, {transform_indices = #map}, {transform_indices = #map}]} {
    %scan3A = arith.constant 0 : i32
    %scan3A_0 = arith.constant 8 : i32
    %scan3A_1 = arith.addi %scan3A, %scan3A_0 : i32
    %scan3A_2 = arith.constant 1 : i32
    scf.for %scan3A_9 = %scan3A to %scan3A_1 step %scan3A_2  : i32 {
      %mul3A = arith.constant 1 : i32
      %mul3A_10 = arith.muli %scan3A_9, %mul3A : i32
      %add3A = arith.constant 0 : i32
      %add3A_11 = arith.addi %add3A, %mul3A_10 : i32
      %mul3A_12 = arith.constant 16 : i32
      %mul3A_13 = arith.muli %mul3A_12, %add3A_11 : i32
      %add3A_14 = arith.addi %arg1, %mul3A_13 : i32
      %lt3A = arith.constant 125 : i32
      %lt3A_15 = arith.cmpi slt, %add3A_14, %lt3A : i32
      %convert_element_type3A = arith.extui %lt3A_15 : i1 to i32
      %cond3A = arith.constant 0 : i32
      %cond3A_16 = arith.cmpi ne, %convert_element_type3A, %cond3A : i32
      scf.if %cond3A_16 {
        %mul3A_17 = arith.constant 80 : i32
        %mul3A_18 = arith.muli %add3A_14, %mul3A_17 : i32
        %eq3A = arith.constant 0 : i32
        %eq3A_19 = arith.cmpi eq, %arg0, %eq3A : i32
        %convert_element_type3A_20 = arith.extui %eq3A_19 : i1 to i32
        %cond3A_21 = arith.constant 0 : i32
        %cond3A_22 = arith.cmpi ne, %convert_element_type3A_20, %cond3A_21 : i32
        scf.if %cond3A_22 {
          "tpu.region"() ({
            %run_scoped3A = tpu.sem_alloc : memref<!tpu.dma_semaphore, #tpu.memory_space<semaphore_mem>>
            %dma_start3A = arith.constant 0 : i32
            %dma_start3A_28 = tpu.memref_slice %arg7[%mul3A_18, %dma_start3A] : memref<10000x128xf32, #tpu.memory_space<vmem_shared>> -> memref<80x128xf32, #tpu.memory_space<vmem_shared>>
            %dma_start3A_29 = arith.constant 0 : i32
            %dma_start3A_30 = tpu.memref_slice %arg2[%mul3A_18, %dma_start3A_29] : memref<10000x128xf32, #tpu.memory_space<hbm>> -> memref<80x128xf32, #tpu.memory_space<hbm>>
            tpu.enqueue_dma source(%dma_start3A_30 : memref<80x128xf32, #tpu.memory_space<hbm>>) target(%dma_start3A_28 : memref<80x128xf32, #tpu.memory_space<vmem_shared>>) target_semaphore(%run_scoped3A : memref<!tpu.dma_semaphore, #tpu.memory_space<semaphore_mem>>)
            %dma_wait3A = arith.constant 0 : i32
            %dma_wait3A_31 = tpu.memref_slice %arg7[%mul3A_18, %dma_wait3A] : memref<10000x128xf32, #tpu.memory_space<vmem_shared>> -> memref<80x128xf32, #tpu.memory_space<vmem_shared>>
            %dma_wait3A_32 = arith.constant 0 : i32
            %dma_wait3A_33 = tpu.memref_slice %arg2[%mul3A_18, %dma_wait3A_32] : memref<10000x128xf32, #tpu.memory_space<hbm>> -> memref<80x128xf32, #tpu.memory_space<hbm>>
            tpu.wait_dma2 semaphore(%run_scoped3A : memref<!tpu.dma_semaphore, #tpu.memory_space<semaphore_mem>>) src(%dma_wait3A_33 : memref<80x128xf32, #tpu.memory_space<hbm>>) dst(%dma_wait3A_31 : memref<80x128xf32, #tpu.memory_space<vmem_shared>>)
            tpu.yield
          }) : () -> ()
        } else {
        }
        %eq3A_23 = arith.constant 1 : i32
        %eq3A_24 = arith.cmpi eq, %arg0, %eq3A_23 : i32
        %convert_element_type3A_25 = arith.extui %eq3A_24 : i1 to i32
        %cond3A_26 = arith.constant 0 : i32
        %cond3A_27 = arith.cmpi ne, %convert_element_type3A_25, %cond3A_26 : i32
        scf.if %cond3A_27 {
          "tpu.region"() ({
            %run_scoped3A = tpu.sem_alloc : memref<!tpu.dma_semaphore, #tpu.memory_space<semaphore_mem>>
            %dma_start3A = arith.constant 0 : i32
            %dma_start3A_28 = tpu.memref_slice %arg7[%mul3A_18, %dma_start3A] : memref<10000x128xf32, #tpu.memory_space<vmem_shared>> -> memref<80x128xf32, #tpu.memory_space<vmem_shared>>
            %dma_start3A_29 = arith.constant 0 : i32
            %dma_start3A_30 = tpu.memref_slice %arg3[%mul3A_18, %dma_start3A_29] : memref<10000x128xf32, #tpu.memory_space<hbm>> -> memref<80x128xf32, #tpu.memory_space<hbm>>
            tpu.enqueue_dma source(%dma_start3A_30 : memref<80x128xf32, #tpu.memory_space<hbm>>) target(%dma_start3A_28 : memref<80x128xf32, #tpu.memory_space<vmem_shared>>) target_semaphore(%run_scoped3A : memref<!tpu.dma_semaphore, #tpu.memory_space<semaphore_mem>>)
            %dma_wait3A = arith.constant 0 : i32
            %dma_wait3A_31 = tpu.memref_slice %arg7[%mul3A_18, %dma_wait3A] : memref<10000x128xf32, #tpu.memory_space<vmem_shared>> -> memref<80x128xf32, #tpu.memory_space<vmem_shared>>
            %dma_wait3A_32 = arith.constant 0 : i32
            %dma_wait3A_33 = tpu.memref_slice %arg3[%mul3A_18, %dma_wait3A_32] : memref<10000x128xf32, #tpu.memory_space<hbm>> -> memref<80x128xf32, #tpu.memory_space<hbm>>
            tpu.wait_dma2 semaphore(%run_scoped3A : memref<!tpu.dma_semaphore, #tpu.memory_space<semaphore_mem>>) src(%dma_wait3A_33 : memref<80x128xf32, #tpu.memory_space<hbm>>) dst(%dma_wait3A_31 : memref<80x128xf32, #tpu.memory_space<vmem_shared>>)
            tpu.yield
          }) : () -> ()
        } else {
        }
      } else {
      }
    }
    %scan3A_3 = arith.constant 8 : i32
    %barrier3A = arith.constant 0 : index
    tpu.barrier barrier_id(%barrier3A)
    %scan3A_4 = arith.constant 0 : i32
    %scan3A_5 = arith.constant 8 : i32
    %scan3A_6 = arith.addi %scan3A_4, %scan3A_5 : i32
    %scan3A_7 = arith.constant 1 : i32
    scf.for %scan3A_9 = %scan3A_4 to %scan3A_6 step %scan3A_7  : i32 {
      %mul3A = arith.constant 1 : i32
      %mul3A_10 = arith.muli %scan3A_9, %mul3A : i32
      %add3A = arith.constant 0 : i32
      %add3A_11 = arith.addi %add3A, %mul3A_10 : i32
      %mul3A_12 = arith.constant 16 : i32
      %mul3A_13 = arith.muli %mul3A_12, %add3A_11 : i32
      %add3A_14 = arith.addi %arg1, %mul3A_13 : i32
      %lt3A = arith.constant 125 : i32
      %lt3A_15 = arith.cmpi slt, %add3A_14, %lt3A : i32
      %convert_element_type3A = arith.extui %lt3A_15 : i1 to i32
      %cond3A = arith.constant 0 : i32
      %cond3A_16 = arith.cmpi ne, %convert_element_type3A, %cond3A : i32
      scf.if %cond3A_16 {
        %eq3A = arith.constant 0 : i32
        %eq3A_17 = arith.cmpi eq, %arg0, %eq3A : i32
        %convert_element_type3A_18 = arith.extui %eq3A_17 : i1 to i32
        %cond3A_19 = arith.constant 0 : i32
        %cond3A_20 = arith.cmpi ne, %convert_element_type3A_18, %cond3A_19 : i32
        scf.if %cond3A_20 {
          %add3A_26 = arith.constant 125 : i32
          %add3A_27 = arith.addi %add3A_26, %add3A_14 : i32
          %run_scoped3A = arith.constant 0 : i32
          "tpu.region"() ({
            %run_scoped3A_296 = tpu.sem_alloc : memref<!tpu.dma_semaphore, #tpu.memory_space<semaphore_mem>>
            %dma_start3A_297 = arith.constant 0 : i32
            %dma_start3A_298 = arith.constant 0 : i32
            %dma_start3A_299 = tpu.memref_slice %arg4[%run_scoped3A, %add3A_27, %dma_start3A_297, %dma_start3A_298] : memref<2x250x5x128xi32, #tpu.memory_space<hbm>> -> memref<1x1x5x128xi32, #tpu.memory_space<hbm>>
            %dma_start3A_300 = tpu.memref_squeeze %dma_start3A_299 : memref<1x1x5x128xi32, #tpu.memory_space<hbm>> -> memref<5x128xi32, #tpu.memory_space<hbm>>
            %dma_start3A_301 = arith.constant 0 : i32
            %dma_start3A_302 = arith.constant 0 : i32
            %dma_start3A_303 = tpu.memref_slice %arg4[%run_scoped3A, %add3A_27, %dma_start3A_301, %dma_start3A_302] : memref<2x250x5x128xi32, #tpu.memory_space<hbm>> -> memref<1x1x5x128xi32, #tpu.memory_space<hbm>>
            %dma_start3A_304 = tpu.memref_squeeze %dma_start3A_303 : memref<1x1x5x128xi32, #tpu.memory_space<hbm>> -> memref<5x128xi32, #tpu.memory_space<hbm>>
            tpu.enqueue_dma source(%dma_start3A_304 : memref<5x128xi32, #tpu.memory_space<hbm>>) target(%arg8 : memref<5x128xi32, #tpu.memory_space<vmem>>) target_semaphore(%run_scoped3A_296 : memref<!tpu.dma_semaphore, #tpu.memory_space<semaphore_mem>>)
            %dma_wait3A_305 = arith.constant 0 : i32
            %dma_wait3A_306 = arith.constant 0 : i32
            %dma_wait3A_307 = tpu.memref_slice %arg4[%run_scoped3A, %add3A_27, %dma_wait3A_305, %dma_wait3A_306] : memref<2x250x5x128xi32, #tpu.memory_space<hbm>> -> memref<1x1x5x128xi32, #tpu.memory_space<hbm>>
            %dma_wait3A_308 = tpu.memref_squeeze %dma_wait3A_307 : memref<1x1x5x128xi32, #tpu.memory_space<hbm>> -> memref<5x128xi32, #tpu.memory_space<hbm>>
            %dma_wait3A_309 = arith.constant 0 : i32
            %dma_wait3A_310 = arith.constant 0 : i32
            %dma_wait3A_311 = tpu.memref_slice %arg4[%run_scoped3A, %add3A_27, %dma_wait3A_309, %dma_wait3A_310] : memref<2x250x5x128xi32, #tpu.memory_space<hbm>> -> memref<1x1x5x128xi32, #tpu.memory_space<hbm>>
            %dma_wait3A_312 = tpu.memref_squeeze %dma_wait3A_311 : memref<1x1x5x128xi32, #tpu.memory_space<hbm>> -> memref<5x128xi32, #tpu.memory_space<hbm>>
            tpu.wait_dma2 semaphore(%run_scoped3A_296 : memref<!tpu.dma_semaphore, #tpu.memory_space<semaphore_mem>>) src(%dma_wait3A_312 : memref<5x128xi32, #tpu.memory_space<hbm>>) dst(%arg8 : memref<5x128xi32, #tpu.memory_space<vmem>>)
            tpu.yield
          }) : () -> ()
          %dma_start3A = arith.constant 0 : i32
          %dma_start3A_28 = arith.constant 0 : i32
          %dma_start3A_29 = arith.constant 0 : i32
          %dma_start3A_30 = arith.constant 0 : i32
          %dma_start3A_31 = tpu.memref_slice %arg9[%dma_start3A_28, %dma_start3A_29, %dma_start3A_30] : memref<2x128x128xf32, #tpu.memory_space<vmem>> -> memref<1x128x128xf32, #tpu.memory_space<vmem>>
          %dma_start3A_32 = tpu.memref_squeeze %dma_start3A_31 : memref<1x128x128xf32, #tpu.memory_space<vmem>> -> memref<128x128xf32, #tpu.memory_space<vmem>>
          %dma_start3A_33 = arith.constant 0 : i32
          %dma_start3A_34 = tpu.memref_slice %arg8[%dma_start3A, %dma_start3A_33] : memref<5x128xi32, #tpu.memory_space<vmem>> -> memref<1x128xi32, #tpu.memory_space<vmem>>
          %dma_start3A_35 = tpu.memref_squeeze %dma_start3A_34 : memref<1x128xi32, #tpu.memory_space<vmem>> -> memref<128xi32, #tpu.memory_space<vmem>>
          %dma_start3A_36 = arith.constant 0 : i32
          %dma_start3A_37 = arith.constant 0 : i32
          %dma_start3A_38 = tpu.memref_slice %arg7[%dma_start3A_36, %dma_start3A_37] : memref<10000x128xf32, #tpu.memory_space<vmem_shared>> -> memref<10000x128xf32, #tpu.memory_space<vmem_shared>>
          tpu.enqueue_indirect_dma source(%dma_start3A_38 : memref<10000x128xf32, #tpu.memory_space<vmem_shared>>) target(%dma_start3A_32 : memref<128x128xf32, #tpu.memory_space<vmem>>) offsets(%dma_start3A_35 : memref<128xi32, #tpu.memory_space<vmem>>) semaphore(%arg10 : memref<!tpu.dma_semaphore, #tpu.memory_space<semaphore_mem>>)
          %dma_wait3A = arith.constant 0 : i32
          %dma_wait3A_39 = arith.constant 0 : i32
          %dma_wait3A_40 = arith.constant 0 : i32
          %dma_wait3A_41 = arith.constant 0 : i32
          %dma_wait3A_42 = tpu.memref_slice %arg9[%dma_wait3A_39, %dma_wait3A_40, %dma_wait3A_41] : memref<2x128x128xf32, #tpu.memory_space<vmem>> -> memref<1x128x128xf32, #tpu.memory_space<vmem>>
          %dma_wait3A_43 = tpu.memref_squeeze %dma_wait3A_42 : memref<1x128x128xf32, #tpu.memory_space<vmem>> -> memref<128x128xf32, #tpu.memory_space<vmem>>
          %dma_wait3A_44 = arith.constant 0 : i32
          %dma_wait3A_45 = tpu.memref_slice %arg8[%dma_wait3A, %dma_wait3A_44] : memref<5x128xi32, #tpu.memory_space<vmem>> -> memref<1x128xi32, #tpu.memory_space<vmem>>
          %dma_wait3A_46 = tpu.memref_squeeze %dma_wait3A_45 : memref<1x128xi32, #tpu.memory_space<vmem>> -> memref<128xi32, #tpu.memory_space<vmem>>
          %dma_wait3A_47 = arith.constant 0 : i32
          %dma_wait3A_48 = arith.constant 0 : i32
          %dma_wait3A_49 = tpu.memref_slice %arg7[%dma_wait3A_47, %dma_wait3A_48] : memref<10000x128xf32, #tpu.memory_space<vmem_shared>> -> memref<10000x128xf32, #tpu.memory_space<vmem_shared>>
          tpu.wait_indirect_dma semaphore(%arg10 : memref<!tpu.dma_semaphore, #tpu.memory_space<semaphore_mem>>) src(%dma_wait3A_49 : memref<10000x128xf32, #tpu.memory_space<vmem_shared>>) dst(%dma_wait3A_43 : memref<128x128xf32, #tpu.memory_space<vmem>>)
          %mul3A_50 = arith.constant 640 : i32
          %mul3A_51 = arith.muli %add3A_14, %mul3A_50 : i32
          %add3A_52 = arith.constant 0 : i32
          %add3A_53 = arith.addi %mul3A_51, %add3A_52 : i32
          %dma_start3A_54 = arith.constant 0 : i32
          %dma_start3A_55 = arith.constant 0 : i32
          %dma_start3A_56 = arith.constant 0 : i32
          %dma_start3A_57 = tpu.memref_slice %arg9[%dma_start3A_54, %dma_start3A_55, %dma_start3A_56] : memref<2x128x128xf32, #tpu.memory_space<vmem>> -> memref<1x128x128xf32, #tpu.memory_space<vmem>>
          %dma_start3A_58 = tpu.memref_squeeze %dma_start3A_57 : memref<1x128x128xf32, #tpu.memory_space<vmem>> -> memref<128x128xf32, #tpu.memory_space<vmem>>
          %dma_start3A_59 = arith.constant 0 : i32
          %dma_start3A_60 = tpu.memref_slice %arg5[%add3A_53, %dma_start3A_59] : memref<80000x128xf32, #tpu.memory_space<hbm>> -> memref<128x128xf32, #tpu.memory_space<hbm>>
          %dma_start3A_61 = arith.constant 0 : i32
          %dma_start3A_62 = tpu.memref_slice %arg5[%add3A_53, %dma_start3A_61] : memref<80000x128xf32, #tpu.memory_space<hbm>> -> memref<128x128xf32, #tpu.memory_space<hbm>>
          %dma_start3A_63 = arith.constant 0 : i32
          %dma_start3A_64 = arith.constant 0 : i32
          %dma_start3A_65 = tpu.memref_slice %arg9[%dma_start3A_54, %dma_start3A_63, %dma_start3A_64] : memref<2x128x128xf32, #tpu.memory_space<vmem>> -> memref<1x128x128xf32, #tpu.memory_space<vmem>>
          %dma_start3A_66 = tpu.memref_squeeze %dma_start3A_65 : memref<1x128x128xf32, #tpu.memory_space<vmem>> -> memref<128x128xf32, #tpu.memory_space<vmem>>
          tpu.enqueue_dma source(%dma_start3A_66 : memref<128x128xf32, #tpu.memory_space<vmem>>) target(%dma_start3A_62 : memref<128x128xf32, #tpu.memory_space<hbm>>) target_semaphore(%arg11 : memref<!tpu.dma_semaphore, #tpu.memory_space<semaphore_mem>>)
          %dma_start3A_67 = arith.constant 1 : i32
          %dma_start3A_68 = arith.constant 1 : i32
          %dma_start3A_69 = arith.constant 0 : i32
          %dma_start3A_70 = arith.constant 0 : i32
          %dma_start3A_71 = tpu.memref_slice %arg9[%dma_start3A_68, %dma_start3A_69, %dma_start3A_70] : memref<2x128x128xf32, #tpu.memory_space<vmem>> -> memref<1x128x128xf32, #tpu.memory_space<vmem>>
          %dma_start3A_72 = tpu.memref_squeeze %dma_start3A_71 : memref<1x128x128xf32, #tpu.memory_space<vmem>> -> memref<128x128xf32, #tpu.memory_space<vmem>>
          %dma_start3A_73 = arith.constant 0 : i32
          %dma_start3A_74 = tpu.memref_slice %arg8[%dma_start3A_67, %dma_start3A_73] : memref<5x128xi32, #tpu.memory_space<vmem>> -> memref<1x128xi32, #tpu.memory_space<vmem>>
          %dma_start3A_75 = tpu.memref_squeeze %dma_start3A_74 : memref<1x128xi32, #tpu.memory_space<vmem>> -> memref<128xi32, #tpu.memory_space<vmem>>
          %dma_start3A_76 = arith.constant 0 : i32
          %dma_start3A_77 = arith.constant 0 : i32
          %dma_start3A_78 = tpu.memref_slice %arg7[%dma_start3A_76, %dma_start3A_77] : memref<10000x128xf32, #tpu.memory_space<vmem_shared>> -> memref<10000x128xf32, #tpu.memory_space<vmem_shared>>
          tpu.enqueue_indirect_dma source(%dma_start3A_78 : memref<10000x128xf32, #tpu.memory_space<vmem_shared>>) target(%dma_start3A_72 : memref<128x128xf32, #tpu.memory_space<vmem>>) offsets(%dma_start3A_75 : memref<128xi32, #tpu.memory_space<vmem>>) semaphore(%arg10 : memref<!tpu.dma_semaphore, #tpu.memory_space<semaphore_mem>>)
          %dma_wait3A_79 = arith.constant 1 : i32
          %dma_wait3A_80 = arith.constant 1 : i32
          %dma_wait3A_81 = arith.constant 0 : i32
          %dma_wait3A_82 = arith.constant 0 : i32
          %dma_wait3A_83 = tpu.memref_slice %arg9[%dma_wait3A_80, %dma_wait3A_81, %dma_wait3A_82] : memref<2x128x128xf32, #tpu.memory_space<vmem>> -> memref<1x128x128xf32, #tpu.memory_space<vmem>>
          %dma_wait3A_84 = tpu.memref_squeeze %dma_wait3A_83 : memref<1x128x128xf32, #tpu.memory_space<vmem>> -> memref<128x128xf32, #tpu.memory_space<vmem>>
          %dma_wait3A_85 = arith.constant 0 : i32
          %dma_wait3A_86 = tpu.memref_slice %arg8[%dma_wait3A_79, %dma_wait3A_85] : memref<5x128xi32, #tpu.memory_space<vmem>> -> memref<1x128xi32, #tpu.memory_space<vmem>>
          %dma_wait3A_87 = tpu.memref_squeeze %dma_wait3A_86 : memref<1x128xi32, #tpu.memory_space<vmem>> -> memref<128xi32, #tpu.memory_space<vmem>>
          %dma_wait3A_88 = arith.constant 0 : i32
          %dma_wait3A_89 = arith.constant 0 : i32
          %dma_wait3A_90 = tpu.memref_slice %arg7[%dma_wait3A_88, %dma_wait3A_89] : memref<10000x128xf32, #tpu.memory_space<vmem_shared>> -> memref<10000x128xf32, #tpu.memory_space<vmem_shared>>
          tpu.wait_indirect_dma semaphore(%arg10 : memref<!tpu.dma_semaphore, #tpu.memory_space<semaphore_mem>>) src(%dma_wait3A_90 : memref<10000x128xf32, #tpu.memory_space<vmem_shared>>) dst(%dma_wait3A_84 : memref<128x128xf32, #tpu.memory_space<vmem>>)
          %mul3A_91 = arith.constant 640 : i32
          %mul3A_92 = arith.muli %add3A_14, %mul3A_91 : i32
          %add3A_93 = arith.constant 128 : i32
          %add3A_94 = arith.addi %mul3A_92, %add3A_93 : i32
          %dma_start3A_95 = arith.constant 1 : i32
          %dma_start3A_96 = arith.constant 0 : i32
          %dma_start3A_97 = arith.constant 0 : i32
          %dma_start3A_98 = tpu.memref_slice %arg9[%dma_start3A_95, %dma_start3A_96, %dma_start3A_97] : memref<2x128x128xf32, #tpu.memory_space<vmem>> -> memref<1x128x128xf32, #tpu.memory_space<vmem>>
          %dma_start3A_99 = tpu.memref_squeeze %dma_start3A_98 : memref<1x128x128xf32, #tpu.memory_space<vmem>> -> memref<128x128xf32, #tpu.memory_space<vmem>>
          %dma_start3A_100 = arith.constant 0 : i32
          %dma_start3A_101 = tpu.memref_slice %arg5[%add3A_94, %dma_start3A_100] : memref<80000x128xf32, #tpu.memory_space<hbm>> -> memref<128x128xf32, #tpu.memory_space<hbm>>
          %dma_start3A_102 = arith.constant 0 : i32
          %dma_start3A_103 = tpu.memref_slice %arg5[%add3A_94, %dma_start3A_102] : memref<80000x128xf32, #tpu.memory_space<hbm>> -> memref<128x128xf32, #tpu.memory_space<hbm>>
          %dma_start3A_104 = arith.constant 0 : i32
          %dma_start3A_105 = arith.constant 0 : i32
          %dma_start3A_106 = tpu.memref_slice %arg9[%dma_start3A_95, %dma_start3A_104, %dma_start3A_105] : memref<2x128x128xf32, #tpu.memory_space<vmem>> -> memref<1x128x128xf32, #tpu.memory_space<vmem>>
          %dma_start3A_107 = tpu.memref_squeeze %dma_start3A_106 : memref<1x128x128xf32, #tpu.memory_space<vmem>> -> memref<128x128xf32, #tpu.memory_space<vmem>>
          tpu.enqueue_dma source(%dma_start3A_107 : memref<128x128xf32, #tpu.memory_space<vmem>>) target(%dma_start3A_103 : memref<128x128xf32, #tpu.memory_space<hbm>>) target_semaphore(%arg11 : memref<!tpu.dma_semaphore, #tpu.memory_space<semaphore_mem>>)
          %dma_wait3A_108 = arith.constant 0 : i32
          %dma_wait3A_109 = arith.constant 0 : i32
          %dma_wait3A_110 = arith.constant 0 : i32
          %dma_wait3A_111 = tpu.memref_slice %arg9[%dma_wait3A_108, %dma_wait3A_109, %dma_wait3A_110] : memref<2x128x128xf32, #tpu.memory_space<vmem>> -> memref<1x128x128xf32, #tpu.memory_space<vmem>>
          %dma_wait3A_112 = tpu.memref_squeeze %dma_wait3A_111 : memref<1x128x128xf32, #tpu.memory_space<vmem>> -> memref<128x128xf32, #tpu.memory_space<vmem>>
          %dma_wait3A_113 = arith.constant 0 : i32
          %dma_wait3A_114 = tpu.memref_slice %arg5[%add3A_53, %dma_wait3A_113] : memref<80000x128xf32, #tpu.memory_space<hbm>> -> memref<128x128xf32, #tpu.memory_space<hbm>>
          %dma_wait3A_115 = arith.constant 0 : i32
          %dma_wait3A_116 = tpu.memref_slice %arg5[%add3A_53, %dma_wait3A_115] : memref<80000x128xf32, #tpu.memory_space<hbm>> -> memref<128x128xf32, #tpu.memory_space<hbm>>
          %dma_wait3A_117 = arith.constant 0 : i32
          %dma_wait3A_118 = arith.constant 0 : i32
          %dma_wait3A_119 = tpu.memref_slice %arg9[%dma_wait3A_108, %dma_wait3A_117, %dma_wait3A_118] : memref<2x128x128xf32, #tpu.memory_space<vmem>> -> memref<1x128x128xf32, #tpu.memory_space<vmem>>
          %dma_wait3A_120 = tpu.memref_squeeze %dma_wait3A_119 : memref<1x128x128xf32, #tpu.memory_space<vmem>> -> memref<128x128xf32, #tpu.memory_space<vmem>>
          tpu.wait_dma2 semaphore(%arg11 : memref<!tpu.dma_semaphore, #tpu.memory_space<semaphore_mem>>) src(%dma_wait3A_120 : memref<128x128xf32, #tpu.memory_space<vmem>>) dst(%dma_wait3A_116 : memref<128x128xf32, #tpu.memory_space<hbm>>)
          %dma_start3A_121 = arith.constant 2 : i32
          %dma_start3A_122 = arith.constant 0 : i32
          %dma_start3A_123 = arith.constant 0 : i32
          %dma_start3A_124 = arith.constant 0 : i32
          %dma_start3A_125 = tpu.memref_slice %arg9[%dma_start3A_122, %dma_start3A_123, %dma_start3A_124] : memref<2x128x128xf32, #tpu.memory_space<vmem>> -> memref<1x128x128xf32, #tpu.memory_space<vmem>>
          %dma_start3A_126 = tpu.memref_squeeze %dma_start3A_125 : memref<1x128x128xf32, #tpu.memory_space<vmem>> -> memref<128x128xf32, #tpu.memory_space<vmem>>
          %dma_start3A_127 = arith.constant 0 : i32
          %dma_start3A_128 = tpu.memref_slice %arg8[%dma_start3A_121, %dma_start3A_127] : memref<5x128xi32, #tpu.memory_space<vmem>> -> memref<1x128xi32, #tpu.memory_space<vmem>>
          %dma_start3A_129 = tpu.memref_squeeze %dma_start3A_128 : memref<1x128xi32, #tpu.memory_space<vmem>> -> memref<128xi32, #tpu.memory_space<vmem>>
          %dma_start3A_130 = arith.constant 0 : i32
          %dma_start3A_131 = arith.constant 0 : i32
          %dma_start3A_132 = tpu.memref_slice %arg7[%dma_start3A_130, %dma_start3A_131] : memref<10000x128xf32, #tpu.memory_space<vmem_shared>> -> memref<10000x128xf32, #tpu.memory_space<vmem_shared>>
          tpu.enqueue_indirect_dma source(%dma_start3A_132 : memref<10000x128xf32, #tpu.memory_space<vmem_shared>>) target(%dma_start3A_126 : memref<128x128xf32, #tpu.memory_space<vmem>>) offsets(%dma_start3A_129 : memref<128xi32, #tpu.memory_space<vmem>>) semaphore(%arg10 : memref<!tpu.dma_semaphore, #tpu.memory_space<semaphore_mem>>)
          %dma_wait3A_133 = arith.constant 2 : i32
          %dma_wait3A_134 = arith.constant 0 : i32
          %dma_wait3A_135 = arith.constant 0 : i32
          %dma_wait3A_136 = arith.constant 0 : i32
          %dma_wait3A_137 = tpu.memref_slice %arg9[%dma_wait3A_134, %dma_wait3A_135, %dma_wait3A_136] : memref<2x128x128xf32, #tpu.memory_space<vmem>> -> memref<1x128x128xf32, #tpu.memory_space<vmem>>
          %dma_wait3A_138 = tpu.memref_squeeze %dma_wait3A_137 : memref<1x128x128xf32, #tpu.memory_space<vmem>> -> memref<128x128xf32, #tpu.memory_space<vmem>>
          %dma_wait3A_139 = arith.constant 0 : i32
          %dma_wait3A_140 = tpu.memref_slice %arg8[%dma_wait3A_133, %dma_wait3A_139] : memref<5x128xi32, #tpu.memory_space<vmem>> -> memref<1x128xi32, #tpu.memory_space<vmem>>
          %dma_wait3A_141 = tpu.memref_squeeze %dma_wait3A_140 : memref<1x128xi32, #tpu.memory_space<vmem>> -> memref<128xi32, #tpu.memory_space<vmem>>
          %dma_wait3A_142 = arith.constant 0 : i32
          %dma_wait3A_143 = arith.constant 0 : i32
          %dma_wait3A_144 = tpu.memref_slice %arg7[%dma_wait3A_142, %dma_wait3A_143] : memref<10000x128xf32, #tpu.memory_space<vmem_shared>> -> memref<10000x128xf32, #tpu.memory_space<vmem_shared>>
          tpu.wait_indirect_dma semaphore(%arg10 : memref<!tpu.dma_semaphore, #tpu.memory_space<semaphore_mem>>) src(%dma_wait3A_144 : memref<10000x128xf32, #tpu.memory_space<vmem_shared>>) dst(%dma_wait3A_138 : memref<128x128xf32, #tpu.memory_space<vmem>>)
          %mul3A_145 = arith.constant 640 : i32
          %mul3A_146 = arith.muli %add3A_14, %mul3A_145 : i32
          %add3A_147 = arith.constant 256 : i32
          %add3A_148 = arith.addi %mul3A_146, %add3A_147 : i32
          %dma_start3A_149 = arith.constant 0 : i32
          %dma_start3A_150 = arith.constant 0 : i32
          %dma_start3A_151 = arith.constant 0 : i32
          %dma_start3A_152 = tpu.memref_slice %arg9[%dma_start3A_149, %dma_start3A_150, %dma_start3A_151] : memref<2x128x128xf32, #tpu.memory_space<vmem>> -> memref<1x128x128xf32, #tpu.memory_space<vmem>>
          %dma_start3A_153 = tpu.memref_squeeze %dma_start3A_152 : memref<1x128x128xf32, #tpu.memory_space<vmem>> -> memref<128x128xf32, #tpu.memory_space<vmem>>
          %dma_start3A_154 = arith.constant 0 : i32
          %dma_start3A_155 = tpu.memref_slice %arg5[%add3A_148, %dma_start3A_154] : memref<80000x128xf32, #tpu.memory_space<hbm>> -> memref<128x128xf32, #tpu.memory_space<hbm>>
          %dma_start3A_156 = arith.constant 0 : i32
          %dma_start3A_157 = tpu.memref_slice %arg5[%add3A_148, %dma_start3A_156] : memref<80000x128xf32, #tpu.memory_space<hbm>> -> memref<128x128xf32, #tpu.memory_space<hbm>>
          %dma_start3A_158 = arith.constant 0 : i32
          %dma_start3A_159 = arith.constant 0 : i32
          %dma_start3A_160 = tpu.memref_slice %arg9[%dma_start3A_149, %dma_start3A_158, %dma_start3A_159] : memref<2x128x128xf32, #tpu.memory_space<vmem>> -> memref<1x128x128xf32, #tpu.memory_space<vmem>>
          %dma_start3A_161 = tpu.memref_squeeze %dma_start3A_160 : memref<1x128x128xf32, #tpu.memory_space<vmem>> -> memref<128x128xf32, #tpu.memory_space<vmem>>
          tpu.enqueue_dma source(%dma_start3A_161 : memref<128x128xf32, #tpu.memory_space<vmem>>) target(%dma_start3A_157 : memref<128x128xf32, #tpu.memory_space<hbm>>) target_semaphore(%arg11 : memref<!tpu.dma_semaphore, #tpu.memory_space<semaphore_mem>>)
          %dma_wait3A_162 = arith.constant 1 : i32
          %dma_wait3A_163 = arith.constant 0 : i32
          %dma_wait3A_164 = arith.constant 0 : i32
          %dma_wait3A_165 = tpu.memref_slice %arg9[%dma_wait3A_162, %dma_wait3A_163, %dma_wait3A_164] : memref<2x128x128xf32, #tpu.memory_space<vmem>> -> memref<1x128x128xf32, #tpu.memory_space<vmem>>
          %dma_wait3A_166 = tpu.memref_squeeze %dma_wait3A_165 : memref<1x128x128xf32, #tpu.memory_space<vmem>> -> memref<128x128xf32, #tpu.memory_space<vmem>>
          %dma_wait3A_167 = arith.constant 0 : i32
          %dma_wait3A_168 = tpu.memref_slice %arg5[%add3A_94, %dma_wait3A_167] : memref<80000x128xf32, #tpu.memory_space<hbm>> -> memref<128x128xf32, #tpu.memory_space<hbm>>
          %dma_wait3A_169 = arith.constant 0 : i32
          %dma_wait3A_170 = tpu.memref_slice %arg5[%add3A_94, %dma_wait3A_169] : memref<80000x128xf32, #tpu.memory_space<hbm>> -> memref<128x128xf32, #tpu.memory_space<hbm>>
          %dma_wait3A_171 = arith.constant 0 : i32
          %dma_wait3A_172 = arith.constant 0 : i32
          %dma_wait3A_173 = tpu.memref_slice %arg9[%dma_wait3A_162, %dma_wait3A_171, %dma_wait3A_172] : memref<2x128x128xf32, #tpu.memory_space<vmem>> -> memref<1x128x128xf32, #tpu.memory_space<vmem>>
          %dma_wait3A_174 = tpu.memref_squeeze %dma_wait3A_173 : memref<1x128x128xf32, #tpu.memory_space<vmem>> -> memref<128x128xf32, #tpu.memory_space<vmem>>
          tpu.wait_dma2 semaphore(%arg11 : memref<!tpu.dma_semaphore, #tpu.memory_space<semaphore_mem>>) src(%dma_wait3A_174 : memref<128x128xf32, #tpu.memory_space<vmem>>) dst(%dma_wait3A_170 : memref<128x128xf32, #tpu.memory_space<hbm>>)
          %dma_start3A_175 = arith.constant 3 : i32
          %dma_start3A_176 = arith.constant 1 : i32
          %dma_start3A_177 = arith.constant 0 : i32
          %dma_start3A_178 = arith.constant 0 : i32
          %dma_start3A_179 = tpu.memref_slice %arg9[%dma_start3A_176, %dma_start3A_177, %dma_start3A_178] : memref<2x128x128xf32, #tpu.memory_space<vmem>> -> memref<1x128x128xf32, #tpu.memory_space<vmem>>
          %dma_start3A_180 = tpu.memref_squeeze %dma_start3A_179 : memref<1x128x128xf32, #tpu.memory_space<vmem>> -> memref<128x128xf32, #tpu.memory_space<vmem>>
          %dma_start3A_181 = arith.constant 0 : i32
          %dma_start3A_182 = tpu.memref_slice %arg8[%dma_start3A_175, %dma_start3A_181] : memref<5x128xi32, #tpu.memory_space<vmem>> -> memref<1x128xi32, #tpu.memory_space<vmem>>
          %dma_start3A_183 = tpu.memref_squeeze %dma_start3A_182 : memref<1x128xi32, #tpu.memory_space<vmem>> -> memref<128xi32, #tpu.memory_space<vmem>>
          %dma_start3A_184 = arith.constant 0 : i32
          %dma_start3A_185 = arith.constant 0 : i32
          %dma_start3A_186 = tpu.memref_slice %arg7[%dma_start3A_184, %dma_start3A_185] : memref<10000x128xf32, #tpu.memory_space<vmem_shared>> -> memref<10000x128xf32, #tpu.memory_space<vmem_shared>>
          tpu.enqueue_indirect_dma source(%dma_start3A_186 : memref<10000x128xf32, #tpu.memory_space<vmem_shared>>) target(%dma_start3A_180 : memref<128x128xf32, #tpu.memory_space<vmem>>) offsets(%dma_start3A_183 : memref<128xi32, #tpu.memory_space<vmem>>) semaphore(%arg10 : memref<!tpu.dma_semaphore, #tpu.memory_space<semaphore_mem>>)
          %dma_wait3A_187 = arith.constant 3 : i32
          %dma_wait3A_188 = arith.constant 1 : i32
          %dma_wait3A_189 = arith.constant 0 : i32
          %dma_wait3A_190 = arith.constant 0 : i32
          %dma_wait3A_191 = tpu.memref_slice %arg9[%dma_wait3A_188, %dma_wait3A_189, %dma_wait3A_190] : memref<2x128x128xf32, #tpu.memory_space<vmem>> -> memref<1x128x128xf32, #tpu.memory_space<vmem>>
          %dma_wait3A_192 = tpu.memref_squeeze %dma_wait3A_191 : memref<1x128x128xf32, #tpu.memory_space<vmem>> -> memref<128x128xf32, #tpu.memory_space<vmem>>
          %dma_wait3A_193 = arith.constant 0 : i32
          %dma_wait3A_194 = tpu.memref_slice %arg8[%dma_wait3A_187, %dma_wait3A_193] : memref<5x128xi32, #tpu.memory_space<vmem>> -> memref<1x128xi32, #tpu.memory_space<vmem>>
          %dma_wait3A_195 = tpu.memref_squeeze %dma_wait3A_194 : memref<1x128xi32, #tpu.memory_space<vmem>> -> memref<128xi32, #tpu.memory_space<vmem>>
          %dma_wait3A_196 = arith.constant 0 : i32
          %dma_wait3A_197 = arith.constant 0 : i32
          %dma_wait3A_198 = tpu.memref_slice %arg7[%dma_wait3A_196, %dma_wait3A_197] : memref<10000x128xf32, #tpu.memory_space<vmem_shared>> -> memref<10000x128xf32, #tpu.memory_space<vmem_shared>>
          tpu.wait_indirect_dma semaphore(%arg10 : memref<!tpu.dma_semaphore, #tpu.memory_space<semaphore_mem>>) src(%dma_wait3A_198 : memref<10000x128xf32, #tpu.memory_space<vmem_shared>>) dst(%dma_wait3A_192 : memref<128x128xf32, #tpu.memory_space<vmem>>)
          %mul3A_199 = arith.constant 640 : i32
          %mul3A_200 = arith.muli %add3A_14, %mul3A_199 : i32
          %add3A_201 = arith.constant 384 : i32
          %add3A_202 = arith.addi %mul3A_200, %add3A_201 : i32
          %dma_start3A_203 = arith.constant 1 : i32
          %dma_start3A_204 = arith.constant 0 : i32
          %dma_start3A_205 = arith.constant 0 : i32
          %dma_start3A_206 = tpu.memref_slice %arg9[%dma_start3A_203, %dma_start3A_204, %dma_start3A_205] : memref<2x128x128xf32, #tpu.memory_space<vmem>> -> memref<1x128x128xf32, #tpu.memory_space<vmem>>
          %dma_start3A_207 = tpu.memref_squeeze %dma_start3A_206 : memref<1x128x128xf32, #tpu.memory_space<vmem>> -> memref<128x128xf32, #tpu.memory_space<vmem>>
          %dma_start3A_208 = arith.constant 0 : i32
          %dma_start3A_209 = tpu.memref_slice %arg5[%add3A_202, %dma_start3A_208] : memref<80000x128xf32, #tpu.memory_space<hbm>> -> memref<128x128xf32, #tpu.memory_space<hbm>>
          %dma_start3A_210 = arith.constant 0 : i32
          %dma_start3A_211 = tpu.memref_slice %arg5[%add3A_202, %dma_start3A_210] : memref<80000x128xf32, #tpu.memory_space<hbm>> -> memref<128x128xf32, #tpu.memory_space<hbm>>
          %dma_start3A_212 = arith.constant 0 : i32
          %dma_start3A_213 = arith.constant 0 : i32
          %dma_start3A_214 = tpu.memref_slice %arg9[%dma_start3A_203, %dma_start3A_212, %dma_start3A_213] : memref<2x128x128xf32, #tpu.memory_space<vmem>> -> memref<1x128x128xf32, #tpu.memory_space<vmem>>
          %dma_start3A_215 = tpu.memref_squeeze %dma_start3A_214 : memref<1x128x128xf32, #tpu.memory_space<vmem>> -> memref<128x128xf32, #tpu.memory_space<vmem>>
          tpu.enqueue_dma source(%dma_start3A_215 : memref<128x128xf32, #tpu.memory_space<vmem>>) target(%dma_start3A_211 : memref<128x128xf32, #tpu.memory_space<hbm>>) target_semaphore(%arg11 : memref<!tpu.dma_semaphore, #tpu.memory_space<semaphore_mem>>)
          %dma_wait3A_216 = arith.constant 0 : i32
          %dma_wait3A_217 = arith.constant 0 : i32
          %dma_wait3A_218 = arith.constant 0 : i32
          %dma_wait3A_219 = tpu.memref_slice %arg9[%dma_wait3A_216, %dma_wait3A_217, %dma_wait3A_218] : memref<2x128x128xf32, #tpu.memory_space<vmem>> -> memref<1x128x128xf32, #tpu.memory_space<vmem>>
          %dma_wait3A_220 = tpu.memref_squeeze %dma_wait3A_219 : memref<1x128x128xf32, #tpu.memory_space<vmem>> -> memref<128x128xf32, #tpu.memory_space<vmem>>
          %dma_wait3A_221 = arith.constant 0 : i32
          %dma_wait3A_222 = tpu.memref_slice %arg5[%add3A_148, %dma_wait3A_221] : memref<80000x128xf32, #tpu.memory_space<hbm>> -> memref<128x128xf32, #tpu.memory_space<hbm>>
          %dma_wait3A_223 = arith.constant 0 : i32
          %dma_wait3A_224 = tpu.memref_slice %arg5[%add3A_148, %dma_wait3A_223] : memref<80000x128xf32, #tpu.memory_space<hbm>> -> memref<128x128xf32, #tpu.memory_space<hbm>>
          %dma_wait3A_225 = arith.constant 0 : i32
          %dma_wait3A_226 = arith.constant 0 : i32
          %dma_wait3A_227 = tpu.memref_slice %arg9[%dma_wait3A_216, %dma_wait3A_225, %dma_wait3A_226] : memref<2x128x128xf32, #tpu.memory_space<vmem>> -> memref<1x128x128xf32, #tpu.memory_space<vmem>>
          %dma_wait3A_228 = tpu.memref_squeeze %dma_wait3A_227 : memref<1x128x128xf32, #tpu.memory_space<vmem>> -> memref<128x128xf32, #tpu.memory_space<vmem>>
          tpu.wait_dma2 semaphore(%arg11 : memref<!tpu.dma_semaphore, #tpu.memory_space<semaphore_mem>>) src(%dma_wait3A_228 : memref<128x128xf32, #tpu.memory_space<vmem>>) dst(%dma_wait3A_224 : memref<128x128xf32, #tpu.memory_space<hbm>>)
          %dma_start3A_229 = arith.constant 4 : i32
          %dma_start3A_230 = arith.constant 0 : i32
          %dma_start3A_231 = arith.constant 0 : i32
          %dma_start3A_232 = arith.constant 0 : i32
          %dma_start3A_233 = tpu.memref_slice %arg9[%dma_start3A_230, %dma_start3A_231, %dma_start3A_232] : memref<2x128x128xf32, #tpu.memory_space<vmem>> -> memref<1x128x128xf32, #tpu.memory_space<vmem>>
          %dma_start3A_234 = tpu.memref_squeeze %dma_start3A_233 : memref<1x128x128xf32, #tpu.memory_space<vmem>> -> memref<128x128xf32, #tpu.memory_space<vmem>>
          %dma_start3A_235 = arith.constant 0 : i32
          %dma_start3A_236 = tpu.memref_slice %arg8[%dma_start3A_229, %dma_start3A_235] : memref<5x128xi32, #tpu.memory_space<vmem>> -> memref<1x128xi32, #tpu.memory_space<vmem>>
          %dma_start3A_237 = tpu.memref_squeeze %dma_start3A_236 : memref<1x128xi32, #tpu.memory_space<vmem>> -> memref<128xi32, #tpu.memory_space<vmem>>
          %dma_start3A_238 = arith.constant 0 : i32
          %dma_start3A_239 = arith.constant 0 : i32
          %dma_start3A_240 = tpu.memref_slice %arg7[%dma_start3A_238, %dma_start3A_239] : memref<10000x128xf32, #tpu.memory_space<vmem_shared>> -> memref<10000x128xf32, #tpu.memory_space<vmem_shared>>
          tpu.enqueue_indirect_dma source(%dma_start3A_240 : memref<10000x128xf32, #tpu.memory_space<vmem_shared>>) target(%dma_start3A_234 : memref<128x128xf32, #tpu.memory_space<vmem>>) offsets(%dma_start3A_237 : memref<128xi32, #tpu.memory_space<vmem>>) semaphore(%arg10 : memref<!tpu.dma_semaphore, #tpu.memory_space<semaphore_mem>>)
          %dma_wait3A_241 = arith.constant 4 : i32
          %dma_wait3A_242 = arith.constant 0 : i32
          %dma_wait3A_243 = arith.constant 0 : i32
          %dma_wait3A_244 = arith.constant 0 : i32
          %dma_wait3A_245 = tpu.memref_slice %arg9[%dma_wait3A_242, %dma_wait3A_243, %dma_wait3A_244] : memref<2x128x128xf32, #tpu.memory_space<vmem>> -> memref<1x128x128xf32, #tpu.memory_space<vmem>>
          %dma_wait3A_246 = tpu.memref_squeeze %dma_wait3A_245 : memref<1x128x128xf32, #tpu.memory_space<vmem>> -> memref<128x128xf32, #tpu.memory_space<vmem>>
          %dma_wait3A_247 = arith.constant 0 : i32
          %dma_wait3A_248 = tpu.memref_slice %arg8[%dma_wait3A_241, %dma_wait3A_247] : memref<5x128xi32, #tpu.memory_space<vmem>> -> memref<1x128xi32, #tpu.memory_space<vmem>>
          %dma_wait3A_249 = tpu.memref_squeeze %dma_wait3A_248 : memref<1x128xi32, #tpu.memory_space<vmem>> -> memref<128xi32, #tpu.memory_space<vmem>>
          %dma_wait3A_250 = arith.constant 0 : i32
          %dma_wait3A_251 = arith.constant 0 : i32
          %dma_wait3A_252 = tpu.memref_slice %arg7[%dma_wait3A_250, %dma_wait3A_251] : memref<10000x128xf32, #tpu.memory_space<vmem_shared>> -> memref<10000x128xf32, #tpu.memory_space<vmem_shared>>
          tpu.wait_indirect_dma semaphore(%arg10 : memref<!tpu.dma_semaphore, #tpu.memory_space<semaphore_mem>>) src(%dma_wait3A_252 : memref<10000x128xf32, #tpu.memory_space<vmem_shared>>) dst(%dma_wait3A_246 : memref<128x128xf32, #tpu.memory_space<vmem>>)
          %mul3A_253 = arith.constant 640 : i32
          %mul3A_254 = arith.muli %add3A_14, %mul3A_253 : i32
          %add3A_255 = arith.constant 512 : i32
          %add3A_256 = arith.addi %mul3A_254, %add3A_255 : i32
          %dma_start3A_257 = arith.constant 0 : i32
          %dma_start3A_258 = arith.constant 0 : i32
          %dma_start3A_259 = arith.constant 0 : i32
          %dma_start3A_260 = tpu.memref_slice %arg9[%dma_start3A_257, %dma_start3A_258, %dma_start3A_259] : memref<2x128x128xf32, #tpu.memory_space<vmem>> -> memref<1x128x128xf32, #tpu.memory_space<vmem>>
          %dma_start3A_261 = tpu.memref_squeeze %dma_start3A_260 : memref<1x128x128xf32, #tpu.memory_space<vmem>> -> memref<128x128xf32, #tpu.memory_space<vmem>>
          %dma_start3A_262 = arith.constant 0 : i32
          %dma_start3A_263 = tpu.memref_slice %arg5[%add3A_256, %dma_start3A_262] : memref<80000x128xf32, #tpu.memory_space<hbm>> -> memref<128x128xf32, #tpu.memory_space<hbm>>
          %dma_start3A_264 = arith.constant 0 : i32
          %dma_start3A_265 = tpu.memref_slice %arg5[%add3A_256, %dma_start3A_264] : memref<80000x128xf32, #tpu.memory_space<hbm>> -> memref<128x128xf32, #tpu.memory_space<hbm>>
          %dma_start3A_266 = arith.constant 0 : i32
          %dma_start3A_267 = arith.constant 0 : i32
          %dma_start3A_268 = tpu.memref_slice %arg9[%dma_start3A_257, %dma_start3A_266, %dma_start3A_267] : memref<2x128x128xf32, #tpu.memory_space<vmem>> -> memref<1x128x128xf32, #tpu.memory_space<vmem>>
          %dma_start3A_269 = tpu.memref_squeeze %dma_start3A_268 : memref<1x128x128xf32, #tpu.memory_space<vmem>> -> memref<128x128xf32, #tpu.memory_space<vmem>>
          tpu.enqueue_dma source(%dma_start3A_269 : memref<128x128xf32, #tpu.memory_space<vmem>>) target(%dma_start3A_265 : memref<128x128xf32, #tpu.memory_space<hbm>>) target_semaphore(%arg11 : memref<!tpu.dma_semaphore, #tpu.memory_space<semaphore_mem>>)
          %dma_wait3A_270 = arith.constant 0 : i32
          %dma_wait3A_271 = arith.constant 0 : i32
          %dma_wait3A_272 = arith.constant 0 : i32
          %dma_wait3A_273 = tpu.memref_slice %arg9[%dma_wait3A_270, %dma_wait3A_271, %dma_wait3A_272] : memref<2x128x128xf32, #tpu.memory_space<vmem>> -> memref<1x128x128xf32, #tpu.memory_space<vmem>>
          %dma_wait3A_274 = tpu.memref_squeeze %dma_wait3A_273 : memref<1x128x128xf32, #tpu.memory_space<vmem>> -> memref<128x128xf32, #tpu.memory_space<vmem>>
          %dma_wait3A_275 = arith.constant 0 : i32
          %dma_wait3A_276 = tpu.memref_slice %arg5[%add3A_256, %dma_wait3A_275] : memref<80000x128xf32, #tpu.memory_space<hbm>> -> memref<128x128xf32, #tpu.memory_space<hbm>>
          %dma_wait3A_277 = arith.constant 0 : i32
          %dma_wait3A_278 = tpu.memref_slice %arg5[%add3A_256, %dma_wait3A_277] : memref<80000x128xf32, #tpu.memory_space<hbm>> -> memref<128x128xf32, #tpu.memory_space<hbm>>
          %dma_wait3A_279 = arith.constant 0 : i32
          %dma_wait3A_280 = arith.constant 0 : i32
          %dma_wait3A_281 = tpu.memref_slice %arg9[%dma_wait3A_270, %dma_wait3A_279, %dma_wait3A_280] : memref<2x128x128xf32, #tpu.memory_space<vmem>> -> memref<1x128x128xf32, #tpu.memory_space<vmem>>
          %dma_wait3A_282 = tpu.memref_squeeze %dma_wait3A_281 : memref<1x128x128xf32, #tpu.memory_space<vmem>> -> memref<128x128xf32, #tpu.memory_space<vmem>>
          tpu.wait_dma2 semaphore(%arg11 : memref<!tpu.dma_semaphore, #tpu.memory_space<semaphore_mem>>) src(%dma_wait3A_282 : memref<128x128xf32, #tpu.memory_space<vmem>>) dst(%dma_wait3A_278 : memref<128x128xf32, #tpu.memory_space<hbm>>)
          %dma_wait3A_283 = arith.constant 1 : i32
          %dma_wait3A_284 = arith.constant 0 : i32
          %dma_wait3A_285 = arith.constant 0 : i32
          %dma_wait3A_286 = tpu.memref_slice %arg9[%dma_wait3A_283, %dma_wait3A_284, %dma_wait3A_285] : memref<2x128x128xf32, #tpu.memory_space<vmem>> -> memref<1x128x128xf32, #tpu.memory_space<vmem>>
          %dma_wait3A_287 = tpu.memref_squeeze %dma_wait3A_286 : memref<1x128x128xf32, #tpu.memory_space<vmem>> -> memref<128x128xf32, #tpu.memory_space<vmem>>
          %dma_wait3A_288 = arith.constant 0 : i32
          %dma_wait3A_289 = tpu.memref_slice %arg5[%add3A_202, %dma_wait3A_288] : memref<80000x128xf32, #tpu.memory_space<hbm>> -> memref<128x128xf32, #tpu.memory_space<hbm>>
          %dma_wait3A_290 = arith.constant 0 : i32
          %dma_wait3A_291 = tpu.memref_slice %arg5[%add3A_202, %dma_wait3A_290] : memref<80000x128xf32, #tpu.memory_space<hbm>> -> memref<128x128xf32, #tpu.memory_space<hbm>>
          %dma_wait3A_292 = arith.constant 0 : i32
          %dma_wait3A_293 = arith.constant 0 : i32
          %dma_wait3A_294 = tpu.memref_slice %arg9[%dma_wait3A_283, %dma_wait3A_292, %dma_wait3A_293] : memref<2x128x128xf32, #tpu.memory_space<vmem>> -> memref<1x128x128xf32, #tpu.memory_space<vmem>>
          %dma_wait3A_295 = tpu.memref_squeeze %dma_wait3A_294 : memref<1x128x128xf32, #tpu.memory_space<vmem>> -> memref<128x128xf32, #tpu.memory_space<vmem>>
          tpu.wait_dma2 semaphore(%arg11 : memref<!tpu.dma_semaphore, #tpu.memory_space<semaphore_mem>>) src(%dma_wait3A_295 : memref<128x128xf32, #tpu.memory_space<vmem>>) dst(%dma_wait3A_291 : memref<128x128xf32, #tpu.memory_space<hbm>>)
        } else {
        }
        %eq3A_21 = arith.constant 1 : i32
        %eq3A_22 = arith.cmpi eq, %arg0, %eq3A_21 : i32
        %convert_element_type3A_23 = arith.extui %eq3A_22 : i1 to i32
        %cond3A_24 = arith.constant 0 : i32
        %cond3A_25 = arith.cmpi ne, %convert_element_type3A_23, %cond3A_24 : i32
        scf.if %cond3A_25 {
          %add3A_26 = arith.constant 125 : i32
          %add3A_27 = arith.addi %add3A_26, %add3A_14 : i32
          %run_scoped3A = arith.constant 1 : i32
          "tpu.region"() ({
            %run_scoped3A_296 = tpu.sem_alloc : memref<!tpu.dma_semaphore, #tpu.memory_space<semaphore_mem>>
            %dma_start3A_297 = arith.constant 0 : i32
            %dma_start3A_298 = arith.constant 0 : i32
            %dma_start3A_299 = tpu.memref_slice %arg4[%run_scoped3A, %add3A_27, %dma_start3A_297, %dma_start3A_298] : memref<2x250x5x128xi32, #tpu.memory_space<hbm>> -> memref<1x1x5x128xi32, #tpu.memory_space<hbm>>
            %dma_start3A_300 = tpu.memref_squeeze %dma_start3A_299 : memref<1x1x5x128xi32, #tpu.memory_space<hbm>> -> memref<5x128xi32, #tpu.memory_space<hbm>>
            %dma_start3A_301 = arith.constant 0 : i32
            %dma_start3A_302 = arith.constant 0 : i32
            %dma_start3A_303 = tpu.memref_slice %arg4[%run_scoped3A, %add3A_27, %dma_start3A_301, %dma_start3A_302] : memref<2x250x5x128xi32, #tpu.memory_space<hbm>> -> memref<1x1x5x128xi32, #tpu.memory_space<hbm>>
            %dma_start3A_304 = tpu.memref_squeeze %dma_start3A_303 : memref<1x1x5x128xi32, #tpu.memory_space<hbm>> -> memref<5x128xi32, #tpu.memory_space<hbm>>
            tpu.enqueue_dma source(%dma_start3A_304 : memref<5x128xi32, #tpu.memory_space<hbm>>) target(%arg8 : memref<5x128xi32, #tpu.memory_space<vmem>>) target_semaphore(%run_scoped3A_296 : memref<!tpu.dma_semaphore, #tpu.memory_space<semaphore_mem>>)
            %dma_wait3A_305 = arith.constant 0 : i32
            %dma_wait3A_306 = arith.constant 0 : i32
            %dma_wait3A_307 = tpu.memref_slice %arg4[%run_scoped3A, %add3A_27, %dma_wait3A_305, %dma_wait3A_306] : memref<2x250x5x128xi32, #tpu.memory_space<hbm>> -> memref<1x1x5x128xi32, #tpu.memory_space<hbm>>
            %dma_wait3A_308 = tpu.memref_squeeze %dma_wait3A_307 : memref<1x1x5x128xi32, #tpu.memory_space<hbm>> -> memref<5x128xi32, #tpu.memory_space<hbm>>
            %dma_wait3A_309 = arith.constant 0 : i32
            %dma_wait3A_310 = arith.constant 0 : i32
            %dma_wait3A_311 = tpu.memref_slice %arg4[%run_scoped3A, %add3A_27, %dma_wait3A_309, %dma_wait3A_310] : memref<2x250x5x128xi32, #tpu.memory_space<hbm>> -> memref<1x1x5x128xi32, #tpu.memory_space<hbm>>
            %dma_wait3A_312 = tpu.memref_squeeze %dma_wait3A_311 : memref<1x1x5x128xi32, #tpu.memory_space<hbm>> -> memref<5x128xi32, #tpu.memory_space<hbm>>
            tpu.wait_dma2 semaphore(%run_scoped3A_296 : memref<!tpu.dma_semaphore, #tpu.memory_space<semaphore_mem>>) src(%dma_wait3A_312 : memref<5x128xi32, #tpu.memory_space<hbm>>) dst(%arg8 : memref<5x128xi32, #tpu.memory_space<vmem>>)
            tpu.yield
          }) : () -> ()
          %dma_start3A = arith.constant 0 : i32
          %dma_start3A_28 = arith.constant 0 : i32
          %dma_start3A_29 = arith.constant 0 : i32
          %dma_start3A_30 = arith.constant 0 : i32
          %dma_start3A_31 = tpu.memref_slice %arg9[%dma_start3A_28, %dma_start3A_29, %dma_start3A_30] : memref<2x128x128xf32, #tpu.memory_space<vmem>> -> memref<1x128x128xf32, #tpu.memory_space<vmem>>
          %dma_start3A_32 = tpu.memref_squeeze %dma_start3A_31 : memref<1x128x128xf32, #tpu.memory_space<vmem>> -> memref<128x128xf32, #tpu.memory_space<vmem>>
          %dma_start3A_33 = arith.constant 0 : i32
          %dma_start3A_34 = tpu.memref_slice %arg8[%dma_start3A, %dma_start3A_33] : memref<5x128xi32, #tpu.memory_space<vmem>> -> memref<1x128xi32, #tpu.memory_space<vmem>>
          %dma_start3A_35 = tpu.memref_squeeze %dma_start3A_34 : memref<1x128xi32, #tpu.memory_space<vmem>> -> memref<128xi32, #tpu.memory_space<vmem>>
          %dma_start3A_36 = arith.constant 0 : i32
          %dma_start3A_37 = arith.constant 0 : i32
          %dma_start3A_38 = tpu.memref_slice %arg7[%dma_start3A_36, %dma_start3A_37] : memref<10000x128xf32, #tpu.memory_space<vmem_shared>> -> memref<10000x128xf32, #tpu.memory_space<vmem_shared>>
          tpu.enqueue_indirect_dma source(%dma_start3A_38 : memref<10000x128xf32, #tpu.memory_space<vmem_shared>>) target(%dma_start3A_32 : memref<128x128xf32, #tpu.memory_space<vmem>>) offsets(%dma_start3A_35 : memref<128xi32, #tpu.memory_space<vmem>>) semaphore(%arg10 : memref<!tpu.dma_semaphore, #tpu.memory_space<semaphore_mem>>)
          %dma_wait3A = arith.constant 0 : i32
          %dma_wait3A_39 = arith.constant 0 : i32
          %dma_wait3A_40 = arith.constant 0 : i32
          %dma_wait3A_41 = arith.constant 0 : i32
          %dma_wait3A_42 = tpu.memref_slice %arg9[%dma_wait3A_39, %dma_wait3A_40, %dma_wait3A_41] : memref<2x128x128xf32, #tpu.memory_space<vmem>> -> memref<1x128x128xf32, #tpu.memory_space<vmem>>
          %dma_wait3A_43 = tpu.memref_squeeze %dma_wait3A_42 : memref<1x128x128xf32, #tpu.memory_space<vmem>> -> memref<128x128xf32, #tpu.memory_space<vmem>>
          %dma_wait3A_44 = arith.constant 0 : i32
          %dma_wait3A_45 = tpu.memref_slice %arg8[%dma_wait3A, %dma_wait3A_44] : memref<5x128xi32, #tpu.memory_space<vmem>> -> memref<1x128xi32, #tpu.memory_space<vmem>>
          %dma_wait3A_46 = tpu.memref_squeeze %dma_wait3A_45 : memref<1x128xi32, #tpu.memory_space<vmem>> -> memref<128xi32, #tpu.memory_space<vmem>>
          %dma_wait3A_47 = arith.constant 0 : i32
          %dma_wait3A_48 = arith.constant 0 : i32
          %dma_wait3A_49 = tpu.memref_slice %arg7[%dma_wait3A_47, %dma_wait3A_48] : memref<10000x128xf32, #tpu.memory_space<vmem_shared>> -> memref<10000x128xf32, #tpu.memory_space<vmem_shared>>
          tpu.wait_indirect_dma semaphore(%arg10 : memref<!tpu.dma_semaphore, #tpu.memory_space<semaphore_mem>>) src(%dma_wait3A_49 : memref<10000x128xf32, #tpu.memory_space<vmem_shared>>) dst(%dma_wait3A_43 : memref<128x128xf32, #tpu.memory_space<vmem>>)
          %mul3A_50 = arith.constant 640 : i32
          %mul3A_51 = arith.muli %add3A_14, %mul3A_50 : i32
          %add3A_52 = arith.constant 0 : i32
          %add3A_53 = arith.addi %mul3A_51, %add3A_52 : i32
          %dma_start3A_54 = arith.constant 0 : i32
          %dma_start3A_55 = arith.constant 0 : i32
          %dma_start3A_56 = arith.constant 0 : i32
          %dma_start3A_57 = tpu.memref_slice %arg9[%dma_start3A_54, %dma_start3A_55, %dma_start3A_56] : memref<2x128x128xf32, #tpu.memory_space<vmem>> -> memref<1x128x128xf32, #tpu.memory_space<vmem>>
          %dma_start3A_58 = tpu.memref_squeeze %dma_start3A_57 : memref<1x128x128xf32, #tpu.memory_space<vmem>> -> memref<128x128xf32, #tpu.memory_space<vmem>>
          %dma_start3A_59 = arith.constant 0 : i32
          %dma_start3A_60 = tpu.memref_slice %arg6[%add3A_53, %dma_start3A_59] : memref<80000x128xf32, #tpu.memory_space<hbm>> -> memref<128x128xf32, #tpu.memory_space<hbm>>
          %dma_start3A_61 = arith.constant 0 : i32
          %dma_start3A_62 = tpu.memref_slice %arg6[%add3A_53, %dma_start3A_61] : memref<80000x128xf32, #tpu.memory_space<hbm>> -> memref<128x128xf32, #tpu.memory_space<hbm>>
          %dma_start3A_63 = arith.constant 0 : i32
          %dma_start3A_64 = arith.constant 0 : i32
          %dma_start3A_65 = tpu.memref_slice %arg9[%dma_start3A_54, %dma_start3A_63, %dma_start3A_64] : memref<2x128x128xf32, #tpu.memory_space<vmem>> -> memref<1x128x128xf32, #tpu.memory_space<vmem>>
          %dma_start3A_66 = tpu.memref_squeeze %dma_start3A_65 : memref<1x128x128xf32, #tpu.memory_space<vmem>> -> memref<128x128xf32, #tpu.memory_space<vmem>>
          tpu.enqueue_dma source(%dma_start3A_66 : memref<128x128xf32, #tpu.memory_space<vmem>>) target(%dma_start3A_62 : memref<128x128xf32, #tpu.memory_space<hbm>>) target_semaphore(%arg11 : memref<!tpu.dma_semaphore, #tpu.memory_space<semaphore_mem>>)
          %dma_start3A_67 = arith.constant 1 : i32
          %dma_start3A_68 = arith.constant 1 : i32
          %dma_start3A_69 = arith.constant 0 : i32
          %dma_start3A_70 = arith.constant 0 : i32
          %dma_start3A_71 = tpu.memref_slice %arg9[%dma_start3A_68, %dma_start3A_69, %dma_start3A_70] : memref<2x128x128xf32, #tpu.memory_space<vmem>> -> memref<1x128x128xf32, #tpu.memory_space<vmem>>
          %dma_start3A_72 = tpu.memref_squeeze %dma_start3A_71 : memref<1x128x128xf32, #tpu.memory_space<vmem>> -> memref<128x128xf32, #tpu.memory_space<vmem>>
          %dma_start3A_73 = arith.constant 0 : i32
          %dma_start3A_74 = tpu.memref_slice %arg8[%dma_start3A_67, %dma_start3A_73] : memref<5x128xi32, #tpu.memory_space<vmem>> -> memref<1x128xi32, #tpu.memory_space<vmem>>
          %dma_start3A_75 = tpu.memref_squeeze %dma_start3A_74 : memref<1x128xi32, #tpu.memory_space<vmem>> -> memref<128xi32, #tpu.memory_space<vmem>>
          %dma_start3A_76 = arith.constant 0 : i32
          %dma_start3A_77 = arith.constant 0 : i32
          %dma_start3A_78 = tpu.memref_slice %arg7[%dma_start3A_76, %dma_start3A_77] : memref<10000x128xf32, #tpu.memory_space<vmem_shared>> -> memref<10000x128xf32, #tpu.memory_space<vmem_shared>>
          tpu.enqueue_indirect_dma source(%dma_start3A_78 : memref<10000x128xf32, #tpu.memory_space<vmem_shared>>) target(%dma_start3A_72 : memref<128x128xf32, #tpu.memory_space<vmem>>) offsets(%dma_start3A_75 : memref<128xi32, #tpu.memory_space<vmem>>) semaphore(%arg10 : memref<!tpu.dma_semaphore, #tpu.memory_space<semaphore_mem>>)
          %dma_wait3A_79 = arith.constant 1 : i32
          %dma_wait3A_80 = arith.constant 1 : i32
          %dma_wait3A_81 = arith.constant 0 : i32
          %dma_wait3A_82 = arith.constant 0 : i32
          %dma_wait3A_83 = tpu.memref_slice %arg9[%dma_wait3A_80, %dma_wait3A_81, %dma_wait3A_82] : memref<2x128x128xf32, #tpu.memory_space<vmem>> -> memref<1x128x128xf32, #tpu.memory_space<vmem>>
          %dma_wait3A_84 = tpu.memref_squeeze %dma_wait3A_83 : memref<1x128x128xf32, #tpu.memory_space<vmem>> -> memref<128x128xf32, #tpu.memory_space<vmem>>
          %dma_wait3A_85 = arith.constant 0 : i32
          %dma_wait3A_86 = tpu.memref_slice %arg8[%dma_wait3A_79, %dma_wait3A_85] : memref<5x128xi32, #tpu.memory_space<vmem>> -> memref<1x128xi32, #tpu.memory_space<vmem>>
          %dma_wait3A_87 = tpu.memref_squeeze %dma_wait3A_86 : memref<1x128xi32, #tpu.memory_space<vmem>> -> memref<128xi32, #tpu.memory_space<vmem>>
          %dma_wait3A_88 = arith.constant 0 : i32
          %dma_wait3A_89 = arith.constant 0 : i32
          %dma_wait3A_90 = tpu.memref_slice %arg7[%dma_wait3A_88, %dma_wait3A_89] : memref<10000x128xf32, #tpu.memory_space<vmem_shared>> -> memref<10000x128xf32, #tpu.memory_space<vmem_shared>>
          tpu.wait_indirect_dma semaphore(%arg10 : memref<!tpu.dma_semaphore, #tpu.memory_space<semaphore_mem>>) src(%dma_wait3A_90 : memref<10000x128xf32, #tpu.memory_space<vmem_shared>>) dst(%dma_wait3A_84 : memref<128x128xf32, #tpu.memory_space<vmem>>)
          %mul3A_91 = arith.constant 640 : i32
          %mul3A_92 = arith.muli %add3A_14, %mul3A_91 : i32
          %add3A_93 = arith.constant 128 : i32
          %add3A_94 = arith.addi %mul3A_92, %add3A_93 : i32
          %dma_start3A_95 = arith.constant 1 : i32
          %dma_start3A_96 = arith.constant 0 : i32
          %dma_start3A_97 = arith.constant 0 : i32
          %dma_start3A_98 = tpu.memref_slice %arg9[%dma_start3A_95, %dma_start3A_96, %dma_start3A_97] : memref<2x128x128xf32, #tpu.memory_space<vmem>> -> memref<1x128x128xf32, #tpu.memory_space<vmem>>
          %dma_start3A_99 = tpu.memref_squeeze %dma_start3A_98 : memref<1x128x128xf32, #tpu.memory_space<vmem>> -> memref<128x128xf32, #tpu.memory_space<vmem>>
          %dma_start3A_100 = arith.constant 0 : i32
          %dma_start3A_101 = tpu.memref_slice %arg6[%add3A_94, %dma_start3A_100] : memref<80000x128xf32, #tpu.memory_space<hbm>> -> memref<128x128xf32, #tpu.memory_space<hbm>>
          %dma_start3A_102 = arith.constant 0 : i32
          %dma_start3A_103 = tpu.memref_slice %arg6[%add3A_94, %dma_start3A_102] : memref<80000x128xf32, #tpu.memory_space<hbm>> -> memref<128x128xf32, #tpu.memory_space<hbm>>
          %dma_start3A_104 = arith.constant 0 : i32
          %dma_start3A_105 = arith.constant 0 : i32
          %dma_start3A_106 = tpu.memref_slice %arg9[%dma_start3A_95, %dma_start3A_104, %dma_start3A_105] : memref<2x128x128xf32, #tpu.memory_space<vmem>> -> memref<1x128x128xf32, #tpu.memory_space<vmem>>
          %dma_start3A_107 = tpu.memref_squeeze %dma_start3A_106 : memref<1x128x128xf32, #tpu.memory_space<vmem>> -> memref<128x128xf32, #tpu.memory_space<vmem>>
          tpu.enqueue_dma source(%dma_start3A_107 : memref<128x128xf32, #tpu.memory_space<vmem>>) target(%dma_start3A_103 : memref<128x128xf32, #tpu.memory_space<hbm>>) target_semaphore(%arg11 : memref<!tpu.dma_semaphore, #tpu.memory_space<semaphore_mem>>)
          %dma_wait3A_108 = arith.constant 0 : i32
          %dma_wait3A_109 = arith.constant 0 : i32
          %dma_wait3A_110 = arith.constant 0 : i32
          %dma_wait3A_111 = tpu.memref_slice %arg9[%dma_wait3A_108, %dma_wait3A_109, %dma_wait3A_110] : memref<2x128x128xf32, #tpu.memory_space<vmem>> -> memref<1x128x128xf32, #tpu.memory_space<vmem>>
          %dma_wait3A_112 = tpu.memref_squeeze %dma_wait3A_111 : memref<1x128x128xf32, #tpu.memory_space<vmem>> -> memref<128x128xf32, #tpu.memory_space<vmem>>
          %dma_wait3A_113 = arith.constant 0 : i32
          %dma_wait3A_114 = tpu.memref_slice %arg6[%add3A_53, %dma_wait3A_113] : memref<80000x128xf32, #tpu.memory_space<hbm>> -> memref<128x128xf32, #tpu.memory_space<hbm>>
          %dma_wait3A_115 = arith.constant 0 : i32
          %dma_wait3A_116 = tpu.memref_slice %arg6[%add3A_53, %dma_wait3A_115] : memref<80000x128xf32, #tpu.memory_space<hbm>> -> memref<128x128xf32, #tpu.memory_space<hbm>>
          %dma_wait3A_117 = arith.constant 0 : i32
          %dma_wait3A_118 = arith.constant 0 : i32
          %dma_wait3A_119 = tpu.memref_slice %arg9[%dma_wait3A_108, %dma_wait3A_117, %dma_wait3A_118] : memref<2x128x128xf32, #tpu.memory_space<vmem>> -> memref<1x128x128xf32, #tpu.memory_space<vmem>>
          %dma_wait3A_120 = tpu.memref_squeeze %dma_wait3A_119 : memref<1x128x128xf32, #tpu.memory_space<vmem>> -> memref<128x128xf32, #tpu.memory_space<vmem>>
          tpu.wait_dma2 semaphore(%arg11 : memref<!tpu.dma_semaphore, #tpu.memory_space<semaphore_mem>>) src(%dma_wait3A_120 : memref<128x128xf32, #tpu.memory_space<vmem>>) dst(%dma_wait3A_116 : memref<128x128xf32, #tpu.memory_space<hbm>>)
          %dma_start3A_121 = arith.constant 2 : i32
          %dma_start3A_122 = arith.constant 0 : i32
          %dma_start3A_123 = arith.constant 0 : i32
          %dma_start3A_124 = arith.constant 0 : i32
          %dma_start3A_125 = tpu.memref_slice %arg9[%dma_start3A_122, %dma_start3A_123, %dma_start3A_124] : memref<2x128x128xf32, #tpu.memory_space<vmem>> -> memref<1x128x128xf32, #tpu.memory_space<vmem>>
          %dma_start3A_126 = tpu.memref_squeeze %dma_start3A_125 : memref<1x128x128xf32, #tpu.memory_space<vmem>> -> memref<128x128xf32, #tpu.memory_space<vmem>>
          %dma_start3A_127 = arith.constant 0 : i32
          %dma_start3A_128 = tpu.memref_slice %arg8[%dma_start3A_121, %dma_start3A_127] : memref<5x128xi32, #tpu.memory_space<vmem>> -> memref<1x128xi32, #tpu.memory_space<vmem>>
          %dma_start3A_129 = tpu.memref_squeeze %dma_start3A_128 : memref<1x128xi32, #tpu.memory_space<vmem>> -> memref<128xi32, #tpu.memory_space<vmem>>
          %dma_start3A_130 = arith.constant 0 : i32
          %dma_start3A_131 = arith.constant 0 : i32
          %dma_start3A_132 = tpu.memref_slice %arg7[%dma_start3A_130, %dma_start3A_131] : memref<10000x128xf32, #tpu.memory_space<vmem_shared>> -> memref<10000x128xf32, #tpu.memory_space<vmem_shared>>
          tpu.enqueue_indirect_dma source(%dma_start3A_132 : memref<10000x128xf32, #tpu.memory_space<vmem_shared>>) target(%dma_start3A_126 : memref<128x128xf32, #tpu.memory_space<vmem>>) offsets(%dma_start3A_129 : memref<128xi32, #tpu.memory_space<vmem>>) semaphore(%arg10 : memref<!tpu.dma_semaphore, #tpu.memory_space<semaphore_mem>>)
          %dma_wait3A_133 = arith.constant 2 : i32
          %dma_wait3A_134 = arith.constant 0 : i32
          %dma_wait3A_135 = arith.constant 0 : i32
          %dma_wait3A_136 = arith.constant 0 : i32
          %dma_wait3A_137 = tpu.memref_slice %arg9[%dma_wait3A_134, %dma_wait3A_135, %dma_wait3A_136] : memref<2x128x128xf32, #tpu.memory_space<vmem>> -> memref<1x128x128xf32, #tpu.memory_space<vmem>>
          %dma_wait3A_138 = tpu.memref_squeeze %dma_wait3A_137 : memref<1x128x128xf32, #tpu.memory_space<vmem>> -> memref<128x128xf32, #tpu.memory_space<vmem>>
          %dma_wait3A_139 = arith.constant 0 : i32
          %dma_wait3A_140 = tpu.memref_slice %arg8[%dma_wait3A_133, %dma_wait3A_139] : memref<5x128xi32, #tpu.memory_space<vmem>> -> memref<1x128xi32, #tpu.memory_space<vmem>>
          %dma_wait3A_141 = tpu.memref_squeeze %dma_wait3A_140 : memref<1x128xi32, #tpu.memory_space<vmem>> -> memref<128xi32, #tpu.memory_space<vmem>>
          %dma_wait3A_142 = arith.constant 0 : i32
          %dma_wait3A_143 = arith.constant 0 : i32
          %dma_wait3A_144 = tpu.memref_slice %arg7[%dma_wait3A_142, %dma_wait3A_143] : memref<10000x128xf32, #tpu.memory_space<vmem_shared>> -> memref<10000x128xf32, #tpu.memory_space<vmem_shared>>
          tpu.wait_indirect_dma semaphore(%arg10 : memref<!tpu.dma_semaphore, #tpu.memory_space<semaphore_mem>>) src(%dma_wait3A_144 : memref<10000x128xf32, #tpu.memory_space<vmem_shared>>) dst(%dma_wait3A_138 : memref<128x128xf32, #tpu.memory_space<vmem>>)
          %mul3A_145 = arith.constant 640 : i32
          %mul3A_146 = arith.muli %add3A_14, %mul3A_145 : i32
          %add3A_147 = arith.constant 256 : i32
          %add3A_148 = arith.addi %mul3A_146, %add3A_147 : i32
          %dma_start3A_149 = arith.constant 0 : i32
          %dma_start3A_150 = arith.constant 0 : i32
          %dma_start3A_151 = arith.constant 0 : i32
          %dma_start3A_152 = tpu.memref_slice %arg9[%dma_start3A_149, %dma_start3A_150, %dma_start3A_151] : memref<2x128x128xf32, #tpu.memory_space<vmem>> -> memref<1x128x128xf32, #tpu.memory_space<vmem>>
          %dma_start3A_153 = tpu.memref_squeeze %dma_start3A_152 : memref<1x128x128xf32, #tpu.memory_space<vmem>> -> memref<128x128xf32, #tpu.memory_space<vmem>>
          %dma_start3A_154 = arith.constant 0 : i32
          %dma_start3A_155 = tpu.memref_slice %arg6[%add3A_148, %dma_start3A_154] : memref<80000x128xf32, #tpu.memory_space<hbm>> -> memref<128x128xf32, #tpu.memory_space<hbm>>
          %dma_start3A_156 = arith.constant 0 : i32
          %dma_start3A_157 = tpu.memref_slice %arg6[%add3A_148, %dma_start3A_156] : memref<80000x128xf32, #tpu.memory_space<hbm>> -> memref<128x128xf32, #tpu.memory_space<hbm>>
          %dma_start3A_158 = arith.constant 0 : i32
          %dma_start3A_159 = arith.constant 0 : i32
          %dma_start3A_160 = tpu.memref_slice %arg9[%dma_start3A_149, %dma_start3A_158, %dma_start3A_159] : memref<2x128x128xf32, #tpu.memory_space<vmem>> -> memref<1x128x128xf32, #tpu.memory_space<vmem>>
          %dma_start3A_161 = tpu.memref_squeeze %dma_start3A_160 : memref<1x128x128xf32, #tpu.memory_space<vmem>> -> memref<128x128xf32, #tpu.memory_space<vmem>>
          tpu.enqueue_dma source(%dma_start3A_161 : memref<128x128xf32, #tpu.memory_space<vmem>>) target(%dma_start3A_157 : memref<128x128xf32, #tpu.memory_space<hbm>>) target_semaphore(%arg11 : memref<!tpu.dma_semaphore, #tpu.memory_space<semaphore_mem>>)
          %dma_wait3A_162 = arith.constant 1 : i32
          %dma_wait3A_163 = arith.constant 0 : i32
          %dma_wait3A_164 = arith.constant 0 : i32
          %dma_wait3A_165 = tpu.memref_slice %arg9[%dma_wait3A_162, %dma_wait3A_163, %dma_wait3A_164] : memref<2x128x128xf32, #tpu.memory_space<vmem>> -> memref<1x128x128xf32, #tpu.memory_space<vmem>>
          %dma_wait3A_166 = tpu.memref_squeeze %dma_wait3A_165 : memref<1x128x128xf32, #tpu.memory_space<vmem>> -> memref<128x128xf32, #tpu.memory_space<vmem>>
          %dma_wait3A_167 = arith.constant 0 : i32
          %dma_wait3A_168 = tpu.memref_slice %arg6[%add3A_94, %dma_wait3A_167] : memref<80000x128xf32, #tpu.memory_space<hbm>> -> memref<128x128xf32, #tpu.memory_space<hbm>>
          %dma_wait3A_169 = arith.constant 0 : i32
          %dma_wait3A_170 = tpu.memref_slice %arg6[%add3A_94, %dma_wait3A_169] : memref<80000x128xf32, #tpu.memory_space<hbm>> -> memref<128x128xf32, #tpu.memory_space<hbm>>
          %dma_wait3A_171 = arith.constant 0 : i32
          %dma_wait3A_172 = arith.constant 0 : i32
          %dma_wait3A_173 = tpu.memref_slice %arg9[%dma_wait3A_162, %dma_wait3A_171, %dma_wait3A_172] : memref<2x128x128xf32, #tpu.memory_space<vmem>> -> memref<1x128x128xf32, #tpu.memory_space<vmem>>
          %dma_wait3A_174 = tpu.memref_squeeze %dma_wait3A_173 : memref<1x128x128xf32, #tpu.memory_space<vmem>> -> memref<128x128xf32, #tpu.memory_space<vmem>>
          tpu.wait_dma2 semaphore(%arg11 : memref<!tpu.dma_semaphore, #tpu.memory_space<semaphore_mem>>) src(%dma_wait3A_174 : memref<128x128xf32, #tpu.memory_space<vmem>>) dst(%dma_wait3A_170 : memref<128x128xf32, #tpu.memory_space<hbm>>)
          %dma_start3A_175 = arith.constant 3 : i32
          %dma_start3A_176 = arith.constant 1 : i32
          %dma_start3A_177 = arith.constant 0 : i32
          %dma_start3A_178 = arith.constant 0 : i32
          %dma_start3A_179 = tpu.memref_slice %arg9[%dma_start3A_176, %dma_start3A_177, %dma_start3A_178] : memref<2x128x128xf32, #tpu.memory_space<vmem>> -> memref<1x128x128xf32, #tpu.memory_space<vmem>>
          %dma_start3A_180 = tpu.memref_squeeze %dma_start3A_179 : memref<1x128x128xf32, #tpu.memory_space<vmem>> -> memref<128x128xf32, #tpu.memory_space<vmem>>
          %dma_start3A_181 = arith.constant 0 : i32
          %dma_start3A_182 = tpu.memref_slice %arg8[%dma_start3A_175, %dma_start3A_181] : memref<5x128xi32, #tpu.memory_space<vmem>> -> memref<1x128xi32, #tpu.memory_space<vmem>>
          %dma_start3A_183 = tpu.memref_squeeze %dma_start3A_182 : memref<1x128xi32, #tpu.memory_space<vmem>> -> memref<128xi32, #tpu.memory_space<vmem>>
          %dma_start3A_184 = arith.constant 0 : i32
          %dma_start3A_185 = arith.constant 0 : i32
          %dma_start3A_186 = tpu.memref_slice %arg7[%dma_start3A_184, %dma_start3A_185] : memref<10000x128xf32, #tpu.memory_space<vmem_shared>> -> memref<10000x128xf32, #tpu.memory_space<vmem_shared>>
          tpu.enqueue_indirect_dma source(%dma_start3A_186 : memref<10000x128xf32, #tpu.memory_space<vmem_shared>>) target(%dma_start3A_180 : memref<128x128xf32, #tpu.memory_space<vmem>>) offsets(%dma_start3A_183 : memref<128xi32, #tpu.memory_space<vmem>>) semaphore(%arg10 : memref<!tpu.dma_semaphore, #tpu.memory_space<semaphore_mem>>)
          %dma_wait3A_187 = arith.constant 3 : i32
          %dma_wait3A_188 = arith.constant 1 : i32
          %dma_wait3A_189 = arith.constant 0 : i32
          %dma_wait3A_190 = arith.constant 0 : i32
          %dma_wait3A_191 = tpu.memref_slice %arg9[%dma_wait3A_188, %dma_wait3A_189, %dma_wait3A_190] : memref<2x128x128xf32, #tpu.memory_space<vmem>> -> memref<1x128x128xf32, #tpu.memory_space<vmem>>
          %dma_wait3A_192 = tpu.memref_squeeze %dma_wait3A_191 : memref<1x128x128xf32, #tpu.memory_space<vmem>> -> memref<128x128xf32, #tpu.memory_space<vmem>>
          %dma_wait3A_193 = arith.constant 0 : i32
          %dma_wait3A_194 = tpu.memref_slice %arg8[%dma_wait3A_187, %dma_wait3A_193] : memref<5x128xi32, #tpu.memory_space<vmem>> -> memref<1x128xi32, #tpu.memory_space<vmem>>
          %dma_wait3A_195 = tpu.memref_squeeze %dma_wait3A_194 : memref<1x128xi32, #tpu.memory_space<vmem>> -> memref<128xi32, #tpu.memory_space<vmem>>
          %dma_wait3A_196 = arith.constant 0 : i32
          %dma_wait3A_197 = arith.constant 0 : i32
          %dma_wait3A_198 = tpu.memref_slice %arg7[%dma_wait3A_196, %dma_wait3A_197] : memref<10000x128xf32, #tpu.memory_space<vmem_shared>> -> memref<10000x128xf32, #tpu.memory_space<vmem_shared>>
          tpu.wait_indirect_dma semaphore(%arg10 : memref<!tpu.dma_semaphore, #tpu.memory_space<semaphore_mem>>) src(%dma_wait3A_198 : memref<10000x128xf32, #tpu.memory_space<vmem_shared>>) dst(%dma_wait3A_192 : memref<128x128xf32, #tpu.memory_space<vmem>>)
          %mul3A_199 = arith.constant 640 : i32
          %mul3A_200 = arith.muli %add3A_14, %mul3A_199 : i32
          %add3A_201 = arith.constant 384 : i32
          %add3A_202 = arith.addi %mul3A_200, %add3A_201 : i32
          %dma_start3A_203 = arith.constant 1 : i32
          %dma_start3A_204 = arith.constant 0 : i32
          %dma_start3A_205 = arith.constant 0 : i32
          %dma_start3A_206 = tpu.memref_slice %arg9[%dma_start3A_203, %dma_start3A_204, %dma_start3A_205] : memref<2x128x128xf32, #tpu.memory_space<vmem>> -> memref<1x128x128xf32, #tpu.memory_space<vmem>>
          %dma_start3A_207 = tpu.memref_squeeze %dma_start3A_206 : memref<1x128x128xf32, #tpu.memory_space<vmem>> -> memref<128x128xf32, #tpu.memory_space<vmem>>
          %dma_start3A_208 = arith.constant 0 : i32
          %dma_start3A_209 = tpu.memref_slice %arg6[%add3A_202, %dma_start3A_208] : memref<80000x128xf32, #tpu.memory_space<hbm>> -> memref<128x128xf32, #tpu.memory_space<hbm>>
          %dma_start3A_210 = arith.constant 0 : i32
          %dma_start3A_211 = tpu.memref_slice %arg6[%add3A_202, %dma_start3A_210] : memref<80000x128xf32, #tpu.memory_space<hbm>> -> memref<128x128xf32, #tpu.memory_space<hbm>>
          %dma_start3A_212 = arith.constant 0 : i32
          %dma_start3A_213 = arith.constant 0 : i32
          %dma_start3A_214 = tpu.memref_slice %arg9[%dma_start3A_203, %dma_start3A_212, %dma_start3A_213] : memref<2x128x128xf32, #tpu.memory_space<vmem>> -> memref<1x128x128xf32, #tpu.memory_space<vmem>>
          %dma_start3A_215 = tpu.memref_squeeze %dma_start3A_214 : memref<1x128x128xf32, #tpu.memory_space<vmem>> -> memref<128x128xf32, #tpu.memory_space<vmem>>
          tpu.enqueue_dma source(%dma_start3A_215 : memref<128x128xf32, #tpu.memory_space<vmem>>) target(%dma_start3A_211 : memref<128x128xf32, #tpu.memory_space<hbm>>) target_semaphore(%arg11 : memref<!tpu.dma_semaphore, #tpu.memory_space<semaphore_mem>>)
          %dma_wait3A_216 = arith.constant 0 : i32
          %dma_wait3A_217 = arith.constant 0 : i32
          %dma_wait3A_218 = arith.constant 0 : i32
          %dma_wait3A_219 = tpu.memref_slice %arg9[%dma_wait3A_216, %dma_wait3A_217, %dma_wait3A_218] : memref<2x128x128xf32, #tpu.memory_space<vmem>> -> memref<1x128x128xf32, #tpu.memory_space<vmem>>
          %dma_wait3A_220 = tpu.memref_squeeze %dma_wait3A_219 : memref<1x128x128xf32, #tpu.memory_space<vmem>> -> memref<128x128xf32, #tpu.memory_space<vmem>>
          %dma_wait3A_221 = arith.constant 0 : i32
          %dma_wait3A_222 = tpu.memref_slice %arg6[%add3A_148, %dma_wait3A_221] : memref<80000x128xf32, #tpu.memory_space<hbm>> -> memref<128x128xf32, #tpu.memory_space<hbm>>
          %dma_wait3A_223 = arith.constant 0 : i32
          %dma_wait3A_224 = tpu.memref_slice %arg6[%add3A_148, %dma_wait3A_223] : memref<80000x128xf32, #tpu.memory_space<hbm>> -> memref<128x128xf32, #tpu.memory_space<hbm>>
          %dma_wait3A_225 = arith.constant 0 : i32
          %dma_wait3A_226 = arith.constant 0 : i32
          %dma_wait3A_227 = tpu.memref_slice %arg9[%dma_wait3A_216, %dma_wait3A_225, %dma_wait3A_226] : memref<2x128x128xf32, #tpu.memory_space<vmem>> -> memref<1x128x128xf32, #tpu.memory_space<vmem>>
          %dma_wait3A_228 = tpu.memref_squeeze %dma_wait3A_227 : memref<1x128x128xf32, #tpu.memory_space<vmem>> -> memref<128x128xf32, #tpu.memory_space<vmem>>
          tpu.wait_dma2 semaphore(%arg11 : memref<!tpu.dma_semaphore, #tpu.memory_space<semaphore_mem>>) src(%dma_wait3A_228 : memref<128x128xf32, #tpu.memory_space<vmem>>) dst(%dma_wait3A_224 : memref<128x128xf32, #tpu.memory_space<hbm>>)
          %dma_start3A_229 = arith.constant 4 : i32
          %dma_start3A_230 = arith.constant 0 : i32
          %dma_start3A_231 = arith.constant 0 : i32
          %dma_start3A_232 = arith.constant 0 : i32
          %dma_start3A_233 = tpu.memref_slice %arg9[%dma_start3A_230, %dma_start3A_231, %dma_start3A_232] : memref<2x128x128xf32, #tpu.memory_space<vmem>> -> memref<1x128x128xf32, #tpu.memory_space<vmem>>
          %dma_start3A_234 = tpu.memref_squeeze %dma_start3A_233 : memref<1x128x128xf32, #tpu.memory_space<vmem>> -> memref<128x128xf32, #tpu.memory_space<vmem>>
          %dma_start3A_235 = arith.constant 0 : i32
          %dma_start3A_236 = tpu.memref_slice %arg8[%dma_start3A_229, %dma_start3A_235] : memref<5x128xi32, #tpu.memory_space<vmem>> -> memref<1x128xi32, #tpu.memory_space<vmem>>
          %dma_start3A_237 = tpu.memref_squeeze %dma_start3A_236 : memref<1x128xi32, #tpu.memory_space<vmem>> -> memref<128xi32, #tpu.memory_space<vmem>>
          %dma_start3A_238 = arith.constant 0 : i32
          %dma_start3A_239 = arith.constant 0 : i32
          %dma_start3A_240 = tpu.memref_slice %arg7[%dma_start3A_238, %dma_start3A_239] : memref<10000x128xf32, #tpu.memory_space<vmem_shared>> -> memref<10000x128xf32, #tpu.memory_space<vmem_shared>>
          tpu.enqueue_indirect_dma source(%dma_start3A_240 : memref<10000x128xf32, #tpu.memory_space<vmem_shared>>) target(%dma_start3A_234 : memref<128x128xf32, #tpu.memory_space<vmem>>) offsets(%dma_start3A_237 : memref<128xi32, #tpu.memory_space<vmem>>) semaphore(%arg10 : memref<!tpu.dma_semaphore, #tpu.memory_space<semaphore_mem>>)
          %dma_wait3A_241 = arith.constant 4 : i32
          %dma_wait3A_242 = arith.constant 0 : i32
          %dma_wait3A_243 = arith.constant 0 : i32
          %dma_wait3A_244 = arith.constant 0 : i32
          %dma_wait3A_245 = tpu.memref_slice %arg9[%dma_wait3A_242, %dma_wait3A_243, %dma_wait3A_244] : memref<2x128x128xf32, #tpu.memory_space<vmem>> -> memref<1x128x128xf32, #tpu.memory_space<vmem>>
          %dma_wait3A_246 = tpu.memref_squeeze %dma_wait3A_245 : memref<1x128x128xf32, #tpu.memory_space<vmem>> -> memref<128x128xf32, #tpu.memory_space<vmem>>
          %dma_wait3A_247 = arith.constant 0 : i32
          %dma_wait3A_248 = tpu.memref_slice %arg8[%dma_wait3A_241, %dma_wait3A_247] : memref<5x128xi32, #tpu.memory_space<vmem>> -> memref<1x128xi32, #tpu.memory_space<vmem>>
          %dma_wait3A_249 = tpu.memref_squeeze %dma_wait3A_248 : memref<1x128xi32, #tpu.memory_space<vmem>> -> memref<128xi32, #tpu.memory_space<vmem>>
          %dma_wait3A_250 = arith.constant 0 : i32
          %dma_wait3A_251 = arith.constant 0 : i32
          %dma_wait3A_252 = tpu.memref_slice %arg7[%dma_wait3A_250, %dma_wait3A_251] : memref<10000x128xf32, #tpu.memory_space<vmem_shared>> -> memref<10000x128xf32, #tpu.memory_space<vmem_shared>>
          tpu.wait_indirect_dma semaphore(%arg10 : memref<!tpu.dma_semaphore, #tpu.memory_space<semaphore_mem>>) src(%dma_wait3A_252 : memref<10000x128xf32, #tpu.memory_space<vmem_shared>>) dst(%dma_wait3A_246 : memref<128x128xf32, #tpu.memory_space<vmem>>)
          %mul3A_253 = arith.constant 640 : i32
          %mul3A_254 = arith.muli %add3A_14, %mul3A_253 : i32
          %add3A_255 = arith.constant 512 : i32
          %add3A_256 = arith.addi %mul3A_254, %add3A_255 : i32
          %dma_start3A_257 = arith.constant 0 : i32
          %dma_start3A_258 = arith.constant 0 : i32
          %dma_start3A_259 = arith.constant 0 : i32
          %dma_start3A_260 = tpu.memref_slice %arg9[%dma_start3A_257, %dma_start3A_258, %dma_start3A_259] : memref<2x128x128xf32, #tpu.memory_space<vmem>> -> memref<1x128x128xf32, #tpu.memory_space<vmem>>
          %dma_start3A_261 = tpu.memref_squeeze %dma_start3A_260 : memref<1x128x128xf32, #tpu.memory_space<vmem>> -> memref<128x128xf32, #tpu.memory_space<vmem>>
          %dma_start3A_262 = arith.constant 0 : i32
          %dma_start3A_263 = tpu.memref_slice %arg6[%add3A_256, %dma_start3A_262] : memref<80000x128xf32, #tpu.memory_space<hbm>> -> memref<128x128xf32, #tpu.memory_space<hbm>>
          %dma_start3A_264 = arith.constant 0 : i32
          %dma_start3A_265 = tpu.memref_slice %arg6[%add3A_256, %dma_start3A_264] : memref<80000x128xf32, #tpu.memory_space<hbm>> -> memref<128x128xf32, #tpu.memory_space<hbm>>
          %dma_start3A_266 = arith.constant 0 : i32
          %dma_start3A_267 = arith.constant 0 : i32
          %dma_start3A_268 = tpu.memref_slice %arg9[%dma_start3A_257, %dma_start3A_266, %dma_start3A_267] : memref<2x128x128xf32, #tpu.memory_space<vmem>> -> memref<1x128x128xf32, #tpu.memory_space<vmem>>
          %dma_start3A_269 = tpu.memref_squeeze %dma_start3A_268 : memref<1x128x128xf32, #tpu.memory_space<vmem>> -> memref<128x128xf32, #tpu.memory_space<vmem>>
          tpu.enqueue_dma source(%dma_start3A_269 : memref<128x128xf32, #tpu.memory_space<vmem>>) target(%dma_start3A_265 : memref<128x128xf32, #tpu.memory_space<hbm>>) target_semaphore(%arg11 : memref<!tpu.dma_semaphore, #tpu.memory_space<semaphore_mem>>)
          %dma_wait3A_270 = arith.constant 0 : i32
          %dma_wait3A_271 = arith.constant 0 : i32
          %dma_wait3A_272 = arith.constant 0 : i32
          %dma_wait3A_273 = tpu.memref_slice %arg9[%dma_wait3A_270, %dma_wait3A_271, %dma_wait3A_272] : memref<2x128x128xf32, #tpu.memory_space<vmem>> -> memref<1x128x128xf32, #tpu.memory_space<vmem>>
          %dma_wait3A_274 = tpu.memref_squeeze %dma_wait3A_273 : memref<1x128x128xf32, #tpu.memory_space<vmem>> -> memref<128x128xf32, #tpu.memory_space<vmem>>
          %dma_wait3A_275 = arith.constant 0 : i32
          %dma_wait3A_276 = tpu.memref_slice %arg6[%add3A_256, %dma_wait3A_275] : memref<80000x128xf32, #tpu.memory_space<hbm>> -> memref<128x128xf32, #tpu.memory_space<hbm>>
          %dma_wait3A_277 = arith.constant 0 : i32
          %dma_wait3A_278 = tpu.memref_slice %arg6[%add3A_256, %dma_wait3A_277] : memref<80000x128xf32, #tpu.memory_space<hbm>> -> memref<128x128xf32, #tpu.memory_space<hbm>>
          %dma_wait3A_279 = arith.constant 0 : i32
          %dma_wait3A_280 = arith.constant 0 : i32
          %dma_wait3A_281 = tpu.memref_slice %arg9[%dma_wait3A_270, %dma_wait3A_279, %dma_wait3A_280] : memref<2x128x128xf32, #tpu.memory_space<vmem>> -> memref<1x128x128xf32, #tpu.memory_space<vmem>>
          %dma_wait3A_282 = tpu.memref_squeeze %dma_wait3A_281 : memref<1x128x128xf32, #tpu.memory_space<vmem>> -> memref<128x128xf32, #tpu.memory_space<vmem>>
          tpu.wait_dma2 semaphore(%arg11 : memref<!tpu.dma_semaphore, #tpu.memory_space<semaphore_mem>>) src(%dma_wait3A_282 : memref<128x128xf32, #tpu.memory_space<vmem>>) dst(%dma_wait3A_278 : memref<128x128xf32, #tpu.memory_space<hbm>>)
          %dma_wait3A_283 = arith.constant 1 : i32
          %dma_wait3A_284 = arith.constant 0 : i32
          %dma_wait3A_285 = arith.constant 0 : i32
          %dma_wait3A_286 = tpu.memref_slice %arg9[%dma_wait3A_283, %dma_wait3A_284, %dma_wait3A_285] : memref<2x128x128xf32, #tpu.memory_space<vmem>> -> memref<1x128x128xf32, #tpu.memory_space<vmem>>
          %dma_wait3A_287 = tpu.memref_squeeze %dma_wait3A_286 : memref<1x128x128xf32, #tpu.memory_space<vmem>> -> memref<128x128xf32, #tpu.memory_space<vmem>>
          %dma_wait3A_288 = arith.constant 0 : i32
          %dma_wait3A_289 = tpu.memref_slice %arg6[%add3A_202, %dma_wait3A_288] : memref<80000x128xf32, #tpu.memory_space<hbm>> -> memref<128x128xf32, #tpu.memory_space<hbm>>
          %dma_wait3A_290 = arith.constant 0 : i32
          %dma_wait3A_291 = tpu.memref_slice %arg6[%add3A_202, %dma_wait3A_290] : memref<80000x128xf32, #tpu.memory_space<hbm>> -> memref<128x128xf32, #tpu.memory_space<hbm>>
          %dma_wait3A_292 = arith.constant 0 : i32
          %dma_wait3A_293 = arith.constant 0 : i32
          %dma_wait3A_294 = tpu.memref_slice %arg9[%dma_wait3A_283, %dma_wait3A_292, %dma_wait3A_293] : memref<2x128x128xf32, #tpu.memory_space<vmem>> -> memref<1x128x128xf32, #tpu.memory_space<vmem>>
          %dma_wait3A_295 = tpu.memref_squeeze %dma_wait3A_294 : memref<1x128x128xf32, #tpu.memory_space<vmem>> -> memref<128x128xf32, #tpu.memory_space<vmem>>
          tpu.wait_dma2 semaphore(%arg11 : memref<!tpu.dma_semaphore, #tpu.memory_space<semaphore_mem>>) src(%dma_wait3A_295 : memref<128x128xf32, #tpu.memory_space<vmem>>) dst(%dma_wait3A_291 : memref<128x128xf32, #tpu.memory_space<hbm>>)
        } else {
        }
      } else {
      }
    }
    %scan3A_8 = arith.constant 8 : i32
    return
  }
}

#map = affine_map<(d0, d1) -> (0, 0)>
#map1 = affine_map<(d0, d1) -> (0, 0, 0, 0)>
#map2 = affine_map<(d0, d1) -> (0, 0, 0)>
module attributes {stable_mosaic.version = 14 : i64} {
  func.func @scatter_kernel(%arg0: i32, %arg1: i32, %arg2: memref<80000x128xf32, #tpu.memory_space<hbm>>, %arg3: memref<2x250x5x128xi32, #tpu.memory_space<hbm>>, %arg4: memref<80x128xf32, #tpu.memory_space<hbm>>, %arg5: memref<2x10000x128xf32, #tpu.memory_space<hbm>>, %arg6: memref<5x128xi32, #tpu.memory_space<vmem>>, %arg7: memref<2x128x128xf32, #tpu.memory_space<vmem>>, %arg8: memref<80x128xf32, #tpu.memory_space<vmem>>, %arg9: memref<10000x128xf32, #tpu.memory_space<vmem_shared>>, %arg10: memref<!tpu.dma_semaphore, #tpu.memory_space<semaphore_mem>>) attributes {dimension_semantics = [#tpu.dimension_semantics<core_parallel>, #tpu.dimension_semantics<subcore_parallel>], iteration_bounds = array<i64: 2, 16>, scalar_prefetch = 0 : i64, scratch_operands = 5 : i64, tpu.core_type = #tpu.core_type<sc_vector_subcore>, window_params = [{transform_indices = #map}, {transform_indices = #map1}, {transform_indices = #map}, {transform_indices = #map2}]} {
    "tpu.region"() ({
      %run_scoped3A = tpu.sem_alloc : memref<!tpu.dma_semaphore, #tpu.memory_space<semaphore_mem>>
      tpu.enqueue_dma source(%arg4 : memref<80x128xf32, #tpu.memory_space<hbm>>) target(%arg8 : memref<80x128xf32, #tpu.memory_space<vmem>>) target_semaphore(%run_scoped3A : memref<!tpu.dma_semaphore, #tpu.memory_space<semaphore_mem>>)
      tpu.wait_dma2 semaphore(%run_scoped3A : memref<!tpu.dma_semaphore, #tpu.memory_space<semaphore_mem>>) src(%arg4 : memref<80x128xf32, #tpu.memory_space<hbm>>) dst(%arg8 : memref<80x128xf32, #tpu.memory_space<vmem>>)
      tpu.yield
    }) : () -> ()
    %scan3A = arith.constant 0 : i32
    %scan3A_0 = arith.constant 8 : i32
    %scan3A_1 = arith.addi %scan3A, %scan3A_0 : i32
    %scan3A_2 = arith.constant 1 : i32
    scf.for %scan3A_15 = %scan3A to %scan3A_1 step %scan3A_2  : i32 {
      %mul3A = arith.constant 1 : i32
      %mul3A_16 = arith.muli %scan3A_15, %mul3A : i32
      %add3A = arith.constant 0 : i32
      %add3A_17 = arith.addi %add3A, %mul3A_16 : i32
      %mul3A_18 = arith.constant 16 : i32
      %mul3A_19 = arith.muli %mul3A_18, %add3A_17 : i32
      %add3A_20 = arith.addi %arg1, %mul3A_19 : i32
      %lt3A = arith.constant 125 : i32
      %lt3A_21 = arith.cmpi slt, %add3A_20, %lt3A : i32
      %convert_element_type3A = arith.extui %lt3A_21 : i1 to i32
      %cond3A = arith.constant 0 : i32
      %cond3A_22 = arith.cmpi ne, %convert_element_type3A, %cond3A : i32
      scf.if %cond3A_22 {
        %mul3A_23 = arith.constant 80 : i32
        %mul3A_24 = arith.muli %add3A_20, %mul3A_23 : i32
        "tpu.region"() ({
          %run_scoped3A = tpu.sem_alloc : memref<!tpu.dma_semaphore, #tpu.memory_space<semaphore_mem>>
          %dma_start3A = arith.constant 0 : i32
          %dma_start3A_25 = tpu.memref_slice %arg9[%mul3A_24, %dma_start3A] : memref<10000x128xf32, #tpu.memory_space<vmem_shared>> -> memref<80x128xf32, #tpu.memory_space<vmem_shared>>
          %dma_start3A_26 = arith.constant 0 : i32
          %dma_start3A_27 = tpu.memref_slice %arg9[%mul3A_24, %dma_start3A_26] : memref<10000x128xf32, #tpu.memory_space<vmem_shared>> -> memref<80x128xf32, #tpu.memory_space<vmem_shared>>
          tpu.enqueue_dma source(%arg8 : memref<80x128xf32, #tpu.memory_space<vmem>>) target(%dma_start3A_27 : memref<80x128xf32, #tpu.memory_space<vmem_shared>>) target_semaphore(%run_scoped3A : memref<!tpu.dma_semaphore, #tpu.memory_space<semaphore_mem>>)
          %dma_wait3A = arith.constant 0 : i32
          %dma_wait3A_28 = tpu.memref_slice %arg9[%mul3A_24, %dma_wait3A] : memref<10000x128xf32, #tpu.memory_space<vmem_shared>> -> memref<80x128xf32, #tpu.memory_space<vmem_shared>>
          %dma_wait3A_29 = arith.constant 0 : i32
          %dma_wait3A_30 = tpu.memref_slice %arg9[%mul3A_24, %dma_wait3A_29] : memref<10000x128xf32, #tpu.memory_space<vmem_shared>> -> memref<80x128xf32, #tpu.memory_space<vmem_shared>>
          tpu.wait_dma2 semaphore(%run_scoped3A : memref<!tpu.dma_semaphore, #tpu.memory_space<semaphore_mem>>) src(%arg8 : memref<80x128xf32, #tpu.memory_space<vmem>>) dst(%dma_wait3A_30 : memref<80x128xf32, #tpu.memory_space<vmem_shared>>)
          tpu.yield
        }) : () -> ()
      } else {
      }
    }
    %scan3A_3 = arith.constant 8 : i32
    %barrier3A = arith.constant 0 : index
    tpu.barrier barrier_id(%barrier3A)
    %scan3A_4 = arith.constant 0 : i32
    %scan3A_5 = arith.constant 4 : i32
    %scan3A_6 = arith.addi %scan3A_4, %scan3A_5 : i32
    %scan3A_7 = arith.constant 1 : i32
    scf.for %scan3A_15 = %scan3A_4 to %scan3A_6 step %scan3A_7  : i32 {
      %mul3A = arith.constant 1 : i32
      %mul3A_16 = arith.muli %scan3A_15, %mul3A : i32
      %add3A = arith.constant 0 : i32
      %add3A_17 = arith.addi %add3A, %mul3A_16 : i32
      %mul3A_18 = arith.constant 16 : i32
      %mul3A_19 = arith.muli %mul3A_18, %add3A_17 : i32
      %add3A_20 = arith.addi %arg1, %mul3A_19 : i32
      %mul3A_21 = arith.constant 2 : i32
      %mul3A_22 = arith.muli %mul3A_21, %add3A_20 : i32
      %add3A_23 = arith.addi %mul3A_22, %arg0 : i32
      %lt3A = arith.constant 125 : i32
      %lt3A_24 = arith.cmpi slt, %add3A_23, %lt3A : i32
      %convert_element_type3A = arith.extui %lt3A_24 : i1 to i32
      %cond3A = arith.constant 0 : i32
      %cond3A_25 = arith.cmpi ne, %convert_element_type3A, %cond3A : i32
      scf.if %cond3A_25 {
        %add3A_26 = arith.constant 125 : i32
        %add3A_27 = arith.addi %add3A_26, %add3A_23 : i32
        %run_scoped3A = arith.constant 1 : i32
        "tpu.region"() ({
          %run_scoped3A_184 = tpu.sem_alloc : memref<!tpu.dma_semaphore, #tpu.memory_space<semaphore_mem>>
          %dma_start3A_185 = arith.constant 0 : i32
          %dma_start3A_186 = arith.constant 0 : i32
          %dma_start3A_187 = tpu.memref_slice %arg3[%run_scoped3A, %add3A_27, %dma_start3A_185, %dma_start3A_186] : memref<2x250x5x128xi32, #tpu.memory_space<hbm>> -> memref<1x1x5x128xi32, #tpu.memory_space<hbm>>
          %dma_start3A_188 = tpu.memref_squeeze %dma_start3A_187 : memref<1x1x5x128xi32, #tpu.memory_space<hbm>> -> memref<5x128xi32, #tpu.memory_space<hbm>>
          %dma_start3A_189 = arith.constant 0 : i32
          %dma_start3A_190 = arith.constant 0 : i32
          %dma_start3A_191 = tpu.memref_slice %arg3[%run_scoped3A, %add3A_27, %dma_start3A_189, %dma_start3A_190] : memref<2x250x5x128xi32, #tpu.memory_space<hbm>> -> memref<1x1x5x128xi32, #tpu.memory_space<hbm>>
          %dma_start3A_192 = tpu.memref_squeeze %dma_start3A_191 : memref<1x1x5x128xi32, #tpu.memory_space<hbm>> -> memref<5x128xi32, #tpu.memory_space<hbm>>
          tpu.enqueue_dma source(%dma_start3A_192 : memref<5x128xi32, #tpu.memory_space<hbm>>) target(%arg6 : memref<5x128xi32, #tpu.memory_space<vmem>>) target_semaphore(%run_scoped3A_184 : memref<!tpu.dma_semaphore, #tpu.memory_space<semaphore_mem>>)
          %dma_wait3A_193 = arith.constant 0 : i32
          %dma_wait3A_194 = arith.constant 0 : i32
          %dma_wait3A_195 = tpu.memref_slice %arg3[%run_scoped3A, %add3A_27, %dma_wait3A_193, %dma_wait3A_194] : memref<2x250x5x128xi32, #tpu.memory_space<hbm>> -> memref<1x1x5x128xi32, #tpu.memory_space<hbm>>
          %dma_wait3A_196 = tpu.memref_squeeze %dma_wait3A_195 : memref<1x1x5x128xi32, #tpu.memory_space<hbm>> -> memref<5x128xi32, #tpu.memory_space<hbm>>
          %dma_wait3A_197 = arith.constant 0 : i32
          %dma_wait3A_198 = arith.constant 0 : i32
          %dma_wait3A_199 = tpu.memref_slice %arg3[%run_scoped3A, %add3A_27, %dma_wait3A_197, %dma_wait3A_198] : memref<2x250x5x128xi32, #tpu.memory_space<hbm>> -> memref<1x1x5x128xi32, #tpu.memory_space<hbm>>
          %dma_wait3A_200 = tpu.memref_squeeze %dma_wait3A_199 : memref<1x1x5x128xi32, #tpu.memory_space<hbm>> -> memref<5x128xi32, #tpu.memory_space<hbm>>
          tpu.wait_dma2 semaphore(%run_scoped3A_184 : memref<!tpu.dma_semaphore, #tpu.memory_space<semaphore_mem>>) src(%dma_wait3A_200 : memref<5x128xi32, #tpu.memory_space<hbm>>) dst(%arg6 : memref<5x128xi32, #tpu.memory_space<vmem>>)
          tpu.yield
        }) : () -> ()
        %mul3A_28 = arith.constant 640 : i32
        %mul3A_29 = arith.muli %add3A_23, %mul3A_28 : i32
        %dma_start3A = arith.constant 0 : i32
        %dma_start3A_30 = arith.constant 0 : i32
        %dma_start3A_31 = arith.constant 0 : i32
        %dma_start3A_32 = tpu.memref_slice %arg7[%dma_start3A, %dma_start3A_30, %dma_start3A_31] : memref<2x128x128xf32, #tpu.memory_space<vmem>> -> memref<1x128x128xf32, #tpu.memory_space<vmem>>
        %dma_start3A_33 = tpu.memref_squeeze %dma_start3A_32 : memref<1x128x128xf32, #tpu.memory_space<vmem>> -> memref<128x128xf32, #tpu.memory_space<vmem>>
        %dma_start3A_34 = arith.constant 0 : i32
        %dma_start3A_35 = tpu.memref_slice %arg2[%mul3A_29, %dma_start3A_34] : memref<80000x128xf32, #tpu.memory_space<hbm>> -> memref<128x128xf32, #tpu.memory_space<hbm>>
        %dma_start3A_36 = arith.constant 0 : i32
        %dma_start3A_37 = arith.constant 0 : i32
        %dma_start3A_38 = tpu.memref_slice %arg7[%dma_start3A, %dma_start3A_36, %dma_start3A_37] : memref<2x128x128xf32, #tpu.memory_space<vmem>> -> memref<1x128x128xf32, #tpu.memory_space<vmem>>
        %dma_start3A_39 = tpu.memref_squeeze %dma_start3A_38 : memref<1x128x128xf32, #tpu.memory_space<vmem>> -> memref<128x128xf32, #tpu.memory_space<vmem>>
        %dma_start3A_40 = arith.constant 0 : i32
        %dma_start3A_41 = tpu.memref_slice %arg2[%mul3A_29, %dma_start3A_40] : memref<80000x128xf32, #tpu.memory_space<hbm>> -> memref<128x128xf32, #tpu.memory_space<hbm>>
        tpu.enqueue_dma source(%dma_start3A_41 : memref<128x128xf32, #tpu.memory_space<hbm>>) target(%dma_start3A_39 : memref<128x128xf32, #tpu.memory_space<vmem>>) target_semaphore(%arg10 : memref<!tpu.dma_semaphore, #tpu.memory_space<semaphore_mem>>)
        %mul3A_42 = arith.constant 640 : i32
        %mul3A_43 = arith.muli %add3A_23, %mul3A_42 : i32
        %add3A_44 = arith.constant 128 : i32
        %add3A_45 = arith.addi %mul3A_43, %add3A_44 : i32
        %dma_start3A_46 = arith.constant 1 : i32
        %dma_start3A_47 = arith.constant 0 : i32
        %dma_start3A_48 = arith.constant 0 : i32
        %dma_start3A_49 = tpu.memref_slice %arg7[%dma_start3A_46, %dma_start3A_47, %dma_start3A_48] : memref<2x128x128xf32, #tpu.memory_space<vmem>> -> memref<1x128x128xf32, #tpu.memory_space<vmem>>
        %dma_start3A_50 = tpu.memref_squeeze %dma_start3A_49 : memref<1x128x128xf32, #tpu.memory_space<vmem>> -> memref<128x128xf32, #tpu.memory_space<vmem>>
        %dma_start3A_51 = arith.constant 0 : i32
        %dma_start3A_52 = tpu.memref_slice %arg2[%add3A_45, %dma_start3A_51] : memref<80000x128xf32, #tpu.memory_space<hbm>> -> memref<128x128xf32, #tpu.memory_space<hbm>>
        %dma_start3A_53 = arith.constant 0 : i32
        %dma_start3A_54 = arith.constant 0 : i32
        %dma_start3A_55 = tpu.memref_slice %arg7[%dma_start3A_46, %dma_start3A_53, %dma_start3A_54] : memref<2x128x128xf32, #tpu.memory_space<vmem>> -> memref<1x128x128xf32, #tpu.memory_space<vmem>>
        %dma_start3A_56 = tpu.memref_squeeze %dma_start3A_55 : memref<1x128x128xf32, #tpu.memory_space<vmem>> -> memref<128x128xf32, #tpu.memory_space<vmem>>
        %dma_start3A_57 = arith.constant 0 : i32
        %dma_start3A_58 = tpu.memref_slice %arg2[%add3A_45, %dma_start3A_57] : memref<80000x128xf32, #tpu.memory_space<hbm>> -> memref<128x128xf32, #tpu.memory_space<hbm>>
        tpu.enqueue_dma source(%dma_start3A_58 : memref<128x128xf32, #tpu.memory_space<hbm>>) target(%dma_start3A_56 : memref<128x128xf32, #tpu.memory_space<vmem>>) target_semaphore(%arg10 : memref<!tpu.dma_semaphore, #tpu.memory_space<semaphore_mem>>)
        %dma_wait3A = arith.constant 0 : i32
        %dma_wait3A_59 = arith.constant 0 : i32
        %dma_wait3A_60 = arith.constant 0 : i32
        %dma_wait3A_61 = tpu.memref_slice %arg7[%dma_wait3A, %dma_wait3A_59, %dma_wait3A_60] : memref<2x128x128xf32, #tpu.memory_space<vmem>> -> memref<1x128x128xf32, #tpu.memory_space<vmem>>
        %dma_wait3A_62 = tpu.memref_squeeze %dma_wait3A_61 : memref<1x128x128xf32, #tpu.memory_space<vmem>> -> memref<128x128xf32, #tpu.memory_space<vmem>>
        %dma_wait3A_63 = arith.constant 0 : i32
        %dma_wait3A_64 = tpu.memref_slice %arg2[%mul3A_29, %dma_wait3A_63] : memref<80000x128xf32, #tpu.memory_space<hbm>> -> memref<128x128xf32, #tpu.memory_space<hbm>>
        %dma_wait3A_65 = arith.constant 0 : i32
        %dma_wait3A_66 = arith.constant 0 : i32
        %dma_wait3A_67 = tpu.memref_slice %arg7[%dma_wait3A, %dma_wait3A_65, %dma_wait3A_66] : memref<2x128x128xf32, #tpu.memory_space<vmem>> -> memref<1x128x128xf32, #tpu.memory_space<vmem>>
        %dma_wait3A_68 = tpu.memref_squeeze %dma_wait3A_67 : memref<1x128x128xf32, #tpu.memory_space<vmem>> -> memref<128x128xf32, #tpu.memory_space<vmem>>
        %dma_wait3A_69 = arith.constant 0 : i32
        %dma_wait3A_70 = tpu.memref_slice %arg2[%mul3A_29, %dma_wait3A_69] : memref<80000x128xf32, #tpu.memory_space<hbm>> -> memref<128x128xf32, #tpu.memory_space<hbm>>
        tpu.wait_dma2 semaphore(%arg10 : memref<!tpu.dma_semaphore, #tpu.memory_space<semaphore_mem>>) src(%dma_wait3A_70 : memref<128x128xf32, #tpu.memory_space<hbm>>) dst(%dma_wait3A_68 : memref<128x128xf32, #tpu.memory_space<vmem>>)
        %run_scoped3A_71 = arith.constant 0 : i32
        %run_scoped3A_72 = arith.constant 0 : i32
        "tpu.region"() ({
          %run_scoped3A_184 = tpu.sem_alloc : memref<!tpu.dma_semaphore, #tpu.memory_space<semaphore_mem>>
          %dma_start3A_185 = arith.constant 0 : i32
          %dma_start3A_186 = arith.constant 0 : i32
          %dma_start3A_187 = tpu.memref_slice %arg7[%run_scoped3A_71, %dma_start3A_185, %dma_start3A_186] : memref<2x128x128xf32, #tpu.memory_space<vmem>> -> memref<1x128x128xf32, #tpu.memory_space<vmem>>
          %dma_start3A_188 = tpu.memref_squeeze %dma_start3A_187 : memref<1x128x128xf32, #tpu.memory_space<vmem>> -> memref<128x128xf32, #tpu.memory_space<vmem>>
          %dma_start3A_189 = arith.constant 0 : i32
          %dma_start3A_190 = tpu.memref_slice %arg6[%run_scoped3A_72, %dma_start3A_189] : memref<5x128xi32, #tpu.memory_space<vmem>> -> memref<1x128xi32, #tpu.memory_space<vmem>>
          %dma_start3A_191 = tpu.memref_squeeze %dma_start3A_190 : memref<1x128xi32, #tpu.memory_space<vmem>> -> memref<128xi32, #tpu.memory_space<vmem>>
          %dma_start3A_192 = arith.constant 0 : i32
          %dma_start3A_193 = arith.constant 0 : i32
          %dma_start3A_194 = tpu.memref_slice %arg9[%dma_start3A_192, %dma_start3A_193] : memref<10000x128xf32, #tpu.memory_space<vmem_shared>> -> memref<10000x128xf32, #tpu.memory_space<vmem_shared>>
          tpu.enqueue_indirect_dma source(%dma_start3A_188 : memref<128x128xf32, #tpu.memory_space<vmem>>) target(%dma_start3A_194 : memref<10000x128xf32, #tpu.memory_space<vmem_shared>>) offsets(%dma_start3A_191 : memref<128xi32, #tpu.memory_space<vmem>>) semaphore(%run_scoped3A_184 : memref<!tpu.dma_semaphore, #tpu.memory_space<semaphore_mem>>) {add = true}
          %dma_wait3A_195 = arith.constant 0 : i32
          %dma_wait3A_196 = arith.constant 0 : i32
          %dma_wait3A_197 = tpu.memref_slice %arg7[%run_scoped3A_71, %dma_wait3A_195, %dma_wait3A_196] : memref<2x128x128xf32, #tpu.memory_space<vmem>> -> memref<1x128x128xf32, #tpu.memory_space<vmem>>
          %dma_wait3A_198 = tpu.memref_squeeze %dma_wait3A_197 : memref<1x128x128xf32, #tpu.memory_space<vmem>> -> memref<128x128xf32, #tpu.memory_space<vmem>>
          %dma_wait3A_199 = arith.constant 0 : i32
          %dma_wait3A_200 = tpu.memref_slice %arg6[%run_scoped3A_72, %dma_wait3A_199] : memref<5x128xi32, #tpu.memory_space<vmem>> -> memref<1x128xi32, #tpu.memory_space<vmem>>
          %dma_wait3A_201 = tpu.memref_squeeze %dma_wait3A_200 : memref<1x128xi32, #tpu.memory_space<vmem>> -> memref<128xi32, #tpu.memory_space<vmem>>
          %dma_wait3A_202 = arith.constant 0 : i32
          %dma_wait3A_203 = arith.constant 0 : i32
          %dma_wait3A_204 = tpu.memref_slice %arg9[%dma_wait3A_202, %dma_wait3A_203] : memref<10000x128xf32, #tpu.memory_space<vmem_shared>> -> memref<10000x128xf32, #tpu.memory_space<vmem_shared>>
          tpu.wait_indirect_dma semaphore(%run_scoped3A_184 : memref<!tpu.dma_semaphore, #tpu.memory_space<semaphore_mem>>) src(%dma_wait3A_198 : memref<128x128xf32, #tpu.memory_space<vmem>>) dst(%dma_wait3A_204 : memref<10000x128xf32, #tpu.memory_space<vmem_shared>>)
          tpu.yield
        }) : () -> ()
        %mul3A_73 = arith.constant 640 : i32
        %mul3A_74 = arith.muli %add3A_23, %mul3A_73 : i32
        %add3A_75 = arith.constant 256 : i32
        %add3A_76 = arith.addi %mul3A_74, %add3A_75 : i32
        %dma_start3A_77 = arith.constant 0 : i32
        %dma_start3A_78 = arith.constant 0 : i32
        %dma_start3A_79 = arith.constant 0 : i32
        %dma_start3A_80 = tpu.memref_slice %arg7[%dma_start3A_77, %dma_start3A_78, %dma_start3A_79] : memref<2x128x128xf32, #tpu.memory_space<vmem>> -> memref<1x128x128xf32, #tpu.memory_space<vmem>>
        %dma_start3A_81 = tpu.memref_squeeze %dma_start3A_80 : memref<1x128x128xf32, #tpu.memory_space<vmem>> -> memref<128x128xf32, #tpu.memory_space<vmem>>
        %dma_start3A_82 = arith.constant 0 : i32
        %dma_start3A_83 = tpu.memref_slice %arg2[%add3A_76, %dma_start3A_82] : memref<80000x128xf32, #tpu.memory_space<hbm>> -> memref<128x128xf32, #tpu.memory_space<hbm>>
        %dma_start3A_84 = arith.constant 0 : i32
        %dma_start3A_85 = arith.constant 0 : i32
        %dma_start3A_86 = tpu.memref_slice %arg7[%dma_start3A_77, %dma_start3A_84, %dma_start3A_85] : memref<2x128x128xf32, #tpu.memory_space<vmem>> -> memref<1x128x128xf32, #tpu.memory_space<vmem>>
        %dma_start3A_87 = tpu.memref_squeeze %dma_start3A_86 : memref<1x128x128xf32, #tpu.memory_space<vmem>> -> memref<128x128xf32, #tpu.memory_space<vmem>>
        %dma_start3A_88 = arith.constant 0 : i32
        %dma_start3A_89 = tpu.memref_slice %arg2[%add3A_76, %dma_start3A_88] : memref<80000x128xf32, #tpu.memory_space<hbm>> -> memref<128x128xf32, #tpu.memory_space<hbm>>
        tpu.enqueue_dma source(%dma_start3A_89 : memref<128x128xf32, #tpu.memory_space<hbm>>) target(%dma_start3A_87 : memref<128x128xf32, #tpu.memory_space<vmem>>) target_semaphore(%arg10 : memref<!tpu.dma_semaphore, #tpu.memory_space<semaphore_mem>>)
        %dma_wait3A_90 = arith.constant 1 : i32
        %dma_wait3A_91 = arith.constant 0 : i32
        %dma_wait3A_92 = arith.constant 0 : i32
        %dma_wait3A_93 = tpu.memref_slice %arg7[%dma_wait3A_90, %dma_wait3A_91, %dma_wait3A_92] : memref<2x128x128xf32, #tpu.memory_space<vmem>> -> memref<1x128x128xf32, #tpu.memory_space<vmem>>
        %dma_wait3A_94 = tpu.memref_squeeze %dma_wait3A_93 : memref<1x128x128xf32, #tpu.memory_space<vmem>> -> memref<128x128xf32, #tpu.memory_space<vmem>>
        %dma_wait3A_95 = arith.constant 0 : i32
        %dma_wait3A_96 = tpu.memref_slice %arg2[%add3A_45, %dma_wait3A_95] : memref<80000x128xf32, #tpu.memory_space<hbm>> -> memref<128x128xf32, #tpu.memory_space<hbm>>
        %dma_wait3A_97 = arith.constant 0 : i32
        %dma_wait3A_98 = arith.constant 0 : i32
        %dma_wait3A_99 = tpu.memref_slice %arg7[%dma_wait3A_90, %dma_wait3A_97, %dma_wait3A_98] : memref<2x128x128xf32, #tpu.memory_space<vmem>> -> memref<1x128x128xf32, #tpu.memory_space<vmem>>
        %dma_wait3A_100 = tpu.memref_squeeze %dma_wait3A_99 : memref<1x128x128xf32, #tpu.memory_space<vmem>> -> memref<128x128xf32, #tpu.memory_space<vmem>>
        %dma_wait3A_101 = arith.constant 0 : i32
        %dma_wait3A_102 = tpu.memref_slice %arg2[%add3A_45, %dma_wait3A_101] : memref<80000x128xf32, #tpu.memory_space<hbm>> -> memref<128x128xf32, #tpu.memory_space<hbm>>
        tpu.wait_dma2 semaphore(%arg10 : memref<!tpu.dma_semaphore, #tpu.memory_space<semaphore_mem>>) src(%dma_wait3A_102 : memref<128x128xf32, #tpu.memory_space<hbm>>) dst(%dma_wait3A_100 : memref<128x128xf32, #tpu.memory_space<vmem>>)
        %run_scoped3A_103 = arith.constant 1 : i32
        %run_scoped3A_104 = arith.constant 1 : i32
        "tpu.region"() ({
          %run_scoped3A_184 = tpu.sem_alloc : memref<!tpu.dma_semaphore, #tpu.memory_space<semaphore_mem>>
          %dma_start3A_185 = arith.constant 0 : i32
          %dma_start3A_186 = arith.constant 0 : i32
          %dma_start3A_187 = tpu.memref_slice %arg7[%run_scoped3A_103, %dma_start3A_185, %dma_start3A_186] : memref<2x128x128xf32, #tpu.memory_space<vmem>> -> memref<1x128x128xf32, #tpu.memory_space<vmem>>
          %dma_start3A_188 = tpu.memref_squeeze %dma_start3A_187 : memref<1x128x128xf32, #tpu.memory_space<vmem>> -> memref<128x128xf32, #tpu.memory_space<vmem>>
          %dma_start3A_189 = arith.constant 0 : i32
          %dma_start3A_190 = tpu.memref_slice %arg6[%run_scoped3A_104, %dma_start3A_189] : memref<5x128xi32, #tpu.memory_space<vmem>> -> memref<1x128xi32, #tpu.memory_space<vmem>>
          %dma_start3A_191 = tpu.memref_squeeze %dma_start3A_190 : memref<1x128xi32, #tpu.memory_space<vmem>> -> memref<128xi32, #tpu.memory_space<vmem>>
          %dma_start3A_192 = arith.constant 0 : i32
          %dma_start3A_193 = arith.constant 0 : i32
          %dma_start3A_194 = tpu.memref_slice %arg9[%dma_start3A_192, %dma_start3A_193] : memref<10000x128xf32, #tpu.memory_space<vmem_shared>> -> memref<10000x128xf32, #tpu.memory_space<vmem_shared>>
          tpu.enqueue_indirect_dma source(%dma_start3A_188 : memref<128x128xf32, #tpu.memory_space<vmem>>) target(%dma_start3A_194 : memref<10000x128xf32, #tpu.memory_space<vmem_shared>>) offsets(%dma_start3A_191 : memref<128xi32, #tpu.memory_space<vmem>>) semaphore(%run_scoped3A_184 : memref<!tpu.dma_semaphore, #tpu.memory_space<semaphore_mem>>) {add = true}
          %dma_wait3A_195 = arith.constant 0 : i32
          %dma_wait3A_196 = arith.constant 0 : i32
          %dma_wait3A_197 = tpu.memref_slice %arg7[%run_scoped3A_103, %dma_wait3A_195, %dma_wait3A_196] : memref<2x128x128xf32, #tpu.memory_space<vmem>> -> memref<1x128x128xf32, #tpu.memory_space<vmem>>
          %dma_wait3A_198 = tpu.memref_squeeze %dma_wait3A_197 : memref<1x128x128xf32, #tpu.memory_space<vmem>> -> memref<128x128xf32, #tpu.memory_space<vmem>>
          %dma_wait3A_199 = arith.constant 0 : i32
          %dma_wait3A_200 = tpu.memref_slice %arg6[%run_scoped3A_104, %dma_wait3A_199] : memref<5x128xi32, #tpu.memory_space<vmem>> -> memref<1x128xi32, #tpu.memory_space<vmem>>
          %dma_wait3A_201 = tpu.memref_squeeze %dma_wait3A_200 : memref<1x128xi32, #tpu.memory_space<vmem>> -> memref<128xi32, #tpu.memory_space<vmem>>
          %dma_wait3A_202 = arith.constant 0 : i32
          %dma_wait3A_203 = arith.constant 0 : i32
          %dma_wait3A_204 = tpu.memref_slice %arg9[%dma_wait3A_202, %dma_wait3A_203] : memref<10000x128xf32, #tpu.memory_space<vmem_shared>> -> memref<10000x128xf32, #tpu.memory_space<vmem_shared>>
          tpu.wait_indirect_dma semaphore(%run_scoped3A_184 : memref<!tpu.dma_semaphore, #tpu.memory_space<semaphore_mem>>) src(%dma_wait3A_198 : memref<128x128xf32, #tpu.memory_space<vmem>>) dst(%dma_wait3A_204 : memref<10000x128xf32, #tpu.memory_space<vmem_shared>>)
          tpu.yield
        }) : () -> ()
        %mul3A_105 = arith.constant 640 : i32
        %mul3A_106 = arith.muli %add3A_23, %mul3A_105 : i32
        %add3A_107 = arith.constant 384 : i32
        %add3A_108 = arith.addi %mul3A_106, %add3A_107 : i32
        %dma_start3A_109 = arith.constant 1 : i32
        %dma_start3A_110 = arith.constant 0 : i32
        %dma_start3A_111 = arith.constant 0 : i32
        %dma_start3A_112 = tpu.memref_slice %arg7[%dma_start3A_109, %dma_start3A_110, %dma_start3A_111] : memref<2x128x128xf32, #tpu.memory_space<vmem>> -> memref<1x128x128xf32, #tpu.memory_space<vmem>>
        %dma_start3A_113 = tpu.memref_squeeze %dma_start3A_112 : memref<1x128x128xf32, #tpu.memory_space<vmem>> -> memref<128x128xf32, #tpu.memory_space<vmem>>
        %dma_start3A_114 = arith.constant 0 : i32
        %dma_start3A_115 = tpu.memref_slice %arg2[%add3A_108, %dma_start3A_114] : memref<80000x128xf32, #tpu.memory_space<hbm>> -> memref<128x128xf32, #tpu.memory_space<hbm>>
        %dma_start3A_116 = arith.constant 0 : i32
        %dma_start3A_117 = arith.constant 0 : i32
        %dma_start3A_118 = tpu.memref_slice %arg7[%dma_start3A_109, %dma_start3A_116, %dma_start3A_117] : memref<2x128x128xf32, #tpu.memory_space<vmem>> -> memref<1x128x128xf32, #tpu.memory_space<vmem>>
        %dma_start3A_119 = tpu.memref_squeeze %dma_start3A_118 : memref<1x128x128xf32, #tpu.memory_space<vmem>> -> memref<128x128xf32, #tpu.memory_space<vmem>>
        %dma_start3A_120 = arith.constant 0 : i32
        %dma_start3A_121 = tpu.memref_slice %arg2[%add3A_108, %dma_start3A_120] : memref<80000x128xf32, #tpu.memory_space<hbm>> -> memref<128x128xf32, #tpu.memory_space<hbm>>
        tpu.enqueue_dma source(%dma_start3A_121 : memref<128x128xf32, #tpu.memory_space<hbm>>) target(%dma_start3A_119 : memref<128x128xf32, #tpu.memory_space<vmem>>) target_semaphore(%arg10 : memref<!tpu.dma_semaphore, #tpu.memory_space<semaphore_mem>>)
        %dma_wait3A_122 = arith.constant 0 : i32
        %dma_wait3A_123 = arith.constant 0 : i32
        %dma_wait3A_124 = arith.constant 0 : i32
        %dma_wait3A_125 = tpu.memref_slice %arg7[%dma_wait3A_122, %dma_wait3A_123, %dma_wait3A_124] : memref<2x128x128xf32, #tpu.memory_space<vmem>> -> memref<1x128x128xf32, #tpu.memory_space<vmem>>
        %dma_wait3A_126 = tpu.memref_squeeze %dma_wait3A_125 : memref<1x128x128xf32, #tpu.memory_space<vmem>> -> memref<128x128xf32, #tpu.memory_space<vmem>>
        %dma_wait3A_127 = arith.constant 0 : i32
        %dma_wait3A_128 = tpu.memref_slice %arg2[%add3A_76, %dma_wait3A_127] : memref<80000x128xf32, #tpu.memory_space<hbm>> -> memref<128x128xf32, #tpu.memory_space<hbm>>
        %dma_wait3A_129 = arith.constant 0 : i32
        %dma_wait3A_130 = arith.constant 0 : i32
        %dma_wait3A_131 = tpu.memref_slice %arg7[%dma_wait3A_122, %dma_wait3A_129, %dma_wait3A_130] : memref<2x128x128xf32, #tpu.memory_space<vmem>> -> memref<1x128x128xf32, #tpu.memory_space<vmem>>
        %dma_wait3A_132 = tpu.memref_squeeze %dma_wait3A_131 : memref<1x128x128xf32, #tpu.memory_space<vmem>> -> memref<128x128xf32, #tpu.memory_space<vmem>>
        %dma_wait3A_133 = arith.constant 0 : i32
        %dma_wait3A_134 = tpu.memref_slice %arg2[%add3A_76, %dma_wait3A_133] : memref<80000x128xf32, #tpu.memory_space<hbm>> -> memref<128x128xf32, #tpu.memory_space<hbm>>
        tpu.wait_dma2 semaphore(%arg10 : memref<!tpu.dma_semaphore, #tpu.memory_space<semaphore_mem>>) src(%dma_wait3A_134 : memref<128x128xf32, #tpu.memory_space<hbm>>) dst(%dma_wait3A_132 : memref<128x128xf32, #tpu.memory_space<vmem>>)
        %run_scoped3A_135 = arith.constant 0 : i32
        %run_scoped3A_136 = arith.constant 2 : i32
        "tpu.region"() ({
          %run_scoped3A_184 = tpu.sem_alloc : memref<!tpu.dma_semaphore, #tpu.memory_space<semaphore_mem>>
          %dma_start3A_185 = arith.constant 0 : i32
          %dma_start3A_186 = arith.constant 0 : i32
          %dma_start3A_187 = tpu.memref_slice %arg7[%run_scoped3A_135, %dma_start3A_185, %dma_start3A_186] : memref<2x128x128xf32, #tpu.memory_space<vmem>> -> memref<1x128x128xf32, #tpu.memory_space<vmem>>
          %dma_start3A_188 = tpu.memref_squeeze %dma_start3A_187 : memref<1x128x128xf32, #tpu.memory_space<vmem>> -> memref<128x128xf32, #tpu.memory_space<vmem>>
          %dma_start3A_189 = arith.constant 0 : i32
          %dma_start3A_190 = tpu.memref_slice %arg6[%run_scoped3A_136, %dma_start3A_189] : memref<5x128xi32, #tpu.memory_space<vmem>> -> memref<1x128xi32, #tpu.memory_space<vmem>>
          %dma_start3A_191 = tpu.memref_squeeze %dma_start3A_190 : memref<1x128xi32, #tpu.memory_space<vmem>> -> memref<128xi32, #tpu.memory_space<vmem>>
          %dma_start3A_192 = arith.constant 0 : i32
          %dma_start3A_193 = arith.constant 0 : i32
          %dma_start3A_194 = tpu.memref_slice %arg9[%dma_start3A_192, %dma_start3A_193] : memref<10000x128xf32, #tpu.memory_space<vmem_shared>> -> memref<10000x128xf32, #tpu.memory_space<vmem_shared>>
          tpu.enqueue_indirect_dma source(%dma_start3A_188 : memref<128x128xf32, #tpu.memory_space<vmem>>) target(%dma_start3A_194 : memref<10000x128xf32, #tpu.memory_space<vmem_shared>>) offsets(%dma_start3A_191 : memref<128xi32, #tpu.memory_space<vmem>>) semaphore(%run_scoped3A_184 : memref<!tpu.dma_semaphore, #tpu.memory_space<semaphore_mem>>) {add = true}
          %dma_wait3A_195 = arith.constant 0 : i32
          %dma_wait3A_196 = arith.constant 0 : i32
          %dma_wait3A_197 = tpu.memref_slice %arg7[%run_scoped3A_135, %dma_wait3A_195, %dma_wait3A_196] : memref<2x128x128xf32, #tpu.memory_space<vmem>> -> memref<1x128x128xf32, #tpu.memory_space<vmem>>
          %dma_wait3A_198 = tpu.memref_squeeze %dma_wait3A_197 : memref<1x128x128xf32, #tpu.memory_space<vmem>> -> memref<128x128xf32, #tpu.memory_space<vmem>>
          %dma_wait3A_199 = arith.constant 0 : i32
          %dma_wait3A_200 = tpu.memref_slice %arg6[%run_scoped3A_136, %dma_wait3A_199] : memref<5x128xi32, #tpu.memory_space<vmem>> -> memref<1x128xi32, #tpu.memory_space<vmem>>
          %dma_wait3A_201 = tpu.memref_squeeze %dma_wait3A_200 : memref<1x128xi32, #tpu.memory_space<vmem>> -> memref<128xi32, #tpu.memory_space<vmem>>
          %dma_wait3A_202 = arith.constant 0 : i32
          %dma_wait3A_203 = arith.constant 0 : i32
          %dma_wait3A_204 = tpu.memref_slice %arg9[%dma_wait3A_202, %dma_wait3A_203] : memref<10000x128xf32, #tpu.memory_space<vmem_shared>> -> memref<10000x128xf32, #tpu.memory_space<vmem_shared>>
          tpu.wait_indirect_dma semaphore(%run_scoped3A_184 : memref<!tpu.dma_semaphore, #tpu.memory_space<semaphore_mem>>) src(%dma_wait3A_198 : memref<128x128xf32, #tpu.memory_space<vmem>>) dst(%dma_wait3A_204 : memref<10000x128xf32, #tpu.memory_space<vmem_shared>>)
          tpu.yield
        }) : () -> ()
        %mul3A_137 = arith.constant 640 : i32
        %mul3A_138 = arith.muli %add3A_23, %mul3A_137 : i32
        %add3A_139 = arith.constant 512 : i32
        %add3A_140 = arith.addi %mul3A_138, %add3A_139 : i32
        %dma_start3A_141 = arith.constant 0 : i32
        %dma_start3A_142 = arith.constant 0 : i32
        %dma_start3A_143 = arith.constant 0 : i32
        %dma_start3A_144 = tpu.memref_slice %arg7[%dma_start3A_141, %dma_start3A_142, %dma_start3A_143] : memref<2x128x128xf32, #tpu.memory_space<vmem>> -> memref<1x128x128xf32, #tpu.memory_space<vmem>>
        %dma_start3A_145 = tpu.memref_squeeze %dma_start3A_144 : memref<1x128x128xf32, #tpu.memory_space<vmem>> -> memref<128x128xf32, #tpu.memory_space<vmem>>
        %dma_start3A_146 = arith.constant 0 : i32
        %dma_start3A_147 = tpu.memref_slice %arg2[%add3A_140, %dma_start3A_146] : memref<80000x128xf32, #tpu.memory_space<hbm>> -> memref<128x128xf32, #tpu.memory_space<hbm>>
        %dma_start3A_148 = arith.constant 0 : i32
        %dma_start3A_149 = arith.constant 0 : i32
        %dma_start3A_150 = tpu.memref_slice %arg7[%dma_start3A_141, %dma_start3A_148, %dma_start3A_149] : memref<2x128x128xf32, #tpu.memory_space<vmem>> -> memref<1x128x128xf32, #tpu.memory_space<vmem>>
        %dma_start3A_151 = tpu.memref_squeeze %dma_start3A_150 : memref<1x128x128xf32, #tpu.memory_space<vmem>> -> memref<128x128xf32, #tpu.memory_space<vmem>>
        %dma_start3A_152 = arith.constant 0 : i32
        %dma_start3A_153 = tpu.memref_slice %arg2[%add3A_140, %dma_start3A_152] : memref<80000x128xf32, #tpu.memory_space<hbm>> -> memref<128x128xf32, #tpu.memory_space<hbm>>
        tpu.enqueue_dma source(%dma_start3A_153 : memref<128x128xf32, #tpu.memory_space<hbm>>) target(%dma_start3A_151 : memref<128x128xf32, #tpu.memory_space<vmem>>) target_semaphore(%arg10 : memref<!tpu.dma_semaphore, #tpu.memory_space<semaphore_mem>>)
        %dma_wait3A_154 = arith.constant 1 : i32
        %dma_wait3A_155 = arith.constant 0 : i32
        %dma_wait3A_156 = arith.constant 0 : i32
        %dma_wait3A_157 = tpu.memref_slice %arg7[%dma_wait3A_154, %dma_wait3A_155, %dma_wait3A_156] : memref<2x128x128xf32, #tpu.memory_space<vmem>> -> memref<1x128x128xf32, #tpu.memory_space<vmem>>
        %dma_wait3A_158 = tpu.memref_squeeze %dma_wait3A_157 : memref<1x128x128xf32, #tpu.memory_space<vmem>> -> memref<128x128xf32, #tpu.memory_space<vmem>>
        %dma_wait3A_159 = arith.constant 0 : i32
        %dma_wait3A_160 = tpu.memref_slice %arg2[%add3A_108, %dma_wait3A_159] : memref<80000x128xf32, #tpu.memory_space<hbm>> -> memref<128x128xf32, #tpu.memory_space<hbm>>
        %dma_wait3A_161 = arith.constant 0 : i32
        %dma_wait3A_162 = arith.constant 0 : i32
        %dma_wait3A_163 = tpu.memref_slice %arg7[%dma_wait3A_154, %dma_wait3A_161, %dma_wait3A_162] : memref<2x128x128xf32, #tpu.memory_space<vmem>> -> memref<1x128x128xf32, #tpu.memory_space<vmem>>
        %dma_wait3A_164 = tpu.memref_squeeze %dma_wait3A_163 : memref<1x128x128xf32, #tpu.memory_space<vmem>> -> memref<128x128xf32, #tpu.memory_space<vmem>>
        %dma_wait3A_165 = arith.constant 0 : i32
        %dma_wait3A_166 = tpu.memref_slice %arg2[%add3A_108, %dma_wait3A_165] : memref<80000x128xf32, #tpu.memory_space<hbm>> -> memref<128x128xf32, #tpu.memory_space<hbm>>
        tpu.wait_dma2 semaphore(%arg10 : memref<!tpu.dma_semaphore, #tpu.memory_space<semaphore_mem>>) src(%dma_wait3A_166 : memref<128x128xf32, #tpu.memory_space<hbm>>) dst(%dma_wait3A_164 : memref<128x128xf32, #tpu.memory_space<vmem>>)
        %run_scoped3A_167 = arith.constant 1 : i32
        %run_scoped3A_168 = arith.constant 3 : i32
        "tpu.region"() ({
          %run_scoped3A_184 = tpu.sem_alloc : memref<!tpu.dma_semaphore, #tpu.memory_space<semaphore_mem>>
          %dma_start3A_185 = arith.constant 0 : i32
          %dma_start3A_186 = arith.constant 0 : i32
          %dma_start3A_187 = tpu.memref_slice %arg7[%run_scoped3A_167, %dma_start3A_185, %dma_start3A_186] : memref<2x128x128xf32, #tpu.memory_space<vmem>> -> memref<1x128x128xf32, #tpu.memory_space<vmem>>
          %dma_start3A_188 = tpu.memref_squeeze %dma_start3A_187 : memref<1x128x128xf32, #tpu.memory_space<vmem>> -> memref<128x128xf32, #tpu.memory_space<vmem>>
          %dma_start3A_189 = arith.constant 0 : i32
          %dma_start3A_190 = tpu.memref_slice %arg6[%run_scoped3A_168, %dma_start3A_189] : memref<5x128xi32, #tpu.memory_space<vmem>> -> memref<1x128xi32, #tpu.memory_space<vmem>>
          %dma_start3A_191 = tpu.memref_squeeze %dma_start3A_190 : memref<1x128xi32, #tpu.memory_space<vmem>> -> memref<128xi32, #tpu.memory_space<vmem>>
          %dma_start3A_192 = arith.constant 0 : i32
          %dma_start3A_193 = arith.constant 0 : i32
          %dma_start3A_194 = tpu.memref_slice %arg9[%dma_start3A_192, %dma_start3A_193] : memref<10000x128xf32, #tpu.memory_space<vmem_shared>> -> memref<10000x128xf32, #tpu.memory_space<vmem_shared>>
          tpu.enqueue_indirect_dma source(%dma_start3A_188 : memref<128x128xf32, #tpu.memory_space<vmem>>) target(%dma_start3A_194 : memref<10000x128xf32, #tpu.memory_space<vmem_shared>>) offsets(%dma_start3A_191 : memref<128xi32, #tpu.memory_space<vmem>>) semaphore(%run_scoped3A_184 : memref<!tpu.dma_semaphore, #tpu.memory_space<semaphore_mem>>) {add = true}
          %dma_wait3A_195 = arith.constant 0 : i32
          %dma_wait3A_196 = arith.constant 0 : i32
          %dma_wait3A_197 = tpu.memref_slice %arg7[%run_scoped3A_167, %dma_wait3A_195, %dma_wait3A_196] : memref<2x128x128xf32, #tpu.memory_space<vmem>> -> memref<1x128x128xf32, #tpu.memory_space<vmem>>
          %dma_wait3A_198 = tpu.memref_squeeze %dma_wait3A_197 : memref<1x128x128xf32, #tpu.memory_space<vmem>> -> memref<128x128xf32, #tpu.memory_space<vmem>>
          %dma_wait3A_199 = arith.constant 0 : i32
          %dma_wait3A_200 = tpu.memref_slice %arg6[%run_scoped3A_168, %dma_wait3A_199] : memref<5x128xi32, #tpu.memory_space<vmem>> -> memref<1x128xi32, #tpu.memory_space<vmem>>
          %dma_wait3A_201 = tpu.memref_squeeze %dma_wait3A_200 : memref<1x128xi32, #tpu.memory_space<vmem>> -> memref<128xi32, #tpu.memory_space<vmem>>
          %dma_wait3A_202 = arith.constant 0 : i32
          %dma_wait3A_203 = arith.constant 0 : i32
          %dma_wait3A_204 = tpu.memref_slice %arg9[%dma_wait3A_202, %dma_wait3A_203] : memref<10000x128xf32, #tpu.memory_space<vmem_shared>> -> memref<10000x128xf32, #tpu.memory_space<vmem_shared>>
          tpu.wait_indirect_dma semaphore(%run_scoped3A_184 : memref<!tpu.dma_semaphore, #tpu.memory_space<semaphore_mem>>) src(%dma_wait3A_198 : memref<128x128xf32, #tpu.memory_space<vmem>>) dst(%dma_wait3A_204 : memref<10000x128xf32, #tpu.memory_space<vmem_shared>>)
          tpu.yield
        }) : () -> ()
        %dma_wait3A_169 = arith.constant 0 : i32
        %dma_wait3A_170 = arith.constant 0 : i32
        %dma_wait3A_171 = arith.constant 0 : i32
        %dma_wait3A_172 = tpu.memref_slice %arg7[%dma_wait3A_169, %dma_wait3A_170, %dma_wait3A_171] : memref<2x128x128xf32, #tpu.memory_space<vmem>> -> memref<1x128x128xf32, #tpu.memory_space<vmem>>
        %dma_wait3A_173 = tpu.memref_squeeze %dma_wait3A_172 : memref<1x128x128xf32, #tpu.memory_space<vmem>> -> memref<128x128xf32, #tpu.memory_space<vmem>>
        %dma_wait3A_174 = arith.constant 0 : i32
        %dma_wait3A_175 = tpu.memref_slice %arg2[%add3A_140, %dma_wait3A_174] : memref<80000x128xf32, #tpu.memory_space<hbm>> -> memref<128x128xf32, #tpu.memory_space<hbm>>
        %dma_wait3A_176 = arith.constant 0 : i32
        %dma_wait3A_177 = arith.constant 0 : i32
        %dma_wait3A_178 = tpu.memref_slice %arg7[%dma_wait3A_169, %dma_wait3A_176, %dma_wait3A_177] : memref<2x128x128xf32, #tpu.memory_space<vmem>> -> memref<1x128x128xf32, #tpu.memory_space<vmem>>
        %dma_wait3A_179 = tpu.memref_squeeze %dma_wait3A_178 : memref<1x128x128xf32, #tpu.memory_space<vmem>> -> memref<128x128xf32, #tpu.memory_space<vmem>>
        %dma_wait3A_180 = arith.constant 0 : i32
        %dma_wait3A_181 = tpu.memref_slice %arg2[%add3A_140, %dma_wait3A_180] : memref<80000x128xf32, #tpu.memory_space<hbm>> -> memref<128x128xf32, #tpu.memory_space<hbm>>
        tpu.wait_dma2 semaphore(%arg10 : memref<!tpu.dma_semaphore, #tpu.memory_space<semaphore_mem>>) src(%dma_wait3A_181 : memref<128x128xf32, #tpu.memory_space<hbm>>) dst(%dma_wait3A_179 : memref<128x128xf32, #tpu.memory_space<vmem>>)
        %run_scoped3A_182 = arith.constant 0 : i32
        %run_scoped3A_183 = arith.constant 4 : i32
        "tpu.region"() ({
          %run_scoped3A_184 = tpu.sem_alloc : memref<!tpu.dma_semaphore, #tpu.memory_space<semaphore_mem>>
          %dma_start3A_185 = arith.constant 0 : i32
          %dma_start3A_186 = arith.constant 0 : i32
          %dma_start3A_187 = tpu.memref_slice %arg7[%run_scoped3A_182, %dma_start3A_185, %dma_start3A_186] : memref<2x128x128xf32, #tpu.memory_space<vmem>> -> memref<1x128x128xf32, #tpu.memory_space<vmem>>
          %dma_start3A_188 = tpu.memref_squeeze %dma_start3A_187 : memref<1x128x128xf32, #tpu.memory_space<vmem>> -> memref<128x128xf32, #tpu.memory_space<vmem>>
          %dma_start3A_189 = arith.constant 0 : i32
          %dma_start3A_190 = tpu.memref_slice %arg6[%run_scoped3A_183, %dma_start3A_189] : memref<5x128xi32, #tpu.memory_space<vmem>> -> memref<1x128xi32, #tpu.memory_space<vmem>>
          %dma_start3A_191 = tpu.memref_squeeze %dma_start3A_190 : memref<1x128xi32, #tpu.memory_space<vmem>> -> memref<128xi32, #tpu.memory_space<vmem>>
          %dma_start3A_192 = arith.constant 0 : i32
          %dma_start3A_193 = arith.constant 0 : i32
          %dma_start3A_194 = tpu.memref_slice %arg9[%dma_start3A_192, %dma_start3A_193] : memref<10000x128xf32, #tpu.memory_space<vmem_shared>> -> memref<10000x128xf32, #tpu.memory_space<vmem_shared>>
          tpu.enqueue_indirect_dma source(%dma_start3A_188 : memref<128x128xf32, #tpu.memory_space<vmem>>) target(%dma_start3A_194 : memref<10000x128xf32, #tpu.memory_space<vmem_shared>>) offsets(%dma_start3A_191 : memref<128xi32, #tpu.memory_space<vmem>>) semaphore(%run_scoped3A_184 : memref<!tpu.dma_semaphore, #tpu.memory_space<semaphore_mem>>) {add = true}
          %dma_wait3A_195 = arith.constant 0 : i32
          %dma_wait3A_196 = arith.constant 0 : i32
          %dma_wait3A_197 = tpu.memref_slice %arg7[%run_scoped3A_182, %dma_wait3A_195, %dma_wait3A_196] : memref<2x128x128xf32, #tpu.memory_space<vmem>> -> memref<1x128x128xf32, #tpu.memory_space<vmem>>
          %dma_wait3A_198 = tpu.memref_squeeze %dma_wait3A_197 : memref<1x128x128xf32, #tpu.memory_space<vmem>> -> memref<128x128xf32, #tpu.memory_space<vmem>>
          %dma_wait3A_199 = arith.constant 0 : i32
          %dma_wait3A_200 = tpu.memref_slice %arg6[%run_scoped3A_183, %dma_wait3A_199] : memref<5x128xi32, #tpu.memory_space<vmem>> -> memref<1x128xi32, #tpu.memory_space<vmem>>
          %dma_wait3A_201 = tpu.memref_squeeze %dma_wait3A_200 : memref<1x128xi32, #tpu.memory_space<vmem>> -> memref<128xi32, #tpu.memory_space<vmem>>
          %dma_wait3A_202 = arith.constant 0 : i32
          %dma_wait3A_203 = arith.constant 0 : i32
          %dma_wait3A_204 = tpu.memref_slice %arg9[%dma_wait3A_202, %dma_wait3A_203] : memref<10000x128xf32, #tpu.memory_space<vmem_shared>> -> memref<10000x128xf32, #tpu.memory_space<vmem_shared>>
          tpu.wait_indirect_dma semaphore(%run_scoped3A_184 : memref<!tpu.dma_semaphore, #tpu.memory_space<semaphore_mem>>) src(%dma_wait3A_198 : memref<128x128xf32, #tpu.memory_space<vmem>>) dst(%dma_wait3A_204 : memref<10000x128xf32, #tpu.memory_space<vmem_shared>>)
          tpu.yield
        }) : () -> ()
      } else {
      }
    }
    %scan3A_8 = arith.constant 4 : i32
    %barrier3A_9 = arith.constant 0 : index
    tpu.barrier barrier_id(%barrier3A_9)
    %scan3A_10 = arith.constant 0 : i32
    %scan3A_11 = arith.constant 8 : i32
    %scan3A_12 = arith.addi %scan3A_10, %scan3A_11 : i32
    %scan3A_13 = arith.constant 1 : i32
    scf.for %scan3A_15 = %scan3A_10 to %scan3A_12 step %scan3A_13  : i32 {
      %mul3A = arith.constant 1 : i32
      %mul3A_16 = arith.muli %scan3A_15, %mul3A : i32
      %add3A = arith.constant 0 : i32
      %add3A_17 = arith.addi %add3A, %mul3A_16 : i32
      %mul3A_18 = arith.constant 16 : i32
      %mul3A_19 = arith.muli %mul3A_18, %add3A_17 : i32
      %add3A_20 = arith.addi %arg1, %mul3A_19 : i32
      %lt3A = arith.constant 125 : i32
      %lt3A_21 = arith.cmpi slt, %add3A_20, %lt3A : i32
      %convert_element_type3A = arith.extui %lt3A_21 : i1 to i32
      %cond3A = arith.constant 0 : i32
      %cond3A_22 = arith.cmpi ne, %convert_element_type3A, %cond3A : i32
      scf.if %cond3A_22 {
        %mul3A_23 = arith.constant 80 : i32
        %mul3A_24 = arith.muli %add3A_20, %mul3A_23 : i32
        %mul3A_25 = arith.constant 80 : i32
        %mul3A_26 = arith.muli %add3A_20, %mul3A_25 : i32
        "tpu.region"() ({
          %run_scoped3A = tpu.sem_alloc : memref<!tpu.dma_semaphore, #tpu.memory_space<semaphore_mem>>
          %dma_start3A = arith.constant 0 : i32
          %dma_start3A_27 = tpu.memref_slice %arg5[%arg0, %mul3A_26, %dma_start3A] : memref<2x10000x128xf32, #tpu.memory_space<hbm>> -> memref<1x80x128xf32, #tpu.memory_space<hbm>>
          %dma_start3A_28 = tpu.memref_squeeze %dma_start3A_27 : memref<1x80x128xf32, #tpu.memory_space<hbm>> -> memref<80x128xf32, #tpu.memory_space<hbm>>
          %dma_start3A_29 = arith.constant 0 : i32
          %dma_start3A_30 = tpu.memref_slice %arg9[%mul3A_24, %dma_start3A_29] : memref<10000x128xf32, #tpu.memory_space<vmem_shared>> -> memref<80x128xf32, #tpu.memory_space<vmem_shared>>
          tpu.enqueue_dma source(%dma_start3A_30 : memref<80x128xf32, #tpu.memory_space<vmem_shared>>) target(%dma_start3A_28 : memref<80x128xf32, #tpu.memory_space<hbm>>) target_semaphore(%run_scoped3A : memref<!tpu.dma_semaphore, #tpu.memory_space<semaphore_mem>>)
          %dma_wait3A = arith.constant 0 : i32
          %dma_wait3A_31 = tpu.memref_slice %arg5[%arg0, %mul3A_26, %dma_wait3A] : memref<2x10000x128xf32, #tpu.memory_space<hbm>> -> memref<1x80x128xf32, #tpu.memory_space<hbm>>
          %dma_wait3A_32 = tpu.memref_squeeze %dma_wait3A_31 : memref<1x80x128xf32, #tpu.memory_space<hbm>> -> memref<80x128xf32, #tpu.memory_space<hbm>>
          %dma_wait3A_33 = arith.constant 0 : i32
          %dma_wait3A_34 = tpu.memref_slice %arg9[%mul3A_24, %dma_wait3A_33] : memref<10000x128xf32, #tpu.memory_space<vmem_shared>> -> memref<80x128xf32, #tpu.memory_space<vmem_shared>>
          tpu.wait_dma2 semaphore(%run_scoped3A : memref<!tpu.dma_semaphore, #tpu.memory_space<semaphore_mem>>) src(%dma_wait3A_34 : memref<80x128xf32, #tpu.memory_space<vmem_shared>>) dst(%dma_wait3A_32 : memref<80x128xf32, #tpu.memory_space<hbm>>)
          tpu.yield
        }) : () -> ()
      } else {
      }
    }
    %scan3A_14 = arith.constant 8 : i32
    return
  }
}

#map = affine_map<(d0, d1) -> (0, 0)>
#map1 = affine_map<(d0, d1) -> (0, 0, 0, 0)>
module attributes {stable_mosaic.version = 14 : i64} {
  func.func @gather_kernel(%arg0: i32, %arg1: i32, %arg2: memref<10000x128xf32, #tpu.memory_space<hbm>>, %arg3: memref<10000x128xf32, #tpu.memory_space<hbm>>, %arg4: memref<2x250x5x128xi32, #tpu.memory_space<hbm>>, %arg5: memref<80000x128xf32, #tpu.memory_space<hbm>>, %arg6: memref<80000x128xf32, #tpu.memory_space<hbm>>, %arg7: memref<10000x128xf32, #tpu.memory_space<vmem_shared>>, %arg8: memref<5x128xi32, #tpu.memory_space<vmem>>, %arg9: memref<2x128x128xf32, #tpu.memory_space<vmem>>, %arg10: memref<!tpu.dma_semaphore, #tpu.memory_space<semaphore_mem>>, %arg11: memref<!tpu.dma_semaphore, #tpu.memory_space<semaphore_mem>>) attributes {dimension_semantics = [#tpu.dimension_semantics<core_parallel>, #tpu.dimension_semantics<subcore_parallel>], iteration_bounds = array<i64: 2, 16>, scalar_prefetch = 0 : i64, scratch_operands = 5 : i64, tpu.core_type = #tpu.core_type<sc_vector_subcore>, window_params = [{transform_indices = #map}, {transform_indices = #map}, {transform_indices = #map1}, {transform_indices = #map}, {transform_indices = #map}]} {
    %scan3A = arith.constant 0 : i32
    %scan3A_0 = arith.constant 8 : i32
    %scan3A_1 = arith.addi %scan3A, %scan3A_0 : i32
    %scan3A_2 = arith.constant 1 : i32
    scf.for %scan3A_9 = %scan3A to %scan3A_1 step %scan3A_2  : i32 {
      %mul3A = arith.constant 1 : i32
      %mul3A_10 = arith.muli %scan3A_9, %mul3A : i32
      %add3A = arith.constant 0 : i32
      %add3A_11 = arith.addi %add3A, %mul3A_10 : i32
      %mul3A_12 = arith.constant 16 : i32
      %mul3A_13 = arith.muli %mul3A_12, %add3A_11 : i32
      %add3A_14 = arith.addi %arg1, %mul3A_13 : i32
      %lt3A = arith.constant 125 : i32
      %lt3A_15 = arith.cmpi slt, %add3A_14, %lt3A : i32
      %convert_element_type3A = arith.extui %lt3A_15 : i1 to i32
      %cond3A = arith.constant 0 : i32
      %cond3A_16 = arith.cmpi ne, %convert_element_type3A, %cond3A : i32
      scf.if %cond3A_16 {
        %mul3A_17 = arith.constant 80 : i32
        %mul3A_18 = arith.muli %add3A_14, %mul3A_17 : i32
        %eq3A = arith.constant 0 : i32
        %eq3A_19 = arith.cmpi eq, %arg0, %eq3A : i32
        %convert_element_type3A_20 = arith.extui %eq3A_19 : i1 to i32
        %cond3A_21 = arith.constant 0 : i32
        %cond3A_22 = arith.cmpi ne, %convert_element_type3A_20, %cond3A_21 : i32
        scf.if %cond3A_22 {
          "tpu.region"() ({
            %run_scoped3A = tpu.sem_alloc : memref<!tpu.dma_semaphore, #tpu.memory_space<semaphore_mem>>
            %dma_start3A = arith.constant 0 : i32
            %dma_start3A_28 = tpu.memref_slice %arg7[%mul3A_18, %dma_start3A] : memref<10000x128xf32, #tpu.memory_space<vmem_shared>> -> memref<80x128xf32, #tpu.memory_space<vmem_shared>>
            %dma_start3A_29 = arith.constant 0 : i32
            %dma_start3A_30 = tpu.memref_slice %arg2[%mul3A_18, %dma_start3A_29] : memref<10000x128xf32, #tpu.memory_space<hbm>> -> memref<80x128xf32, #tpu.memory_space<hbm>>
            tpu.enqueue_dma source(%dma_start3A_30 : memref<80x128xf32, #tpu.memory_space<hbm>>) target(%dma_start3A_28 : memref<80x128xf32, #tpu.memory_space<vmem_shared>>) target_semaphore(%run_scoped3A : memref<!tpu.dma_semaphore, #tpu.memory_space<semaphore_mem>>)
            %dma_wait3A = arith.constant 0 : i32
            %dma_wait3A_31 = tpu.memref_slice %arg7[%mul3A_18, %dma_wait3A] : memref<10000x128xf32, #tpu.memory_space<vmem_shared>> -> memref<80x128xf32, #tpu.memory_space<vmem_shared>>
            %dma_wait3A_32 = arith.constant 0 : i32
            %dma_wait3A_33 = tpu.memref_slice %arg2[%mul3A_18, %dma_wait3A_32] : memref<10000x128xf32, #tpu.memory_space<hbm>> -> memref<80x128xf32, #tpu.memory_space<hbm>>
            tpu.wait_dma2 semaphore(%run_scoped3A : memref<!tpu.dma_semaphore, #tpu.memory_space<semaphore_mem>>) src(%dma_wait3A_33 : memref<80x128xf32, #tpu.memory_space<hbm>>) dst(%dma_wait3A_31 : memref<80x128xf32, #tpu.memory_space<vmem_shared>>)
            tpu.yield
          }) : () -> ()
        } else {
        }
        %eq3A_23 = arith.constant 1 : i32
        %eq3A_24 = arith.cmpi eq, %arg0, %eq3A_23 : i32
        %convert_element_type3A_25 = arith.extui %eq3A_24 : i1 to i32
        %cond3A_26 = arith.constant 0 : i32
        %cond3A_27 = arith.cmpi ne, %convert_element_type3A_25, %cond3A_26 : i32
        scf.if %cond3A_27 {
          "tpu.region"() ({
            %run_scoped3A = tpu.sem_alloc : memref<!tpu.dma_semaphore, #tpu.memory_space<semaphore_mem>>
            %dma_start3A = arith.constant 0 : i32
            %dma_start3A_28 = tpu.memref_slice %arg7[%mul3A_18, %dma_start3A] : memref<10000x128xf32, #tpu.memory_space<vmem_shared>> -> memref<80x128xf32, #tpu.memory_space<vmem_shared>>
            %dma_start3A_29 = arith.constant 0 : i32
            %dma_start3A_30 = tpu.memref_slice %arg3[%mul3A_18, %dma_start3A_29] : memref<10000x128xf32, #tpu.memory_space<hbm>> -> memref<80x128xf32, #tpu.memory_space<hbm>>
            tpu.enqueue_dma source(%dma_start3A_30 : memref<80x128xf32, #tpu.memory_space<hbm>>) target(%dma_start3A_28 : memref<80x128xf32, #tpu.memory_space<vmem_shared>>) target_semaphore(%run_scoped3A : memref<!tpu.dma_semaphore, #tpu.memory_space<semaphore_mem>>)
            %dma_wait3A = arith.constant 0 : i32
            %dma_wait3A_31 = tpu.memref_slice %arg7[%mul3A_18, %dma_wait3A] : memref<10000x128xf32, #tpu.memory_space<vmem_shared>> -> memref<80x128xf32, #tpu.memory_space<vmem_shared>>
            %dma_wait3A_32 = arith.constant 0 : i32
            %dma_wait3A_33 = tpu.memref_slice %arg3[%mul3A_18, %dma_wait3A_32] : memref<10000x128xf32, #tpu.memory_space<hbm>> -> memref<80x128xf32, #tpu.memory_space<hbm>>
            tpu.wait_dma2 semaphore(%run_scoped3A : memref<!tpu.dma_semaphore, #tpu.memory_space<semaphore_mem>>) src(%dma_wait3A_33 : memref<80x128xf32, #tpu.memory_space<hbm>>) dst(%dma_wait3A_31 : memref<80x128xf32, #tpu.memory_space<vmem_shared>>)
            tpu.yield
          }) : () -> ()
        } else {
        }
      } else {
      }
    }
    %scan3A_3 = arith.constant 8 : i32
    %barrier3A = arith.constant 0 : index
    tpu.barrier barrier_id(%barrier3A)
    %scan3A_4 = arith.constant 0 : i32
    %scan3A_5 = arith.constant 8 : i32
    %scan3A_6 = arith.addi %scan3A_4, %scan3A_5 : i32
    %scan3A_7 = arith.constant 1 : i32
    scf.for %scan3A_9 = %scan3A_4 to %scan3A_6 step %scan3A_7  : i32 {
      %mul3A = arith.constant 1 : i32
      %mul3A_10 = arith.muli %scan3A_9, %mul3A : i32
      %add3A = arith.constant 0 : i32
      %add3A_11 = arith.addi %add3A, %mul3A_10 : i32
      %mul3A_12 = arith.constant 16 : i32
      %mul3A_13 = arith.muli %mul3A_12, %add3A_11 : i32
      %add3A_14 = arith.addi %arg1, %mul3A_13 : i32
      %lt3A = arith.constant 125 : i32
      %lt3A_15 = arith.cmpi slt, %add3A_14, %lt3A : i32
      %convert_element_type3A = arith.extui %lt3A_15 : i1 to i32
      %cond3A = arith.constant 0 : i32
      %cond3A_16 = arith.cmpi ne, %convert_element_type3A, %cond3A : i32
      scf.if %cond3A_16 {
        %eq3A = arith.constant 0 : i32
        %eq3A_17 = arith.cmpi eq, %arg0, %eq3A : i32
        %convert_element_type3A_18 = arith.extui %eq3A_17 : i1 to i32
        %cond3A_19 = arith.constant 0 : i32
        %cond3A_20 = arith.cmpi ne, %convert_element_type3A_18, %cond3A_19 : i32
        scf.if %cond3A_20 {
          %add3A_26 = arith.constant 0 : i32
          %add3A_27 = arith.addi %add3A_26, %add3A_14 : i32
          %run_scoped3A = arith.constant 0 : i32
          "tpu.region"() ({
            %run_scoped3A_296 = tpu.sem_alloc : memref<!tpu.dma_semaphore, #tpu.memory_space<semaphore_mem>>
            %dma_start3A_297 = arith.constant 0 : i32
            %dma_start3A_298 = arith.constant 0 : i32
            %dma_start3A_299 = tpu.memref_slice %arg4[%run_scoped3A, %add3A_27, %dma_start3A_297, %dma_start3A_298] : memref<2x250x5x128xi32, #tpu.memory_space<hbm>> -> memref<1x1x5x128xi32, #tpu.memory_space<hbm>>
            %dma_start3A_300 = tpu.memref_squeeze %dma_start3A_299 : memref<1x1x5x128xi32, #tpu.memory_space<hbm>> -> memref<5x128xi32, #tpu.memory_space<hbm>>
            %dma_start3A_301 = arith.constant 0 : i32
            %dma_start3A_302 = arith.constant 0 : i32
            %dma_start3A_303 = tpu.memref_slice %arg4[%run_scoped3A, %add3A_27, %dma_start3A_301, %dma_start3A_302] : memref<2x250x5x128xi32, #tpu.memory_space<hbm>> -> memref<1x1x5x128xi32, #tpu.memory_space<hbm>>
            %dma_start3A_304 = tpu.memref_squeeze %dma_start3A_303 : memref<1x1x5x128xi32, #tpu.memory_space<hbm>> -> memref<5x128xi32, #tpu.memory_space<hbm>>
            tpu.enqueue_dma source(%dma_start3A_304 : memref<5x128xi32, #tpu.memory_space<hbm>>) target(%arg8 : memref<5x128xi32, #tpu.memory_space<vmem>>) target_semaphore(%run_scoped3A_296 : memref<!tpu.dma_semaphore, #tpu.memory_space<semaphore_mem>>)
            %dma_wait3A_305 = arith.constant 0 : i32
            %dma_wait3A_306 = arith.constant 0 : i32
            %dma_wait3A_307 = tpu.memref_slice %arg4[%run_scoped3A, %add3A_27, %dma_wait3A_305, %dma_wait3A_306] : memref<2x250x5x128xi32, #tpu.memory_space<hbm>> -> memref<1x1x5x128xi32, #tpu.memory_space<hbm>>
            %dma_wait3A_308 = tpu.memref_squeeze %dma_wait3A_307 : memref<1x1x5x128xi32, #tpu.memory_space<hbm>> -> memref<5x128xi32, #tpu.memory_space<hbm>>
            %dma_wait3A_309 = arith.constant 0 : i32
            %dma_wait3A_310 = arith.constant 0 : i32
            %dma_wait3A_311 = tpu.memref_slice %arg4[%run_scoped3A, %add3A_27, %dma_wait3A_309, %dma_wait3A_310] : memref<2x250x5x128xi32, #tpu.memory_space<hbm>> -> memref<1x1x5x128xi32, #tpu.memory_space<hbm>>
            %dma_wait3A_312 = tpu.memref_squeeze %dma_wait3A_311 : memref<1x1x5x128xi32, #tpu.memory_space<hbm>> -> memref<5x128xi32, #tpu.memory_space<hbm>>
            tpu.wait_dma2 semaphore(%run_scoped3A_296 : memref<!tpu.dma_semaphore, #tpu.memory_space<semaphore_mem>>) src(%dma_wait3A_312 : memref<5x128xi32, #tpu.memory_space<hbm>>) dst(%arg8 : memref<5x128xi32, #tpu.memory_space<vmem>>)
            tpu.yield
          }) : () -> ()
          %dma_start3A = arith.constant 0 : i32
          %dma_start3A_28 = arith.constant 0 : i32
          %dma_start3A_29 = arith.constant 0 : i32
          %dma_start3A_30 = arith.constant 0 : i32
          %dma_start3A_31 = tpu.memref_slice %arg9[%dma_start3A_28, %dma_start3A_29, %dma_start3A_30] : memref<2x128x128xf32, #tpu.memory_space<vmem>> -> memref<1x128x128xf32, #tpu.memory_space<vmem>>
          %dma_start3A_32 = tpu.memref_squeeze %dma_start3A_31 : memref<1x128x128xf32, #tpu.memory_space<vmem>> -> memref<128x128xf32, #tpu.memory_space<vmem>>
          %dma_start3A_33 = arith.constant 0 : i32
          %dma_start3A_34 = tpu.memref_slice %arg8[%dma_start3A, %dma_start3A_33] : memref<5x128xi32, #tpu.memory_space<vmem>> -> memref<1x128xi32, #tpu.memory_space<vmem>>
          %dma_start3A_35 = tpu.memref_squeeze %dma_start3A_34 : memref<1x128xi32, #tpu.memory_space<vmem>> -> memref<128xi32, #tpu.memory_space<vmem>>
          %dma_start3A_36 = arith.constant 0 : i32
          %dma_start3A_37 = arith.constant 0 : i32
          %dma_start3A_38 = tpu.memref_slice %arg7[%dma_start3A_36, %dma_start3A_37] : memref<10000x128xf32, #tpu.memory_space<vmem_shared>> -> memref<10000x128xf32, #tpu.memory_space<vmem_shared>>
          tpu.enqueue_indirect_dma source(%dma_start3A_38 : memref<10000x128xf32, #tpu.memory_space<vmem_shared>>) target(%dma_start3A_32 : memref<128x128xf32, #tpu.memory_space<vmem>>) offsets(%dma_start3A_35 : memref<128xi32, #tpu.memory_space<vmem>>) semaphore(%arg10 : memref<!tpu.dma_semaphore, #tpu.memory_space<semaphore_mem>>)
          %dma_wait3A = arith.constant 0 : i32
          %dma_wait3A_39 = arith.constant 0 : i32
          %dma_wait3A_40 = arith.constant 0 : i32
          %dma_wait3A_41 = arith.constant 0 : i32
          %dma_wait3A_42 = tpu.memref_slice %arg9[%dma_wait3A_39, %dma_wait3A_40, %dma_wait3A_41] : memref<2x128x128xf32, #tpu.memory_space<vmem>> -> memref<1x128x128xf32, #tpu.memory_space<vmem>>
          %dma_wait3A_43 = tpu.memref_squeeze %dma_wait3A_42 : memref<1x128x128xf32, #tpu.memory_space<vmem>> -> memref<128x128xf32, #tpu.memory_space<vmem>>
          %dma_wait3A_44 = arith.constant 0 : i32
          %dma_wait3A_45 = tpu.memref_slice %arg8[%dma_wait3A, %dma_wait3A_44] : memref<5x128xi32, #tpu.memory_space<vmem>> -> memref<1x128xi32, #tpu.memory_space<vmem>>
          %dma_wait3A_46 = tpu.memref_squeeze %dma_wait3A_45 : memref<1x128xi32, #tpu.memory_space<vmem>> -> memref<128xi32, #tpu.memory_space<vmem>>
          %dma_wait3A_47 = arith.constant 0 : i32
          %dma_wait3A_48 = arith.constant 0 : i32
          %dma_wait3A_49 = tpu.memref_slice %arg7[%dma_wait3A_47, %dma_wait3A_48] : memref<10000x128xf32, #tpu.memory_space<vmem_shared>> -> memref<10000x128xf32, #tpu.memory_space<vmem_shared>>
          tpu.wait_indirect_dma semaphore(%arg10 : memref<!tpu.dma_semaphore, #tpu.memory_space<semaphore_mem>>) src(%dma_wait3A_49 : memref<10000x128xf32, #tpu.memory_space<vmem_shared>>) dst(%dma_wait3A_43 : memref<128x128xf32, #tpu.memory_space<vmem>>)
          %mul3A_50 = arith.constant 640 : i32
          %mul3A_51 = arith.muli %add3A_14, %mul3A_50 : i32
          %add3A_52 = arith.constant 0 : i32
          %add3A_53 = arith.addi %mul3A_51, %add3A_52 : i32
          %dma_start3A_54 = arith.constant 0 : i32
          %dma_start3A_55 = arith.constant 0 : i32
          %dma_start3A_56 = arith.constant 0 : i32
          %dma_start3A_57 = tpu.memref_slice %arg9[%dma_start3A_54, %dma_start3A_55, %dma_start3A_56] : memref<2x128x128xf32, #tpu.memory_space<vmem>> -> memref<1x128x128xf32, #tpu.memory_space<vmem>>
          %dma_start3A_58 = tpu.memref_squeeze %dma_start3A_57 : memref<1x128x128xf32, #tpu.memory_space<vmem>> -> memref<128x128xf32, #tpu.memory_space<vmem>>
          %dma_start3A_59 = arith.constant 0 : i32
          %dma_start3A_60 = tpu.memref_slice %arg5[%add3A_53, %dma_start3A_59] : memref<80000x128xf32, #tpu.memory_space<hbm>> -> memref<128x128xf32, #tpu.memory_space<hbm>>
          %dma_start3A_61 = arith.constant 0 : i32
          %dma_start3A_62 = tpu.memref_slice %arg5[%add3A_53, %dma_start3A_61] : memref<80000x128xf32, #tpu.memory_space<hbm>> -> memref<128x128xf32, #tpu.memory_space<hbm>>
          %dma_start3A_63 = arith.constant 0 : i32
          %dma_start3A_64 = arith.constant 0 : i32
          %dma_start3A_65 = tpu.memref_slice %arg9[%dma_start3A_54, %dma_start3A_63, %dma_start3A_64] : memref<2x128x128xf32, #tpu.memory_space<vmem>> -> memref<1x128x128xf32, #tpu.memory_space<vmem>>
          %dma_start3A_66 = tpu.memref_squeeze %dma_start3A_65 : memref<1x128x128xf32, #tpu.memory_space<vmem>> -> memref<128x128xf32, #tpu.memory_space<vmem>>
          tpu.enqueue_dma source(%dma_start3A_66 : memref<128x128xf32, #tpu.memory_space<vmem>>) target(%dma_start3A_62 : memref<128x128xf32, #tpu.memory_space<hbm>>) target_semaphore(%arg11 : memref<!tpu.dma_semaphore, #tpu.memory_space<semaphore_mem>>)
          %dma_start3A_67 = arith.constant 1 : i32
          %dma_start3A_68 = arith.constant 1 : i32
          %dma_start3A_69 = arith.constant 0 : i32
          %dma_start3A_70 = arith.constant 0 : i32
          %dma_start3A_71 = tpu.memref_slice %arg9[%dma_start3A_68, %dma_start3A_69, %dma_start3A_70] : memref<2x128x128xf32, #tpu.memory_space<vmem>> -> memref<1x128x128xf32, #tpu.memory_space<vmem>>
          %dma_start3A_72 = tpu.memref_squeeze %dma_start3A_71 : memref<1x128x128xf32, #tpu.memory_space<vmem>> -> memref<128x128xf32, #tpu.memory_space<vmem>>
          %dma_start3A_73 = arith.constant 0 : i32
          %dma_start3A_74 = tpu.memref_slice %arg8[%dma_start3A_67, %dma_start3A_73] : memref<5x128xi32, #tpu.memory_space<vmem>> -> memref<1x128xi32, #tpu.memory_space<vmem>>
          %dma_start3A_75 = tpu.memref_squeeze %dma_start3A_74 : memref<1x128xi32, #tpu.memory_space<vmem>> -> memref<128xi32, #tpu.memory_space<vmem>>
          %dma_start3A_76 = arith.constant 0 : i32
          %dma_start3A_77 = arith.constant 0 : i32
          %dma_start3A_78 = tpu.memref_slice %arg7[%dma_start3A_76, %dma_start3A_77] : memref<10000x128xf32, #tpu.memory_space<vmem_shared>> -> memref<10000x128xf32, #tpu.memory_space<vmem_shared>>
          tpu.enqueue_indirect_dma source(%dma_start3A_78 : memref<10000x128xf32, #tpu.memory_space<vmem_shared>>) target(%dma_start3A_72 : memref<128x128xf32, #tpu.memory_space<vmem>>) offsets(%dma_start3A_75 : memref<128xi32, #tpu.memory_space<vmem>>) semaphore(%arg10 : memref<!tpu.dma_semaphore, #tpu.memory_space<semaphore_mem>>)
          %dma_wait3A_79 = arith.constant 1 : i32
          %dma_wait3A_80 = arith.constant 1 : i32
          %dma_wait3A_81 = arith.constant 0 : i32
          %dma_wait3A_82 = arith.constant 0 : i32
          %dma_wait3A_83 = tpu.memref_slice %arg9[%dma_wait3A_80, %dma_wait3A_81, %dma_wait3A_82] : memref<2x128x128xf32, #tpu.memory_space<vmem>> -> memref<1x128x128xf32, #tpu.memory_space<vmem>>
          %dma_wait3A_84 = tpu.memref_squeeze %dma_wait3A_83 : memref<1x128x128xf32, #tpu.memory_space<vmem>> -> memref<128x128xf32, #tpu.memory_space<vmem>>
          %dma_wait3A_85 = arith.constant 0 : i32
          %dma_wait3A_86 = tpu.memref_slice %arg8[%dma_wait3A_79, %dma_wait3A_85] : memref<5x128xi32, #tpu.memory_space<vmem>> -> memref<1x128xi32, #tpu.memory_space<vmem>>
          %dma_wait3A_87 = tpu.memref_squeeze %dma_wait3A_86 : memref<1x128xi32, #tpu.memory_space<vmem>> -> memref<128xi32, #tpu.memory_space<vmem>>
          %dma_wait3A_88 = arith.constant 0 : i32
          %dma_wait3A_89 = arith.constant 0 : i32
          %dma_wait3A_90 = tpu.memref_slice %arg7[%dma_wait3A_88, %dma_wait3A_89] : memref<10000x128xf32, #tpu.memory_space<vmem_shared>> -> memref<10000x128xf32, #tpu.memory_space<vmem_shared>>
          tpu.wait_indirect_dma semaphore(%arg10 : memref<!tpu.dma_semaphore, #tpu.memory_space<semaphore_mem>>) src(%dma_wait3A_90 : memref<10000x128xf32, #tpu.memory_space<vmem_shared>>) dst(%dma_wait3A_84 : memref<128x128xf32, #tpu.memory_space<vmem>>)
          %mul3A_91 = arith.constant 640 : i32
          %mul3A_92 = arith.muli %add3A_14, %mul3A_91 : i32
          %add3A_93 = arith.constant 128 : i32
          %add3A_94 = arith.addi %mul3A_92, %add3A_93 : i32
          %dma_start3A_95 = arith.constant 1 : i32
          %dma_start3A_96 = arith.constant 0 : i32
          %dma_start3A_97 = arith.constant 0 : i32
          %dma_start3A_98 = tpu.memref_slice %arg9[%dma_start3A_95, %dma_start3A_96, %dma_start3A_97] : memref<2x128x128xf32, #tpu.memory_space<vmem>> -> memref<1x128x128xf32, #tpu.memory_space<vmem>>
          %dma_start3A_99 = tpu.memref_squeeze %dma_start3A_98 : memref<1x128x128xf32, #tpu.memory_space<vmem>> -> memref<128x128xf32, #tpu.memory_space<vmem>>
          %dma_start3A_100 = arith.constant 0 : i32
          %dma_start3A_101 = tpu.memref_slice %arg5[%add3A_94, %dma_start3A_100] : memref<80000x128xf32, #tpu.memory_space<hbm>> -> memref<128x128xf32, #tpu.memory_space<hbm>>
          %dma_start3A_102 = arith.constant 0 : i32
          %dma_start3A_103 = tpu.memref_slice %arg5[%add3A_94, %dma_start3A_102] : memref<80000x128xf32, #tpu.memory_space<hbm>> -> memref<128x128xf32, #tpu.memory_space<hbm>>
          %dma_start3A_104 = arith.constant 0 : i32
          %dma_start3A_105 = arith.constant 0 : i32
          %dma_start3A_106 = tpu.memref_slice %arg9[%dma_start3A_95, %dma_start3A_104, %dma_start3A_105] : memref<2x128x128xf32, #tpu.memory_space<vmem>> -> memref<1x128x128xf32, #tpu.memory_space<vmem>>
          %dma_start3A_107 = tpu.memref_squeeze %dma_start3A_106 : memref<1x128x128xf32, #tpu.memory_space<vmem>> -> memref<128x128xf32, #tpu.memory_space<vmem>>
          tpu.enqueue_dma source(%dma_start3A_107 : memref<128x128xf32, #tpu.memory_space<vmem>>) target(%dma_start3A_103 : memref<128x128xf32, #tpu.memory_space<hbm>>) target_semaphore(%arg11 : memref<!tpu.dma_semaphore, #tpu.memory_space<semaphore_mem>>)
          %dma_wait3A_108 = arith.constant 0 : i32
          %dma_wait3A_109 = arith.constant 0 : i32
          %dma_wait3A_110 = arith.constant 0 : i32
          %dma_wait3A_111 = tpu.memref_slice %arg9[%dma_wait3A_108, %dma_wait3A_109, %dma_wait3A_110] : memref<2x128x128xf32, #tpu.memory_space<vmem>> -> memref<1x128x128xf32, #tpu.memory_space<vmem>>
          %dma_wait3A_112 = tpu.memref_squeeze %dma_wait3A_111 : memref<1x128x128xf32, #tpu.memory_space<vmem>> -> memref<128x128xf32, #tpu.memory_space<vmem>>
          %dma_wait3A_113 = arith.constant 0 : i32
          %dma_wait3A_114 = tpu.memref_slice %arg5[%add3A_53, %dma_wait3A_113] : memref<80000x128xf32, #tpu.memory_space<hbm>> -> memref<128x128xf32, #tpu.memory_space<hbm>>
          %dma_wait3A_115 = arith.constant 0 : i32
          %dma_wait3A_116 = tpu.memref_slice %arg5[%add3A_53, %dma_wait3A_115] : memref<80000x128xf32, #tpu.memory_space<hbm>> -> memref<128x128xf32, #tpu.memory_space<hbm>>
          %dma_wait3A_117 = arith.constant 0 : i32
          %dma_wait3A_118 = arith.constant 0 : i32
          %dma_wait3A_119 = tpu.memref_slice %arg9[%dma_wait3A_108, %dma_wait3A_117, %dma_wait3A_118] : memref<2x128x128xf32, #tpu.memory_space<vmem>> -> memref<1x128x128xf32, #tpu.memory_space<vmem>>
          %dma_wait3A_120 = tpu.memref_squeeze %dma_wait3A_119 : memref<1x128x128xf32, #tpu.memory_space<vmem>> -> memref<128x128xf32, #tpu.memory_space<vmem>>
          tpu.wait_dma2 semaphore(%arg11 : memref<!tpu.dma_semaphore, #tpu.memory_space<semaphore_mem>>) src(%dma_wait3A_120 : memref<128x128xf32, #tpu.memory_space<vmem>>) dst(%dma_wait3A_116 : memref<128x128xf32, #tpu.memory_space<hbm>>)
          %dma_start3A_121 = arith.constant 2 : i32
          %dma_start3A_122 = arith.constant 0 : i32
          %dma_start3A_123 = arith.constant 0 : i32
          %dma_start3A_124 = arith.constant 0 : i32
          %dma_start3A_125 = tpu.memref_slice %arg9[%dma_start3A_122, %dma_start3A_123, %dma_start3A_124] : memref<2x128x128xf32, #tpu.memory_space<vmem>> -> memref<1x128x128xf32, #tpu.memory_space<vmem>>
          %dma_start3A_126 = tpu.memref_squeeze %dma_start3A_125 : memref<1x128x128xf32, #tpu.memory_space<vmem>> -> memref<128x128xf32, #tpu.memory_space<vmem>>
          %dma_start3A_127 = arith.constant 0 : i32
          %dma_start3A_128 = tpu.memref_slice %arg8[%dma_start3A_121, %dma_start3A_127] : memref<5x128xi32, #tpu.memory_space<vmem>> -> memref<1x128xi32, #tpu.memory_space<vmem>>
          %dma_start3A_129 = tpu.memref_squeeze %dma_start3A_128 : memref<1x128xi32, #tpu.memory_space<vmem>> -> memref<128xi32, #tpu.memory_space<vmem>>
          %dma_start3A_130 = arith.constant 0 : i32
          %dma_start3A_131 = arith.constant 0 : i32
          %dma_start3A_132 = tpu.memref_slice %arg7[%dma_start3A_130, %dma_start3A_131] : memref<10000x128xf32, #tpu.memory_space<vmem_shared>> -> memref<10000x128xf32, #tpu.memory_space<vmem_shared>>
          tpu.enqueue_indirect_dma source(%dma_start3A_132 : memref<10000x128xf32, #tpu.memory_space<vmem_shared>>) target(%dma_start3A_126 : memref<128x128xf32, #tpu.memory_space<vmem>>) offsets(%dma_start3A_129 : memref<128xi32, #tpu.memory_space<vmem>>) semaphore(%arg10 : memref<!tpu.dma_semaphore, #tpu.memory_space<semaphore_mem>>)
          %dma_wait3A_133 = arith.constant 2 : i32
          %dma_wait3A_134 = arith.constant 0 : i32
          %dma_wait3A_135 = arith.constant 0 : i32
          %dma_wait3A_136 = arith.constant 0 : i32
          %dma_wait3A_137 = tpu.memref_slice %arg9[%dma_wait3A_134, %dma_wait3A_135, %dma_wait3A_136] : memref<2x128x128xf32, #tpu.memory_space<vmem>> -> memref<1x128x128xf32, #tpu.memory_space<vmem>>
          %dma_wait3A_138 = tpu.memref_squeeze %dma_wait3A_137 : memref<1x128x128xf32, #tpu.memory_space<vmem>> -> memref<128x128xf32, #tpu.memory_space<vmem>>
          %dma_wait3A_139 = arith.constant 0 : i32
          %dma_wait3A_140 = tpu.memref_slice %arg8[%dma_wait3A_133, %dma_wait3A_139] : memref<5x128xi32, #tpu.memory_space<vmem>> -> memref<1x128xi32, #tpu.memory_space<vmem>>
          %dma_wait3A_141 = tpu.memref_squeeze %dma_wait3A_140 : memref<1x128xi32, #tpu.memory_space<vmem>> -> memref<128xi32, #tpu.memory_space<vmem>>
          %dma_wait3A_142 = arith.constant 0 : i32
          %dma_wait3A_143 = arith.constant 0 : i32
          %dma_wait3A_144 = tpu.memref_slice %arg7[%dma_wait3A_142, %dma_wait3A_143] : memref<10000x128xf32, #tpu.memory_space<vmem_shared>> -> memref<10000x128xf32, #tpu.memory_space<vmem_shared>>
          tpu.wait_indirect_dma semaphore(%arg10 : memref<!tpu.dma_semaphore, #tpu.memory_space<semaphore_mem>>) src(%dma_wait3A_144 : memref<10000x128xf32, #tpu.memory_space<vmem_shared>>) dst(%dma_wait3A_138 : memref<128x128xf32, #tpu.memory_space<vmem>>)
          %mul3A_145 = arith.constant 640 : i32
          %mul3A_146 = arith.muli %add3A_14, %mul3A_145 : i32
          %add3A_147 = arith.constant 256 : i32
          %add3A_148 = arith.addi %mul3A_146, %add3A_147 : i32
          %dma_start3A_149 = arith.constant 0 : i32
          %dma_start3A_150 = arith.constant 0 : i32
          %dma_start3A_151 = arith.constant 0 : i32
          %dma_start3A_152 = tpu.memref_slice %arg9[%dma_start3A_149, %dma_start3A_150, %dma_start3A_151] : memref<2x128x128xf32, #tpu.memory_space<vmem>> -> memref<1x128x128xf32, #tpu.memory_space<vmem>>
          %dma_start3A_153 = tpu.memref_squeeze %dma_start3A_152 : memref<1x128x128xf32, #tpu.memory_space<vmem>> -> memref<128x128xf32, #tpu.memory_space<vmem>>
          %dma_start3A_154 = arith.constant 0 : i32
          %dma_start3A_155 = tpu.memref_slice %arg5[%add3A_148, %dma_start3A_154] : memref<80000x128xf32, #tpu.memory_space<hbm>> -> memref<128x128xf32, #tpu.memory_space<hbm>>
          %dma_start3A_156 = arith.constant 0 : i32
          %dma_start3A_157 = tpu.memref_slice %arg5[%add3A_148, %dma_start3A_156] : memref<80000x128xf32, #tpu.memory_space<hbm>> -> memref<128x128xf32, #tpu.memory_space<hbm>>
          %dma_start3A_158 = arith.constant 0 : i32
          %dma_start3A_159 = arith.constant 0 : i32
          %dma_start3A_160 = tpu.memref_slice %arg9[%dma_start3A_149, %dma_start3A_158, %dma_start3A_159] : memref<2x128x128xf32, #tpu.memory_space<vmem>> -> memref<1x128x128xf32, #tpu.memory_space<vmem>>
          %dma_start3A_161 = tpu.memref_squeeze %dma_start3A_160 : memref<1x128x128xf32, #tpu.memory_space<vmem>> -> memref<128x128xf32, #tpu.memory_space<vmem>>
          tpu.enqueue_dma source(%dma_start3A_161 : memref<128x128xf32, #tpu.memory_space<vmem>>) target(%dma_start3A_157 : memref<128x128xf32, #tpu.memory_space<hbm>>) target_semaphore(%arg11 : memref<!tpu.dma_semaphore, #tpu.memory_space<semaphore_mem>>)
          %dma_wait3A_162 = arith.constant 1 : i32
          %dma_wait3A_163 = arith.constant 0 : i32
          %dma_wait3A_164 = arith.constant 0 : i32
          %dma_wait3A_165 = tpu.memref_slice %arg9[%dma_wait3A_162, %dma_wait3A_163, %dma_wait3A_164] : memref<2x128x128xf32, #tpu.memory_space<vmem>> -> memref<1x128x128xf32, #tpu.memory_space<vmem>>
          %dma_wait3A_166 = tpu.memref_squeeze %dma_wait3A_165 : memref<1x128x128xf32, #tpu.memory_space<vmem>> -> memref<128x128xf32, #tpu.memory_space<vmem>>
          %dma_wait3A_167 = arith.constant 0 : i32
          %dma_wait3A_168 = tpu.memref_slice %arg5[%add3A_94, %dma_wait3A_167] : memref<80000x128xf32, #tpu.memory_space<hbm>> -> memref<128x128xf32, #tpu.memory_space<hbm>>
          %dma_wait3A_169 = arith.constant 0 : i32
          %dma_wait3A_170 = tpu.memref_slice %arg5[%add3A_94, %dma_wait3A_169] : memref<80000x128xf32, #tpu.memory_space<hbm>> -> memref<128x128xf32, #tpu.memory_space<hbm>>
          %dma_wait3A_171 = arith.constant 0 : i32
          %dma_wait3A_172 = arith.constant 0 : i32
          %dma_wait3A_173 = tpu.memref_slice %arg9[%dma_wait3A_162, %dma_wait3A_171, %dma_wait3A_172] : memref<2x128x128xf32, #tpu.memory_space<vmem>> -> memref<1x128x128xf32, #tpu.memory_space<vmem>>
          %dma_wait3A_174 = tpu.memref_squeeze %dma_wait3A_173 : memref<1x128x128xf32, #tpu.memory_space<vmem>> -> memref<128x128xf32, #tpu.memory_space<vmem>>
          tpu.wait_dma2 semaphore(%arg11 : memref<!tpu.dma_semaphore, #tpu.memory_space<semaphore_mem>>) src(%dma_wait3A_174 : memref<128x128xf32, #tpu.memory_space<vmem>>) dst(%dma_wait3A_170 : memref<128x128xf32, #tpu.memory_space<hbm>>)
          %dma_start3A_175 = arith.constant 3 : i32
          %dma_start3A_176 = arith.constant 1 : i32
          %dma_start3A_177 = arith.constant 0 : i32
          %dma_start3A_178 = arith.constant 0 : i32
          %dma_start3A_179 = tpu.memref_slice %arg9[%dma_start3A_176, %dma_start3A_177, %dma_start3A_178] : memref<2x128x128xf32, #tpu.memory_space<vmem>> -> memref<1x128x128xf32, #tpu.memory_space<vmem>>
          %dma_start3A_180 = tpu.memref_squeeze %dma_start3A_179 : memref<1x128x128xf32, #tpu.memory_space<vmem>> -> memref<128x128xf32, #tpu.memory_space<vmem>>
          %dma_start3A_181 = arith.constant 0 : i32
          %dma_start3A_182 = tpu.memref_slice %arg8[%dma_start3A_175, %dma_start3A_181] : memref<5x128xi32, #tpu.memory_space<vmem>> -> memref<1x128xi32, #tpu.memory_space<vmem>>
          %dma_start3A_183 = tpu.memref_squeeze %dma_start3A_182 : memref<1x128xi32, #tpu.memory_space<vmem>> -> memref<128xi32, #tpu.memory_space<vmem>>
          %dma_start3A_184 = arith.constant 0 : i32
          %dma_start3A_185 = arith.constant 0 : i32
          %dma_start3A_186 = tpu.memref_slice %arg7[%dma_start3A_184, %dma_start3A_185] : memref<10000x128xf32, #tpu.memory_space<vmem_shared>> -> memref<10000x128xf32, #tpu.memory_space<vmem_shared>>
          tpu.enqueue_indirect_dma source(%dma_start3A_186 : memref<10000x128xf32, #tpu.memory_space<vmem_shared>>) target(%dma_start3A_180 : memref<128x128xf32, #tpu.memory_space<vmem>>) offsets(%dma_start3A_183 : memref<128xi32, #tpu.memory_space<vmem>>) semaphore(%arg10 : memref<!tpu.dma_semaphore, #tpu.memory_space<semaphore_mem>>)
          %dma_wait3A_187 = arith.constant 3 : i32
          %dma_wait3A_188 = arith.constant 1 : i32
          %dma_wait3A_189 = arith.constant 0 : i32
          %dma_wait3A_190 = arith.constant 0 : i32
          %dma_wait3A_191 = tpu.memref_slice %arg9[%dma_wait3A_188, %dma_wait3A_189, %dma_wait3A_190] : memref<2x128x128xf32, #tpu.memory_space<vmem>> -> memref<1x128x128xf32, #tpu.memory_space<vmem>>
          %dma_wait3A_192 = tpu.memref_squeeze %dma_wait3A_191 : memref<1x128x128xf32, #tpu.memory_space<vmem>> -> memref<128x128xf32, #tpu.memory_space<vmem>>
          %dma_wait3A_193 = arith.constant 0 : i32
          %dma_wait3A_194 = tpu.memref_slice %arg8[%dma_wait3A_187, %dma_wait3A_193] : memref<5x128xi32, #tpu.memory_space<vmem>> -> memref<1x128xi32, #tpu.memory_space<vmem>>
          %dma_wait3A_195 = tpu.memref_squeeze %dma_wait3A_194 : memref<1x128xi32, #tpu.memory_space<vmem>> -> memref<128xi32, #tpu.memory_space<vmem>>
          %dma_wait3A_196 = arith.constant 0 : i32
          %dma_wait3A_197 = arith.constant 0 : i32
          %dma_wait3A_198 = tpu.memref_slice %arg7[%dma_wait3A_196, %dma_wait3A_197] : memref<10000x128xf32, #tpu.memory_space<vmem_shared>> -> memref<10000x128xf32, #tpu.memory_space<vmem_shared>>
          tpu.wait_indirect_dma semaphore(%arg10 : memref<!tpu.dma_semaphore, #tpu.memory_space<semaphore_mem>>) src(%dma_wait3A_198 : memref<10000x128xf32, #tpu.memory_space<vmem_shared>>) dst(%dma_wait3A_192 : memref<128x128xf32, #tpu.memory_space<vmem>>)
          %mul3A_199 = arith.constant 640 : i32
          %mul3A_200 = arith.muli %add3A_14, %mul3A_199 : i32
          %add3A_201 = arith.constant 384 : i32
          %add3A_202 = arith.addi %mul3A_200, %add3A_201 : i32
          %dma_start3A_203 = arith.constant 1 : i32
          %dma_start3A_204 = arith.constant 0 : i32
          %dma_start3A_205 = arith.constant 0 : i32
          %dma_start3A_206 = tpu.memref_slice %arg9[%dma_start3A_203, %dma_start3A_204, %dma_start3A_205] : memref<2x128x128xf32, #tpu.memory_space<vmem>> -> memref<1x128x128xf32, #tpu.memory_space<vmem>>
          %dma_start3A_207 = tpu.memref_squeeze %dma_start3A_206 : memref<1x128x128xf32, #tpu.memory_space<vmem>> -> memref<128x128xf32, #tpu.memory_space<vmem>>
          %dma_start3A_208 = arith.constant 0 : i32
          %dma_start3A_209 = tpu.memref_slice %arg5[%add3A_202, %dma_start3A_208] : memref<80000x128xf32, #tpu.memory_space<hbm>> -> memref<128x128xf32, #tpu.memory_space<hbm>>
          %dma_start3A_210 = arith.constant 0 : i32
          %dma_start3A_211 = tpu.memref_slice %arg5[%add3A_202, %dma_start3A_210] : memref<80000x128xf32, #tpu.memory_space<hbm>> -> memref<128x128xf32, #tpu.memory_space<hbm>>
          %dma_start3A_212 = arith.constant 0 : i32
          %dma_start3A_213 = arith.constant 0 : i32
          %dma_start3A_214 = tpu.memref_slice %arg9[%dma_start3A_203, %dma_start3A_212, %dma_start3A_213] : memref<2x128x128xf32, #tpu.memory_space<vmem>> -> memref<1x128x128xf32, #tpu.memory_space<vmem>>
          %dma_start3A_215 = tpu.memref_squeeze %dma_start3A_214 : memref<1x128x128xf32, #tpu.memory_space<vmem>> -> memref<128x128xf32, #tpu.memory_space<vmem>>
          tpu.enqueue_dma source(%dma_start3A_215 : memref<128x128xf32, #tpu.memory_space<vmem>>) target(%dma_start3A_211 : memref<128x128xf32, #tpu.memory_space<hbm>>) target_semaphore(%arg11 : memref<!tpu.dma_semaphore, #tpu.memory_space<semaphore_mem>>)
          %dma_wait3A_216 = arith.constant 0 : i32
          %dma_wait3A_217 = arith.constant 0 : i32
          %dma_wait3A_218 = arith.constant 0 : i32
          %dma_wait3A_219 = tpu.memref_slice %arg9[%dma_wait3A_216, %dma_wait3A_217, %dma_wait3A_218] : memref<2x128x128xf32, #tpu.memory_space<vmem>> -> memref<1x128x128xf32, #tpu.memory_space<vmem>>
          %dma_wait3A_220 = tpu.memref_squeeze %dma_wait3A_219 : memref<1x128x128xf32, #tpu.memory_space<vmem>> -> memref<128x128xf32, #tpu.memory_space<vmem>>
          %dma_wait3A_221 = arith.constant 0 : i32
          %dma_wait3A_222 = tpu.memref_slice %arg5[%add3A_148, %dma_wait3A_221] : memref<80000x128xf32, #tpu.memory_space<hbm>> -> memref<128x128xf32, #tpu.memory_space<hbm>>
          %dma_wait3A_223 = arith.constant 0 : i32
          %dma_wait3A_224 = tpu.memref_slice %arg5[%add3A_148, %dma_wait3A_223] : memref<80000x128xf32, #tpu.memory_space<hbm>> -> memref<128x128xf32, #tpu.memory_space<hbm>>
          %dma_wait3A_225 = arith.constant 0 : i32
          %dma_wait3A_226 = arith.constant 0 : i32
          %dma_wait3A_227 = tpu.memref_slice %arg9[%dma_wait3A_216, %dma_wait3A_225, %dma_wait3A_226] : memref<2x128x128xf32, #tpu.memory_space<vmem>> -> memref<1x128x128xf32, #tpu.memory_space<vmem>>
          %dma_wait3A_228 = tpu.memref_squeeze %dma_wait3A_227 : memref<1x128x128xf32, #tpu.memory_space<vmem>> -> memref<128x128xf32, #tpu.memory_space<vmem>>
          tpu.wait_dma2 semaphore(%arg11 : memref<!tpu.dma_semaphore, #tpu.memory_space<semaphore_mem>>) src(%dma_wait3A_228 : memref<128x128xf32, #tpu.memory_space<vmem>>) dst(%dma_wait3A_224 : memref<128x128xf32, #tpu.memory_space<hbm>>)
          %dma_start3A_229 = arith.constant 4 : i32
          %dma_start3A_230 = arith.constant 0 : i32
          %dma_start3A_231 = arith.constant 0 : i32
          %dma_start3A_232 = arith.constant 0 : i32
          %dma_start3A_233 = tpu.memref_slice %arg9[%dma_start3A_230, %dma_start3A_231, %dma_start3A_232] : memref<2x128x128xf32, #tpu.memory_space<vmem>> -> memref<1x128x128xf32, #tpu.memory_space<vmem>>
          %dma_start3A_234 = tpu.memref_squeeze %dma_start3A_233 : memref<1x128x128xf32, #tpu.memory_space<vmem>> -> memref<128x128xf32, #tpu.memory_space<vmem>>
          %dma_start3A_235 = arith.constant 0 : i32
          %dma_start3A_236 = tpu.memref_slice %arg8[%dma_start3A_229, %dma_start3A_235] : memref<5x128xi32, #tpu.memory_space<vmem>> -> memref<1x128xi32, #tpu.memory_space<vmem>>
          %dma_start3A_237 = tpu.memref_squeeze %dma_start3A_236 : memref<1x128xi32, #tpu.memory_space<vmem>> -> memref<128xi32, #tpu.memory_space<vmem>>
          %dma_start3A_238 = arith.constant 0 : i32
          %dma_start3A_239 = arith.constant 0 : i32
          %dma_start3A_240 = tpu.memref_slice %arg7[%dma_start3A_238, %dma_start3A_239] : memref<10000x128xf32, #tpu.memory_space<vmem_shared>> -> memref<10000x128xf32, #tpu.memory_space<vmem_shared>>
          tpu.enqueue_indirect_dma source(%dma_start3A_240 : memref<10000x128xf32, #tpu.memory_space<vmem_shared>>) target(%dma_start3A_234 : memref<128x128xf32, #tpu.memory_space<vmem>>) offsets(%dma_start3A_237 : memref<128xi32, #tpu.memory_space<vmem>>) semaphore(%arg10 : memref<!tpu.dma_semaphore, #tpu.memory_space<semaphore_mem>>)
          %dma_wait3A_241 = arith.constant 4 : i32
          %dma_wait3A_242 = arith.constant 0 : i32
          %dma_wait3A_243 = arith.constant 0 : i32
          %dma_wait3A_244 = arith.constant 0 : i32
          %dma_wait3A_245 = tpu.memref_slice %arg9[%dma_wait3A_242, %dma_wait3A_243, %dma_wait3A_244] : memref<2x128x128xf32, #tpu.memory_space<vmem>> -> memref<1x128x128xf32, #tpu.memory_space<vmem>>
          %dma_wait3A_246 = tpu.memref_squeeze %dma_wait3A_245 : memref<1x128x128xf32, #tpu.memory_space<vmem>> -> memref<128x128xf32, #tpu.memory_space<vmem>>
          %dma_wait3A_247 = arith.constant 0 : i32
          %dma_wait3A_248 = tpu.memref_slice %arg8[%dma_wait3A_241, %dma_wait3A_247] : memref<5x128xi32, #tpu.memory_space<vmem>> -> memref<1x128xi32, #tpu.memory_space<vmem>>
          %dma_wait3A_249 = tpu.memref_squeeze %dma_wait3A_248 : memref<1x128xi32, #tpu.memory_space<vmem>> -> memref<128xi32, #tpu.memory_space<vmem>>
          %dma_wait3A_250 = arith.constant 0 : i32
          %dma_wait3A_251 = arith.constant 0 : i32
          %dma_wait3A_252 = tpu.memref_slice %arg7[%dma_wait3A_250, %dma_wait3A_251] : memref<10000x128xf32, #tpu.memory_space<vmem_shared>> -> memref<10000x128xf32, #tpu.memory_space<vmem_shared>>
          tpu.wait_indirect_dma semaphore(%arg10 : memref<!tpu.dma_semaphore, #tpu.memory_space<semaphore_mem>>) src(%dma_wait3A_252 : memref<10000x128xf32, #tpu.memory_space<vmem_shared>>) dst(%dma_wait3A_246 : memref<128x128xf32, #tpu.memory_space<vmem>>)
          %mul3A_253 = arith.constant 640 : i32
          %mul3A_254 = arith.muli %add3A_14, %mul3A_253 : i32
          %add3A_255 = arith.constant 512 : i32
          %add3A_256 = arith.addi %mul3A_254, %add3A_255 : i32
          %dma_start3A_257 = arith.constant 0 : i32
          %dma_start3A_258 = arith.constant 0 : i32
          %dma_start3A_259 = arith.constant 0 : i32
          %dma_start3A_260 = tpu.memref_slice %arg9[%dma_start3A_257, %dma_start3A_258, %dma_start3A_259] : memref<2x128x128xf32, #tpu.memory_space<vmem>> -> memref<1x128x128xf32, #tpu.memory_space<vmem>>
          %dma_start3A_261 = tpu.memref_squeeze %dma_start3A_260 : memref<1x128x128xf32, #tpu.memory_space<vmem>> -> memref<128x128xf32, #tpu.memory_space<vmem>>
          %dma_start3A_262 = arith.constant 0 : i32
          %dma_start3A_263 = tpu.memref_slice %arg5[%add3A_256, %dma_start3A_262] : memref<80000x128xf32, #tpu.memory_space<hbm>> -> memref<128x128xf32, #tpu.memory_space<hbm>>
          %dma_start3A_264 = arith.constant 0 : i32
          %dma_start3A_265 = tpu.memref_slice %arg5[%add3A_256, %dma_start3A_264] : memref<80000x128xf32, #tpu.memory_space<hbm>> -> memref<128x128xf32, #tpu.memory_space<hbm>>
          %dma_start3A_266 = arith.constant 0 : i32
          %dma_start3A_267 = arith.constant 0 : i32
          %dma_start3A_268 = tpu.memref_slice %arg9[%dma_start3A_257, %dma_start3A_266, %dma_start3A_267] : memref<2x128x128xf32, #tpu.memory_space<vmem>> -> memref<1x128x128xf32, #tpu.memory_space<vmem>>
          %dma_start3A_269 = tpu.memref_squeeze %dma_start3A_268 : memref<1x128x128xf32, #tpu.memory_space<vmem>> -> memref<128x128xf32, #tpu.memory_space<vmem>>
          tpu.enqueue_dma source(%dma_start3A_269 : memref<128x128xf32, #tpu.memory_space<vmem>>) target(%dma_start3A_265 : memref<128x128xf32, #tpu.memory_space<hbm>>) target_semaphore(%arg11 : memref<!tpu.dma_semaphore, #tpu.memory_space<semaphore_mem>>)
          %dma_wait3A_270 = arith.constant 0 : i32
          %dma_wait3A_271 = arith.constant 0 : i32
          %dma_wait3A_272 = arith.constant 0 : i32
          %dma_wait3A_273 = tpu.memref_slice %arg9[%dma_wait3A_270, %dma_wait3A_271, %dma_wait3A_272] : memref<2x128x128xf32, #tpu.memory_space<vmem>> -> memref<1x128x128xf32, #tpu.memory_space<vmem>>
          %dma_wait3A_274 = tpu.memref_squeeze %dma_wait3A_273 : memref<1x128x128xf32, #tpu.memory_space<vmem>> -> memref<128x128xf32, #tpu.memory_space<vmem>>
          %dma_wait3A_275 = arith.constant 0 : i32
          %dma_wait3A_276 = tpu.memref_slice %arg5[%add3A_256, %dma_wait3A_275] : memref<80000x128xf32, #tpu.memory_space<hbm>> -> memref<128x128xf32, #tpu.memory_space<hbm>>
          %dma_wait3A_277 = arith.constant 0 : i32
          %dma_wait3A_278 = tpu.memref_slice %arg5[%add3A_256, %dma_wait3A_277] : memref<80000x128xf32, #tpu.memory_space<hbm>> -> memref<128x128xf32, #tpu.memory_space<hbm>>
          %dma_wait3A_279 = arith.constant 0 : i32
          %dma_wait3A_280 = arith.constant 0 : i32
          %dma_wait3A_281 = tpu.memref_slice %arg9[%dma_wait3A_270, %dma_wait3A_279, %dma_wait3A_280] : memref<2x128x128xf32, #tpu.memory_space<vmem>> -> memref<1x128x128xf32, #tpu.memory_space<vmem>>
          %dma_wait3A_282 = tpu.memref_squeeze %dma_wait3A_281 : memref<1x128x128xf32, #tpu.memory_space<vmem>> -> memref<128x128xf32, #tpu.memory_space<vmem>>
          tpu.wait_dma2 semaphore(%arg11 : memref<!tpu.dma_semaphore, #tpu.memory_space<semaphore_mem>>) src(%dma_wait3A_282 : memref<128x128xf32, #tpu.memory_space<vmem>>) dst(%dma_wait3A_278 : memref<128x128xf32, #tpu.memory_space<hbm>>)
          %dma_wait3A_283 = arith.constant 1 : i32
          %dma_wait3A_284 = arith.constant 0 : i32
          %dma_wait3A_285 = arith.constant 0 : i32
          %dma_wait3A_286 = tpu.memref_slice %arg9[%dma_wait3A_283, %dma_wait3A_284, %dma_wait3A_285] : memref<2x128x128xf32, #tpu.memory_space<vmem>> -> memref<1x128x128xf32, #tpu.memory_space<vmem>>
          %dma_wait3A_287 = tpu.memref_squeeze %dma_wait3A_286 : memref<1x128x128xf32, #tpu.memory_space<vmem>> -> memref<128x128xf32, #tpu.memory_space<vmem>>
          %dma_wait3A_288 = arith.constant 0 : i32
          %dma_wait3A_289 = tpu.memref_slice %arg5[%add3A_202, %dma_wait3A_288] : memref<80000x128xf32, #tpu.memory_space<hbm>> -> memref<128x128xf32, #tpu.memory_space<hbm>>
          %dma_wait3A_290 = arith.constant 0 : i32
          %dma_wait3A_291 = tpu.memref_slice %arg5[%add3A_202, %dma_wait3A_290] : memref<80000x128xf32, #tpu.memory_space<hbm>> -> memref<128x128xf32, #tpu.memory_space<hbm>>
          %dma_wait3A_292 = arith.constant 0 : i32
          %dma_wait3A_293 = arith.constant 0 : i32
          %dma_wait3A_294 = tpu.memref_slice %arg9[%dma_wait3A_283, %dma_wait3A_292, %dma_wait3A_293] : memref<2x128x128xf32, #tpu.memory_space<vmem>> -> memref<1x128x128xf32, #tpu.memory_space<vmem>>
          %dma_wait3A_295 = tpu.memref_squeeze %dma_wait3A_294 : memref<1x128x128xf32, #tpu.memory_space<vmem>> -> memref<128x128xf32, #tpu.memory_space<vmem>>
          tpu.wait_dma2 semaphore(%arg11 : memref<!tpu.dma_semaphore, #tpu.memory_space<semaphore_mem>>) src(%dma_wait3A_295 : memref<128x128xf32, #tpu.memory_space<vmem>>) dst(%dma_wait3A_291 : memref<128x128xf32, #tpu.memory_space<hbm>>)
        } else {
        }
        %eq3A_21 = arith.constant 1 : i32
        %eq3A_22 = arith.cmpi eq, %arg0, %eq3A_21 : i32
        %convert_element_type3A_23 = arith.extui %eq3A_22 : i1 to i32
        %cond3A_24 = arith.constant 0 : i32
        %cond3A_25 = arith.cmpi ne, %convert_element_type3A_23, %cond3A_24 : i32
        scf.if %cond3A_25 {
          %add3A_26 = arith.constant 0 : i32
          %add3A_27 = arith.addi %add3A_26, %add3A_14 : i32
          %run_scoped3A = arith.constant 1 : i32
          "tpu.region"() ({
            %run_scoped3A_296 = tpu.sem_alloc : memref<!tpu.dma_semaphore, #tpu.memory_space<semaphore_mem>>
            %dma_start3A_297 = arith.constant 0 : i32
            %dma_start3A_298 = arith.constant 0 : i32
            %dma_start3A_299 = tpu.memref_slice %arg4[%run_scoped3A, %add3A_27, %dma_start3A_297, %dma_start3A_298] : memref<2x250x5x128xi32, #tpu.memory_space<hbm>> -> memref<1x1x5x128xi32, #tpu.memory_space<hbm>>
            %dma_start3A_300 = tpu.memref_squeeze %dma_start3A_299 : memref<1x1x5x128xi32, #tpu.memory_space<hbm>> -> memref<5x128xi32, #tpu.memory_space<hbm>>
            %dma_start3A_301 = arith.constant 0 : i32
            %dma_start3A_302 = arith.constant 0 : i32
            %dma_start3A_303 = tpu.memref_slice %arg4[%run_scoped3A, %add3A_27, %dma_start3A_301, %dma_start3A_302] : memref<2x250x5x128xi32, #tpu.memory_space<hbm>> -> memref<1x1x5x128xi32, #tpu.memory_space<hbm>>
            %dma_start3A_304 = tpu.memref_squeeze %dma_start3A_303 : memref<1x1x5x128xi32, #tpu.memory_space<hbm>> -> memref<5x128xi32, #tpu.memory_space<hbm>>
            tpu.enqueue_dma source(%dma_start3A_304 : memref<5x128xi32, #tpu.memory_space<hbm>>) target(%arg8 : memref<5x128xi32, #tpu.memory_space<vmem>>) target_semaphore(%run_scoped3A_296 : memref<!tpu.dma_semaphore, #tpu.memory_space<semaphore_mem>>)
            %dma_wait3A_305 = arith.constant 0 : i32
            %dma_wait3A_306 = arith.constant 0 : i32
            %dma_wait3A_307 = tpu.memref_slice %arg4[%run_scoped3A, %add3A_27, %dma_wait3A_305, %dma_wait3A_306] : memref<2x250x5x128xi32, #tpu.memory_space<hbm>> -> memref<1x1x5x128xi32, #tpu.memory_space<hbm>>
            %dma_wait3A_308 = tpu.memref_squeeze %dma_wait3A_307 : memref<1x1x5x128xi32, #tpu.memory_space<hbm>> -> memref<5x128xi32, #tpu.memory_space<hbm>>
            %dma_wait3A_309 = arith.constant 0 : i32
            %dma_wait3A_310 = arith.constant 0 : i32
            %dma_wait3A_311 = tpu.memref_slice %arg4[%run_scoped3A, %add3A_27, %dma_wait3A_309, %dma_wait3A_310] : memref<2x250x5x128xi32, #tpu.memory_space<hbm>> -> memref<1x1x5x128xi32, #tpu.memory_space<hbm>>
            %dma_wait3A_312 = tpu.memref_squeeze %dma_wait3A_311 : memref<1x1x5x128xi32, #tpu.memory_space<hbm>> -> memref<5x128xi32, #tpu.memory_space<hbm>>
            tpu.wait_dma2 semaphore(%run_scoped3A_296 : memref<!tpu.dma_semaphore, #tpu.memory_space<semaphore_mem>>) src(%dma_wait3A_312 : memref<5x128xi32, #tpu.memory_space<hbm>>) dst(%arg8 : memref<5x128xi32, #tpu.memory_space<vmem>>)
            tpu.yield
          }) : () -> ()
          %dma_start3A = arith.constant 0 : i32
          %dma_start3A_28 = arith.constant 0 : i32
          %dma_start3A_29 = arith.constant 0 : i32
          %dma_start3A_30 = arith.constant 0 : i32
          %dma_start3A_31 = tpu.memref_slice %arg9[%dma_start3A_28, %dma_start3A_29, %dma_start3A_30] : memref<2x128x128xf32, #tpu.memory_space<vmem>> -> memref<1x128x128xf32, #tpu.memory_space<vmem>>
          %dma_start3A_32 = tpu.memref_squeeze %dma_start3A_31 : memref<1x128x128xf32, #tpu.memory_space<vmem>> -> memref<128x128xf32, #tpu.memory_space<vmem>>
          %dma_start3A_33 = arith.constant 0 : i32
          %dma_start3A_34 = tpu.memref_slice %arg8[%dma_start3A, %dma_start3A_33] : memref<5x128xi32, #tpu.memory_space<vmem>> -> memref<1x128xi32, #tpu.memory_space<vmem>>
          %dma_start3A_35 = tpu.memref_squeeze %dma_start3A_34 : memref<1x128xi32, #tpu.memory_space<vmem>> -> memref<128xi32, #tpu.memory_space<vmem>>
          %dma_start3A_36 = arith.constant 0 : i32
          %dma_start3A_37 = arith.constant 0 : i32
          %dma_start3A_38 = tpu.memref_slice %arg7[%dma_start3A_36, %dma_start3A_37] : memref<10000x128xf32, #tpu.memory_space<vmem_shared>> -> memref<10000x128xf32, #tpu.memory_space<vmem_shared>>
          tpu.enqueue_indirect_dma source(%dma_start3A_38 : memref<10000x128xf32, #tpu.memory_space<vmem_shared>>) target(%dma_start3A_32 : memref<128x128xf32, #tpu.memory_space<vmem>>) offsets(%dma_start3A_35 : memref<128xi32, #tpu.memory_space<vmem>>) semaphore(%arg10 : memref<!tpu.dma_semaphore, #tpu.memory_space<semaphore_mem>>)
          %dma_wait3A = arith.constant 0 : i32
          %dma_wait3A_39 = arith.constant 0 : i32
          %dma_wait3A_40 = arith.constant 0 : i32
          %dma_wait3A_41 = arith.constant 0 : i32
          %dma_wait3A_42 = tpu.memref_slice %arg9[%dma_wait3A_39, %dma_wait3A_40, %dma_wait3A_41] : memref<2x128x128xf32, #tpu.memory_space<vmem>> -> memref<1x128x128xf32, #tpu.memory_space<vmem>>
          %dma_wait3A_43 = tpu.memref_squeeze %dma_wait3A_42 : memref<1x128x128xf32, #tpu.memory_space<vmem>> -> memref<128x128xf32, #tpu.memory_space<vmem>>
          %dma_wait3A_44 = arith.constant 0 : i32
          %dma_wait3A_45 = tpu.memref_slice %arg8[%dma_wait3A, %dma_wait3A_44] : memref<5x128xi32, #tpu.memory_space<vmem>> -> memref<1x128xi32, #tpu.memory_space<vmem>>
          %dma_wait3A_46 = tpu.memref_squeeze %dma_wait3A_45 : memref<1x128xi32, #tpu.memory_space<vmem>> -> memref<128xi32, #tpu.memory_space<vmem>>
          %dma_wait3A_47 = arith.constant 0 : i32
          %dma_wait3A_48 = arith.constant 0 : i32
          %dma_wait3A_49 = tpu.memref_slice %arg7[%dma_wait3A_47, %dma_wait3A_48] : memref<10000x128xf32, #tpu.memory_space<vmem_shared>> -> memref<10000x128xf32, #tpu.memory_space<vmem_shared>>
          tpu.wait_indirect_dma semaphore(%arg10 : memref<!tpu.dma_semaphore, #tpu.memory_space<semaphore_mem>>) src(%dma_wait3A_49 : memref<10000x128xf32, #tpu.memory_space<vmem_shared>>) dst(%dma_wait3A_43 : memref<128x128xf32, #tpu.memory_space<vmem>>)
          %mul3A_50 = arith.constant 640 : i32
          %mul3A_51 = arith.muli %add3A_14, %mul3A_50 : i32
          %add3A_52 = arith.constant 0 : i32
          %add3A_53 = arith.addi %mul3A_51, %add3A_52 : i32
          %dma_start3A_54 = arith.constant 0 : i32
          %dma_start3A_55 = arith.constant 0 : i32
          %dma_start3A_56 = arith.constant 0 : i32
          %dma_start3A_57 = tpu.memref_slice %arg9[%dma_start3A_54, %dma_start3A_55, %dma_start3A_56] : memref<2x128x128xf32, #tpu.memory_space<vmem>> -> memref<1x128x128xf32, #tpu.memory_space<vmem>>
          %dma_start3A_58 = tpu.memref_squeeze %dma_start3A_57 : memref<1x128x128xf32, #tpu.memory_space<vmem>> -> memref<128x128xf32, #tpu.memory_space<vmem>>
          %dma_start3A_59 = arith.constant 0 : i32
          %dma_start3A_60 = tpu.memref_slice %arg6[%add3A_53, %dma_start3A_59] : memref<80000x128xf32, #tpu.memory_space<hbm>> -> memref<128x128xf32, #tpu.memory_space<hbm>>
          %dma_start3A_61 = arith.constant 0 : i32
          %dma_start3A_62 = tpu.memref_slice %arg6[%add3A_53, %dma_start3A_61] : memref<80000x128xf32, #tpu.memory_space<hbm>> -> memref<128x128xf32, #tpu.memory_space<hbm>>
          %dma_start3A_63 = arith.constant 0 : i32
          %dma_start3A_64 = arith.constant 0 : i32
          %dma_start3A_65 = tpu.memref_slice %arg9[%dma_start3A_54, %dma_start3A_63, %dma_start3A_64] : memref<2x128x128xf32, #tpu.memory_space<vmem>> -> memref<1x128x128xf32, #tpu.memory_space<vmem>>
          %dma_start3A_66 = tpu.memref_squeeze %dma_start3A_65 : memref<1x128x128xf32, #tpu.memory_space<vmem>> -> memref<128x128xf32, #tpu.memory_space<vmem>>
          tpu.enqueue_dma source(%dma_start3A_66 : memref<128x128xf32, #tpu.memory_space<vmem>>) target(%dma_start3A_62 : memref<128x128xf32, #tpu.memory_space<hbm>>) target_semaphore(%arg11 : memref<!tpu.dma_semaphore, #tpu.memory_space<semaphore_mem>>)
          %dma_start3A_67 = arith.constant 1 : i32
          %dma_start3A_68 = arith.constant 1 : i32
          %dma_start3A_69 = arith.constant 0 : i32
          %dma_start3A_70 = arith.constant 0 : i32
          %dma_start3A_71 = tpu.memref_slice %arg9[%dma_start3A_68, %dma_start3A_69, %dma_start3A_70] : memref<2x128x128xf32, #tpu.memory_space<vmem>> -> memref<1x128x128xf32, #tpu.memory_space<vmem>>
          %dma_start3A_72 = tpu.memref_squeeze %dma_start3A_71 : memref<1x128x128xf32, #tpu.memory_space<vmem>> -> memref<128x128xf32, #tpu.memory_space<vmem>>
          %dma_start3A_73 = arith.constant 0 : i32
          %dma_start3A_74 = tpu.memref_slice %arg8[%dma_start3A_67, %dma_start3A_73] : memref<5x128xi32, #tpu.memory_space<vmem>> -> memref<1x128xi32, #tpu.memory_space<vmem>>
          %dma_start3A_75 = tpu.memref_squeeze %dma_start3A_74 : memref<1x128xi32, #tpu.memory_space<vmem>> -> memref<128xi32, #tpu.memory_space<vmem>>
          %dma_start3A_76 = arith.constant 0 : i32
          %dma_start3A_77 = arith.constant 0 : i32
          %dma_start3A_78 = tpu.memref_slice %arg7[%dma_start3A_76, %dma_start3A_77] : memref<10000x128xf32, #tpu.memory_space<vmem_shared>> -> memref<10000x128xf32, #tpu.memory_space<vmem_shared>>
          tpu.enqueue_indirect_dma source(%dma_start3A_78 : memref<10000x128xf32, #tpu.memory_space<vmem_shared>>) target(%dma_start3A_72 : memref<128x128xf32, #tpu.memory_space<vmem>>) offsets(%dma_start3A_75 : memref<128xi32, #tpu.memory_space<vmem>>) semaphore(%arg10 : memref<!tpu.dma_semaphore, #tpu.memory_space<semaphore_mem>>)
          %dma_wait3A_79 = arith.constant 1 : i32
          %dma_wait3A_80 = arith.constant 1 : i32
          %dma_wait3A_81 = arith.constant 0 : i32
          %dma_wait3A_82 = arith.constant 0 : i32
          %dma_wait3A_83 = tpu.memref_slice %arg9[%dma_wait3A_80, %dma_wait3A_81, %dma_wait3A_82] : memref<2x128x128xf32, #tpu.memory_space<vmem>> -> memref<1x128x128xf32, #tpu.memory_space<vmem>>
          %dma_wait3A_84 = tpu.memref_squeeze %dma_wait3A_83 : memref<1x128x128xf32, #tpu.memory_space<vmem>> -> memref<128x128xf32, #tpu.memory_space<vmem>>
          %dma_wait3A_85 = arith.constant 0 : i32
          %dma_wait3A_86 = tpu.memref_slice %arg8[%dma_wait3A_79, %dma_wait3A_85] : memref<5x128xi32, #tpu.memory_space<vmem>> -> memref<1x128xi32, #tpu.memory_space<vmem>>
          %dma_wait3A_87 = tpu.memref_squeeze %dma_wait3A_86 : memref<1x128xi32, #tpu.memory_space<vmem>> -> memref<128xi32, #tpu.memory_space<vmem>>
          %dma_wait3A_88 = arith.constant 0 : i32
          %dma_wait3A_89 = arith.constant 0 : i32
          %dma_wait3A_90 = tpu.memref_slice %arg7[%dma_wait3A_88, %dma_wait3A_89] : memref<10000x128xf32, #tpu.memory_space<vmem_shared>> -> memref<10000x128xf32, #tpu.memory_space<vmem_shared>>
          tpu.wait_indirect_dma semaphore(%arg10 : memref<!tpu.dma_semaphore, #tpu.memory_space<semaphore_mem>>) src(%dma_wait3A_90 : memref<10000x128xf32, #tpu.memory_space<vmem_shared>>) dst(%dma_wait3A_84 : memref<128x128xf32, #tpu.memory_space<vmem>>)
          %mul3A_91 = arith.constant 640 : i32
          %mul3A_92 = arith.muli %add3A_14, %mul3A_91 : i32
          %add3A_93 = arith.constant 128 : i32
          %add3A_94 = arith.addi %mul3A_92, %add3A_93 : i32
          %dma_start3A_95 = arith.constant 1 : i32
          %dma_start3A_96 = arith.constant 0 : i32
          %dma_start3A_97 = arith.constant 0 : i32
          %dma_start3A_98 = tpu.memref_slice %arg9[%dma_start3A_95, %dma_start3A_96, %dma_start3A_97] : memref<2x128x128xf32, #tpu.memory_space<vmem>> -> memref<1x128x128xf32, #tpu.memory_space<vmem>>
          %dma_start3A_99 = tpu.memref_squeeze %dma_start3A_98 : memref<1x128x128xf32, #tpu.memory_space<vmem>> -> memref<128x128xf32, #tpu.memory_space<vmem>>
          %dma_start3A_100 = arith.constant 0 : i32
          %dma_start3A_101 = tpu.memref_slice %arg6[%add3A_94, %dma_start3A_100] : memref<80000x128xf32, #tpu.memory_space<hbm>> -> memref<128x128xf32, #tpu.memory_space<hbm>>
          %dma_start3A_102 = arith.constant 0 : i32
          %dma_start3A_103 = tpu.memref_slice %arg6[%add3A_94, %dma_start3A_102] : memref<80000x128xf32, #tpu.memory_space<hbm>> -> memref<128x128xf32, #tpu.memory_space<hbm>>
          %dma_start3A_104 = arith.constant 0 : i32
          %dma_start3A_105 = arith.constant 0 : i32
          %dma_start3A_106 = tpu.memref_slice %arg9[%dma_start3A_95, %dma_start3A_104, %dma_start3A_105] : memref<2x128x128xf32, #tpu.memory_space<vmem>> -> memref<1x128x128xf32, #tpu.memory_space<vmem>>
          %dma_start3A_107 = tpu.memref_squeeze %dma_start3A_106 : memref<1x128x128xf32, #tpu.memory_space<vmem>> -> memref<128x128xf32, #tpu.memory_space<vmem>>
          tpu.enqueue_dma source(%dma_start3A_107 : memref<128x128xf32, #tpu.memory_space<vmem>>) target(%dma_start3A_103 : memref<128x128xf32, #tpu.memory_space<hbm>>) target_semaphore(%arg11 : memref<!tpu.dma_semaphore, #tpu.memory_space<semaphore_mem>>)
          %dma_wait3A_108 = arith.constant 0 : i32
          %dma_wait3A_109 = arith.constant 0 : i32
          %dma_wait3A_110 = arith.constant 0 : i32
          %dma_wait3A_111 = tpu.memref_slice %arg9[%dma_wait3A_108, %dma_wait3A_109, %dma_wait3A_110] : memref<2x128x128xf32, #tpu.memory_space<vmem>> -> memref<1x128x128xf32, #tpu.memory_space<vmem>>
          %dma_wait3A_112 = tpu.memref_squeeze %dma_wait3A_111 : memref<1x128x128xf32, #tpu.memory_space<vmem>> -> memref<128x128xf32, #tpu.memory_space<vmem>>
          %dma_wait3A_113 = arith.constant 0 : i32
          %dma_wait3A_114 = tpu.memref_slice %arg6[%add3A_53, %dma_wait3A_113] : memref<80000x128xf32, #tpu.memory_space<hbm>> -> memref<128x128xf32, #tpu.memory_space<hbm>>
          %dma_wait3A_115 = arith.constant 0 : i32
          %dma_wait3A_116 = tpu.memref_slice %arg6[%add3A_53, %dma_wait3A_115] : memref<80000x128xf32, #tpu.memory_space<hbm>> -> memref<128x128xf32, #tpu.memory_space<hbm>>
          %dma_wait3A_117 = arith.constant 0 : i32
          %dma_wait3A_118 = arith.constant 0 : i32
          %dma_wait3A_119 = tpu.memref_slice %arg9[%dma_wait3A_108, %dma_wait3A_117, %dma_wait3A_118] : memref<2x128x128xf32, #tpu.memory_space<vmem>> -> memref<1x128x128xf32, #tpu.memory_space<vmem>>
          %dma_wait3A_120 = tpu.memref_squeeze %dma_wait3A_119 : memref<1x128x128xf32, #tpu.memory_space<vmem>> -> memref<128x128xf32, #tpu.memory_space<vmem>>
          tpu.wait_dma2 semaphore(%arg11 : memref<!tpu.dma_semaphore, #tpu.memory_space<semaphore_mem>>) src(%dma_wait3A_120 : memref<128x128xf32, #tpu.memory_space<vmem>>) dst(%dma_wait3A_116 : memref<128x128xf32, #tpu.memory_space<hbm>>)
          %dma_start3A_121 = arith.constant 2 : i32
          %dma_start3A_122 = arith.constant 0 : i32
          %dma_start3A_123 = arith.constant 0 : i32
          %dma_start3A_124 = arith.constant 0 : i32
          %dma_start3A_125 = tpu.memref_slice %arg9[%dma_start3A_122, %dma_start3A_123, %dma_start3A_124] : memref<2x128x128xf32, #tpu.memory_space<vmem>> -> memref<1x128x128xf32, #tpu.memory_space<vmem>>
          %dma_start3A_126 = tpu.memref_squeeze %dma_start3A_125 : memref<1x128x128xf32, #tpu.memory_space<vmem>> -> memref<128x128xf32, #tpu.memory_space<vmem>>
          %dma_start3A_127 = arith.constant 0 : i32
          %dma_start3A_128 = tpu.memref_slice %arg8[%dma_start3A_121, %dma_start3A_127] : memref<5x128xi32, #tpu.memory_space<vmem>> -> memref<1x128xi32, #tpu.memory_space<vmem>>
          %dma_start3A_129 = tpu.memref_squeeze %dma_start3A_128 : memref<1x128xi32, #tpu.memory_space<vmem>> -> memref<128xi32, #tpu.memory_space<vmem>>
          %dma_start3A_130 = arith.constant 0 : i32
          %dma_start3A_131 = arith.constant 0 : i32
          %dma_start3A_132 = tpu.memref_slice %arg7[%dma_start3A_130, %dma_start3A_131] : memref<10000x128xf32, #tpu.memory_space<vmem_shared>> -> memref<10000x128xf32, #tpu.memory_space<vmem_shared>>
          tpu.enqueue_indirect_dma source(%dma_start3A_132 : memref<10000x128xf32, #tpu.memory_space<vmem_shared>>) target(%dma_start3A_126 : memref<128x128xf32, #tpu.memory_space<vmem>>) offsets(%dma_start3A_129 : memref<128xi32, #tpu.memory_space<vmem>>) semaphore(%arg10 : memref<!tpu.dma_semaphore, #tpu.memory_space<semaphore_mem>>)
          %dma_wait3A_133 = arith.constant 2 : i32
          %dma_wait3A_134 = arith.constant 0 : i32
          %dma_wait3A_135 = arith.constant 0 : i32
          %dma_wait3A_136 = arith.constant 0 : i32
          %dma_wait3A_137 = tpu.memref_slice %arg9[%dma_wait3A_134, %dma_wait3A_135, %dma_wait3A_136] : memref<2x128x128xf32, #tpu.memory_space<vmem>> -> memref<1x128x128xf32, #tpu.memory_space<vmem>>
          %dma_wait3A_138 = tpu.memref_squeeze %dma_wait3A_137 : memref<1x128x128xf32, #tpu.memory_space<vmem>> -> memref<128x128xf32, #tpu.memory_space<vmem>>
          %dma_wait3A_139 = arith.constant 0 : i32
          %dma_wait3A_140 = tpu.memref_slice %arg8[%dma_wait3A_133, %dma_wait3A_139] : memref<5x128xi32, #tpu.memory_space<vmem>> -> memref<1x128xi32, #tpu.memory_space<vmem>>
          %dma_wait3A_141 = tpu.memref_squeeze %dma_wait3A_140 : memref<1x128xi32, #tpu.memory_space<vmem>> -> memref<128xi32, #tpu.memory_space<vmem>>
          %dma_wait3A_142 = arith.constant 0 : i32
          %dma_wait3A_143 = arith.constant 0 : i32
          %dma_wait3A_144 = tpu.memref_slice %arg7[%dma_wait3A_142, %dma_wait3A_143] : memref<10000x128xf32, #tpu.memory_space<vmem_shared>> -> memref<10000x128xf32, #tpu.memory_space<vmem_shared>>
          tpu.wait_indirect_dma semaphore(%arg10 : memref<!tpu.dma_semaphore, #tpu.memory_space<semaphore_mem>>) src(%dma_wait3A_144 : memref<10000x128xf32, #tpu.memory_space<vmem_shared>>) dst(%dma_wait3A_138 : memref<128x128xf32, #tpu.memory_space<vmem>>)
          %mul3A_145 = arith.constant 640 : i32
          %mul3A_146 = arith.muli %add3A_14, %mul3A_145 : i32
          %add3A_147 = arith.constant 256 : i32
          %add3A_148 = arith.addi %mul3A_146, %add3A_147 : i32
          %dma_start3A_149 = arith.constant 0 : i32
          %dma_start3A_150 = arith.constant 0 : i32
          %dma_start3A_151 = arith.constant 0 : i32
          %dma_start3A_152 = tpu.memref_slice %arg9[%dma_start3A_149, %dma_start3A_150, %dma_start3A_151] : memref<2x128x128xf32, #tpu.memory_space<vmem>> -> memref<1x128x128xf32, #tpu.memory_space<vmem>>
          %dma_start3A_153 = tpu.memref_squeeze %dma_start3A_152 : memref<1x128x128xf32, #tpu.memory_space<vmem>> -> memref<128x128xf32, #tpu.memory_space<vmem>>
          %dma_start3A_154 = arith.constant 0 : i32
          %dma_start3A_155 = tpu.memref_slice %arg6[%add3A_148, %dma_start3A_154] : memref<80000x128xf32, #tpu.memory_space<hbm>> -> memref<128x128xf32, #tpu.memory_space<hbm>>
          %dma_start3A_156 = arith.constant 0 : i32
          %dma_start3A_157 = tpu.memref_slice %arg6[%add3A_148, %dma_start3A_156] : memref<80000x128xf32, #tpu.memory_space<hbm>> -> memref<128x128xf32, #tpu.memory_space<hbm>>
          %dma_start3A_158 = arith.constant 0 : i32
          %dma_start3A_159 = arith.constant 0 : i32
          %dma_start3A_160 = tpu.memref_slice %arg9[%dma_start3A_149, %dma_start3A_158, %dma_start3A_159] : memref<2x128x128xf32, #tpu.memory_space<vmem>> -> memref<1x128x128xf32, #tpu.memory_space<vmem>>
          %dma_start3A_161 = tpu.memref_squeeze %dma_start3A_160 : memref<1x128x128xf32, #tpu.memory_space<vmem>> -> memref<128x128xf32, #tpu.memory_space<vmem>>
          tpu.enqueue_dma source(%dma_start3A_161 : memref<128x128xf32, #tpu.memory_space<vmem>>) target(%dma_start3A_157 : memref<128x128xf32, #tpu.memory_space<hbm>>) target_semaphore(%arg11 : memref<!tpu.dma_semaphore, #tpu.memory_space<semaphore_mem>>)
          %dma_wait3A_162 = arith.constant 1 : i32
          %dma_wait3A_163 = arith.constant 0 : i32
          %dma_wait3A_164 = arith.constant 0 : i32
          %dma_wait3A_165 = tpu.memref_slice %arg9[%dma_wait3A_162, %dma_wait3A_163, %dma_wait3A_164] : memref<2x128x128xf32, #tpu.memory_space<vmem>> -> memref<1x128x128xf32, #tpu.memory_space<vmem>>
          %dma_wait3A_166 = tpu.memref_squeeze %dma_wait3A_165 : memref<1x128x128xf32, #tpu.memory_space<vmem>> -> memref<128x128xf32, #tpu.memory_space<vmem>>
          %dma_wait3A_167 = arith.constant 0 : i32
          %dma_wait3A_168 = tpu.memref_slice %arg6[%add3A_94, %dma_wait3A_167] : memref<80000x128xf32, #tpu.memory_space<hbm>> -> memref<128x128xf32, #tpu.memory_space<hbm>>
          %dma_wait3A_169 = arith.constant 0 : i32
          %dma_wait3A_170 = tpu.memref_slice %arg6[%add3A_94, %dma_wait3A_169] : memref<80000x128xf32, #tpu.memory_space<hbm>> -> memref<128x128xf32, #tpu.memory_space<hbm>>
          %dma_wait3A_171 = arith.constant 0 : i32
          %dma_wait3A_172 = arith.constant 0 : i32
          %dma_wait3A_173 = tpu.memref_slice %arg9[%dma_wait3A_162, %dma_wait3A_171, %dma_wait3A_172] : memref<2x128x128xf32, #tpu.memory_space<vmem>> -> memref<1x128x128xf32, #tpu.memory_space<vmem>>
          %dma_wait3A_174 = tpu.memref_squeeze %dma_wait3A_173 : memref<1x128x128xf32, #tpu.memory_space<vmem>> -> memref<128x128xf32, #tpu.memory_space<vmem>>
          tpu.wait_dma2 semaphore(%arg11 : memref<!tpu.dma_semaphore, #tpu.memory_space<semaphore_mem>>) src(%dma_wait3A_174 : memref<128x128xf32, #tpu.memory_space<vmem>>) dst(%dma_wait3A_170 : memref<128x128xf32, #tpu.memory_space<hbm>>)
          %dma_start3A_175 = arith.constant 3 : i32
          %dma_start3A_176 = arith.constant 1 : i32
          %dma_start3A_177 = arith.constant 0 : i32
          %dma_start3A_178 = arith.constant 0 : i32
          %dma_start3A_179 = tpu.memref_slice %arg9[%dma_start3A_176, %dma_start3A_177, %dma_start3A_178] : memref<2x128x128xf32, #tpu.memory_space<vmem>> -> memref<1x128x128xf32, #tpu.memory_space<vmem>>
          %dma_start3A_180 = tpu.memref_squeeze %dma_start3A_179 : memref<1x128x128xf32, #tpu.memory_space<vmem>> -> memref<128x128xf32, #tpu.memory_space<vmem>>
          %dma_start3A_181 = arith.constant 0 : i32
          %dma_start3A_182 = tpu.memref_slice %arg8[%dma_start3A_175, %dma_start3A_181] : memref<5x128xi32, #tpu.memory_space<vmem>> -> memref<1x128xi32, #tpu.memory_space<vmem>>
          %dma_start3A_183 = tpu.memref_squeeze %dma_start3A_182 : memref<1x128xi32, #tpu.memory_space<vmem>> -> memref<128xi32, #tpu.memory_space<vmem>>
          %dma_start3A_184 = arith.constant 0 : i32
          %dma_start3A_185 = arith.constant 0 : i32
          %dma_start3A_186 = tpu.memref_slice %arg7[%dma_start3A_184, %dma_start3A_185] : memref<10000x128xf32, #tpu.memory_space<vmem_shared>> -> memref<10000x128xf32, #tpu.memory_space<vmem_shared>>
          tpu.enqueue_indirect_dma source(%dma_start3A_186 : memref<10000x128xf32, #tpu.memory_space<vmem_shared>>) target(%dma_start3A_180 : memref<128x128xf32, #tpu.memory_space<vmem>>) offsets(%dma_start3A_183 : memref<128xi32, #tpu.memory_space<vmem>>) semaphore(%arg10 : memref<!tpu.dma_semaphore, #tpu.memory_space<semaphore_mem>>)
          %dma_wait3A_187 = arith.constant 3 : i32
          %dma_wait3A_188 = arith.constant 1 : i32
          %dma_wait3A_189 = arith.constant 0 : i32
          %dma_wait3A_190 = arith.constant 0 : i32
          %dma_wait3A_191 = tpu.memref_slice %arg9[%dma_wait3A_188, %dma_wait3A_189, %dma_wait3A_190] : memref<2x128x128xf32, #tpu.memory_space<vmem>> -> memref<1x128x128xf32, #tpu.memory_space<vmem>>
          %dma_wait3A_192 = tpu.memref_squeeze %dma_wait3A_191 : memref<1x128x128xf32, #tpu.memory_space<vmem>> -> memref<128x128xf32, #tpu.memory_space<vmem>>
          %dma_wait3A_193 = arith.constant 0 : i32
          %dma_wait3A_194 = tpu.memref_slice %arg8[%dma_wait3A_187, %dma_wait3A_193] : memref<5x128xi32, #tpu.memory_space<vmem>> -> memref<1x128xi32, #tpu.memory_space<vmem>>
          %dma_wait3A_195 = tpu.memref_squeeze %dma_wait3A_194 : memref<1x128xi32, #tpu.memory_space<vmem>> -> memref<128xi32, #tpu.memory_space<vmem>>
          %dma_wait3A_196 = arith.constant 0 : i32
          %dma_wait3A_197 = arith.constant 0 : i32
          %dma_wait3A_198 = tpu.memref_slice %arg7[%dma_wait3A_196, %dma_wait3A_197] : memref<10000x128xf32, #tpu.memory_space<vmem_shared>> -> memref<10000x128xf32, #tpu.memory_space<vmem_shared>>
          tpu.wait_indirect_dma semaphore(%arg10 : memref<!tpu.dma_semaphore, #tpu.memory_space<semaphore_mem>>) src(%dma_wait3A_198 : memref<10000x128xf32, #tpu.memory_space<vmem_shared>>) dst(%dma_wait3A_192 : memref<128x128xf32, #tpu.memory_space<vmem>>)
          %mul3A_199 = arith.constant 640 : i32
          %mul3A_200 = arith.muli %add3A_14, %mul3A_199 : i32
          %add3A_201 = arith.constant 384 : i32
          %add3A_202 = arith.addi %mul3A_200, %add3A_201 : i32
          %dma_start3A_203 = arith.constant 1 : i32
          %dma_start3A_204 = arith.constant 0 : i32
          %dma_start3A_205 = arith.constant 0 : i32
          %dma_start3A_206 = tpu.memref_slice %arg9[%dma_start3A_203, %dma_start3A_204, %dma_start3A_205] : memref<2x128x128xf32, #tpu.memory_space<vmem>> -> memref<1x128x128xf32, #tpu.memory_space<vmem>>
          %dma_start3A_207 = tpu.memref_squeeze %dma_start3A_206 : memref<1x128x128xf32, #tpu.memory_space<vmem>> -> memref<128x128xf32, #tpu.memory_space<vmem>>
          %dma_start3A_208 = arith.constant 0 : i32
          %dma_start3A_209 = tpu.memref_slice %arg6[%add3A_202, %dma_start3A_208] : memref<80000x128xf32, #tpu.memory_space<hbm>> -> memref<128x128xf32, #tpu.memory_space<hbm>>
          %dma_start3A_210 = arith.constant 0 : i32
          %dma_start3A_211 = tpu.memref_slice %arg6[%add3A_202, %dma_start3A_210] : memref<80000x128xf32, #tpu.memory_space<hbm>> -> memref<128x128xf32, #tpu.memory_space<hbm>>
          %dma_start3A_212 = arith.constant 0 : i32
          %dma_start3A_213 = arith.constant 0 : i32
          %dma_start3A_214 = tpu.memref_slice %arg9[%dma_start3A_203, %dma_start3A_212, %dma_start3A_213] : memref<2x128x128xf32, #tpu.memory_space<vmem>> -> memref<1x128x128xf32, #tpu.memory_space<vmem>>
          %dma_start3A_215 = tpu.memref_squeeze %dma_start3A_214 : memref<1x128x128xf32, #tpu.memory_space<vmem>> -> memref<128x128xf32, #tpu.memory_space<vmem>>
          tpu.enqueue_dma source(%dma_start3A_215 : memref<128x128xf32, #tpu.memory_space<vmem>>) target(%dma_start3A_211 : memref<128x128xf32, #tpu.memory_space<hbm>>) target_semaphore(%arg11 : memref<!tpu.dma_semaphore, #tpu.memory_space<semaphore_mem>>)
          %dma_wait3A_216 = arith.constant 0 : i32
          %dma_wait3A_217 = arith.constant 0 : i32
          %dma_wait3A_218 = arith.constant 0 : i32
          %dma_wait3A_219 = tpu.memref_slice %arg9[%dma_wait3A_216, %dma_wait3A_217, %dma_wait3A_218] : memref<2x128x128xf32, #tpu.memory_space<vmem>> -> memref<1x128x128xf32, #tpu.memory_space<vmem>>
          %dma_wait3A_220 = tpu.memref_squeeze %dma_wait3A_219 : memref<1x128x128xf32, #tpu.memory_space<vmem>> -> memref<128x128xf32, #tpu.memory_space<vmem>>
          %dma_wait3A_221 = arith.constant 0 : i32
          %dma_wait3A_222 = tpu.memref_slice %arg6[%add3A_148, %dma_wait3A_221] : memref<80000x128xf32, #tpu.memory_space<hbm>> -> memref<128x128xf32, #tpu.memory_space<hbm>>
          %dma_wait3A_223 = arith.constant 0 : i32
          %dma_wait3A_224 = tpu.memref_slice %arg6[%add3A_148, %dma_wait3A_223] : memref<80000x128xf32, #tpu.memory_space<hbm>> -> memref<128x128xf32, #tpu.memory_space<hbm>>
          %dma_wait3A_225 = arith.constant 0 : i32
          %dma_wait3A_226 = arith.constant 0 : i32
          %dma_wait3A_227 = tpu.memref_slice %arg9[%dma_wait3A_216, %dma_wait3A_225, %dma_wait3A_226] : memref<2x128x128xf32, #tpu.memory_space<vmem>> -> memref<1x128x128xf32, #tpu.memory_space<vmem>>
          %dma_wait3A_228 = tpu.memref_squeeze %dma_wait3A_227 : memref<1x128x128xf32, #tpu.memory_space<vmem>> -> memref<128x128xf32, #tpu.memory_space<vmem>>
          tpu.wait_dma2 semaphore(%arg11 : memref<!tpu.dma_semaphore, #tpu.memory_space<semaphore_mem>>) src(%dma_wait3A_228 : memref<128x128xf32, #tpu.memory_space<vmem>>) dst(%dma_wait3A_224 : memref<128x128xf32, #tpu.memory_space<hbm>>)
          %dma_start3A_229 = arith.constant 4 : i32
          %dma_start3A_230 = arith.constant 0 : i32
          %dma_start3A_231 = arith.constant 0 : i32
          %dma_start3A_232 = arith.constant 0 : i32
          %dma_start3A_233 = tpu.memref_slice %arg9[%dma_start3A_230, %dma_start3A_231, %dma_start3A_232] : memref<2x128x128xf32, #tpu.memory_space<vmem>> -> memref<1x128x128xf32, #tpu.memory_space<vmem>>
          %dma_start3A_234 = tpu.memref_squeeze %dma_start3A_233 : memref<1x128x128xf32, #tpu.memory_space<vmem>> -> memref<128x128xf32, #tpu.memory_space<vmem>>
          %dma_start3A_235 = arith.constant 0 : i32
          %dma_start3A_236 = tpu.memref_slice %arg8[%dma_start3A_229, %dma_start3A_235] : memref<5x128xi32, #tpu.memory_space<vmem>> -> memref<1x128xi32, #tpu.memory_space<vmem>>
          %dma_start3A_237 = tpu.memref_squeeze %dma_start3A_236 : memref<1x128xi32, #tpu.memory_space<vmem>> -> memref<128xi32, #tpu.memory_space<vmem>>
          %dma_start3A_238 = arith.constant 0 : i32
          %dma_start3A_239 = arith.constant 0 : i32
          %dma_start3A_240 = tpu.memref_slice %arg7[%dma_start3A_238, %dma_start3A_239] : memref<10000x128xf32, #tpu.memory_space<vmem_shared>> -> memref<10000x128xf32, #tpu.memory_space<vmem_shared>>
          tpu.enqueue_indirect_dma source(%dma_start3A_240 : memref<10000x128xf32, #tpu.memory_space<vmem_shared>>) target(%dma_start3A_234 : memref<128x128xf32, #tpu.memory_space<vmem>>) offsets(%dma_start3A_237 : memref<128xi32, #tpu.memory_space<vmem>>) semaphore(%arg10 : memref<!tpu.dma_semaphore, #tpu.memory_space<semaphore_mem>>)
          %dma_wait3A_241 = arith.constant 4 : i32
          %dma_wait3A_242 = arith.constant 0 : i32
          %dma_wait3A_243 = arith.constant 0 : i32
          %dma_wait3A_244 = arith.constant 0 : i32
          %dma_wait3A_245 = tpu.memref_slice %arg9[%dma_wait3A_242, %dma_wait3A_243, %dma_wait3A_244] : memref<2x128x128xf32, #tpu.memory_space<vmem>> -> memref<1x128x128xf32, #tpu.memory_space<vmem>>
          %dma_wait3A_246 = tpu.memref_squeeze %dma_wait3A_245 : memref<1x128x128xf32, #tpu.memory_space<vmem>> -> memref<128x128xf32, #tpu.memory_space<vmem>>
          %dma_wait3A_247 = arith.constant 0 : i32
          %dma_wait3A_248 = tpu.memref_slice %arg8[%dma_wait3A_241, %dma_wait3A_247] : memref<5x128xi32, #tpu.memory_space<vmem>> -> memref<1x128xi32, #tpu.memory_space<vmem>>
          %dma_wait3A_249 = tpu.memref_squeeze %dma_wait3A_248 : memref<1x128xi32, #tpu.memory_space<vmem>> -> memref<128xi32, #tpu.memory_space<vmem>>
          %dma_wait3A_250 = arith.constant 0 : i32
          %dma_wait3A_251 = arith.constant 0 : i32
          %dma_wait3A_252 = tpu.memref_slice %arg7[%dma_wait3A_250, %dma_wait3A_251] : memref<10000x128xf32, #tpu.memory_space<vmem_shared>> -> memref<10000x128xf32, #tpu.memory_space<vmem_shared>>
          tpu.wait_indirect_dma semaphore(%arg10 : memref<!tpu.dma_semaphore, #tpu.memory_space<semaphore_mem>>) src(%dma_wait3A_252 : memref<10000x128xf32, #tpu.memory_space<vmem_shared>>) dst(%dma_wait3A_246 : memref<128x128xf32, #tpu.memory_space<vmem>>)
          %mul3A_253 = arith.constant 640 : i32
          %mul3A_254 = arith.muli %add3A_14, %mul3A_253 : i32
          %add3A_255 = arith.constant 512 : i32
          %add3A_256 = arith.addi %mul3A_254, %add3A_255 : i32
          %dma_start3A_257 = arith.constant 0 : i32
          %dma_start3A_258 = arith.constant 0 : i32
          %dma_start3A_259 = arith.constant 0 : i32
          %dma_start3A_260 = tpu.memref_slice %arg9[%dma_start3A_257, %dma_start3A_258, %dma_start3A_259] : memref<2x128x128xf32, #tpu.memory_space<vmem>> -> memref<1x128x128xf32, #tpu.memory_space<vmem>>
          %dma_start3A_261 = tpu.memref_squeeze %dma_start3A_260 : memref<1x128x128xf32, #tpu.memory_space<vmem>> -> memref<128x128xf32, #tpu.memory_space<vmem>>
          %dma_start3A_262 = arith.constant 0 : i32
          %dma_start3A_263 = tpu.memref_slice %arg6[%add3A_256, %dma_start3A_262] : memref<80000x128xf32, #tpu.memory_space<hbm>> -> memref<128x128xf32, #tpu.memory_space<hbm>>
          %dma_start3A_264 = arith.constant 0 : i32
          %dma_start3A_265 = tpu.memref_slice %arg6[%add3A_256, %dma_start3A_264] : memref<80000x128xf32, #tpu.memory_space<hbm>> -> memref<128x128xf32, #tpu.memory_space<hbm>>
          %dma_start3A_266 = arith.constant 0 : i32
          %dma_start3A_267 = arith.constant 0 : i32
          %dma_start3A_268 = tpu.memref_slice %arg9[%dma_start3A_257, %dma_start3A_266, %dma_start3A_267] : memref<2x128x128xf32, #tpu.memory_space<vmem>> -> memref<1x128x128xf32, #tpu.memory_space<vmem>>
          %dma_start3A_269 = tpu.memref_squeeze %dma_start3A_268 : memref<1x128x128xf32, #tpu.memory_space<vmem>> -> memref<128x128xf32, #tpu.memory_space<vmem>>
          tpu.enqueue_dma source(%dma_start3A_269 : memref<128x128xf32, #tpu.memory_space<vmem>>) target(%dma_start3A_265 : memref<128x128xf32, #tpu.memory_space<hbm>>) target_semaphore(%arg11 : memref<!tpu.dma_semaphore, #tpu.memory_space<semaphore_mem>>)
          %dma_wait3A_270 = arith.constant 0 : i32
          %dma_wait3A_271 = arith.constant 0 : i32
          %dma_wait3A_272 = arith.constant 0 : i32
          %dma_wait3A_273 = tpu.memref_slice %arg9[%dma_wait3A_270, %dma_wait3A_271, %dma_wait3A_272] : memref<2x128x128xf32, #tpu.memory_space<vmem>> -> memref<1x128x128xf32, #tpu.memory_space<vmem>>
          %dma_wait3A_274 = tpu.memref_squeeze %dma_wait3A_273 : memref<1x128x128xf32, #tpu.memory_space<vmem>> -> memref<128x128xf32, #tpu.memory_space<vmem>>
          %dma_wait3A_275 = arith.constant 0 : i32
          %dma_wait3A_276 = tpu.memref_slice %arg6[%add3A_256, %dma_wait3A_275] : memref<80000x128xf32, #tpu.memory_space<hbm>> -> memref<128x128xf32, #tpu.memory_space<hbm>>
          %dma_wait3A_277 = arith.constant 0 : i32
          %dma_wait3A_278 = tpu.memref_slice %arg6[%add3A_256, %dma_wait3A_277] : memref<80000x128xf32, #tpu.memory_space<hbm>> -> memref<128x128xf32, #tpu.memory_space<hbm>>
          %dma_wait3A_279 = arith.constant 0 : i32
          %dma_wait3A_280 = arith.constant 0 : i32
          %dma_wait3A_281 = tpu.memref_slice %arg9[%dma_wait3A_270, %dma_wait3A_279, %dma_wait3A_280] : memref<2x128x128xf32, #tpu.memory_space<vmem>> -> memref<1x128x128xf32, #tpu.memory_space<vmem>>
          %dma_wait3A_282 = tpu.memref_squeeze %dma_wait3A_281 : memref<1x128x128xf32, #tpu.memory_space<vmem>> -> memref<128x128xf32, #tpu.memory_space<vmem>>
          tpu.wait_dma2 semaphore(%arg11 : memref<!tpu.dma_semaphore, #tpu.memory_space<semaphore_mem>>) src(%dma_wait3A_282 : memref<128x128xf32, #tpu.memory_space<vmem>>) dst(%dma_wait3A_278 : memref<128x128xf32, #tpu.memory_space<hbm>>)
          %dma_wait3A_283 = arith.constant 1 : i32
          %dma_wait3A_284 = arith.constant 0 : i32
          %dma_wait3A_285 = arith.constant 0 : i32
          %dma_wait3A_286 = tpu.memref_slice %arg9[%dma_wait3A_283, %dma_wait3A_284, %dma_wait3A_285] : memref<2x128x128xf32, #tpu.memory_space<vmem>> -> memref<1x128x128xf32, #tpu.memory_space<vmem>>
          %dma_wait3A_287 = tpu.memref_squeeze %dma_wait3A_286 : memref<1x128x128xf32, #tpu.memory_space<vmem>> -> memref<128x128xf32, #tpu.memory_space<vmem>>
          %dma_wait3A_288 = arith.constant 0 : i32
          %dma_wait3A_289 = tpu.memref_slice %arg6[%add3A_202, %dma_wait3A_288] : memref<80000x128xf32, #tpu.memory_space<hbm>> -> memref<128x128xf32, #tpu.memory_space<hbm>>
          %dma_wait3A_290 = arith.constant 0 : i32
          %dma_wait3A_291 = tpu.memref_slice %arg6[%add3A_202, %dma_wait3A_290] : memref<80000x128xf32, #tpu.memory_space<hbm>> -> memref<128x128xf32, #tpu.memory_space<hbm>>
          %dma_wait3A_292 = arith.constant 0 : i32
          %dma_wait3A_293 = arith.constant 0 : i32
          %dma_wait3A_294 = tpu.memref_slice %arg9[%dma_wait3A_283, %dma_wait3A_292, %dma_wait3A_293] : memref<2x128x128xf32, #tpu.memory_space<vmem>> -> memref<1x128x128xf32, #tpu.memory_space<vmem>>
          %dma_wait3A_295 = tpu.memref_squeeze %dma_wait3A_294 : memref<1x128x128xf32, #tpu.memory_space<vmem>> -> memref<128x128xf32, #tpu.memory_space<vmem>>
          tpu.wait_dma2 semaphore(%arg11 : memref<!tpu.dma_semaphore, #tpu.memory_space<semaphore_mem>>) src(%dma_wait3A_295 : memref<128x128xf32, #tpu.memory_space<vmem>>) dst(%dma_wait3A_291 : memref<128x128xf32, #tpu.memory_space<hbm>>)
        } else {
        }
      } else {
      }
    }
    %scan3A_8 = arith.constant 8 : i32
    return
  }
}

module attributes {stable_mosaic.version = 14 : i64} {
  func.func @_pq_body(%arg0: i32, %arg1: memref<2000x256xf32, #tpu.memory_space<vmem>>, %arg2: memref<256x256xbf16, #tpu.memory_space<vmem>>, %arg3: memref<256x256xbf16, #tpu.memory_space<vmem>>, %arg4: memref<1x256xf32, #tpu.memory_space<vmem>>, %arg5: memref<2000x128xf32, #tpu.memory_space<vmem>>, %arg6: memref<2000x128xf32, #tpu.memory_space<vmem>>) attributes {dimension_semantics = [#tpu.dimension_semantics<arbitrary>], iteration_bounds = array<i64: 5>, scalar_prefetch = 0 : i64, scratch_operands = 0 : i64, tpu.core_type = #tpu.core_type<tc>, window_params = [{transform_indices = @transform_0, window_bounds = array<i64: 2000, 256>}, {pipeline_mode = #tpu.pipeline_mode<synchronous>, transform_indices = @transform_1, window_bounds = array<i64: 256, 256>}, {pipeline_mode = #tpu.pipeline_mode<synchronous>, transform_indices = @transform_2, window_bounds = array<i64: 256, 256>}, {pipeline_mode = #tpu.pipeline_mode<synchronous>, transform_indices = @transform_3, window_bounds = array<i64: 1, 256>}, {transform_indices = @transform_4, window_bounds = array<i64: 2000, 128>}, {transform_indices = @transform_5, window_bounds = array<i64: 2000, 128>}]} {
    %get3A = arith.constant 0 : index
    %get3A_0 = arith.constant 0 : index
    %get3A_1 = vector.load %arg1[%get3A, %get3A_0] : memref<2000x256xf32, #tpu.memory_space<vmem>>, vector<2000x256xf32>
    %convert_element_type3A = arith.truncf %get3A_1 : vector<2000x256xf32> to vector<2000x256xbf16>
    %get3A_2 = arith.constant 0 : index
    %get3A_3 = arith.constant 0 : index
    %get3A_4 = vector.load %arg2[%get3A_2, %get3A_3] : memref<256x256xbf16, #tpu.memory_space<vmem>>, vector<256x256xbf16>
    %dot_general3A = arith.constant dense<0.000000e+00> : vector<2000x256xf32>
    %dot_general3A_5 = tpu.matmul %convert_element_type3A, %get3A_4, %dot_general3A {dimension_numbers = #tpu.dot_dimension_numbers<[1], [0], [0], [1], [0, 0, 1, 1], [], []>, transpose_lhs_hint = false} : vector<2000x256xbf16>, vector<256x256xbf16>, vector<2000x256xf32> -> vector<2000x256xf32>
    %get3A_6 = arith.constant 0 : index
    %get3A_7 = arith.constant 0 : index
    %get3A_8 = vector.load %arg4[%get3A_6, %get3A_7] : memref<1x256xf32, #tpu.memory_space<vmem>>, vector<1x256xf32>
    %add3A = vector.broadcast %get3A_8 : vector<1x256xf32> to vector<2000x256xf32>
    %add3A_9 = arith.addf %dot_general3A_5, %add3A : vector<2000x256xf32>
    %get3A_10 = arith.constant 0 : index
    %get3A_11 = arith.constant 0 : index
    %get3A_12 = vector.load %arg3[%get3A_10, %get3A_11] : memref<256x256xbf16, #tpu.memory_space<vmem>>, vector<256x256xbf16>
    %dot_general3A_13 = arith.constant dense<0.000000e+00> : vector<2000x256xf32>
    %dot_general3A_14 = tpu.matmul %convert_element_type3A, %get3A_12, %dot_general3A_13 {dimension_numbers = #tpu.dot_dimension_numbers<[1], [0], [0], [1], [0, 0, 1, 1], [], []>, transpose_lhs_hint = false} : vector<2000x256xbf16>, vector<256x256xbf16>, vector<2000x256xf32> -> vector<2000x256xf32>
    %convert_element_type3A_15 = arith.truncf %add3A_9 : vector<2000x256xf32> to vector<2000x256xbf16>
    %bitcast_convert_type3A = tpu.bitcast %convert_element_type3A_15 : vector<2000x256xbf16> -> vector<2000x256xi16>
    %slice3A = vector.extract_strided_slice %bitcast_convert_type3A {offsets = [0, 0], sizes = [2000, 128], strides = [1, 1]} : vector<2000x256xi16> to vector<2000x128xi16>
    %convert_element_type3A_16 = arith.extui %slice3A : vector<2000x128xi16> to vector<2000x128xi32>
    %slice3A_17 = vector.extract_strided_slice %bitcast_convert_type3A {offsets = [0, 128], sizes = [2000, 128], strides = [1, 1]} : vector<2000x256xi16> to vector<2000x128xi16>
    %convert_element_type3A_18 = arith.extui %slice3A_17 : vector<2000x128xi16> to vector<2000x128xi32>
    %shift_left3A = arith.constant 16 : i32
    %shift_left3A_19 = vector.broadcast %shift_left3A : i32 to vector<2000x128xi32>
    %shift_left3A_20 = arith.shli %convert_element_type3A_18, %shift_left3A_19 : vector<2000x128xi32>
    %or3A = arith.ori %convert_element_type3A_16, %shift_left3A_20 : vector<2000x128xi32>
    %bitcast_convert_type3A_21 = tpu.bitcast %or3A : vector<2000x128xi32> -> vector<2000x128xf32>
    %swap3A = arith.constant 0 : index
    %swap3A_22 = arith.constant 0 : index
    %swap3A_23 = vector.load %arg5[%swap3A, %swap3A_22] : memref<2000x128xf32, #tpu.memory_space<vmem>>, vector<2000x128xf32>
    tpu.vector_store %arg5[%swap3A, %swap3A_22], %bitcast_convert_type3A_21 {strides = array<i32>} : memref<2000x128xf32, #tpu.memory_space<vmem>>, vector<2000x128xf32>,
    %convert_element_type3A_24 = arith.truncf %dot_general3A_14 : vector<2000x256xf32> to vector<2000x256xbf16>
    %bitcast_convert_type3A_25 = tpu.bitcast %convert_element_type3A_24 : vector<2000x256xbf16> -> vector<2000x256xi16>
    %slice3A_26 = vector.extract_strided_slice %bitcast_convert_type3A_25 {offsets = [0, 0], sizes = [2000, 128], strides = [1, 1]} : vector<2000x256xi16> to vector<2000x128xi16>
    %convert_element_type3A_27 = arith.extui %slice3A_26 : vector<2000x128xi16> to vector<2000x128xi32>
    %slice3A_28 = vector.extract_strided_slice %bitcast_convert_type3A_25 {offsets = [0, 128], sizes = [2000, 128], strides = [1, 1]} : vector<2000x256xi16> to vector<2000x128xi16>
    %convert_element_type3A_29 = arith.extui %slice3A_28 : vector<2000x128xi16> to vector<2000x128xi32>
    %shift_left3A_30 = arith.constant 16 : i32
    %shift_left3A_31 = vector.broadcast %shift_left3A_30 : i32 to vector<2000x128xi32>
    %shift_left3A_32 = arith.shli %convert_element_type3A_29, %shift_left3A_31 : vector<2000x128xi32>
    %or3A_33 = arith.ori %convert_element_type3A_27, %shift_left3A_32 : vector<2000x128xi32>
    %bitcast_convert_type3A_34 = tpu.bitcast %or3A_33 : vector<2000x128xi32> -> vector<2000x128xf32>
    %swap3A_35 = arith.constant 0 : index
    %swap3A_36 = arith.constant 0 : index
    %swap3A_37 = vector.load %arg6[%swap3A_35, %swap3A_36] : memref<2000x128xf32, #tpu.memory_space<vmem>>, vector<2000x128xf32>
    tpu.vector_store %arg6[%swap3A_35, %swap3A_36], %bitcast_convert_type3A_34 {strides = array<i32>} : memref<2000x128xf32, #tpu.memory_space<vmem>>, vector<2000x128xf32>,
    return
  }
  func.func @transform_0(%arg0: i32) -> (i32, i32) {
    %c0_i32 = arith.constant 0 : i32
    %c0_i32_0 = arith.constant 0 : i32
    return %arg0, %c0_i32 : i32, i32
  }
  func.func @transform_1(%arg0: i32) -> (i32, i32) {
    %c0_i32 = arith.constant 0 : i32
    %c0_i32_0 = arith.constant 0 : i32
    %c0_i32_1 = arith.constant 0 : i32
    return %c0_i32, %c0_i32_0 : i32, i32
  }
  func.func @transform_2(%arg0: i32) -> (i32, i32) {
    %c0_i32 = arith.constant 0 : i32
    %c0_i32_0 = arith.constant 0 : i32
    %c0_i32_1 = arith.constant 0 : i32
    return %c0_i32, %c0_i32_0 : i32, i32
  }
  func.func @transform_3(%arg0: i32) -> (i32, i32) {
    %c0_i32 = arith.constant 0 : i32
    %c0_i32_0 = arith.constant 0 : i32
    %c0_i32_1 = arith.constant 0 : i32
    return %c0_i32, %c0_i32_0 : i32, i32
  }
  func.func @transform_4(%arg0: i32) -> (i32, i32) {
    %c0_i32 = arith.constant 0 : i32
    %c0_i32_0 = arith.constant 0 : i32
    return %arg0, %c0_i32 : i32, i32
  }
  func.func @transform_5(%arg0: i32) -> (i32, i32) {
    %c0_i32 = arith.constant 0 : i32
    %c0_i32_0 = arith.constant 0 : i32
    return %arg0, %c0_i32 : i32, i32
  }
}

module attributes {stable_mosaic.version = 14 : i64} {
  func.func @_edge_body(%arg0: i32, %arg1: memref<8000x128xf32, #tpu.memory_space<vmem>>, %arg2: memref<8000x128xf32, #tpu.memory_space<vmem>>, %arg3: memref<128x256xbf16, #tpu.memory_space<vmem>>, %arg4: memref<128x256xbf16, #tpu.memory_space<vmem>>, %arg5: memref<1x256xf32, #tpu.memory_space<vmem>>, %arg6: memref<256x128xbf16, #tpu.memory_space<vmem>>, %arg7: memref<1x128xf32, #tpu.memory_space<vmem>>, %arg8: memref<8000x128xf32, #tpu.memory_space<vmem>>) attributes {dimension_semantics = [#tpu.dimension_semantics<arbitrary>], iteration_bounds = array<i64: 10>, scalar_prefetch = 0 : i64, scratch_operands = 0 : i64, tpu.core_type = #tpu.core_type<tc>, window_params = [{transform_indices = @transform_0, window_bounds = array<i64: 8000, 128>}, {transform_indices = @transform_1, window_bounds = array<i64: 8000, 128>}, {pipeline_mode = #tpu.pipeline_mode<synchronous>, transform_indices = @transform_2, window_bounds = array<i64: 128, 256>}, {pipeline_mode = #tpu.pipeline_mode<synchronous>, transform_indices = @transform_3, window_bounds = array<i64: 128, 256>}, {pipeline_mode = #tpu.pipeline_mode<synchronous>, transform_indices = @transform_4, window_bounds = array<i64: 1, 256>}, {pipeline_mode = #tpu.pipeline_mode<synchronous>, transform_indices = @transform_5, window_bounds = array<i64: 256, 128>}, {pipeline_mode = #tpu.pipeline_mode<synchronous>, transform_indices = @transform_6, window_bounds = array<i64: 1, 128>}, {transform_indices = @transform_7, window_bounds = array<i64: 8000, 128>}]} {
    %get3A = arith.constant 0 : index
    %get3A_0 = arith.constant 0 : index
    %get3A_1 = vector.load %arg1[%get3A, %get3A_0] : memref<8000x128xf32, #tpu.memory_space<vmem>>, vector<8000x128xf32>
    %bitcast_convert_type3A = tpu.bitcast %get3A_1 : vector<8000x128xf32> -> vector<8000x128xi32>
    %and3A = arith.constant 65535 : i32
    %and3A_2 = vector.broadcast %and3A : i32 to vector<8000x128xi32>
    %and3A_3 = arith.andi %bitcast_convert_type3A, %and3A_2 : vector<8000x128xi32>
    %convert_element_type3A = arith.trunci %and3A_3 : vector<8000x128xi32> to vector<8000x128xi16>
    %bitcast_convert_type3A_4 = tpu.bitcast %convert_element_type3A : vector<8000x128xi16> -> vector<8000x128xbf16>
    %shift_right_logical3A = arith.constant 16 : i32
    %shift_right_logical3A_5 = vector.broadcast %shift_right_logical3A : i32 to vector<8000x128xi32>
    %shift_right_logical3A_6 = arith.shrui %bitcast_convert_type3A, %shift_right_logical3A_5 : vector<8000x128xi32>
    %convert_element_type3A_7 = arith.trunci %shift_right_logical3A_6 : vector<8000x128xi32> to vector<8000x128xi16>
    %bitcast_convert_type3A_8 = tpu.bitcast %convert_element_type3A_7 : vector<8000x128xi16> -> vector<8000x128xbf16>
    %get3A_9 = arith.constant 0 : index
    %get3A_10 = arith.constant 0 : index
    %get3A_11 = vector.load %arg2[%get3A_9, %get3A_10] : memref<8000x128xf32, #tpu.memory_space<vmem>>, vector<8000x128xf32>
    %bitcast_convert_type3A_12 = tpu.bitcast %get3A_11 : vector<8000x128xf32> -> vector<8000x128xi32>
    %and3A_13 = arith.constant 65535 : i32
    %and3A_14 = vector.broadcast %and3A_13 : i32 to vector<8000x128xi32>
    %and3A_15 = arith.andi %bitcast_convert_type3A_12, %and3A_14 : vector<8000x128xi32>
    %convert_element_type3A_16 = arith.trunci %and3A_15 : vector<8000x128xi32> to vector<8000x128xi16>
    %bitcast_convert_type3A_17 = tpu.bitcast %convert_element_type3A_16 : vector<8000x128xi16> -> vector<8000x128xbf16>
    %shift_right_logical3A_18 = arith.constant 16 : i32
    %shift_right_logical3A_19 = vector.broadcast %shift_right_logical3A_18 : i32 to vector<8000x128xi32>
    %shift_right_logical3A_20 = arith.shrui %bitcast_convert_type3A_12, %shift_right_logical3A_19 : vector<8000x128xi32>
    %convert_element_type3A_21 = arith.trunci %shift_right_logical3A_20 : vector<8000x128xi32> to vector<8000x128xi16>
    %bitcast_convert_type3A_22 = tpu.bitcast %convert_element_type3A_21 : vector<8000x128xi16> -> vector<8000x128xbf16>
    %add3A = arith.addf %bitcast_convert_type3A_4, %bitcast_convert_type3A_17 : vector<8000x128xbf16>
    %max3A = arith.constant 0.000000e+00 : bf16
    %max3A_23 = vector.broadcast %max3A : bf16 to vector<8000x128xbf16>
    %max3A_24 = arith.maximumf %add3A, %max3A_23 : vector<8000x128xbf16>
    %add3A_25 = arith.addf %bitcast_convert_type3A_8, %bitcast_convert_type3A_22 : vector<8000x128xbf16>
    %max3A_26 = arith.constant 0.000000e+00 : bf16
    %max3A_27 = vector.broadcast %max3A_26 : bf16 to vector<8000x128xbf16>
    %max3A_28 = arith.maximumf %add3A_25, %max3A_27 : vector<8000x128xbf16>
    %get3A_29 = arith.constant 0 : index
    %get3A_30 = arith.constant 0 : index
    %get3A_31 = vector.load %arg3[%get3A_29, %get3A_30] : memref<128x256xbf16, #tpu.memory_space<vmem>>, vector<128x256xbf16>
    %dot_general3A = arith.constant dense<0.000000e+00> : vector<8000x256xf32>
    %dot_general3A_32 = tpu.matmul %max3A_24, %get3A_31, %dot_general3A {dimension_numbers = #tpu.dot_dimension_numbers<[1], [0], [0], [1], [0, 0, 1, 1], [], []>, transpose_lhs_hint = false} : vector<8000x128xbf16>, vector<128x256xbf16>, vector<8000x256xf32> -> vector<8000x256xf32>
    %get3A_33 = arith.constant 0 : index
    %get3A_34 = arith.constant 0 : index
    %get3A_35 = vector.load %arg4[%get3A_33, %get3A_34] : memref<128x256xbf16, #tpu.memory_space<vmem>>, vector<128x256xbf16>
    %dot_general3A_36 = arith.constant dense<0.000000e+00> : vector<8000x256xf32>
    %dot_general3A_37 = tpu.matmul %max3A_28, %get3A_35, %dot_general3A_36 {dimension_numbers = #tpu.dot_dimension_numbers<[1], [0], [0], [1], [0, 0, 1, 1], [], []>, transpose_lhs_hint = false} : vector<8000x128xbf16>, vector<128x256xbf16>, vector<8000x256xf32> -> vector<8000x256xf32>
    %add3A_38 = arith.addf %dot_general3A_32, %dot_general3A_37 : vector<8000x256xf32>
    %get3A_39 = arith.constant 0 : index
    %get3A_40 = arith.constant 0 : index
    %get3A_41 = vector.load %arg5[%get3A_39, %get3A_40] : memref<1x256xf32, #tpu.memory_space<vmem>>, vector<1x256xf32>
    %add3A_42 = vector.broadcast %get3A_41 : vector<1x256xf32> to vector<8000x256xf32>
    %add3A_43 = arith.addf %add3A_38, %add3A_42 : vector<8000x256xf32>
    %max3A_44 = arith.constant 0.000000e+00 : f32
    %max3A_45 = vector.broadcast %max3A_44 : f32 to vector<8000x256xf32>
    %max3A_46 = arith.maximumf %add3A_43, %max3A_45 : vector<8000x256xf32>
    %convert_element_type3A_47 = arith.truncf %max3A_46 : vector<8000x256xf32> to vector<8000x256xbf16>
    %get3A_48 = arith.constant 0 : index
    %get3A_49 = arith.constant 0 : index
    %get3A_50 = vector.load %arg6[%get3A_48, %get3A_49] : memref<256x128xbf16, #tpu.memory_space<vmem>>, vector<256x128xbf16>
    %dot_general3A_51 = arith.constant dense<0.000000e+00> : vector<8000x128xf32>
    %dot_general3A_52 = tpu.matmul %convert_element_type3A_47, %get3A_50, %dot_general3A_51 {dimension_numbers = #tpu.dot_dimension_numbers<[1], [0], [0], [1], [0, 0, 1, 1], [], []>, transpose_lhs_hint = false} : vector<8000x256xbf16>, vector<256x128xbf16>, vector<8000x128xf32> -> vector<8000x128xf32>
    %get3A_53 = arith.constant 0 : index
    %get3A_54 = arith.constant 0 : index
    %get3A_55 = vector.load %arg7[%get3A_53, %get3A_54] : memref<1x128xf32, #tpu.memory_space<vmem>>, vector<1x128xf32>
    %add3A_56 = vector.broadcast %get3A_55 : vector<1x128xf32> to vector<8000x128xf32>
    %add3A_57 = arith.addf %dot_general3A_52, %add3A_56 : vector<8000x128xf32>
    %swap3A = arith.constant 0 : index
    %swap3A_58 = arith.constant 0 : index
    %swap3A_59 = vector.load %arg8[%swap3A, %swap3A_58] : memref<8000x128xf32, #tpu.memory_space<vmem>>, vector<8000x128xf32>
    tpu.vector_store %arg8[%swap3A, %swap3A_58], %add3A_57 {strides = array<i32>} : memref<8000x128xf32, #tpu.memory_space<vmem>>, vector<8000x128xf32>,
    return
  }
  func.func @transform_0(%arg0: i32) -> (i32, i32) {
    %c0_i32 = arith.constant 0 : i32
    %c0_i32_0 = arith.constant 0 : i32
    return %arg0, %c0_i32 : i32, i32
  }
  func.func @transform_1(%arg0: i32) -> (i32, i32) {
    %c0_i32 = arith.constant 0 : i32
    %c0_i32_0 = arith.constant 0 : i32
    return %arg0, %c0_i32 : i32, i32
  }
  func.func @transform_2(%arg0: i32) -> (i32, i32) {
    %c0_i32 = arith.constant 0 : i32
    %c0_i32_0 = arith.constant 0 : i32
    %c0_i32_1 = arith.constant 0 : i32
    return %c0_i32, %c0_i32_0 : i32, i32
  }
  func.func @transform_3(%arg0: i32) -> (i32, i32) {
    %c0_i32 = arith.constant 0 : i32
    %c0_i32_0 = arith.constant 0 : i32
    %c0_i32_1 = arith.constant 0 : i32
    return %c0_i32, %c0_i32_0 : i32, i32
  }
  func.func @transform_4(%arg0: i32) -> (i32, i32) {
    %c0_i32 = arith.constant 0 : i32
    %c0_i32_0 = arith.constant 0 : i32
    %c0_i32_1 = arith.constant 0 : i32
    return %c0_i32, %c0_i32_0 : i32, i32
  }
  func.func @transform_5(%arg0: i32) -> (i32, i32) {
    %c0_i32 = arith.constant 0 : i32
    %c0_i32_0 = arith.constant 0 : i32
    %c0_i32_1 = arith.constant 0 : i32
    return %c0_i32, %c0_i32_0 : i32, i32
  }
  func.func @transform_6(%arg0: i32) -> (i32, i32) {
    %c0_i32 = arith.constant 0 : i32
    %c0_i32_0 = arith.constant 0 : i32
    %c0_i32_1 = arith.constant 0 : i32
    return %c0_i32, %c0_i32_0 : i32, i32
  }
  func.func @transform_7(%arg0: i32) -> (i32, i32) {
    %c0_i32 = arith.constant 0 : i32
    %c0_i32_0 = arith.constant 0 : i32
    return %arg0, %c0_i32 : i32, i32
  }
}

module attributes {stable_mosaic.version = 14 : i64} {
  func.func @_node_body(%arg0: i32, %arg1: memref<2x2000x128xf32, #tpu.memory_space<vmem>>, %arg2: memref<2x2000x128xf32, #tpu.memory_space<vmem>>, %arg3: memref<2000x256xf32, #tpu.memory_space<vmem>>, %arg4: memref<128x128xbf16, #tpu.memory_space<vmem>>, %arg5: memref<1x128xf32, #tpu.memory_space<vmem>>, %arg6: memref<128x128xbf16, #tpu.memory_space<vmem>>, %arg7: memref<1x128xf32, #tpu.memory_space<vmem>>, %arg8: memref<256x256xbf16, #tpu.memory_space<vmem>>, %arg9: memref<128x256xbf16, #tpu.memory_space<vmem>>, %arg10: memref<1x256xf32, #tpu.memory_space<vmem>>, %arg11: memref<256x256xbf16, #tpu.memory_space<vmem>>, %arg12: memref<1x256xf32, #tpu.memory_space<vmem>>, %arg13: memref<256x128xbf16, #tpu.memory_space<vmem>>, %arg14: memref<1x128xf32, #tpu.memory_space<vmem>>, %arg15: memref<128x256xf32, #tpu.memory_space<vmem>>, %arg16: memref<1x256xf32, #tpu.memory_space<vmem>>, %arg17: memref<256x256xf32, #tpu.memory_space<vmem>>, %arg18: memref<1x256xf32, #tpu.memory_space<vmem>>, %arg19: memref<256x8xf32, #tpu.memory_space<vmem>>, %arg20: memref<1x8xf32, #tpu.memory_space<vmem>>, %arg21: memref<256x8xf32, #tpu.memory_space<vmem>>, %arg22: memref<1x8xf32, #tpu.memory_space<vmem>>, %arg23: memref<2000x128xf32, #tpu.memory_space<vmem>>, %arg24: memref<1000x16xf32, #tpu.memory_space<vmem>>) attributes {dimension_semantics = [#tpu.dimension_semantics<arbitrary>], iteration_bounds = array<i64: 5>, scalar_prefetch = 0 : i64, scratch_operands = 0 : i64, tpu.core_type = #tpu.core_type<tc>, window_params = [{transform_indices = @transform_0, window_bounds = array<i64: 2, 2000, 128>}, {transform_indices = @transform_1, window_bounds = array<i64: 2, 2000, 128>}, {transform_indices = @transform_2, window_bounds = array<i64: 2000, 256>}, {pipeline_mode = #tpu.pipeline_mode<synchronous>, transform_indices = @transform_3, window_bounds = array<i64: 128, 128>}, {pipeline_mode = #tpu.pipeline_mode<synchronous>, transform_indices = @transform_4, window_bounds = array<i64: 1, 128>}, {pipeline_mode = #tpu.pipeline_mode<synchronous>, transform_indices = @transform_5, window_bounds = array<i64: 128, 128>}, {pipeline_mode = #tpu.pipeline_mode<synchronous>, transform_indices = @transform_6, window_bounds = array<i64: 1, 128>}, {pipeline_mode = #tpu.pipeline_mode<synchronous>, transform_indices = @transform_7, window_bounds = array<i64: 256, 256>}, {pipeline_mode = #tpu.pipeline_mode<synchronous>, transform_indices = @transform_8, window_bounds = array<i64: 128, 256>}, {pipeline_mode = #tpu.pipeline_mode<synchronous>, transform_indices = @transform_9, window_bounds = array<i64: 1, 256>}, {pipeline_mode = #tpu.pipeline_mode<synchronous>, transform_indices = @transform_10, window_bounds = array<i64: 256, 256>}, {pipeline_mode = #tpu.pipeline_mode<synchronous>, transform_indices = @transform_11, window_bounds = array<i64: 1, 256>}, {pipeline_mode = #tpu.pipeline_mode<synchronous>, transform_indices = @transform_12, window_bounds = array<i64: 256, 128>}, {pipeline_mode = #tpu.pipeline_mode<synchronous>, transform_indices = @transform_13, window_bounds = array<i64: 1, 128>}, {pipeline_mode = #tpu.pipeline_mode<synchronous>, transform_indices = @transform_14, window_bounds = array<i64: 128, 256>}, {pipeline_mode = #tpu.pipeline_mode<synchronous>, transform_indices = @transform_15, window_bounds = array<i64: 1, 256>}, {pipeline_mode = #tpu.pipeline_mode<synchronous>, transform_indices = @transform_16, window_bounds = array<i64: 256, 256>}, {pipeline_mode = #tpu.pipeline_mode<synchronous>, transform_indices = @transform_17, window_bounds = array<i64: 1, 256>}, {pipeline_mode = #tpu.pipeline_mode<synchronous>, transform_indices = @transform_18, window_bounds = array<i64: 256, 8>}, {pipeline_mode = #tpu.pipeline_mode<synchronous>, transform_indices = @transform_19, window_bounds = array<i64: 1, 8>}, {pipeline_mode = #tpu.pipeline_mode<synchronous>, transform_indices = @transform_20, window_bounds = array<i64: 256, 8>}, {pipeline_mode = #tpu.pipeline_mode<synchronous>, transform_indices = @transform_21, window_bounds = array<i64: 1, 8>}, {transform_indices = @transform_22, window_bounds = array<i64: 2000, 128>}, {pipeline_mode = #tpu.pipeline_mode<synchronous>, transform_indices = @transform_23, window_bounds = array<i64: 1000, 16>}]} {
    %get3A = arith.constant 0 : index
    %get3A_0 = arith.constant 0 : index
    %get3A_1 = arith.constant 0 : index
    %get3A_2 = vector.load %arg1[%get3A, %get3A_0, %get3A_1] : memref<2x2000x128xf32, #tpu.memory_space<vmem>>, vector<2x2000x128xf32>
    %reduce_sum3A = arith.constant dense<0.000000e+00> : vector<2000x128xf32>
    %reduce_sum3A_3 = vector.multi_reduction <add>, %get3A_2, %reduce_sum3A [0] : vector<2x2000x128xf32> to vector<2000x128xf32>
    %get3A_4 = arith.constant 0 : index
    %get3A_5 = arith.constant 0 : index
    %get3A_6 = arith.constant 0 : index
    %get3A_7 = vector.load %arg2[%get3A_4, %get3A_5, %get3A_6] : memref<2x2000x128xf32, #tpu.memory_space<vmem>>, vector<2x2000x128xf32>
    %reduce_sum3A_8 = arith.constant dense<0.000000e+00> : vector<2000x128xf32>
    %reduce_sum3A_9 = vector.multi_reduction <add>, %get3A_7, %reduce_sum3A_8 [0] : vector<2x2000x128xf32> to vector<2000x128xf32>
    %add3A = arith.addf %reduce_sum3A_3, %reduce_sum3A_9 : vector<2000x128xf32>
    %convert_element_type3A = arith.truncf %add3A : vector<2000x128xf32> to vector<2000x128xbf16>
    %get3A_10 = arith.constant 0 : index
    %get3A_11 = arith.constant 0 : index
    %get3A_12 = vector.load %arg4[%get3A_10, %get3A_11] : memref<128x128xbf16, #tpu.memory_space<vmem>>, vector<128x128xbf16>
    %dot_general3A = arith.constant dense<0.000000e+00> : vector<2000x128xf32>
    %dot_general3A_13 = tpu.matmul %convert_element_type3A, %get3A_12, %dot_general3A {dimension_numbers = #tpu.dot_dimension_numbers<[1], [0], [0], [1], [0, 0, 1, 1], [], []>, transpose_lhs_hint = false} : vector<2000x128xbf16>, vector<128x128xbf16>, vector<2000x128xf32> -> vector<2000x128xf32>
    %get3A_14 = arith.constant 0 : index
    %get3A_15 = arith.constant 0 : index
    %get3A_16 = vector.load %arg5[%get3A_14, %get3A_15] : memref<1x128xf32, #tpu.memory_space<vmem>>, vector<1x128xf32>
    %add3A_17 = vector.broadcast %get3A_16 : vector<1x128xf32> to vector<2000x128xf32>
    %add3A_18 = arith.addf %dot_general3A_13, %add3A_17 : vector<2000x128xf32>
    %max3A = arith.constant 0.000000e+00 : f32
    %max3A_19 = vector.broadcast %max3A : f32 to vector<2000x128xf32>
    %max3A_20 = arith.maximumf %add3A_18, %max3A_19 : vector<2000x128xf32>
    %convert_element_type3A_21 = arith.truncf %max3A_20 : vector<2000x128xf32> to vector<2000x128xbf16>
    %get3A_22 = arith.constant 0 : index
    %get3A_23 = arith.constant 0 : index
    %get3A_24 = vector.load %arg6[%get3A_22, %get3A_23] : memref<128x128xbf16, #tpu.memory_space<vmem>>, vector<128x128xbf16>
    %dot_general3A_25 = arith.constant dense<0.000000e+00> : vector<2000x128xf32>
    %dot_general3A_26 = tpu.matmul %convert_element_type3A_21, %get3A_24, %dot_general3A_25 {dimension_numbers = #tpu.dot_dimension_numbers<[1], [0], [0], [1], [0, 0, 1, 1], [], []>, transpose_lhs_hint = false} : vector<2000x128xbf16>, vector<128x128xbf16>, vector<2000x128xf32> -> vector<2000x128xf32>
    %get3A_27 = arith.constant 0 : index
    %get3A_28 = arith.constant 0 : index
    %get3A_29 = vector.load %arg7[%get3A_27, %get3A_28] : memref<1x128xf32, #tpu.memory_space<vmem>>, vector<1x128xf32>
    %add3A_30 = vector.broadcast %get3A_29 : vector<1x128xf32> to vector<2000x128xf32>
    %add3A_31 = arith.addf %dot_general3A_26, %add3A_30 : vector<2000x128xf32>
    %max3A_32 = arith.constant 0.000000e+00 : f32
    %max3A_33 = vector.broadcast %max3A_32 : f32 to vector<2000x128xf32>
    %max3A_34 = arith.maximumf %add3A_31, %max3A_33 : vector<2000x128xf32>
    %convert_element_type3A_35 = arith.truncf %max3A_34 : vector<2000x128xf32> to vector<2000x128xbf16>
    %get3A_36 = arith.constant 0 : index
    %get3A_37 = arith.constant 0 : index
    %get3A_38 = vector.load %arg3[%get3A_36, %get3A_37] : memref<2000x256xf32, #tpu.memory_space<vmem>>, vector<2000x256xf32>
    %convert_element_type3A_39 = arith.truncf %get3A_38 : vector<2000x256xf32> to vector<2000x256xbf16>
    %get3A_40 = arith.constant 0 : index
    %get3A_41 = arith.constant 0 : index
    %get3A_42 = vector.load %arg8[%get3A_40, %get3A_41] : memref<256x256xbf16, #tpu.memory_space<vmem>>, vector<256x256xbf16>
    %dot_general3A_43 = arith.constant dense<0.000000e+00> : vector<2000x256xf32>
    %dot_general3A_44 = tpu.matmul %convert_element_type3A_39, %get3A_42, %dot_general3A_43 {dimension_numbers = #tpu.dot_dimension_numbers<[1], [0], [0], [1], [0, 0, 1, 1], [], []>, transpose_lhs_hint = false} : vector<2000x256xbf16>, vector<256x256xbf16>, vector<2000x256xf32> -> vector<2000x256xf32>
    %get3A_45 = arith.constant 0 : index
    %get3A_46 = arith.constant 0 : index
    %get3A_47 = vector.load %arg9[%get3A_45, %get3A_46] : memref<128x256xbf16, #tpu.memory_space<vmem>>, vector<128x256xbf16>
    %dot_general3A_48 = arith.constant dense<0.000000e+00> : vector<2000x256xf32>
    %dot_general3A_49 = tpu.matmul %convert_element_type3A_35, %get3A_47, %dot_general3A_48 {dimension_numbers = #tpu.dot_dimension_numbers<[1], [0], [0], [1], [0, 0, 1, 1], [], []>, transpose_lhs_hint = false} : vector<2000x128xbf16>, vector<128x256xbf16>, vector<2000x256xf32> -> vector<2000x256xf32>
    %add3A_50 = arith.addf %dot_general3A_44, %dot_general3A_49 : vector<2000x256xf32>
    %get3A_51 = arith.constant 0 : index
    %get3A_52 = arith.constant 0 : index
    %get3A_53 = vector.load %arg10[%get3A_51, %get3A_52] : memref<1x256xf32, #tpu.memory_space<vmem>>, vector<1x256xf32>
    %add3A_54 = vector.broadcast %get3A_53 : vector<1x256xf32> to vector<2000x256xf32>
    %add3A_55 = arith.addf %add3A_50, %add3A_54 : vector<2000x256xf32>
    %max3A_56 = arith.constant 0.000000e+00 : f32
    %max3A_57 = vector.broadcast %max3A_56 : f32 to vector<2000x256xf32>
    %max3A_58 = arith.maximumf %add3A_55, %max3A_57 : vector<2000x256xf32>
    %convert_element_type3A_59 = arith.truncf %max3A_58 : vector<2000x256xf32> to vector<2000x256xbf16>
    %get3A_60 = arith.constant 0 : index
    %get3A_61 = arith.constant 0 : index
    %get3A_62 = vector.load %arg11[%get3A_60, %get3A_61] : memref<256x256xbf16, #tpu.memory_space<vmem>>, vector<256x256xbf16>
    %dot_general3A_63 = arith.constant dense<0.000000e+00> : vector<2000x256xf32>
    %dot_general3A_64 = tpu.matmul %convert_element_type3A_59, %get3A_62, %dot_general3A_63 {dimension_numbers = #tpu.dot_dimension_numbers<[1], [0], [0], [1], [0, 0, 1, 1], [], []>, transpose_lhs_hint = false} : vector<2000x256xbf16>, vector<256x256xbf16>, vector<2000x256xf32> -> vector<2000x256xf32>
    %get3A_65 = arith.constant 0 : index
    %get3A_66 = arith.constant 0 : index
    %get3A_67 = vector.load %arg12[%get3A_65, %get3A_66] : memref<1x256xf32, #tpu.memory_space<vmem>>, vector<1x256xf32>
    %add3A_68 = vector.broadcast %get3A_67 : vector<1x256xf32> to vector<2000x256xf32>
    %add3A_69 = arith.addf %dot_general3A_64, %add3A_68 : vector<2000x256xf32>
    %max3A_70 = arith.constant 0.000000e+00 : f32
    %max3A_71 = vector.broadcast %max3A_70 : f32 to vector<2000x256xf32>
    %max3A_72 = arith.maximumf %add3A_69, %max3A_71 : vector<2000x256xf32>
    %convert_element_type3A_73 = arith.truncf %max3A_72 : vector<2000x256xf32> to vector<2000x256xbf16>
    %get3A_74 = arith.constant 0 : index
    %get3A_75 = arith.constant 0 : index
    %get3A_76 = vector.load %arg13[%get3A_74, %get3A_75] : memref<256x128xbf16, #tpu.memory_space<vmem>>, vector<256x128xbf16>
    %dot_general3A_77 = arith.constant dense<0.000000e+00> : vector<2000x128xf32>
    %dot_general3A_78 = tpu.matmul %convert_element_type3A_73, %get3A_76, %dot_general3A_77 {dimension_numbers = #tpu.dot_dimension_numbers<[1], [0], [0], [1], [0, 0, 1, 1], [], []>, transpose_lhs_hint = false} : vector<2000x256xbf16>, vector<256x128xbf16>, vector<2000x128xf32> -> vector<2000x128xf32>
    %get3A_79 = arith.constant 0 : index
    %get3A_80 = arith.constant 0 : index
    %get3A_81 = vector.load %arg14[%get3A_79, %get3A_80] : memref<1x128xf32, #tpu.memory_space<vmem>>, vector<1x128xf32>
    %add3A_82 = vector.broadcast %get3A_81 : vector<1x128xf32> to vector<2000x128xf32>
    %add3A_83 = arith.addf %dot_general3A_78, %add3A_82 : vector<2000x128xf32>
    %swap3A = arith.constant 0 : index
    %swap3A_84 = arith.constant 0 : index
    %swap3A_85 = vector.load %arg23[%swap3A, %swap3A_84] : memref<2000x128xf32, #tpu.memory_space<vmem>>, vector<2000x128xf32>
    tpu.vector_store %arg23[%swap3A, %swap3A_84], %add3A_83 {strides = array<i32>} : memref<2000x128xf32, #tpu.memory_space<vmem>>, vector<2000x128xf32>,
    %eq3A = arith.constant 0 : i32
    %eq3A_86 = arith.cmpi eq, %arg0, %eq3A : i32
    %convert_element_type3A_87 = arith.extui %eq3A_86 : i1 to i32
    %cond3A = arith.constant 0 : i32
    %cond3A_88 = arith.cmpi ne, %convert_element_type3A_87, %cond3A : i32
    scf.if %cond3A_88 {
      %slice3A = vector.extract_strided_slice %add3A_83 {offsets = [0, 0], sizes = [1000, 128], strides = [1, 1]} : vector<2000x128xf32> to vector<1000x128xf32>
      %get3A_89 = arith.constant 0 : index
      %get3A_90 = arith.constant 0 : index
      %get3A_91 = vector.load %arg15[%get3A_89, %get3A_90] : memref<128x256xf32, #tpu.memory_space<vmem>>, vector<128x256xf32>
      %dot_general3A_92 = arith.constant dense<0.000000e+00> : vector<1000x256xf32>
      %dot_general3A_93 = tpu.matmul %slice3A, %get3A_91, %dot_general3A_92 {dimension_numbers = #tpu.dot_dimension_numbers<[1], [0], [0], [1], [0, 0, 1, 1], [], []>, transpose_lhs_hint = false} : vector<1000x128xf32>, vector<128x256xf32>, vector<1000x256xf32> -> vector<1000x256xf32>
      %get3A_94 = arith.constant 0 : index
      %get3A_95 = arith.constant 0 : index
      %get3A_96 = vector.load %arg16[%get3A_94, %get3A_95] : memref<1x256xf32, #tpu.memory_space<vmem>>, vector<1x256xf32>
      %add3A_97 = vector.broadcast %get3A_96 : vector<1x256xf32> to vector<1000x256xf32>
      %add3A_98 = arith.addf %dot_general3A_93, %add3A_97 : vector<1000x256xf32>
      %max3A_99 = arith.constant 0.000000e+00 : f32
      %max3A_100 = vector.broadcast %max3A_99 : f32 to vector<1000x256xf32>
      %max3A_101 = arith.maximumf %add3A_98, %max3A_100 : vector<1000x256xf32>
      %get3A_102 = arith.constant 0 : index
      %get3A_103 = arith.constant 0 : index
      %get3A_104 = vector.load %arg17[%get3A_102, %get3A_103] : memref<256x256xf32, #tpu.memory_space<vmem>>, vector<256x256xf32>
      %dot_general3A_105 = arith.constant dense<0.000000e+00> : vector<1000x256xf32>
      %dot_general3A_106 = tpu.matmul %max3A_101, %get3A_104, %dot_general3A_105 {dimension_numbers = #tpu.dot_dimension_numbers<[1], [0], [0], [1], [0, 0, 1, 1], [], []>, transpose_lhs_hint = false} : vector<1000x256xf32>, vector<256x256xf32>, vector<1000x256xf32> -> vector<1000x256xf32>
      %get3A_107 = arith.constant 0 : index
      %get3A_108 = arith.constant 0 : index
      %get3A_109 = vector.load %arg18[%get3A_107, %get3A_108] : memref<1x256xf32, #tpu.memory_space<vmem>>, vector<1x256xf32>
      %add3A_110 = vector.broadcast %get3A_109 : vector<1x256xf32> to vector<1000x256xf32>
      %add3A_111 = arith.addf %dot_general3A_106, %add3A_110 : vector<1000x256xf32>
      %max3A_112 = arith.constant 0.000000e+00 : f32
      %max3A_113 = vector.broadcast %max3A_112 : f32 to vector<1000x256xf32>
      %max3A_114 = arith.maximumf %add3A_111, %max3A_113 : vector<1000x256xf32>
      %get3A_115 = arith.constant 0 : index
      %get3A_116 = arith.constant 0 : index
      %get3A_117 = vector.load %arg19[%get3A_115, %get3A_116] : memref<256x8xf32, #tpu.memory_space<vmem>>, vector<256x8xf32>
      %dot_general3A_118 = arith.constant dense<0.000000e+00> : vector<1000x8xf32>
      %dot_general3A_119 = tpu.matmul %max3A_114, %get3A_117, %dot_general3A_118 {dimension_numbers = #tpu.dot_dimension_numbers<[1], [0], [0], [1], [0, 0, 1, 1], [], []>, transpose_lhs_hint = false} : vector<1000x256xf32>, vector<256x8xf32>, vector<1000x8xf32> -> vector<1000x8xf32>
      %get3A_120 = arith.constant 0 : index
      %get3A_121 = arith.constant 0 : index
      %get3A_122 = vector.load %arg20[%get3A_120, %get3A_121] : memref<1x8xf32, #tpu.memory_space<vmem>>, vector<1x8xf32>
      %add3A_123 = vector.broadcast %get3A_122 : vector<1x8xf32> to vector<1000x8xf32>
      %add3A_124 = arith.addf %dot_general3A_119, %add3A_123 : vector<1000x8xf32>
      %get3A_125 = arith.constant 0 : index
      %get3A_126 = arith.constant 0 : index
      %get3A_127 = vector.load %arg21[%get3A_125, %get3A_126] : memref<256x8xf32, #tpu.memory_space<vmem>>, vector<256x8xf32>
      %dot_general3A_128 = arith.constant dense<0.000000e+00> : vector<1000x8xf32>
      %dot_general3A_129 = tpu.matmul %max3A_114, %get3A_127, %dot_general3A_128 {dimension_numbers = #tpu.dot_dimension_numbers<[1], [0], [0], [1], [0, 0, 1, 1], [], []>, transpose_lhs_hint = false} : vector<1000x256xf32>, vector<256x8xf32>, vector<1000x8xf32> -> vector<1000x8xf32>
      %get3A_130 = arith.constant 0 : index
      %get3A_131 = arith.constant 0 : index
      %get3A_132 = vector.load %arg22[%get3A_130, %get3A_131] : memref<1x8xf32, #tpu.memory_space<vmem>>, vector<1x8xf32>
      %add3A_133 = vector.broadcast %get3A_132 : vector<1x8xf32> to vector<1000x8xf32>
      %add3A_134 = arith.addf %dot_general3A_129, %add3A_133 : vector<1000x8xf32>
      %jit3A = arith.constant -2.000000e+01 : f32
      %jit3A_135 = arith.constant 2.000000e+00 : f32
      %max3A_136 = vector.broadcast %jit3A : f32 to vector<1000x8xf32>
      %max3A_137 = arith.maximumf %max3A_136, %add3A_134 : vector<1000x8xf32>
      %min3A = vector.broadcast %jit3A_135 : f32 to vector<1000x8xf32>
      %min3A_138 = arith.minimumf %min3A, %max3A_137 : vector<1000x8xf32>
      %exp3A = math.exp %min3A_138 : vector<1000x8xf32>
      %concatenate3A = tpu.concatenate %add3A_124, %exp3A in 1 : vector<1000x8xf32>, vector<1000x8xf32> -> vector<1000x16xf32>
      %swap3A_139 = arith.constant 0 : index
      %swap3A_140 = arith.constant 0 : index
      %swap3A_141 = vector.load %arg24[%swap3A_139, %swap3A_140] : memref<1000x16xf32, #tpu.memory_space<vmem>>, vector<1000x16xf32>
      tpu.vector_store %arg24[%swap3A_139, %swap3A_140], %concatenate3A {strides = array<i32>} : memref<1000x16xf32, #tpu.memory_space<vmem>>, vector<1000x16xf32>,
    } else {
    }
    return
  }
  func.func @transform_0(%arg0: i32) -> (i32, i32, i32) {
    %c0_i32 = arith.constant 0 : i32
    %c0_i32_0 = arith.constant 0 : i32
    %c0_i32_1 = arith.constant 0 : i32
    return %c0_i32, %arg0, %c0_i32_0 : i32, i32, i32
  }
  func.func @transform_1(%arg0: i32) -> (i32, i32, i32) {
    %c0_i32 = arith.constant 0 : i32
    %c0_i32_0 = arith.constant 0 : i32
    %c0_i32_1 = arith.constant 0 : i32
    return %c0_i32, %arg0, %c0_i32_0 : i32, i32, i32
  }
  func.func @transform_2(%arg0: i32) -> (i32, i32) {
    %c0_i32 = arith.constant 0 : i32
    %c0_i32_0 = arith.constant 0 : i32
    return %arg0, %c0_i32 : i32, i32
  }
  func.func @transform_3(%arg0: i32) -> (i32, i32) {
    %c0_i32 = arith.constant 0 : i32
    %c0_i32_0 = arith.constant 0 : i32
    %c0_i32_1 = arith.constant 0 : i32
    return %c0_i32, %c0_i32_0 : i32, i32
  }
  func.func @transform_4(%arg0: i32) -> (i32, i32) {
    %c0_i32 = arith.constant 0 : i32
    %c0_i32_0 = arith.constant 0 : i32
    %c0_i32_1 = arith.constant 0 : i32
    return %c0_i32, %c0_i32_0 : i32, i32
  }
  func.func @transform_5(%arg0: i32) -> (i32, i32) {
    %c0_i32 = arith.constant 0 : i32
    %c0_i32_0 = arith.constant 0 : i32
    %c0_i32_1 = arith.constant 0 : i32
    return %c0_i32, %c0_i32_0 : i32, i32
  }
  func.func @transform_6(%arg0: i32) -> (i32, i32) {
    %c0_i32 = arith.constant 0 : i32
    %c0_i32_0 = arith.constant 0 : i32
    %c0_i32_1 = arith.constant 0 : i32
    return %c0_i32, %c0_i32_0 : i32, i32
  }
  func.func @transform_7(%arg0: i32) -> (i32, i32) {
    %c0_i32 = arith.constant 0 : i32
    %c0_i32_0 = arith.constant 0 : i32
    %c0_i32_1 = arith.constant 0 : i32
    return %c0_i32, %c0_i32_0 : i32, i32
  }
  func.func @transform_8(%arg0: i32) -> (i32, i32) {
    %c0_i32 = arith.constant 0 : i32
    %c0_i32_0 = arith.constant 0 : i32
    %c0_i32_1 = arith.constant 0 : i32
    return %c0_i32, %c0_i32_0 : i32, i32
  }
  func.func @transform_9(%arg0: i32) -> (i32, i32) {
    %c0_i32 = arith.constant 0 : i32
    %c0_i32_0 = arith.constant 0 : i32
    %c0_i32_1 = arith.constant 0 : i32
    return %c0_i32, %c0_i32_0 : i32, i32
  }
  func.func @transform_10(%arg0: i32) -> (i32, i32) {
    %c0_i32 = arith.constant 0 : i32
    %c0_i32_0 = arith.constant 0 : i32
    %c0_i32_1 = arith.constant 0 : i32
    return %c0_i32, %c0_i32_0 : i32, i32
  }
  func.func @transform_11(%arg0: i32) -> (i32, i32) {
    %c0_i32 = arith.constant 0 : i32
    %c0_i32_0 = arith.constant 0 : i32
    %c0_i32_1 = arith.constant 0 : i32
    return %c0_i32, %c0_i32_0 : i32, i32
  }
  func.func @transform_12(%arg0: i32) -> (i32, i32) {
    %c0_i32 = arith.constant 0 : i32
    %c0_i32_0 = arith.constant 0 : i32
    %c0_i32_1 = arith.constant 0 : i32
    return %c0_i32, %c0_i32_0 : i32, i32
  }
  func.func @transform_13(%arg0: i32) -> (i32, i32) {
    %c0_i32 = arith.constant 0 : i32
    %c0_i32_0 = arith.constant 0 : i32
    %c0_i32_1 = arith.constant 0 : i32
    return %c0_i32, %c0_i32_0 : i32, i32
  }
  func.func @transform_14(%arg0: i32) -> (i32, i32) {
    %c0_i32 = arith.constant 0 : i32
    %c0_i32_0 = arith.constant 0 : i32
    %c0_i32_1 = arith.constant 0 : i32
    return %c0_i32, %c0_i32_0 : i32, i32
  }
  func.func @transform_15(%arg0: i32) -> (i32, i32) {
    %c0_i32 = arith.constant 0 : i32
    %c0_i32_0 = arith.constant 0 : i32
    %c0_i32_1 = arith.constant 0 : i32
    return %c0_i32, %c0_i32_0 : i32, i32
  }
  func.func @transform_16(%arg0: i32) -> (i32, i32) {
    %c0_i32 = arith.constant 0 : i32
    %c0_i32_0 = arith.constant 0 : i32
    %c0_i32_1 = arith.constant 0 : i32
    return %c0_i32, %c0_i32_0 : i32, i32
  }
  func.func @transform_17(%arg0: i32) -> (i32, i32) {
    %c0_i32 = arith.constant 0 : i32
    %c0_i32_0 = arith.constant 0 : i32
    %c0_i32_1 = arith.constant 0 : i32
    return %c0_i32, %c0_i32_0 : i32, i32
  }
  func.func @transform_18(%arg0: i32) -> (i32, i32) {
    %c0_i32 = arith.constant 0 : i32
    %c0_i32_0 = arith.constant 0 : i32
    %c0_i32_1 = arith.constant 0 : i32
    return %c0_i32, %c0_i32_0 : i32, i32
  }
  func.func @transform_19(%arg0: i32) -> (i32, i32) {
    %c0_i32 = arith.constant 0 : i32
    %c0_i32_0 = arith.constant 0 : i32
    %c0_i32_1 = arith.constant 0 : i32
    return %c0_i32, %c0_i32_0 : i32, i32
  }
  func.func @transform_20(%arg0: i32) -> (i32, i32) {
    %c0_i32 = arith.constant 0 : i32
    %c0_i32_0 = arith.constant 0 : i32
    %c0_i32_1 = arith.constant 0 : i32
    return %c0_i32, %c0_i32_0 : i32, i32
  }
  func.func @transform_21(%arg0: i32) -> (i32, i32) {
    %c0_i32 = arith.constant 0 : i32
    %c0_i32_0 = arith.constant 0 : i32
    %c0_i32_1 = arith.constant 0 : i32
    return %c0_i32, %c0_i32_0 : i32, i32
  }
  func.func @transform_22(%arg0: i32) -> (i32, i32) {
    %c0_i32 = arith.constant 0 : i32
    %c0_i32_0 = arith.constant 0 : i32
    return %arg0, %c0_i32 : i32, i32
  }
  func.func @transform_23(%arg0: i32) -> (i32, i32) {
    %c0_i32 = arith.constant 0 : i32
    %c0_i32_0 = arith.constant 0 : i32
    %c0_i32_1 = arith.constant 0 : i32
    return %c0_i32, %c0_i32_0 : i32, i32
  }
}

</mosaic_0001>

<sc_bundles>
// kernel: kernel.10.cloned.1.call-start
scs
__scs_entry_jumppad:
0x0: {  	(pc) =	sbr.rel $0x88, $3  }
0x1: {  	(tag) =	ssettag $0x0;
	lr =	simm.s32 $0x1  }
0x2: {  	[smem:$0x3F87] =	sst lr;
	_ =	strace $0xD0000000  }
0x3: {  	_ = 	snop  }
0x4: {  	_ = 	snop  }
0x5: {  	_ = 	snop  }
0x6: {  	_ = 	snop  }
0x7: {  	_ = 	snop  }
__scs_overlays_trampoline_lowered:
0x8: {  	[smem:$0x3F96] =	sst s0  }
0x9: {  	[smem:$0x3F97] =	sst s1  }
0xa: {  	[smem:$0x3F98] =	sst s2  }
0xb: {  	[smem:$0x3F99] =	sst s3  }
0xc: {  	[smem:$0x3F9A] =	sst s4  }
0xd: {  	[smem:$0x3F9B] =	sst s5  }
0xe: {  	[smem:$0x3F9C] =	sst s6  }
0xf: {  	[smem:$0x3F9D] =	sst s7  }
0x10: {  	[smem:$0x3F9E] =	sst s8  }
0x11: {  	[smem:$0x3F9F] =	sst s9;
	s0 =	simm.s32 @!p0 $0x0  }
0x12: {  	s1 =	sld [smem:$0x3F85];
	s0 =	simm.s32 @p0 $0x1  }
0x13: {  	[smem:$0x3FA0] =	sst s0;
	s0 =	simm.s32 @!p1 $0x0  }
0x14: {  	s2 =	sld [smem:$0x3F84];
	s0 =	simm.s32 @p1 $0x1  }
0x15: {  	[smem:$0x3FA1] =	sst s0;
	s0 =	simm.s32 @!p2 $0x0  }
0x16: {  	s3 =	sld [smem:$0x3FDB];
	s0 =	simm.s32 @p2 $0x1  }
0x17: {  	s4 =	simm.s32 $0x1BF5;
	[smem:$0x3FA3] =	sst s0  }
0x18: {  	s0 =	sld [smem:$0x3F86];
	_ =	swait.ge [sflag:s4], $0x0  }
0x19: {  	s7 =	sld [smem:$0x3F87]  }
0x1a: {  	s8 =	sadd.s32 $0xFFFFE003, lr  }
0x1b: {  	s9 =	sadd.s32 $0xFFFFFEF7, lr;
	s5 =	simm.s32 $0xFFFFFFFF;
	p2 =	slt.u32 s8, $0xFFFFF086  }
0x1c: {  	p1 =	slt.u32 s9, $0xF7A;
	s5 =	simm.s32 @!p2 $0x0  }
0x1d: {  	s5 =	simm.s32 @p1 $0x1;
	p0 =	seq.s32 s7, s2  }
0x1e: {  	s7 =	smul.u32 @!p0 $0xF7A, s2;
	p2 =	seq.s32 @!p0 s5, $0x0  }
0x1f: {  	s9 =	smul.u32 $0xF7A, s1;
	s8 =	simm.s32 @!p0 $0x1BF5;
	p2 =	por !p2, p0  }
0x20: {  	[sflag:s8] =	ssyncset.s32 @!p0 $0xFFFFF086;
	s6 =	sadd.s32 @!p0 s3, s7;
	s7 =	simm.s32 @!p0 $0x108  }
0x21: {  	s3 =	sadd.s32 s3, s9;
	s6 =	sadd.s32 @!p0 $0x88, s6;
	s7 =	simm.s32 @p2 $0x1082  }
0x22: {  	[simem:s7], [sflag:s8] =	dma.local @!p0 [hbm:s6], $0xF7A  }
0x23: {  	s9 =	sor.u32 $0xD0000000, s2;
	s6 =	simm.s32 $0x108;
	_ =	swait.ge @!p0 [sflag:s8], $0x0  }
0x24: {  	s3 =	sadd.s32 $0x88, s3;
	s6 =	simm.s32 @!p1 $0x1082;
	[sflag:s4] =	ssyncset.s32 $0xFFFFF086  }
0x25: {  	[simem:s6], [sflag:s4] =	dma.local [hbm:s3], $0xF7A  }
0x26: {  	[smem:$0x3F87] =	sst s1;
	(tag) =	ssettag s2;
	_ =	strace s9  }
0x27: {  	s1 =	sld [smem:$0x3F97]  }
0x28: {  	s2 =	sld [smem:$0x3F98]  }
0x29: {  	s4 =	sld [smem:$0x3F9A]  }
0x2a: {  	p0 =	seq.s32 s5, $0x0;
	s5 =	sld [smem:$0x3F9B]  }
0x2b: {  	s6 =	sld [smem:$0x3F9C]  }
0x2c: {  	s7 =	sld [smem:$0x3F9D]  }
0x2d: {  	s3 =	simm.s32 $0x108;
	s8 =	sld [smem:$0x3F9E]  }
0x2e: {  	s3 =	simm.s32 @!p0 $0x1082;
	s9 =	sld [smem:$0x3F9F]  }
0x2f: {  	lr =	sadd.s32 s0, s3;
	s0 =	sld [smem:$0x3F96]  }
0x30: {  	s3 =	sld [smem:$0x3F99]  }
0x31: {  	[smem:$0x3FA2] =	sst s10  }
0x32: {  	s10 =	sld [smem:$0x3FA0];
	_ =	sdelay $0x3  }
0x33: {  	p0 =	seq.s32 s10, $0x1;
	s10 =	sld [smem:$0x3FA2];
	_ =	sdelay $0x3  }
0x34: {  	[smem:$0x3FA2] =	sst s10  }
0x35: {  	s10 =	sld [smem:$0x3FA1];
	_ =	sdelay $0x3  }
0x36: {  	p1 =	seq.s32 s10, $0x1;
	s10 =	sld [smem:$0x3FA2];
	_ =	sdelay $0x3  }
0x37: {  	[smem:$0x3FA2] =	sst s10  }
0x38: {  	s10 =	sld [smem:$0x3FA3]  }
0x39: {  	_ = 	snop;
	(pc) =	sbr.ind lr, $3  }
0x3a: {  	_ = 	snop  }
0x3b: {  	_ = 	snop  }
0x3c: {  	p2 =	seq.s32 s10, $0x1;
	s10 =	sld [smem:$0x3FA2]  }
0x3d: {  	_ =	shalt  }
0x3e: {  	_ =	shalt  }
0x3f: {  	_ =	shalt  }
0x40: {  	_ =	shalt  }
0x41: {  	_ =	shalt  }
0x42: {  	_ =	shalt  }
0x43: {  	_ =	shalt  }
0x44: {  	_ =	shalt  }
0x45: {  	_ =	shalt  }
0x46: {  	_ =	shalt  }
0x47: {  	_ =	shalt  }
0x48: {  	_ =	shalt  }
0x49: {  	_ =	shalt  }
0x4a: {  	_ =	shalt  }
0x4b: {  	_ =	shalt  }
0x4c: {  	_ =	shalt  }
0x4d: {  	_ =	shalt  }
0x4e: {  	_ =	shalt  }
0x4f: {  	_ =	shalt  }
0x50: {  	_ =	shalt  }
0x51: {  	_ =	shalt  }
0x52: {  	_ =	shalt  }
0x53: {  	_ =	shalt  }
0x54: {  	_ =	shalt  }
0x55: {  	_ =	shalt  }
0x56: {  	_ =	shalt  }
0x57: {  	_ =	shalt  }
0x58: {  	_ =	shalt  }
0x59: {  	_ =	shalt  }
0x5a: {  	_ =	shalt  }
0x5b: {  	_ =	shalt  }
0x5c: {  	_ =	shalt  }
0x5d: {  	_ =	shalt  }
0x5e: {  	_ =	shalt  }
0x5f: {  	_ =	shalt  }
0x60: {  	_ =	shalt  }
0x61: {  	_ =	shalt  }
0x62: {  	_ =	shalt  }
0x63: {  	_ =	shalt  }
0x64: {  	_ =	shalt  }
0x65: {  	_ =	shalt  }
0x66: {  	_ =	shalt  }
0x67: {  	_ =	shalt  }
0x68: {  	_ =	shalt  }
0x69: {  	_ =	shalt  }
0x6a: {  	_ =	shalt  }
0x6b: {  	_ =	shalt  }
0x6c: {  	_ =	shalt  }
0x6d: {  	_ =	shalt  }
0x6e: {  	_ =	shalt  }
0x6f: {  	_ =	shalt  }
0x70: {  	_ =	shalt  }
0x71: {  	_ =	shalt  }
0x72: {  	_ =	shalt  }
0x73: {  	_ =	shalt  }
0x74: {  	_ =	shalt  }
0x75: {  	_ =	shalt  }
0x76: {  	_ =	shalt  }
0x77: {  	_ =	shalt  }
0x78: {  	_ =	shalt  }
0x79: {  	_ =	shalt  }
0x7a: {  	_ =	shalt  }
0x7b: {  	_ =	shalt  }
0x7c: {  	_ =	shalt  }
0x7d: {  	_ =	shalt  }
0x7e: {  	_ =	shalt  }
0x7f: {  	_ =	shalt  }
0x80: {  	_ =	shalt  }
0x81: {  	_ =	shalt  }
0x82: {  	_ =	shalt  }
0x83: {  	_ =	shalt  }
0x84: {  	_ =	shalt  }
0x85: {  	_ =	shalt  }
0x86: {  	_ =	shalt  }
0x87: {  	_ =	shalt  }
.Lfunc_end0:
.L_simem_size_0:
called_computation_lowered:
.L_overlay_start_0:
0x88: {  	s2 =	sld [smem:$0x3FD9]  }
0x89: {  	s3 =	sld [smem:$0x3FFE];
	_ =	sdelay $0x1  }
0x8a: {  	s1 =	srdreg.scid  }
0x8b: {  	s0 =	sand.u32 $0x1, s1  }
0x8c: {  	s17 =	sshll.u32 s0, $0xA;
	s2 =	sadd.s32 s3, s2  }
0x8d: {  	s2 =	sadd.s32 s2, s17  }
0x8e: {  	[smem:$0x3FAE] =	sst s2  }
0x8f: {  	_ = 	snop  }
0x90: {  	(tm) =	ssettm $0x1  }
0x91: {  	s18 =	sld [smem:$0x3FFB];
	_ =	sdelay $0x3  }
0x92: {  	_ =	strace s18  }
0x93: {  	s2 =	sld [smem:$0x3FFC];
	_ =	sdelay $0x3  }
0x94: {  	_ =	strace s2  }
0x95: {  	s2 =	sld [smem:$0x3FFD];
	_ =	sdelay $0x3  }
0x96: {  	_ =	strace s2  }
0x97: {  	_ =	strace $0x8FFFFFFF  }
0x98: {  	s19 =	sld [smem:$0x3FDB];
	_ =	sdelay $0x1  }
0x99: {  	s20 =	simm.s32 $_scs_section_size  }
0x9a: {  	s4 =	simm.s32 $_size__tile_overlayer_lowered;
	s5 =	simm.s32 $_tile_overlayer_lowered  }
0x9b: {  	s6 =	simm.s32 $0x1BFF;
	s21 =	sshll.u32 s5, $0x1;
	s3 =	sadd.s32 s20, s19  }
0x9c: {  	s22 =	simm.s32 $0x0;
	s4 =	sshll.u32 s4, $0x1;
	s5 =	sadd.s32 s21, s3  }
0x9d: {  	[timem:s22], [sflag:s6] =	dma.local [hbm:s5], s4  }
0x9e: {  	_ =	swait.ge [sflag:s6], s4  }
0x9f: {  	s4 =	ssub.s32 $0x0, s4;
	[sflag:s6] =	ssyncset.done $0x0  }
0xa0: {  	[sflag:s6] =	ssyncadd.s32 s4;
	_ =	sdelay $0x1  }
0xa1: {  	s23 =	simm.s32 $0x1B8B  }
0xa2: {  	_ =	swait.ge [sflag:s23], $0x1  }
0xa3: {  	[sflag:s23] =	ssyncset.done $0x0  }
0xa4: {  	[sflag:s23] =	ssyncadd.s32 $0xFFFFFFFF  }
0xa5: {  	s4 =	sld [smem:$0x0]  }
0xa6: {  	s5 =	sand.u32 $0xFFFFFFFE, s1  }
0xa7: {  	p0 =	sne.s32 s1, s5  }
0xa8: {  	s5 =	sshll.u32 @p0 s5, $0xE  }
0xa9: {  	s5 =	sadd.s32 @p0 $0x11B8D, s5;
	s6 =	sshll.u32 @p0 s4, $0x11  }
0xaa: {  	s5 =	sor.u32 @p0 s6, s5  }
0xab: {  	[sflag:s5] =	ssyncadd.remote.s32 @p0 $0x1;
	_ =	sdelay $0x1  }
0xac: {  	s5 =	simm.s32 @p0 $0x1B8D  }
0xad: {  	_ =	swait.eq @p0 [sflag:s5], $0x1  }
0xae: {  	[sflag:s5] =	ssyncadd.s32 @p0 $0xFFFFFFFF  }
0xaf: {  	s6 =	sshll.u32 @!p0 s1, $0xE  }
0xb0: {  	s6 =	sor.u32 @!p0 $0x4000, s6;
	s5 =	simm.s32 @!p0 $0x1B8D  }
0xb1: {  	s4 =	sshll.u32 @!p0 s4, $0x11;
	s6 =	sadd.s32 @!p0 $0x11B8D, s6;
	_ =	swait.eq @!p0 [sflag:s5], $0x1  }
0xb2: {  	s4 =	sor.u32 @!p0 s4, s6;
	[sflag:s5] =	ssyncadd.s32 @!p0 $0xFFFFFFFF  }
0xb3: {  	s25 =	simm.s32 $0x1B8E;
	s24 =	sld [smem:$0x3FFE];
	[sflag:s4] =	ssyncadd.remote.s32 @!p0 $0x1  }
0xb4: {  	s26 =	simm.s32 $execute0_lowered;
	[smem:$0x3FD2] =	sst s25  }
0xb5: {  	s5 =	sshll.u32 s26, $0x1;
	_ =	strace $0x80000049;
	[dreg:$0x1] =	wrdreg $0xFFFFFFFF  }
0xb6: {  	s28 =	simm.s32 $_size_execute0_lowered;
	s3 =	sadd.s32 s3, s5;
	[dreg:$0x0] =	wrdreg $0x0  }
0xb7: {  	s5 =	sshll.u32 s28, $0x1;
	[dreg:$0x2] =	wrdreg s3  }
0xb8: {  	[dreg:$0x3] =	wrdreg s5  }
0xb9: {  	[dreg:$0x4] =	wrdreg $0xC0  }
0xba: {  	_ =	task [dreg:s22], $0x5FFFF  }
0xbb: {  	[dreg:$0x1] =	wrdreg $0xFFFFFFFF  }
0xbc: {  	[dreg:$0x0] =	wrdreg $0x60  }
0xbd: {  	[dreg:$0x2] =	wrdreg s24  }
0xbe: {  	[dreg:$0x3] =	wrdreg $0x0  }
0xbf: {  	[dreg:$0x4] =	wrdreg $0x9  }
0xc0: {  	_ =	task.clear_ibuf [dreg:s22], $0x5FFFF;
	_ =	strace $0x90000049  }
0xc1: {  	s29 =	simm.s32 $0x9;
	_ =	strace $0x8000004B  }
0xc2: {  	_ =	swait.ge [sflag:s29], $0x1  }
0xc3: {  	[sflag:s29] =	ssyncadd.s32 $0xFFFFFFFF  }
0xc4: {  	_ =	strace $0x9000004B  }
0xc5: {  	_ =	sfence  }
0xc6: {  	s30 =	sld [smem:$0x0];
	_ =	sdelay $0x2  }
0xc7: {  	s31 =	sshll.u32 s1, $0xD;
	s1 =	sshrl.u32 s1, $0x2  }
0xc8: {  	s4 =	sand.u32 $0x4000, s31;
	s1 =	sadd.s32 s1, s30  }
0xc9: {  	s0 =	sor.u32 s4, s0;
	s1 =	sshll.u32 s1, $0x11  }
0xca: {  	s0 =	sor.u32 s1, s0  }
0xcb: {  	s0 =	sadd.s32 $0x8F2B, s0  }
0xcc: {  	[sflag:s0] =	ssyncadd.remote.s32 $0x1  }
0xcd: {  	_ =	sfence.sel $0xFFFF  }
0xce: {  	[dreg:$0x0] =	wrdreg $0xFFFFFFFF;
	(pc) =	sbr.abs _section_cstart, $3  }
0xcf: {  	[dreg:$0x1] =	wrdreg $0xFFFFFFFF  }
0xd0: {  	_ =	task.clear_ibuf [dreg:s22], $0x2FFFF;
	_ =	strace $0x9FFFFFFF  }
0xd1: {  	(tm) =	ssettm $0x7FFFFFFF  }
tec
execute0_lowered:
.L_overlay_start_1:
0x0: {  	(tag) =	ssettag $0x1  }
0x1: {  	s0 =	rddreg [dreg:$0x0]  }
0x2: {  	s1 =	rddreg [dreg:$0x1];
	s2 =	simm.s32 $0x0;
	s6 =	srdreg.scid  }
0x3: {  	s3 =	stileid.u32;
	[smem:$0x7FF] =	sst s2  }
0x4: {  	s4 =	sadd.s32 $0x15000, s0;
	s5 =	sadd.s32 $0x3C200, s0;
	s10 =	smul.u32 $0xA000, s3  }
0x5: {  	s8 =	sand.u32 $0x1, s6;
	s6 =	smul.u32 $0x500, s3;
	s12 =	sor.u32 $0x10, s3  }
0x6: {  	s7 =	sadd.s32 $0x5600, s0;
	s15 =	sadd.s32 $0x2D4400, s0;
	s23 =	smul.u32 $0xA000, s12  }
0x7: {  	s16 =	sadd.s32 $0x40CC00, s0;
	s25 =	sor.u32 $0x20, s3;
	s24 =	smul.u32 $0x500, s12  }
0x8: {  	s0 =	sadd.s32 $0xD300, s0;
	s28 =	sor.u32 $0x30, s3;
	s26 =	smul.u32 $0xA000, s25  }
0x9: {  	s29 =	sor.u32 $0x40, s3;
	s30 =	sor.u32 $0x50, s3;
	s14 =	smul.u32 $0xA000, s28  }
0xa: {  	s9 =	ssub.s32 $0x2, s8;
	p0 =	seq.s32 s8, $0x1;
	s8 =	smul.u32 $0x500, s28  }
0xb: {  	s18 =	sor.u32 $0x60, s3;
	s22 =	sor.u32 $0x70, s3;
	s17 =	smul.u32 $0xA000, s29  }
0xc: {  	_ =	strace $0x8000004A;
	s19 =	smul.u32 $0xA000, s18;
	p1 =	sgt.u32 s22, $0x7C  }
0xd: {  	s11 =	sshrl.u32 s9, $0x1;
	s10 =	sshrl.u32 s10, $0x2;
	s7 =	smov.u32 @p0 s0  }
0xe: {  	s15 =	smov.u32 @p0 s16;
	p2 =	por !p0, p1;
	s9 =	ssub.s32 s9, s11  }
0xf: {  	[dreg:$0x3] =	wrdreg s24;
	s10 =	sadd.s32 s10, s1;
	s13 =	sshrl.u32 s23, $0x2  }
0x10: {  	s12 =	sshrl.u32 s26, $0x2;
	[dreg:$0x5] =	wrdreg s8;
	s11 =	smul.u32 $0xA000, s30  }
0x11: {  	s14 =	sshrl.u32 s14, $0x2;
	s31 =	sshrl.u32 s17, $0x2;
	s23 =	smul.u32 $0x2800, s3  }
0x12: {  	s24 =	sshll.u32 s3, $0x7;
	s8 =	smul.u32 $0x500, s30;
	s28 =	sshrl.u32 s19, $0x2  }
0x13: {  	s30 =	smul.u32 $0x500, s22;
	s9 =	smax.u32 s9, $0x1;
	s20 =	sadd.s32 s13, s1  }
0x14: {  	s12 =	sadd.s32 s12, s1;
	s13 =	smul.u32 $0x500, s29;
	s21 =	sadd.s32 s14, s1  }
0x15: {  	s14 =	sadd.s32 s31, s1;
	s16 =	sadd.s32 s24, s7;
	s29 =	smul.u32 $0x500, s18  }
0x16: {  	[dreg:$0x4] =	wrdreg s9;
	s9 =	smul.u32 $0x500, s25;
	s15 =	sadd.s32 s23, s15  }
0x17: {  	s17 =	sshrl.u32 s11, $0x2;
	s25 =	smul.u32 $0xA000, s22;
	[dreg:$0x6] =	wrdreg s8  }
0x18: {  	s8 =	sadd.s32 s28, s1;
	[dreg:$0x8] =	wrdreg s30;
	s31 =	sshrl.u32 s20, $0x3  }
0x19: {  	s21 =	sshrl.u32 s21, $0x3;
	[dreg:$0x7] =	wrdreg s29;
	s0 =	sshrl.u32 s25, $0x2  }
0x1a: {  	s26 =	sadd.s32 s17, s1;
	[dreg:$0x9] =	wrdreg s31;
	s0 =	sadd.s32 s0, s1  }
0x1b: {  	s23 =	sshrl.u32 s8, $0x3;
	s22 =	sshrl.u32 s26, $0x3;
	s24 =	sshrl.u32 @!p1 s0, $0x3  }
.LBB2_1:
0x1c: {  	s0 =	sshll.u32 @p0 s3, $0x6  }
0x1d: {  	s7 =	sadd.s32 @p0 s5, s6;
	s8 =	sshrl.u32 @p0 s10, $0x3;
	s0 =	sor.u32 @p0 $0x1C03, s0  }
0x1e: {  	[spmem:s8], [sflag:s0] =	dma.local @p0 [hbm:s7], $0x500  }
0x1f: {  	s7 =	simm.s32 @p0 $0x3  }
0x20: {  	_ =	swait.ge @p0 [sflag:s7], $0x500  }
0x21: {  	s25 =	sadd.s32 @!p0 s4, s6;
	s8 =	sshll.u32 @!p0 s3, $0x6;
	[sflag:s7] =	ssyncset.done @p0 $0x0  }
0x22: {  	s26 =	sshrl.u32 @!p0 s10, $0x3;
	s8 =	sor.u32 @!p0 $0x1C04, s8;
	[sflag:s7] =	ssyncadd.s32 @p0 $0xFFFFFB00  }
0x23: {  	[spmem:s26], [sflag:s8] =	dma.local @!p0 [hbm:s25], $0x500  }
0x24: {  	s28 =	smov.u32 s4;
	s25 =	simm.s32 @!p0 $0x4  }
0x25: {  	s29 =	sshll.u32 s3, $0x6;
	s26 =	simm.s32 @!p0 $0x4;
	_ =	swait.ge @!p0 [sflag:s25], $0x500  }
0x26: {  	s28 =	smov.u32 @p0 s5;
	s26 =	simm.s32 @p0 $0x3;
	s11 =	rddreg [dreg:$0x3]  }
0x27: {  	[sflag:s25] =	ssyncset.done @!p0 $0x0;
	s29 =	sadd.s32 s26, s29;
	s19 =	rddreg [dreg:$0x9]  }
0x28: {  	[sflag:s25] =	ssyncadd.s32 @!p0 $0xFFFFFB00;
	s30 =	sadd.s32 s28, s11;
	s29 =	sadd.s32 $0x1C00, s29  }
0x29: {  	[spmem:s19], [sflag:s29] =	dma.local [hbm:s30], $0x500  }
0x2a: {  	_ =	swait.ge [sflag:s26], $0x500  }
0x2b: {  	[sflag:s26] =	ssyncset.done $0x0  }
0x2c: {  	s31 =	sshrl.u32 @p0 s12, $0x3;
	s30 =	sadd.s32 @p0 s5, s9;
	[sflag:s26] =	ssyncadd.s32 $0xFFFFFB00  }
0x2d: {  	[spmem:s31], [sflag:s0] =	dma.local @p0 [hbm:s30], $0x500  }
0x2e: {  	_ =	swait.ge @p0 [sflag:s7], $0x500  }
0x2f: {  	[sflag:s7] =	ssyncset.done @p0 $0x0  }
0x30: {  	s30 =	sadd.s32 @!p0 s4, s9;
	s31 =	sshrl.u32 @!p0 s12, $0x3;
	[sflag:s7] =	ssyncadd.s32 @p0 $0xFFFFFB00  }
0x31: {  	[spmem:s31], [sflag:s8] =	dma.local @!p0 [hbm:s30], $0x500  }
0x32: {  	_ =	swait.ge @!p0 [sflag:s25], $0x500  }
0x33: {  	[sflag:s25] =	ssyncset.done @!p0 $0x0;
	s20 =	rddreg [dreg:$0x5]  }
0x34: {  	[sflag:s25] =	ssyncadd.s32 @!p0 $0xFFFFFB00;
	s30 =	sadd.s32 s28, s20  }
0x35: {  	[spmem:s21], [sflag:s29] =	dma.local [hbm:s30], $0x500  }
0x36: {  	_ =	swait.ge [sflag:s26], $0x500  }
0x37: {  	[sflag:s26] =	ssyncset.done $0x0  }
0x38: {  	s31 =	sshrl.u32 @p0 s14, $0x3;
	s30 =	sadd.s32 @p0 s5, s13;
	[sflag:s26] =	ssyncadd.s32 $0xFFFFFB00  }
0x39: {  	[spmem:s31], [sflag:s0] =	dma.local @p0 [hbm:s30], $0x500  }
0x3a: {  	_ =	swait.ge @p0 [sflag:s7], $0x500  }
0x3b: {  	[sflag:s7] =	ssyncset.done @p0 $0x0  }
0x3c: {  	s0 =	sadd.s32 @!p0 s4, s13;
	[sflag:s7] =	ssyncadd.s32 @p0 $0xFFFFFB00;
	s7 =	sshrl.u32 @!p0 s14, $0x3  }
0x3d: {  	[spmem:s7], [sflag:s8] =	dma.local @!p0 [hbm:s0], $0x500  }
0x3e: {  	_ =	swait.ge @!p0 [sflag:s25], $0x500  }
0x3f: {  	[sflag:s25] =	ssyncset.done @!p0 $0x0  }
0x40: {  	[sflag:s25] =	ssyncadd.s32 @!p0 $0xFFFFFB00;
	s25 =	rddreg [dreg:$0x6]  }
0x41: {  	s0 =	sadd.s32 s28, s25  }
0x42: {  	[spmem:s22], [sflag:s29] =	dma.local [hbm:s0], $0x500  }
0x43: {  	_ =	swait.ge [sflag:s26], $0x500  }
0x44: {  	[sflag:s26] =	ssyncset.done $0x0;
	s31 =	rddreg [dreg:$0x7]  }
0x45: {  	[sflag:s26] =	ssyncadd.s32 $0xFFFFFB00;
	s0 =	sadd.s32 s28, s31  }
0x46: {  	[spmem:s23], [sflag:s29] =	dma.local [hbm:s0], $0x500  }
0x47: {  	s7 =	smov.u32 s5;
	s8 =	sshll.u32 @!p1 s3, $0x6;
	s0 =	simm.s32 @!p1 $0x3  }
0x48: {  	s7 =	smov.u32 @p2 s4;
	_ =	swait.ge [sflag:s26], $0x500;
	s0 =	simm.s32 @p2 $0x4  }
0x49: {  	[sflag:s26] =	ssyncset.done $0x0;
	s8 =	sadd.s32 @!p1 s0, s8;
	s11 =	rddreg [dreg:$0x8]  }
0x4a: {  	[sflag:s26] =	ssyncadd.s32 $0xFFFFFB00;
	s7 =	sadd.s32 @!p1 s7, s11;
	s8 =	sadd.s32 @!p1 $0x1C00, s8  }
0x4b: {  	[spmem:s24], [sflag:s8] =	dma.local @!p1 [hbm:s7], $0x500  }
0x4c: {  	_ =	swait.ge @!p1 [sflag:s0], $0x500  }
0x4d: {  	p3 =	sgt.u32 s3, $0x7C;
	[sflag:s0] =	ssyncset.done @!p1 $0x0  }
0x4e: {  	s7 =	simm.s32 @!p3 $0x13880;
	[sflag:s0] =	ssyncadd.s32 @!p1 $0xFFFFFB00  }
0x4f: {  	s8 =	simm.s32 @!p3 $0x3;
	s0 =	simm.s32 @!p3 $0x0;
	[bflag:$0x0] =	sbarrier.arrive $0xFFFF  }
0x50: {  	[tilespmem:s7], [sflag:$0x3] =	stream.linear.gather @!p3 [hbm4b:s16+s0], $0x280, $0x38;
	[tilespmem:$0x1BC80] =	vst v63  }
0x51: {  	_ =	swait.ge @!p3 [sflag:s8], $0x280  }
0x52: {  	s25 =	simm.s32 @!p3 $0x1;
	[sflag:s8] =	ssyncset.done @!p3 $0x0  }
0x53: {  	s26 =	simm.s32 @!p3 $0x13C80;
	[sflag:s8] =	ssyncadd.s32 @!p3 $0xFFFFFD80;
	s8 =	simm.s32 @!p3 $0x80  }
0x54: {  	[tilespmem:s26], [sflag:$0x1] =	stream.indirect.gather @!p3 [spmem:s1], $0x80, s7, s8, $0xb8;
	[tilespmem:$0x1BC80] =	vst v63  }
0x55: {  	_ =	swait.ge @!p3 [sflag:s25], $0x4000  }
0x56: {  	[sflag:s25] =	ssyncset.done @!p3 $0x0  }
0x57: {  	s7 =	sadd.s32 @!p3 $0x0, s15;
	[sflag:s25] =	ssyncadd.s32 @!p3 $0xFFFFC000  }
0x58: {  	[hbm4b:s7+s0] =	stream.linear.scatter @!p3 [tilespmem:s26], [sflag:$0x2], $0x4000, $0x38;
	[tilespmem:$0x1BC80] =	vst v63  }
0x59: {  	s28 =	simm.s32 @!p3 $0x13900;
	s29 =	simm.s32 @!p3 $0x17C80  }
0x5a: {  	[tilespmem:s29], [sflag:$0x1] =	stream.indirect.gather @!p3 [spmem:s1], $0x80, s28, s8, $0xb8;
	[tilespmem:$0x1BC80] =	vst v63  }
0x5b: {  	_ =	swait.ge @!p3 [sflag:s25], $0x4000  }
0x5c: {  	[sflag:s25] =	ssyncset.done @!p3 $0x0  }
0x5d: {  	s30 =	simm.s32 @!p3 $0x2;
	s28 =	sadd.s32 @!p3 $0x800, s7;
	[sflag:s25] =	ssyncadd.s32 @!p3 $0xFFFFC000  }
0x5e: {  	[hbm4b:s28+s0] =	stream.linear.scatter @!p3 [tilespmem:s29], [sflag:$0x2], $0x4000, $0x38;
	[tilespmem:$0x1BC80] =	vst v63  }
0x5f: {  	_ =	swait.ge @!p3 [sflag:s30], $0x4000  }
0x60: {  	[sflag:s30] =	ssyncset.done @!p3 $0x0  }
0x61: {  	s28 =	simm.s32 @!p3 $0x13980;
	[sflag:s30] =	ssyncadd.s32 @!p3 $0xFFFFC000  }
0x62: {  	[tilespmem:s26], [sflag:$0x1] =	stream.indirect.gather @!p3 [spmem:s1], $0x80, s28, s8, $0xb8;
	[tilespmem:$0x1BC80] =	vst v63  }
0x63: {  	_ =	swait.ge @!p3 [sflag:s25], $0x4000  }
0x64: {  	[sflag:s25] =	ssyncset.done @!p3 $0x0  }
0x65: {  	s28 =	sadd.s32 @!p3 $0x1000, s7;
	[sflag:s25] =	ssyncadd.s32 @!p3 $0xFFFFC000  }
0x66: {  	[hbm4b:s28+s0] =	stream.linear.scatter @!p3 [tilespmem:s26], [sflag:$0x2], $0x4000, $0x38;
	[tilespmem:$0x1BC80] =	vst v63  }
0x67: {  	_ =	swait.ge @!p3 [sflag:s30], $0x4000  }
0x68: {  	[sflag:s30] =	ssyncset.done @!p3 $0x0  }
0x69: {  	s28 =	simm.s32 @!p3 $0x13A00;
	[sflag:s30] =	ssyncadd.s32 @!p3 $0xFFFFC000  }
0x6a: {  	[tilespmem:s29], [sflag:$0x1] =	stream.indirect.gather @!p3 [spmem:s1], $0x80, s28, s8, $0xb8;
	[tilespmem:$0x1BC80] =	vst v63  }
0x6b: {  	_ =	swait.ge @!p3 [sflag:s25], $0x4000  }
0x6c: {  	[sflag:s25] =	ssyncset.done @!p3 $0x0  }
0x6d: {  	s28 =	sadd.s32 @!p3 $0x1800, s7;
	[sflag:s25] =	ssyncadd.s32 @!p3 $0xFFFFC000  }
0x6e: {  	[hbm4b:s28+s0] =	stream.linear.scatter @!p3 [tilespmem:s29], [sflag:$0x2], $0x4000, $0x38;
	[tilespmem:$0x1BC80] =	vst v63  }
0x6f: {  	_ =	swait.ge @!p3 [sflag:s30], $0x4000  }
0x70: {  	[sflag:s30] =	ssyncset.done @!p3 $0x0  }
0x71: {  	s28 =	simm.s32 @!p3 $0x13A80;
	[sflag:s30] =	ssyncadd.s32 @!p3 $0xFFFFC000  }
0x72: {  	[tilespmem:s26], [sflag:$0x1] =	stream.indirect.gather @!p3 [spmem:s1], $0x80, s28, s8, $0xb8;
	[tilespmem:$0x1BC80] =	vst v63  }
0x73: {  	_ =	swait.ge @!p3 [sflag:s25], $0x4000  }
0x74: {  	[sflag:s25] =	ssyncset.done @!p3 $0x0  }
0x75: {  	s7 =	sadd.s32 @!p3 $0x2000, s7;
	[sflag:s25] =	ssyncadd.s32 @!p3 $0xFFFFC000  }
0x76: {  	[hbm4b:s7+s0] =	stream.linear.scatter @!p3 [tilespmem:s26], [sflag:$0x2], $0x4000, $0x38;
	[tilespmem:$0x1BC80] =	vst v63  }
0x77: {  	_ =	swait.ge @!p3 [sflag:s30], $0x4000  }
0x78: {  	[sflag:s30] =	ssyncset.done @!p3 $0x0  }
0x79: {  	[sflag:s30] =	ssyncadd.s32 @!p3 $0xFFFFC000  }
0x7a: {  	s29 =	sadd.s32 $0x10, s3;
	s28 =	simm.s32 $0x50000;
	_ =	swait.ge @!p3 [sflag:s30], $0x4000  }
0x7b: {  	s25 =	simm.s32 $0x28000;
	s26 =	sadd.s32 $0x800, s16;
	[sflag:s30] =	ssyncset.done @!p3 $0x0  }
.LBB2_2:
0x7c: {  	[sflag:s30] =	ssyncadd.s32 @!p3 $0xFFFFC000  }
0x7d: {  	p3 =	sgt.u32 s29, $0x7C;
	s30 =	smov.u32 s28;
	s28 =	sadd.s32 $0x28000, s28  }
0x7e: {  	s31 =	simm.s32 @!p3 $0x0;
	s11 =	simm.s32 @!p3 $0x13880;
	s7 =	simm.s32 @!p3 $0x3  }
0x7f: {  	[tilespmem:s11], [sflag:$0x3] =	stream.linear.gather @!p3 [hbm4b:s26+s31], $0x280, $0x38;
	[tilespmem:$0x1BC80] =	vst v63  }
0x80: {  	p4 =	sne.s32 s28, $0x140000;
	_ =	swait.ge @!p3 [sflag:s7], $0x280  }
0x81: {  	s0 =	simm.s32 @!p3 $0x1;
	[sflag:s7] =	ssyncset.done @!p3 $0x0  }
0x82: {  	s8 =	simm.s32 @!p3 $0x80;
	[sflag:s7] =	ssyncadd.s32 @!p3 $0xFFFFFD80;
	s7 =	simm.s32 @!p3 $0x13C80  }
0x83: {  	[tilespmem:s7], [sflag:$0x1] =	stream.indirect.gather @!p3 [spmem:s1], $0x80, s11, s8, $0xb8;
	[tilespmem:$0x1BC80] =	vst v63  }
0x84: {  	_ =	swait.ge @!p3 [sflag:s0], $0x4000  }
0x85: {  	[sflag:s0] =	ssyncset.done @!p3 $0x0  }
0x86: {  	s11 =	sadd.s32 @!p3 s25, s15;
	s25 =	smov.u32 s30;
	[sflag:s0] =	ssyncadd.s32 @!p3 $0xFFFFC000  }
0x87: {  	[hbm4b:s11+s31] =	stream.linear.scatter @!p3 [tilespmem:s7], [sflag:$0x2], $0x4000, $0x38;
	[tilespmem:$0x1BC80] =	vst v63  }
0x88: {  	s17 =	simm.s32 @!p3 $0x17C80;
	s30 =	simm.s32 @!p3 $0x13900;
	s18 =	sadd.s32 @!p3 $0x800, s11  }
0x89: {  	[tilespmem:s17], [sflag:$0x1] =	stream.indirect.gather @!p3 [spmem:s1], $0x80, s30, s8, $0xb8;
	[tilespmem:$0x1BC80] =	vst v63  }
0x8a: {  	s19 =	sadd.s32 @!p3 $0x1000, s11;
	s20 =	sadd.s32 @!p3 $0x1800, s11;
	_ =	swait.ge @!p3 [sflag:s0], $0x4000  }
0x8b: {  	s11 =	sadd.s32 @!p3 $0x2000, s11;
	[sflag:s0] =	ssyncset.done @!p3 $0x0  }
0x8c: {  	s30 =	simm.s32 @!p3 $0x2;
	[sflag:s0] =	ssyncadd.s32 @!p3 $0xFFFFC000  }
0x8d: {  	[hbm4b:s18+s31] =	stream.linear.scatter @!p3 [tilespmem:s17], [sflag:$0x2], $0x4000, $0x38;
	[tilespmem:$0x1BC80] =	vst v63  }
0x8e: {  	_ =	swait.ge @!p3 [sflag:s30], $0x4000  }
0x8f: {  	[sflag:s30] =	ssyncset.done @!p3 $0x0  }
0x90: {  	s18 =	simm.s32 @!p3 $0x13980;
	[sflag:s30] =	ssyncadd.s32 @!p3 $0xFFFFC000  }
0x91: {  	[tilespmem:s7], [sflag:$0x1] =	stream.indirect.gather @!p3 [spmem:s1], $0x80, s18, s8, $0xb8;
	[tilespmem:$0x1BC80] =	vst v63  }
0x92: {  	_ =	swait.ge @!p3 [sflag:s0], $0x4000  }
0x93: {  	[sflag:s0] =	ssyncset.done @!p3 $0x0  }
0x94: {  	[sflag:s0] =	ssyncadd.s32 @!p3 $0xFFFFC000  }
0x95: {  	[hbm4b:s19+s31] =	stream.linear.scatter @!p3 [tilespmem:s7], [sflag:$0x2], $0x4000, $0x38;
	[tilespmem:$0x1BC80] =	vst v63  }
0x96: {  	_ =	swait.ge @!p3 [sflag:s30], $0x4000  }
0x97: {  	[sflag:s30] =	ssyncset.done @!p3 $0x0  }
0x98: {  	s18 =	simm.s32 @!p3 $0x13A00;
	[sflag:s30] =	ssyncadd.s32 @!p3 $0xFFFFC000  }
0x99: {  	[tilespmem:s17], [sflag:$0x1] =	stream.indirect.gather @!p3 [spmem:s1], $0x80, s18, s8, $0xb8;
	[tilespmem:$0x1BC80] =	vst v63  }
0x9a: {  	_ =	swait.ge @!p3 [sflag:s0], $0x4000  }
0x9b: {  	[sflag:s0] =	ssyncset.done @!p3 $0x0  }
0x9c: {  	[sflag:s0] =	ssyncadd.s32 @!p3 $0xFFFFC000  }
0x9d: {  	[hbm4b:s20+s31] =	stream.linear.scatter @!p3 [tilespmem:s17], [sflag:$0x2], $0x4000, $0x38;
	[tilespmem:$0x1BC80] =	vst v63  }
0x9e: {  	_ =	swait.ge @!p3 [sflag:s30], $0x4000  }
0x9f: {  	[sflag:s30] =	ssyncset.done @!p3 $0x0  }
0xa0: {  	s17 =	simm.s32 @!p3 $0x13A80;
	[sflag:s30] =	ssyncadd.s32 @!p3 $0xFFFFC000  }
0xa1: {  	[tilespmem:s7], [sflag:$0x1] =	stream.indirect.gather @!p3 [spmem:s1], $0x80, s17, s8, $0xb8;
	[tilespmem:$0x1BC80] =	vst v63  }
0xa2: {  	_ =	swait.ge @!p3 [sflag:s0], $0x4000  }
0xa3: {  	[sflag:s0] =	ssyncset.done @!p3 $0x0  }
0xa4: {  	[sflag:s0] =	ssyncadd.s32 @!p3 $0xFFFFC000  }
0xa5: {  	[hbm4b:s11+s31] =	stream.linear.scatter @!p3 [tilespmem:s7], [sflag:$0x2], $0x4000, $0x38;
	[tilespmem:$0x1BC80] =	vst v63  }
.Ltmp0:
0xa6: {  	_ =	swait.ge @!p3 [sflag:s30], $0x4000;
	(pc) =	sbr.rel @p4 .LBB2_2-.Ltmp0, $4  }
0xa7: {  	[sflag:s30] =	ssyncset.done @!p3 $0x0  }
0xa8: {  	[sflag:s30] =	ssyncadd.s32 @!p3 $0xFFFFC000  }
0xa9: {  	_ =	swait.ge @!p3 [sflag:s30], $0x4000  }
0xaa: {  	s29 =	sadd.s32 $0x10, s29;
	s26 =	sadd.s32 $0x800, s26;
	[sflag:s30] =	ssyncset.done @!p3 $0x0  }
0xab: {  	p4 =	sgt.u32 s29, $0x7C;
	[sflag:s30] =	ssyncadd.s32 @!p3 $0xFFFFC000  }
0xac: {  	s0 =	simm.s32 @!p4 $0x0;
	s7 =	simm.s32 @!p4 $0x13880;
	s8 =	simm.s32 @!p4 $0x3  }
0xad: {  	[tilespmem:s7], [sflag:$0x3] =	stream.linear.gather @!p4 [hbm4b:s26+s0], $0x280, $0x38;
	[tilespmem:$0x1BC80] =	vst v63  }
0xae: {  	_ =	swait.ge @!p4 [sflag:s8], $0x280  }
0xaf: {  	s11 =	simm.s32 @!p4 $0x1;
	[sflag:s8] =	ssyncset.done @!p4 $0x0  }
0xb0: {  	s17 =	simm.s32 @!p4 $0x13C80;
	[sflag:s8] =	ssyncadd.s32 @!p4 $0xFFFFFD80;
	s8 =	simm.s32 @!p4 $0x80  }
0xb1: {  	[tilespmem:s17], [sflag:$0x1] =	stream.indirect.gather @!p4 [spmem:s1], $0x80, s7, s8, $0xb8;
	[tilespmem:$0x1BC80] =	vst v63  }
0xb2: {  	_ =	swait.ge @!p4 [sflag:s11], $0x4000  }
0xb3: {  	[sflag:s11] =	ssyncset.done @!p4 $0x0  }
0xb4: {  	s7 =	sadd.s32 @!p4 s25, s15;
	[sflag:s11] =	ssyncadd.s32 @!p4 $0xFFFFC000  }
0xb5: {  	[hbm4b:s7+s0] =	stream.linear.scatter @!p4 [tilespmem:s17], [sflag:$0x2], $0x4000, $0x38;
	[tilespmem:$0x1BC80] =	vst v63  }
0xb6: {  	s18 =	simm.s32 @!p4 $0x13900;
	s19 =	simm.s32 @!p4 $0x17C80  }
0xb7: {  	[tilespmem:s19], [sflag:$0x1] =	stream.indirect.gather @!p4 [spmem:s1], $0x80, s18, s8, $0xb8;
	[tilespmem:$0x1BC80] =	vst v63  }
0xb8: {  	_ =	swait.ge @!p4 [sflag:s11], $0x4000  }
0xb9: {  	[sflag:s11] =	ssyncset.done @!p4 $0x0  }
0xba: {  	s20 =	simm.s32 @!p4 $0x2;
	s18 =	sadd.s32 @!p4 $0x800, s7;
	[sflag:s11] =	ssyncadd.s32 @!p4 $0xFFFFC000  }
0xbb: {  	[hbm4b:s18+s0] =	stream.linear.scatter @!p4 [tilespmem:s19], [sflag:$0x2], $0x4000, $0x38;
	[tilespmem:$0x1BC80] =	vst v63  }
0xbc: {  	_ =	swait.ge @!p4 [sflag:s20], $0x4000  }
0xbd: {  	[sflag:s20] =	ssyncset.done @!p4 $0x0  }
0xbe: {  	s18 =	simm.s32 @!p4 $0x13980;
	[sflag:s20] =	ssyncadd.s32 @!p4 $0xFFFFC000  }
0xbf: {  	[tilespmem:s17], [sflag:$0x1] =	stream.indirect.gather @!p4 [spmem:s1], $0x80, s18, s8, $0xb8;
	[tilespmem:$0x1BC80] =	vst v63  }
0xc0: {  	_ =	swait.ge @!p4 [sflag:s11], $0x4000  }
0xc1: {  	[sflag:s11] =	ssyncset.done @!p4 $0x0  }
0xc2: {  	s18 =	sadd.s32 @!p4 $0x1000, s7;
	[sflag:s11] =	ssyncadd.s32 @!p4 $0xFFFFC000  }
0xc3: {  	[hbm4b:s18+s0] =	stream.linear.scatter @!p4 [tilespmem:s17], [sflag:$0x2], $0x4000, $0x38;
	[tilespmem:$0x1BC80] =	vst v63  }
0xc4: {  	_ =	swait.ge @!p4 [sflag:s20], $0x4000  }
0xc5: {  	[sflag:s20] =	ssyncset.done @!p4 $0x0  }
0xc6: {  	s18 =	simm.s32 @!p4 $0x13A00;
	[sflag:s20] =	ssyncadd.s32 @!p4 $0xFFFFC000  }
0xc7: {  	[tilespmem:s19], [sflag:$0x1] =	stream.indirect.gather @!p4 [spmem:s1], $0x80, s18, s8, $0xb8;
	[tilespmem:$0x1BC80] =	vst v63  }
0xc8: {  	_ =	swait.ge @!p4 [sflag:s11], $0x4000  }
0xc9: {  	[sflag:s11] =	ssyncset.done @!p4 $0x0  }
0xca: {  	s18 =	sadd.s32 @!p4 $0x1800, s7;
	[sflag:s11] =	ssyncadd.s32 @!p4 $0xFFFFC000  }
0xcb: {  	[hbm4b:s18+s0] =	stream.linear.scatter @!p4 [tilespmem:s19], [sflag:$0x2], $0x4000, $0x38;
	[tilespmem:$0x1BC80] =	vst v63  }
0xcc: {  	_ =	swait.ge @!p4 [sflag:s20], $0x4000  }
0xcd: {  	[sflag:s20] =	ssyncset.done @!p4 $0x0  }
0xce: {  	s18 =	simm.s32 @!p4 $0x13A80;
	[sflag:s20] =	ssyncadd.s32 @!p4 $0xFFFFC000  }
0xcf: {  	[tilespmem:s17], [sflag:$0x1] =	stream.indirect.gather @!p4 [spmem:s1], $0x80, s18, s8, $0xb8;
	[tilespmem:$0x1BC80] =	vst v63  }
0xd0: {  	_ =	swait.ge @!p4 [sflag:s11], $0x4000  }
0xd1: {  	[sflag:s11] =	ssyncset.done @!p4 $0x0  }
0xd2: {  	s7 =	sadd.s32 @!p4 $0x2000, s7;
	[sflag:s11] =	ssyncadd.s32 @!p4 $0xFFFFC000  }
0xd3: {  	[hbm4b:s7+s0] =	stream.linear.scatter @!p4 [tilespmem:s17], [sflag:$0x2], $0x4000, $0x38;
	[tilespmem:$0x1BC80] =	vst v63  }
0xd4: {  	_ =	swait.ge @!p4 [sflag:s20], $0x4000  }
0xd5: {  	[sflag:s20] =	ssyncset.done @!p4 $0x0  }
0xd6: {  	[sflag:s20] =	ssyncadd.s32 @!p4 $0xFFFFC000  }
0xd7: {  	_ =	swait.ge @!p4 [sflag:s20], $0x4000  }
0xd8: {  	s2 =	sadd.s32 $0x1, s2;
	s31 =	rddreg [dreg:$0x4]  }
0xd9: {  	p3 =	sne.s32 s2, s31  }
.Ltmp1:
0xda: {  	_ = 	snop;
	(pc) =	sbr.rel @p3 .LBB2_1-.Ltmp1, $3  }
0xdb: {  	_ =	sdelay $0x1  }
0xdc: {  	[sflag:s20] =	ssyncset.done @!p4 $0x0  }
0xdd: {  	[sflag:s20] =	ssyncadd.s32 @!p4 $0xFFFFC000  }
0xde: {  	_ =	sfence.sel $0x180000  }
0xdf: {  	[bflag:$0x0] =	sbarrier.arrive $0xFFFF  }
0xe0: {  	_ =	strace $0x9000004A  }
0xe1: {  	[bflag:$0x2] =	sbarrier.arrive $0xFFFF  }
0xe2: {  	p0 =	sne.s32 s3, $0x0;
	s0 =	rddreg [dreg:$0x2]  }
0xe3: {  	s0 =	sadd.s32 @!p0 $0x100000, s0  }
0xe4: {  	[sflag:s0] =	ssyncadd.tile.s32 @!p0 $0x1;
	_ =	shalt  }
.Lfunc_end2:
_tile_overlayer_lowered:
.L_overlay_start_2:
0xe5: {  	(tag) =	ssettag $0x2  }
0xe6: {  	s0 =	rddreg [dreg:$0x0];
	s2 =	stileid.u32  }
0xe7: {  	s1 =	rddreg [dreg:$0x1];
	p0 =	sne.s32 s2, $0x0  }
0xe8: {  	s3 =	rddreg [dreg:$0x2];
	[bflag:$0x3] =	sbarrier.arrive $0xFFFF;
	s2 =	simm.s32 @!p0 $0x1C03  }
0xe9: {  	[timem:s3], [sflag:s2] =	dma.local @!p0 [hbm:s0], s1  }
0xea: {  	s0 =	simm.s32 @!p0 $0x3  }
0xeb: {  	_ =	swait.ge @!p0 [sflag:s0], s1  }
0xec: {  	s1 =	ssub.s32 @!p0 $0x0, s1;
	[sflag:s0] =	ssyncset.done @!p0 $0x0  }
0xed: {  	[sflag:s0] =	ssyncadd.s32 @!p0 s1  }
0xee: {  	[bflag:$0x3] =	sbarrier.arrive $0xFFFF  }
0xef: {  	_ =	shalt  }

// kernel: kernel.13.cloned.1.call-start
scs
__scs_entry_jumppad:
0x0: {  	(pc) =	sbr.rel $0x88, $3  }
0x1: {  	(tag) =	ssettag $0x0;
	lr =	simm.s32 $0x1  }
0x2: {  	[smem:$0x3F87] =	sst lr;
	_ =	strace $0xD0000000  }
0x3: {  	_ = 	snop  }
0x4: {  	_ = 	snop  }
0x5: {  	_ = 	snop  }
0x6: {  	_ = 	snop  }
0x7: {  	_ = 	snop  }
__scs_overlays_trampoline_lowered:
0x8: {  	[smem:$0x3F96] =	sst s0  }
0x9: {  	[smem:$0x3F97] =	sst s1  }
0xa: {  	[smem:$0x3F98] =	sst s2  }
0xb: {  	[smem:$0x3F99] =	sst s3  }
0xc: {  	[smem:$0x3F9A] =	sst s4  }
0xd: {  	[smem:$0x3F9B] =	sst s5  }
0xe: {  	[smem:$0x3F9C] =	sst s6  }
0xf: {  	[smem:$0x3F9D] =	sst s7  }
0x10: {  	[smem:$0x3F9E] =	sst s8  }
0x11: {  	[smem:$0x3F9F] =	sst s9;
	s0 =	simm.s32 @!p0 $0x0  }
0x12: {  	s1 =	sld [smem:$0x3F85];
	s0 =	simm.s32 @p0 $0x1  }
0x13: {  	[smem:$0x3FA0] =	sst s0;
	s0 =	simm.s32 @!p1 $0x0  }
0x14: {  	s2 =	sld [smem:$0x3F84];
	s0 =	simm.s32 @p1 $0x1  }
0x15: {  	[smem:$0x3FA1] =	sst s0;
	s0 =	simm.s32 @!p2 $0x0  }
0x16: {  	s3 =	sld [smem:$0x3FDB];
	s0 =	simm.s32 @p2 $0x1  }
0x17: {  	s4 =	simm.s32 $0x1BF5;
	[smem:$0x3FA3] =	sst s0  }
0x18: {  	s0 =	sld [smem:$0x3F86];
	_ =	swait.ge [sflag:s4], $0x0  }
0x19: {  	s7 =	sld [smem:$0x3F87]  }
0x1a: {  	s8 =	sadd.s32 $0xFFFFE003, lr  }
0x1b: {  	s9 =	sadd.s32 $0xFFFFFEF7, lr;
	s5 =	simm.s32 $0xFFFFFFFF;
	p2 =	slt.u32 s8, $0xFFFFF086  }
0x1c: {  	p1 =	slt.u32 s9, $0xF7A;
	s5 =	simm.s32 @!p2 $0x0  }
0x1d: {  	s5 =	simm.s32 @p1 $0x1;
	p0 =	seq.s32 s7, s2  }
0x1e: {  	s7 =	smul.u32 @!p0 $0xF7A, s2;
	p2 =	seq.s32 @!p0 s5, $0x0  }
0x1f: {  	s9 =	smul.u32 $0xF7A, s1;
	s8 =	simm.s32 @!p0 $0x1BF5;
	p2 =	por !p2, p0  }
0x20: {  	[sflag:s8] =	ssyncset.s32 @!p0 $0xFFFFF086;
	s6 =	sadd.s32 @!p0 s3, s7;
	s7 =	simm.s32 @!p0 $0x108  }
0x21: {  	s3 =	sadd.s32 s3, s9;
	s6 =	sadd.s32 @!p0 $0x88, s6;
	s7 =	simm.s32 @p2 $0x1082  }
0x22: {  	[simem:s7], [sflag:s8] =	dma.local @!p0 [hbm:s6], $0xF7A  }
0x23: {  	s9 =	sor.u32 $0xD0000000, s2;
	s6 =	simm.s32 $0x108;
	_ =	swait.ge @!p0 [sflag:s8], $0x0  }
0x24: {  	s3 =	sadd.s32 $0x88, s3;
	s6 =	simm.s32 @!p1 $0x1082;
	[sflag:s4] =	ssyncset.s32 $0xFFFFF086  }
0x25: {  	[simem:s6], [sflag:s4] =	dma.local [hbm:s3], $0xF7A  }
0x26: {  	[smem:$0x3F87] =	sst s1;
	(tag) =	ssettag s2;
	_ =	strace s9  }
0x27: {  	s1 =	sld [smem:$0x3F97]  }
0x28: {  	s2 =	sld [smem:$0x3F98]  }
0x29: {  	s4 =	sld [smem:$0x3F9A]  }
0x2a: {  	p0 =	seq.s32 s5, $0x0;
	s5 =	sld [smem:$0x3F9B]  }
0x2b: {  	s6 =	sld [smem:$0x3F9C]  }
0x2c: {  	s7 =	sld [smem:$0x3F9D]  }
0x2d: {  	s3 =	simm.s32 $0x108;
	s8 =	sld [smem:$0x3F9E]  }
0x2e: {  	s3 =	simm.s32 @!p0 $0x1082;
	s9 =	sld [smem:$0x3F9F]  }
0x2f: {  	lr =	sadd.s32 s0, s3;
	s0 =	sld [smem:$0x3F96]  }
0x30: {  	s3 =	sld [smem:$0x3F99]  }
0x31: {  	[smem:$0x3FA2] =	sst s10  }
0x32: {  	s10 =	sld [smem:$0x3FA0];
	_ =	sdelay $0x3  }
0x33: {  	p0 =	seq.s32 s10, $0x1;
	s10 =	sld [smem:$0x3FA2];
	_ =	sdelay $0x3  }
0x34: {  	[smem:$0x3FA2] =	sst s10  }
0x35: {  	s10 =	sld [smem:$0x3FA1];
	_ =	sdelay $0x3  }
0x36: {  	p1 =	seq.s32 s10, $0x1;
	s10 =	sld [smem:$0x3FA2];
	_ =	sdelay $0x3  }
0x37: {  	[smem:$0x3FA2] =	sst s10  }
0x38: {  	s10 =	sld [smem:$0x3FA3]  }
0x39: {  	_ = 	snop;
	(pc) =	sbr.ind lr, $3  }
0x3a: {  	_ = 	snop  }
0x3b: {  	_ = 	snop  }
0x3c: {  	p2 =	seq.s32 s10, $0x1;
	s10 =	sld [smem:$0x3FA2]  }
0x3d: {  	_ =	shalt  }
0x3e: {  	_ =	shalt  }
0x3f: {  	_ =	shalt  }
0x40: {  	_ =	shalt  }
0x41: {  	_ =	shalt  }
0x42: {  	_ =	shalt  }
0x43: {  	_ =	shalt  }
0x44: {  	_ =	shalt  }
0x45: {  	_ =	shalt  }
0x46: {  	_ =	shalt  }
0x47: {  	_ =	shalt  }
0x48: {  	_ =	shalt  }
0x49: {  	_ =	shalt  }
0x4a: {  	_ =	shalt  }
0x4b: {  	_ =	shalt  }
0x4c: {  	_ =	shalt  }
0x4d: {  	_ =	shalt  }
0x4e: {  	_ =	shalt  }
0x4f: {  	_ =	shalt  }
0x50: {  	_ =	shalt  }
0x51: {  	_ =	shalt  }
0x52: {  	_ =	shalt  }
0x53: {  	_ =	shalt  }
0x54: {  	_ =	shalt  }
0x55: {  	_ =	shalt  }
0x56: {  	_ =	shalt  }
0x57: {  	_ =	shalt  }
0x58: {  	_ =	shalt  }
0x59: {  	_ =	shalt  }
0x5a: {  	_ =	shalt  }
0x5b: {  	_ =	shalt  }
0x5c: {  	_ =	shalt  }
0x5d: {  	_ =	shalt  }
0x5e: {  	_ =	shalt  }
0x5f: {  	_ =	shalt  }
0x60: {  	_ =	shalt  }
0x61: {  	_ =	shalt  }
0x62: {  	_ =	shalt  }
0x63: {  	_ =	shalt  }
0x64: {  	_ =	shalt  }
0x65: {  	_ =	shalt  }
0x66: {  	_ =	shalt  }
0x67: {  	_ =	shalt  }
0x68: {  	_ =	shalt  }
0x69: {  	_ =	shalt  }
0x6a: {  	_ =	shalt  }
0x6b: {  	_ =	shalt  }
0x6c: {  	_ =	shalt  }
0x6d: {  	_ =	shalt  }
0x6e: {  	_ =	shalt  }
0x6f: {  	_ =	shalt  }
0x70: {  	_ =	shalt  }
0x71: {  	_ =	shalt  }
0x72: {  	_ =	shalt  }
0x73: {  	_ =	shalt  }
0x74: {  	_ =	shalt  }
0x75: {  	_ =	shalt  }
0x76: {  	_ =	shalt  }
0x77: {  	_ =	shalt  }
0x78: {  	_ =	shalt  }
0x79: {  	_ =	shalt  }
0x7a: {  	_ =	shalt  }
0x7b: {  	_ =	shalt  }
0x7c: {  	_ =	shalt  }
0x7d: {  	_ =	shalt  }
0x7e: {  	_ =	shalt  }
0x7f: {  	_ =	shalt  }
0x80: {  	_ =	shalt  }
0x81: {  	_ =	shalt  }
0x82: {  	_ =	shalt  }
0x83: {  	_ =	shalt  }
0x84: {  	_ =	shalt  }
0x85: {  	_ =	shalt  }
0x86: {  	_ =	shalt  }
0x87: {  	_ =	shalt  }
.Lfunc_end0:
.L_simem_size_0:
called_computation.1_lowered:
.L_overlay_start_0:
0x88: {  	s2 =	sld [smem:$0x3FD9]  }
0x89: {  	s3 =	sld [smem:$0x3FFE];
	_ =	sdelay $0x1  }
0x8a: {  	s1 =	srdreg.scid  }
0x8b: {  	s0 =	sand.u32 $0x1, s1  }
0x8c: {  	s16 =	sshll.u32 s0, $0xA;
	s2 =	sadd.s32 s3, s2  }
0x8d: {  	s2 =	sadd.s32 s2, s16  }
0x8e: {  	[smem:$0x3FAE] =	sst s2  }
0x8f: {  	_ = 	snop  }
0x90: {  	(tm) =	ssettm $0x1  }
0x91: {  	s17 =	sld [smem:$0x3FFB];
	_ =	sdelay $0x3  }
0x92: {  	_ =	strace s17  }
0x93: {  	s2 =	sld [smem:$0x3FFC];
	_ =	sdelay $0x3  }
0x94: {  	_ =	strace s2  }
0x95: {  	s2 =	sld [smem:$0x3FFD];
	_ =	sdelay $0x3  }
0x96: {  	_ =	strace s2  }
0x97: {  	_ =	strace $0x8FFFFFFF  }
0x98: {  	s18 =	sld [smem:$0x3FDB];
	_ =	sdelay $0x1  }
0x99: {  	s19 =	simm.s32 $_scs_section_size  }
0x9a: {  	s4 =	simm.s32 $_size__tile_overlayer_lowered;
	s5 =	simm.s32 $_tile_overlayer_lowered  }
0x9b: {  	s22 =	simm.s32 $0x1BFF;
	s21 =	sshll.u32 s5, $0x1;
	s2 =	sadd.s32 s19, s18  }
0x9c: {  	s6 =	simm.s32 $0x0;
	s20 =	sshll.u32 s4, $0x1;
	s4 =	sadd.s32 s21, s2  }
0x9d: {  	[timem:s6], [sflag:s22] =	dma.local [hbm:s4], s20  }
0x9e: {  	_ =	swait.ge [sflag:s22], s20  }
0x9f: {  	s3 =	ssub.s32 $0x0, s20;
	[sflag:s22] =	ssyncset.done $0x0  }
0xa0: {  	[sflag:s22] =	ssyncadd.s32 s3;
	_ =	sdelay $0x1  }
0xa1: {  	s23 =	simm.s32 $0x1B8B  }
0xa2: {  	_ =	swait.ge [sflag:s23], $0x1  }
0xa3: {  	[sflag:s23] =	ssyncset.done $0x0  }
0xa4: {  	s25 =	simm.s32 $0x1B8E;
	s24 =	sld [smem:$0x3FFE];
	[sflag:s23] =	ssyncadd.s32 $0xFFFFFFFF  }
0xa5: {  	s26 =	simm.s32 $execute0_lowered;
	[smem:$0x3FD2] =	sst s25  }
0xa6: {  	s4 =	sshll.u32 s26, $0x1;
	_ =	strace $0x80000046;
	[dreg:$0x1] =	wrdreg $0xFFFFFFFF  }
0xa7: {  	s28 =	simm.s32 $_size_execute0_lowered;
	s2 =	sadd.s32 s2, s4;
	[dreg:$0x0] =	wrdreg $0x0  }
0xa8: {  	s4 =	sshll.u32 s28, $0x1;
	[dreg:$0x2] =	wrdreg s2  }
0xa9: {  	[dreg:$0x3] =	wrdreg s4  }
0xaa: {  	[dreg:$0x4] =	wrdreg $0xC0  }
0xab: {  	_ =	task [dreg:s6], $0x5FFFF  }
0xac: {  	[dreg:$0x1] =	wrdreg $0xFFFFFFFF  }
0xad: {  	[dreg:$0x0] =	wrdreg $0x60  }
0xae: {  	[dreg:$0x2] =	wrdreg s24  }
0xaf: {  	[dreg:$0x3] =	wrdreg $0x0  }
0xb0: {  	[dreg:$0x4] =	wrdreg $0xA  }
0xb1: {  	_ =	task.clear_ibuf [dreg:s6], $0x5FFFF;
	_ =	strace $0x90000046  }
0xb2: {  	s29 =	simm.s32 $0xA;
	_ =	strace $0x80000048  }
0xb3: {  	_ =	swait.ge [sflag:s29], $0x1  }
0xb4: {  	[sflag:s29] =	ssyncadd.s32 $0xFFFFFFFF  }
0xb5: {  	_ =	strace $0x90000048  }
0xb6: {  	_ =	sfence  }
0xb7: {  	s30 =	sld [smem:$0x0];
	_ =	sdelay $0x2  }
0xb8: {  	s31 =	sshll.u32 s1, $0xD;
	s1 =	sshrl.u32 s1, $0x2  }
0xb9: {  	s3 =	sand.u32 $0x4000, s31;
	s1 =	sadd.s32 s1, s30  }
0xba: {  	s0 =	sor.u32 s3, s0;
	s1 =	sshll.u32 s1, $0x11  }
0xbb: {  	s0 =	sor.u32 s1, s0  }
0xbc: {  	s0 =	sadd.s32 $0x8F2B, s0  }
0xbd: {  	[sflag:s0] =	ssyncadd.remote.s32 $0x1  }
0xbe: {  	_ =	sfence.sel $0xFFFF  }
0xbf: {  	[dreg:$0x0] =	wrdreg $0xFFFFFFFF;
	(pc) =	sbr.abs _section_cstart, $3  }
0xc0: {  	[dreg:$0x1] =	wrdreg $0xFFFFFFFF  }
0xc1: {  	_ =	task.clear_ibuf [dreg:s6], $0x2FFFF;
	_ =	strace $0x9FFFFFFF  }
0xc2: {  	(tm) =	ssettm $0x7FFFFFFF  }
0xc3: {  	_ =	shalt  }
tec
execute0_lowered:
.L_overlay_start_1:
0x0: {  	(tag) =	ssettag $0x1  }
0x1: {  	s3 =	srdreg.scid  }
0x2: {  	s6 =	sand.u32 $0x1, s3;
	s3 =	stileid.u32  }
0x3: {  	s8 =	smul.u32 $0xA000, s3  }
0x4: {  	p0 =	seq.s32 s6, $0x1;
	s9 =	ssub.s32 $0x2, s6;
	s6 =	smul.u32 $0x500, s3  }
0x5: {  	s0 =	rddreg [dreg:$0x0];
	s10 =	sor.u32 $0x10, s3;
	s30 =	smul.u32 $0x2800, s3  }
0x6: {  	s1 =	rddreg [dreg:$0x1];
	s2 =	simm.s32 $0x0;
	s12 =	smul.u32 $0xA000, s10  }
0x7: {  	s7 =	simm.s32 $0xBB80;
	s24 =	sor.u32 $0x20, s3;
	s10 =	smul.u32 $0x500, s10  }
0x8: {  	[smem:$0x7FF] =	sst s2;
	s25 =	sor.u32 $0x30, s3;
	s14 =	smul.u32 $0xA000, s24  }
0x9: {  	s4 =	sadd.s32 $0x15000, s0;
	s16 =	sor.u32 $0x40, s3;
	s15 =	smul.u32 $0xA000, s25  }
0xa: {  	s5 =	sadd.s32 $0x3C200, s0;
	s17 =	sor.u32 $0x50, s3;
	s29 =	smul.u32 $0xA000, s16  }
0xb: {  	s13 =	sadd.s32 $0x63400, s0;
	s19 =	sor.u32 $0x60, s3;
	s18 =	smul.u32 $0xA000, s17  }
0xc: {  	_ =	strace $0x80000047;
	s31 =	sor.u32 $0x70, s3;
	s20 =	smul.u32 $0xA000, s19  }
0xd: {  	s7 =	simm.s32 @!p0 $0x3E80;
	s11 =	sshrl.u32 s9, $0x1;
	s22 =	smul.u32 $0xA000, s31  }
0xe: {  	p1 =	sgt.u32 s31, $0x7C;
	s7 =	sadd.s32 s7, s0;
	s9 =	ssub.s32 s9, s11  }
0xf: {  	s0 =	sadd.s32 $0x19BC00, s0;
	s8 =	sshrl.u32 s8, $0x2;
	s11 =	smul.u32 $0x500, s25  }
0x10: {  	s25 =	sshll.u32 s3, $0x7;
	p2 =	por !p0, p1;
	[dreg:$0x3] =	wrdreg s10  }
0x11: {  	s9 =	smax.u32 s9, $0x1;
	s10 =	sadd.s32 s8, s1;
	s26 =	sshrl.u32 s12, $0x2  }
0x12: {  	s28 =	sshrl.u32 s14, $0x2;
	s15 =	sshrl.u32 s15, $0x2;
	s14 =	sshrl.u32 s29, $0x2  }
0x13: {  	s13 =	smov.u32 @p0 s0;
	s18 =	sshrl.u32 s18, $0x2;
	s7 =	sadd.s32 s25, s7  }
0x14: {  	s29 =	sshrl.u32 s22, $0x2;
	s0 =	smul.u32 $0x500, s31;
	[dreg:$0x4] =	wrdreg s9  }
0x15: {  	s9 =	smul.u32 $0x500, s24;
	s8 =	sadd.s32 s26, s1;
	[dreg:$0x5] =	wrdreg s11  }
0x16: {  	s12 =	sadd.s32 s28, s1;
	s21 =	sadd.s32 s15, s1;
	s15 =	smul.u32 $0x500, s16  }
0x17: {  	s13 =	sadd.s32 s30, s13;
	s14 =	sadd.s32 s14, s1;
	s26 =	smul.u32 $0x500, s17  }
0x18: {  	s23 =	sadd.s32 s18, s1;
	s28 =	sshrl.u32 s20, $0x2;
	s30 =	smul.u32 $0x500, s19  }
0x19: {  	s25 =	sadd.s32 s29, s1;
	s19 =	sadd.s32 $0x5600, s7;
	[dreg:$0x8] =	wrdreg s0  }
0x1a: {  	s24 =	sadd.s32 s28, s1;
	s31 =	sshrl.u32 s8, $0x3;
	[dreg:$0x6] =	wrdreg s26  }
0x1b: {  	s21 =	sshrl.u32 s21, $0x3;
	s22 =	sshrl.u32 s23, $0x3;
	[dreg:$0x7] =	wrdreg s30  }
0x1c: {  	[dreg:$0x9] =	wrdreg s31;
	s23 =	sshrl.u32 s24, $0x3;
	s24 =	sshrl.u32 @!p1 s25, $0x3  }
.LBB2_1:
0x1d: {  	s0 =	sshll.u32 @p0 s3, $0x6  }
0x1e: {  	s7 =	sadd.s32 @p0 s5, s6;
	s8 =	sshrl.u32 @p0 s10, $0x3;
	s0 =	sor.u32 @p0 $0x1C03, s0  }
0x1f: {  	[spmem:s8], [sflag:s0] =	dma.local @p0 [hbm:s7], $0x500  }
0x20: {  	s7 =	simm.s32 @p0 $0x3  }
0x21: {  	_ =	swait.ge @p0 [sflag:s7], $0x500  }
0x22: {  	s25 =	sadd.s32 @!p0 s4, s6;
	s8 =	sshll.u32 @!p0 s3, $0x6;
	[sflag:s7] =	ssyncset.done @p0 $0x0  }
0x23: {  	s26 =	sshrl.u32 @!p0 s10, $0x3;
	s8 =	sor.u32 @!p0 $0x1C04, s8;
	[sflag:s7] =	ssyncadd.s32 @p0 $0xFFFFFB00  }
0x24: {  	[spmem:s26], [sflag:s8] =	dma.local @!p0 [hbm:s25], $0x500  }
0x25: {  	s28 =	smov.u32 s4;
	s25 =	simm.s32 @!p0 $0x4  }
0x26: {  	s29 =	sshll.u32 s3, $0x6;
	s26 =	simm.s32 @!p0 $0x4;
	_ =	swait.ge @!p0 [sflag:s25], $0x500  }
0x27: {  	s28 =	smov.u32 @p0 s5;
	s26 =	simm.s32 @p0 $0x3;
	s11 =	rddreg [dreg:$0x3]  }
0x28: {  	[sflag:s25] =	ssyncset.done @!p0 $0x0;
	s29 =	sadd.s32 s26, s29;
	s18 =	rddreg [dreg:$0x9]  }
0x29: {  	[sflag:s25] =	ssyncadd.s32 @!p0 $0xFFFFFB00;
	s30 =	sadd.s32 s28, s11;
	s29 =	sadd.s32 $0x1C00, s29  }
0x2a: {  	[spmem:s18], [sflag:s29] =	dma.local [hbm:s30], $0x500  }
0x2b: {  	_ =	swait.ge [sflag:s26], $0x500  }
0x2c: {  	[sflag:s26] =	ssyncset.done $0x0  }
0x2d: {  	s31 =	sshrl.u32 @p0 s12, $0x3;
	s30 =	sadd.s32 @p0 s5, s9;
	[sflag:s26] =	ssyncadd.s32 $0xFFFFFB00  }
0x2e: {  	[spmem:s31], [sflag:s0] =	dma.local @p0 [hbm:s30], $0x500  }
0x2f: {  	_ =	swait.ge @p0 [sflag:s7], $0x500  }
0x30: {  	[sflag:s7] =	ssyncset.done @p0 $0x0  }
0x31: {  	s30 =	sadd.s32 @!p0 s4, s9;
	s31 =	sshrl.u32 @!p0 s12, $0x3;
	[sflag:s7] =	ssyncadd.s32 @p0 $0xFFFFFB00  }
0x32: {  	[spmem:s31], [sflag:s8] =	dma.local @!p0 [hbm:s30], $0x500  }
0x33: {  	_ =	swait.ge @!p0 [sflag:s25], $0x500  }
0x34: {  	[sflag:s25] =	ssyncset.done @!p0 $0x0;
	s20 =	rddreg [dreg:$0x5]  }
0x35: {  	[sflag:s25] =	ssyncadd.s32 @!p0 $0xFFFFFB00;
	s30 =	sadd.s32 s28, s20  }
0x36: {  	[spmem:s21], [sflag:s29] =	dma.local [hbm:s30], $0x500  }
0x37: {  	_ =	swait.ge [sflag:s26], $0x500  }
0x38: {  	[sflag:s26] =	ssyncset.done $0x0  }
0x39: {  	s31 =	sshrl.u32 @p0 s14, $0x3;
	s30 =	sadd.s32 @p0 s5, s15;
	[sflag:s26] =	ssyncadd.s32 $0xFFFFFB00  }
0x3a: {  	[spmem:s31], [sflag:s0] =	dma.local @p0 [hbm:s30], $0x500  }
0x3b: {  	_ =	swait.ge @p0 [sflag:s7], $0x500  }
0x3c: {  	[sflag:s7] =	ssyncset.done @p0 $0x0  }
0x3d: {  	s0 =	sadd.s32 @!p0 s4, s15;
	[sflag:s7] =	ssyncadd.s32 @p0 $0xFFFFFB00;
	s7 =	sshrl.u32 @!p0 s14, $0x3  }
0x3e: {  	[spmem:s7], [sflag:s8] =	dma.local @!p0 [hbm:s0], $0x500  }
0x3f: {  	_ =	swait.ge @!p0 [sflag:s25], $0x500  }
0x40: {  	[sflag:s25] =	ssyncset.done @!p0 $0x0  }
0x41: {  	[sflag:s25] =	ssyncadd.s32 @!p0 $0xFFFFFB00;
	s25 =	rddreg [dreg:$0x6]  }
0x42: {  	s0 =	sadd.s32 s28, s25  }
0x43: {  	[spmem:s22], [sflag:s29] =	dma.local [hbm:s0], $0x500  }
0x44: {  	_ =	swait.ge [sflag:s26], $0x500  }
0x45: {  	[sflag:s26] =	ssyncset.done $0x0;
	s31 =	rddreg [dreg:$0x7]  }
0x46: {  	[sflag:s26] =	ssyncadd.s32 $0xFFFFFB00;
	s0 =	sadd.s32 s28, s31  }
0x47: {  	[spmem:s23], [sflag:s29] =	dma.local [hbm:s0], $0x500  }
0x48: {  	s7 =	smov.u32 s5;
	s8 =	sshll.u32 @!p1 s3, $0x6;
	s0 =	simm.s32 @!p1 $0x3  }
0x49: {  	s7 =	smov.u32 @p2 s4;
	_ =	swait.ge [sflag:s26], $0x500;
	s0 =	simm.s32 @p2 $0x4  }
0x4a: {  	[sflag:s26] =	ssyncset.done $0x0;
	s8 =	sadd.s32 @!p1 s0, s8;
	s11 =	rddreg [dreg:$0x8]  }
0x4b: {  	[sflag:s26] =	ssyncadd.s32 $0xFFFFFB00;
	s7 =	sadd.s32 @!p1 s7, s11;
	s8 =	sadd.s32 @!p1 $0x1C00, s8  }
0x4c: {  	[spmem:s24], [sflag:s8] =	dma.local @!p1 [hbm:s7], $0x500  }
0x4d: {  	_ =	swait.ge @!p1 [sflag:s0], $0x500  }
0x4e: {  	p3 =	sgt.u32 s3, $0x7C;
	[sflag:s0] =	ssyncset.done @!p1 $0x0  }
0x4f: {  	s7 =	simm.s32 @!p3 $0x13880;
	[sflag:s0] =	ssyncadd.s32 @!p1 $0xFFFFFB00  }
0x50: {  	s8 =	simm.s32 @!p3 $0x3;
	s0 =	simm.s32 @!p3 $0x0;
	[bflag:$0x0] =	sbarrier.arrive $0xFFFF  }
0x51: {  	[tilespmem:s7], [sflag:$0x3] =	stream.linear.gather @!p3 [hbm4b:s19+s0], $0x280, $0x38;
	[tilespmem:$0x1BC80] =	vst v63  }
0x52: {  	_ =	swait.ge @!p3 [sflag:s8], $0x280  }
0x53: {  	s25 =	simm.s32 @!p3 $0x1;
	[sflag:s8] =	ssyncset.done @!p3 $0x0  }
0x54: {  	s26 =	simm.s32 @!p3 $0x13C80;
	[sflag:s8] =	ssyncadd.s32 @!p3 $0xFFFFFD80;
	s8 =	simm.s32 @!p3 $0x80  }
0x55: {  	[tilespmem:s26], [sflag:$0x1] =	stream.indirect.gather @!p3 [spmem:s1], $0x80, s7, s8, $0xb8;
	[tilespmem:$0x1BC80] =	vst v63  }
0x56: {  	_ =	swait.ge @!p3 [sflag:s25], $0x4000  }
0x57: {  	[sflag:s25] =	ssyncset.done @!p3 $0x0  }
0x58: {  	s7 =	sadd.s32 @!p3 $0x0, s13;
	[sflag:s25] =	ssyncadd.s32 @!p3 $0xFFFFC000  }
0x59: {  	[hbm4b:s7+s0] =	stream.linear.scatter @!p3 [tilespmem:s26], [sflag:$0x2], $0x4000, $0x38;
	[tilespmem:$0x1BC80] =	vst v63  }
0x5a: {  	s28 =	simm.s32 @!p3 $0x13900;
	s29 =	simm.s32 @!p3 $0x17C80  }
0x5b: {  	[tilespmem:s29], [sflag:$0x1] =	stream.indirect.gather @!p3 [spmem:s1], $0x80, s28, s8, $0xb8;
	[tilespmem:$0x1BC80] =	vst v63  }
0x5c: {  	_ =	swait.ge @!p3 [sflag:s25], $0x4000  }
0x5d: {  	[sflag:s25] =	ssyncset.done @!p3 $0x0  }
0x5e: {  	s30 =	simm.s32 @!p3 $0x2;
	s28 =	sadd.s32 @!p3 $0x800, s7;
	[sflag:s25] =	ssyncadd.s32 @!p3 $0xFFFFC000  }
0x5f: {  	[hbm4b:s28+s0] =	stream.linear.scatter @!p3 [tilespmem:s29], [sflag:$0x2], $0x4000, $0x38;
	[tilespmem:$0x1BC80] =	vst v63  }
0x60: {  	_ =	swait.ge @!p3 [sflag:s30], $0x4000  }
0x61: {  	[sflag:s30] =	ssyncset.done @!p3 $0x0  }
0x62: {  	s28 =	simm.s32 @!p3 $0x13980;
	[sflag:s30] =	ssyncadd.s32 @!p3 $0xFFFFC000  }
0x63: {  	[tilespmem:s26], [sflag:$0x1] =	stream.indirect.gather @!p3 [spmem:s1], $0x80, s28, s8, $0xb8;
	[tilespmem:$0x1BC80] =	vst v63  }
0x64: {  	_ =	swait.ge @!p3 [sflag:s25], $0x4000  }
0x65: {  	[sflag:s25] =	ssyncset.done @!p3 $0x0  }
0x66: {  	s28 =	sadd.s32 @!p3 $0x1000, s7;
	[sflag:s25] =	ssyncadd.s32 @!p3 $0xFFFFC000  }
0x67: {  	[hbm4b:s28+s0] =	stream.linear.scatter @!p3 [tilespmem:s26], [sflag:$0x2], $0x4000, $0x38;
	[tilespmem:$0x1BC80] =	vst v63  }
0x68: {  	_ =	swait.ge @!p3 [sflag:s30], $0x4000  }
0x69: {  	[sflag:s30] =	ssyncset.done @!p3 $0x0  }
0x6a: {  	s28 =	simm.s32 @!p3 $0x13A00;
	[sflag:s30] =	ssyncadd.s32 @!p3 $0xFFFFC000  }
0x6b: {  	[tilespmem:s29], [sflag:$0x1] =	stream.indirect.gather @!p3 [spmem:s1], $0x80, s28, s8, $0xb8;
	[tilespmem:$0x1BC80] =	vst v63  }
0x6c: {  	_ =	swait.ge @!p3 [sflag:s25], $0x4000  }
0x6d: {  	[sflag:s25] =	ssyncset.done @!p3 $0x0  }
0x6e: {  	s28 =	sadd.s32 @!p3 $0x1800, s7;
	[sflag:s25] =	ssyncadd.s32 @!p3 $0xFFFFC000  }
0x6f: {  	[hbm4b:s28+s0] =	stream.linear.scatter @!p3 [tilespmem:s29], [sflag:$0x2], $0x4000, $0x38;
	[tilespmem:$0x1BC80] =	vst v63  }
0x70: {  	_ =	swait.ge @!p3 [sflag:s30], $0x4000  }
0x71: {  	[sflag:s30] =	ssyncset.done @!p3 $0x0  }
0x72: {  	s28 =	simm.s32 @!p3 $0x13A80;
	[sflag:s30] =	ssyncadd.s32 @!p3 $0xFFFFC000  }
0x73: {  	[tilespmem:s26], [sflag:$0x1] =	stream.indirect.gather @!p3 [spmem:s1], $0x80, s28, s8, $0xb8;
	[tilespmem:$0x1BC80] =	vst v63  }
0x74: {  	_ =	swait.ge @!p3 [sflag:s25], $0x4000  }
0x75: {  	[sflag:s25] =	ssyncset.done @!p3 $0x0  }
0x76: {  	s7 =	sadd.s32 @!p3 $0x2000, s7;
	[sflag:s25] =	ssyncadd.s32 @!p3 $0xFFFFC000  }
0x77: {  	[hbm4b:s7+s0] =	stream.linear.scatter @!p3 [tilespmem:s26], [sflag:$0x2], $0x4000, $0x38;
	[tilespmem:$0x1BC80] =	vst v63  }
0x78: {  	_ =	swait.ge @!p3 [sflag:s30], $0x4000  }
0x79: {  	[sflag:s30] =	ssyncset.done @!p3 $0x0  }
0x7a: {  	[sflag:s30] =	ssyncadd.s32 @!p3 $0xFFFFC000  }
0x7b: {  	s29 =	sadd.s32 $0x10, s3;
	s28 =	simm.s32 $0x50000;
	_ =	swait.ge @!p3 [sflag:s30], $0x4000  }
0x7c: {  	s25 =	simm.s32 $0x28000;
	s26 =	sadd.s32 $0x800, s19;
	[sflag:s30] =	ssyncset.done @!p3 $0x0  }
.LBB2_2:
0x7d: {  	[sflag:s30] =	ssyncadd.s32 @!p3 $0xFFFFC000  }
0x7e: {  	p3 =	sgt.u32 s29, $0x7C;
	s30 =	smov.u32 s28;
	s28 =	sadd.s32 $0x28000, s28  }
0x7f: {  	s31 =	simm.s32 @!p3 $0x0;
	s11 =	simm.s32 @!p3 $0x13880;
	s7 =	simm.s32 @!p3 $0x3  }
0x80: {  	[tilespmem:s11], [sflag:$0x3] =	stream.linear.gather @!p3 [hbm4b:s26+s31], $0x280, $0x38;
	[tilespmem:$0x1BC80] =	vst v63  }
0x81: {  	p4 =	sne.s32 s28, $0x140000;
	_ =	swait.ge @!p3 [sflag:s7], $0x280  }
0x82: {  	s0 =	simm.s32 @!p3 $0x1;
	[sflag:s7] =	ssyncset.done @!p3 $0x0  }
0x83: {  	s8 =	simm.s32 @!p3 $0x80;
	[sflag:s7] =	ssyncadd.s32 @!p3 $0xFFFFFD80;
	s7 =	simm.s32 @!p3 $0x13C80  }
0x84: {  	[tilespmem:s7], [sflag:$0x1] =	stream.indirect.gather @!p3 [spmem:s1], $0x80, s11, s8, $0xb8;
	[tilespmem:$0x1BC80] =	vst v63  }
0x85: {  	_ =	swait.ge @!p3 [sflag:s0], $0x4000  }
0x86: {  	[sflag:s0] =	ssyncset.done @!p3 $0x0  }
0x87: {  	s11 =	sadd.s32 @!p3 s25, s13;
	s25 =	smov.u32 s30;
	[sflag:s0] =	ssyncadd.s32 @!p3 $0xFFFFC000  }
0x88: {  	[hbm4b:s11+s31] =	stream.linear.scatter @!p3 [tilespmem:s7], [sflag:$0x2], $0x4000, $0x38;
	[tilespmem:$0x1BC80] =	vst v63  }
0x89: {  	s16 =	simm.s32 @!p3 $0x17C80;
	s30 =	simm.s32 @!p3 $0x13900;
	s17 =	sadd.s32 @!p3 $0x800, s11  }
0x8a: {  	[tilespmem:s16], [sflag:$0x1] =	stream.indirect.gather @!p3 [spmem:s1], $0x80, s30, s8, $0xb8;
	[tilespmem:$0x1BC80] =	vst v63  }
0x8b: {  	s18 =	sadd.s32 @!p3 $0x1000, s11;
	s20 =	sadd.s32 @!p3 $0x1800, s11;
	_ =	swait.ge @!p3 [sflag:s0], $0x4000  }
0x8c: {  	s11 =	sadd.s32 @!p3 $0x2000, s11;
	[sflag:s0] =	ssyncset.done @!p3 $0x0  }
0x8d: {  	s30 =	simm.s32 @!p3 $0x2;
	[sflag:s0] =	ssyncadd.s32 @!p3 $0xFFFFC000  }
0x8e: {  	[hbm4b:s17+s31] =	stream.linear.scatter @!p3 [tilespmem:s16], [sflag:$0x2], $0x4000, $0x38;
	[tilespmem:$0x1BC80] =	vst v63  }
0x8f: {  	_ =	swait.ge @!p3 [sflag:s30], $0x4000  }
0x90: {  	[sflag:s30] =	ssyncset.done @!p3 $0x0  }
0x91: {  	s17 =	simm.s32 @!p3 $0x13980;
	[sflag:s30] =	ssyncadd.s32 @!p3 $0xFFFFC000  }
0x92: {  	[tilespmem:s7], [sflag:$0x1] =	stream.indirect.gather @!p3 [spmem:s1], $0x80, s17, s8, $0xb8;
	[tilespmem:$0x1BC80] =	vst v63  }
0x93: {  	_ =	swait.ge @!p3 [sflag:s0], $0x4000  }
0x94: {  	[sflag:s0] =	ssyncset.done @!p3 $0x0  }
0x95: {  	[sflag:s0] =	ssyncadd.s32 @!p3 $0xFFFFC000  }
0x96: {  	[hbm4b:s18+s31] =	stream.linear.scatter @!p3 [tilespmem:s7], [sflag:$0x2], $0x4000, $0x38;
	[tilespmem:$0x1BC80] =	vst v63  }
0x97: {  	_ =	swait.ge @!p3 [sflag:s30], $0x4000  }
0x98: {  	[sflag:s30] =	ssyncset.done @!p3 $0x0  }
0x99: {  	s17 =	simm.s32 @!p3 $0x13A00;
	[sflag:s30] =	ssyncadd.s32 @!p3 $0xFFFFC000  }
0x9a: {  	[tilespmem:s16], [sflag:$0x1] =	stream.indirect.gather @!p3 [spmem:s1], $0x80, s17, s8, $0xb8;
	[tilespmem:$0x1BC80] =	vst v63  }
0x9b: {  	_ =	swait.ge @!p3 [sflag:s0], $0x4000  }
0x9c: {  	[sflag:s0] =	ssyncset.done @!p3 $0x0  }
0x9d: {  	[sflag:s0] =	ssyncadd.s32 @!p3 $0xFFFFC000  }
0x9e: {  	[hbm4b:s20+s31] =	stream.linear.scatter @!p3 [tilespmem:s16], [sflag:$0x2], $0x4000, $0x38;
	[tilespmem:$0x1BC80] =	vst v63  }
0x9f: {  	_ =	swait.ge @!p3 [sflag:s30], $0x4000  }
0xa0: {  	[sflag:s30] =	ssyncset.done @!p3 $0x0  }
0xa1: {  	s16 =	simm.s32 @!p3 $0x13A80;
	[sflag:s30] =	ssyncadd.s32 @!p3 $0xFFFFC000  }
0xa2: {  	[tilespmem:s7], [sflag:$0x1] =	stream.indirect.gather @!p3 [spmem:s1], $0x80, s16, s8, $0xb8;
	[tilespmem:$0x1BC80] =	vst v63  }
0xa3: {  	_ =	swait.ge @!p3 [sflag:s0], $0x4000  }
0xa4: {  	[sflag:s0] =	ssyncset.done @!p3 $0x0  }
0xa5: {  	[sflag:s0] =	ssyncadd.s32 @!p3 $0xFFFFC000  }
0xa6: {  	[hbm4b:s11+s31] =	stream.linear.scatter @!p3 [tilespmem:s7], [sflag:$0x2], $0x4000, $0x38;
	[tilespmem:$0x1BC80] =	vst v63  }
.Ltmp0:
0xa7: {  	_ =	swait.ge @!p3 [sflag:s30], $0x4000;
	(pc) =	sbr.rel @p4 .LBB2_2-.Ltmp0, $4  }
0xa8: {  	[sflag:s30] =	ssyncset.done @!p3 $0x0  }
0xa9: {  	[sflag:s30] =	ssyncadd.s32 @!p3 $0xFFFFC000  }
0xaa: {  	_ =	swait.ge @!p3 [sflag:s30], $0x4000  }
0xab: {  	s29 =	sadd.s32 $0x10, s29;
	s26 =	sadd.s32 $0x800, s26;
	[sflag:s30] =	ssyncset.done @!p3 $0x0  }
0xac: {  	p4 =	sgt.u32 s29, $0x7C;
	[sflag:s30] =	ssyncadd.s32 @!p3 $0xFFFFC000  }
0xad: {  	s0 =	simm.s32 @!p4 $0x0;
	s7 =	simm.s32 @!p4 $0x13880;
	s8 =	simm.s32 @!p4 $0x3  }
0xae: {  	[tilespmem:s7], [sflag:$0x3] =	stream.linear.gather @!p4 [hbm4b:s26+s0], $0x280, $0x38;
	[tilespmem:$0x1BC80] =	vst v63  }
0xaf: {  	_ =	swait.ge @!p4 [sflag:s8], $0x280  }
0xb0: {  	s11 =	simm.s32 @!p4 $0x1;
	[sflag:s8] =	ssyncset.done @!p4 $0x0  }
0xb1: {  	s16 =	simm.s32 @!p4 $0x13C80;
	[sflag:s8] =	ssyncadd.s32 @!p4 $0xFFFFFD80;
	s8 =	simm.s32 @!p4 $0x80  }
0xb2: {  	[tilespmem:s16], [sflag:$0x1] =	stream.indirect.gather @!p4 [spmem:s1], $0x80, s7, s8, $0xb8;
	[tilespmem:$0x1BC80] =	vst v63  }
0xb3: {  	_ =	swait.ge @!p4 [sflag:s11], $0x4000  }
0xb4: {  	[sflag:s11] =	ssyncset.done @!p4 $0x0  }
0xb5: {  	s7 =	sadd.s32 @!p4 s25, s13;
	[sflag:s11] =	ssyncadd.s32 @!p4 $0xFFFFC000  }
0xb6: {  	[hbm4b:s7+s0] =	stream.linear.scatter @!p4 [tilespmem:s16], [sflag:$0x2], $0x4000, $0x38;
	[tilespmem:$0x1BC80] =	vst v63  }
0xb7: {  	s17 =	simm.s32 @!p4 $0x13900;
	s18 =	simm.s32 @!p4 $0x17C80  }
0xb8: {  	[tilespmem:s18], [sflag:$0x1] =	stream.indirect.gather @!p4 [spmem:s1], $0x80, s17, s8, $0xb8;
	[tilespmem:$0x1BC80] =	vst v63  }
0xb9: {  	_ =	swait.ge @!p4 [sflag:s11], $0x4000  }
0xba: {  	[sflag:s11] =	ssyncset.done @!p4 $0x0  }
0xbb: {  	s20 =	simm.s32 @!p4 $0x2;
	s17 =	sadd.s32 @!p4 $0x800, s7;
	[sflag:s11] =	ssyncadd.s32 @!p4 $0xFFFFC000  }
0xbc: {  	[hbm4b:s17+s0] =	stream.linear.scatter @!p4 [tilespmem:s18], [sflag:$0x2], $0x4000, $0x38;
	[tilespmem:$0x1BC80] =	vst v63  }
0xbd: {  	_ =	swait.ge @!p4 [sflag:s20], $0x4000  }
0xbe: {  	[sflag:s20] =	ssyncset.done @!p4 $0x0  }
0xbf: {  	s17 =	simm.s32 @!p4 $0x13980;
	[sflag:s20] =	ssyncadd.s32 @!p4 $0xFFFFC000  }
0xc0: {  	[tilespmem:s16], [sflag:$0x1] =	stream.indirect.gather @!p4 [spmem:s1], $0x80, s17, s8, $0xb8;
	[tilespmem:$0x1BC80] =	vst v63  }
0xc1: {  	_ =	swait.ge @!p4 [sflag:s11], $0x4000  }
0xc2: {  	[sflag:s11] =	ssyncset.done @!p4 $0x0  }
0xc3: {  	s17 =	sadd.s32 @!p4 $0x1000, s7;
	[sflag:s11] =	ssyncadd.s32 @!p4 $0xFFFFC000  }
0xc4: {  	[hbm4b:s17+s0] =	stream.linear.scatter @!p4 [tilespmem:s16], [sflag:$0x2], $0x4000, $0x38;
	[tilespmem:$0x1BC80] =	vst v63  }
0xc5: {  	_ =	swait.ge @!p4 [sflag:s20], $0x4000  }
0xc6: {  	[sflag:s20] =	ssyncset.done @!p4 $0x0  }
0xc7: {  	s17 =	simm.s32 @!p4 $0x13A00;
	[sflag:s20] =	ssyncadd.s32 @!p4 $0xFFFFC000  }
0xc8: {  	[tilespmem:s18], [sflag:$0x1] =	stream.indirect.gather @!p4 [spmem:s1], $0x80, s17, s8, $0xb8;
	[tilespmem:$0x1BC80] =	vst v63  }
0xc9: {  	_ =	swait.ge @!p4 [sflag:s11], $0x4000  }
0xca: {  	[sflag:s11] =	ssyncset.done @!p4 $0x0  }
0xcb: {  	s17 =	sadd.s32 @!p4 $0x1800, s7;
	[sflag:s11] =	ssyncadd.s32 @!p4 $0xFFFFC000  }
0xcc: {  	[hbm4b:s17+s0] =	stream.linear.scatter @!p4 [tilespmem:s18], [sflag:$0x2], $0x4000, $0x38;
	[tilespmem:$0x1BC80] =	vst v63  }
0xcd: {  	_ =	swait.ge @!p4 [sflag:s20], $0x4000  }
0xce: {  	[sflag:s20] =	ssyncset.done @!p4 $0x0  }
0xcf: {  	s17 =	simm.s32 @!p4 $0x13A80;
	[sflag:s20] =	ssyncadd.s32 @!p4 $0xFFFFC000  }
0xd0: {  	[tilespmem:s16], [sflag:$0x1] =	stream.indirect.gather @!p4 [spmem:s1], $0x80, s17, s8, $0xb8;
	[tilespmem:$0x1BC80] =	vst v63  }
0xd1: {  	_ =	swait.ge @!p4 [sflag:s11], $0x4000  }
0xd2: {  	[sflag:s11] =	ssyncset.done @!p4 $0x0  }
0xd3: {  	s7 =	sadd.s32 @!p4 $0x2000, s7;
	[sflag:s11] =	ssyncadd.s32 @!p4 $0xFFFFC000  }
0xd4: {  	[hbm4b:s7+s0] =	stream.linear.scatter @!p4 [tilespmem:s16], [sflag:$0x2], $0x4000, $0x38;
	[tilespmem:$0x1BC80] =	vst v63  }
0xd5: {  	_ =	swait.ge @!p4 [sflag:s20], $0x4000  }
0xd6: {  	[sflag:s20] =	ssyncset.done @!p4 $0x0  }
0xd7: {  	[sflag:s20] =	ssyncadd.s32 @!p4 $0xFFFFC000  }
0xd8: {  	_ =	swait.ge @!p4 [sflag:s20], $0x4000  }
0xd9: {  	s2 =	sadd.s32 $0x1, s2;
	s31 =	rddreg [dreg:$0x4]  }
0xda: {  	p3 =	sne.s32 s2, s31  }
.Ltmp1:
0xdb: {  	_ = 	snop;
	(pc) =	sbr.rel @p3 .LBB2_1-.Ltmp1, $3  }
0xdc: {  	_ =	sdelay $0x1  }
0xdd: {  	[sflag:s20] =	ssyncset.done @!p4 $0x0  }
0xde: {  	[sflag:s20] =	ssyncadd.s32 @!p4 $0xFFFFC000  }
0xdf: {  	_ =	sfence.sel $0x180000  }
0xe0: {  	[bflag:$0x0] =	sbarrier.arrive $0xFFFF  }
0xe1: {  	_ =	strace $0x90000047  }
0xe2: {  	[bflag:$0x2] =	sbarrier.arrive $0xFFFF  }
0xe3: {  	p0 =	sne.s32 s3, $0x0;
	s0 =	rddreg [dreg:$0x2]  }
0xe4: {  	s0 =	sadd.s32 @!p0 $0x100000, s0  }
0xe5: {  	[sflag:s0] =	ssyncadd.tile.s32 @!p0 $0x1;
	_ =	shalt  }
.Lfunc_end2:
_tile_overlayer_lowered:
.L_overlay_start_2:
0xe6: {  	(tag) =	ssettag $0x2  }
0xe7: {  	s0 =	rddreg [dreg:$0x0];
	s2 =	stileid.u32  }
0xe8: {  	s1 =	rddreg [dreg:$0x1];
	p0 =	sne.s32 s2, $0x0  }
0xe9: {  	s3 =	rddreg [dreg:$0x2];
	[bflag:$0x3] =	sbarrier.arrive $0xFFFF;
	s2 =	simm.s32 @!p0 $0x1C03  }
0xea: {  	[timem:s3], [sflag:s2] =	dma.local @!p0 [hbm:s0], s1  }
0xeb: {  	s0 =	simm.s32 @!p0 $0x3  }
0xec: {  	_ =	swait.ge @!p0 [sflag:s0], s1  }
0xed: {  	s1 =	ssub.s32 @!p0 $0x0, s1;
	[sflag:s0] =	ssyncset.done @!p0 $0x0  }
0xee: {  	[sflag:s0] =	ssyncadd.s32 @!p0 s1  }
0xef: {  	[bflag:$0x3] =	sbarrier.arrive $0xFFFF  }
0xf0: {  	_ =	shalt  }

// kernel: kernel.16.cloned.1.call-start
scs
__scs_entry_jumppad:
0x0: {  	(pc) =	sbr.rel $0x88, $3  }
0x1: {  	(tag) =	ssettag $0x0;
	lr =	simm.s32 $0x1  }
0x2: {  	[smem:$0x3F87] =	sst lr;
	_ =	strace $0xD0000000  }
0x3: {  	_ = 	snop  }
0x4: {  	_ = 	snop  }
0x5: {  	_ = 	snop  }
0x6: {  	_ = 	snop  }
0x7: {  	_ = 	snop  }
__scs_overlays_trampoline_lowered:
0x8: {  	[smem:$0x3F96] =	sst s0  }
0x9: {  	[smem:$0x3F97] =	sst s1  }
0xa: {  	[smem:$0x3F98] =	sst s2  }
0xb: {  	[smem:$0x3F99] =	sst s3  }
0xc: {  	[smem:$0x3F9A] =	sst s4  }
0xd: {  	[smem:$0x3F9B] =	sst s5  }
0xe: {  	[smem:$0x3F9C] =	sst s6  }
0xf: {  	[smem:$0x3F9D] =	sst s7  }
0x10: {  	[smem:$0x3F9E] =	sst s8  }
0x11: {  	[smem:$0x3F9F] =	sst s9;
	s0 =	simm.s32 @!p0 $0x0  }
0x12: {  	s1 =	sld [smem:$0x3F85];
	s0 =	simm.s32 @p0 $0x1  }
0x13: {  	[smem:$0x3FA0] =	sst s0;
	s0 =	simm.s32 @!p1 $0x0  }
0x14: {  	s2 =	sld [smem:$0x3F84];
	s0 =	simm.s32 @p1 $0x1  }
0x15: {  	[smem:$0x3FA1] =	sst s0;
	s0 =	simm.s32 @!p2 $0x0  }
0x16: {  	s3 =	sld [smem:$0x3FDB];
	s0 =	simm.s32 @p2 $0x1  }
0x17: {  	s4 =	simm.s32 $0x1BF5;
	[smem:$0x3FA3] =	sst s0  }
0x18: {  	s0 =	sld [smem:$0x3F86];
	_ =	swait.ge [sflag:s4], $0x0  }
0x19: {  	s7 =	sld [smem:$0x3F87]  }
0x1a: {  	s8 =	sadd.s32 $0xFFFFE003, lr  }
0x1b: {  	s9 =	sadd.s32 $0xFFFFFEF7, lr;
	s5 =	simm.s32 $0xFFFFFFFF;
	p2 =	slt.u32 s8, $0xFFFFF086  }
0x1c: {  	p1 =	slt.u32 s9, $0xF7A;
	s5 =	simm.s32 @!p2 $0x0  }
0x1d: {  	s5 =	simm.s32 @p1 $0x1;
	p0 =	seq.s32 s7, s2  }
0x1e: {  	s7 =	smul.u32 @!p0 $0xF7A, s2;
	p2 =	seq.s32 @!p0 s5, $0x0  }
0x1f: {  	s9 =	smul.u32 $0xF7A, s1;
	s8 =	simm.s32 @!p0 $0x1BF5;
	p2 =	por !p2, p0  }
0x20: {  	[sflag:s8] =	ssyncset.s32 @!p0 $0xFFFFF086;
	s6 =	sadd.s32 @!p0 s3, s7;
	s7 =	simm.s32 @!p0 $0x108  }
0x21: {  	s3 =	sadd.s32 s3, s9;
	s6 =	sadd.s32 @!p0 $0x88, s6;
	s7 =	simm.s32 @p2 $0x1082  }
0x22: {  	[simem:s7], [sflag:s8] =	dma.local @!p0 [hbm:s6], $0xF7A  }
0x23: {  	s9 =	sor.u32 $0xD0000000, s2;
	s6 =	simm.s32 $0x108;
	_ =	swait.ge @!p0 [sflag:s8], $0x0  }
0x24: {  	s3 =	sadd.s32 $0x88, s3;
	s6 =	simm.s32 @!p1 $0x1082;
	[sflag:s4] =	ssyncset.s32 $0xFFFFF086  }
0x25: {  	[simem:s6], [sflag:s4] =	dma.local [hbm:s3], $0xF7A  }
0x26: {  	[smem:$0x3F87] =	sst s1;
	(tag) =	ssettag s2;
	_ =	strace s9  }
0x27: {  	s1 =	sld [smem:$0x3F97]  }
0x28: {  	s2 =	sld [smem:$0x3F98]  }
0x29: {  	s4 =	sld [smem:$0x3F9A]  }
0x2a: {  	p0 =	seq.s32 s5, $0x0;
	s5 =	sld [smem:$0x3F9B]  }
0x2b: {  	s6 =	sld [smem:$0x3F9C]  }
0x2c: {  	s7 =	sld [smem:$0x3F9D]  }
0x2d: {  	s3 =	simm.s32 $0x108;
	s8 =	sld [smem:$0x3F9E]  }
0x2e: {  	s3 =	simm.s32 @!p0 $0x1082;
	s9 =	sld [smem:$0x3F9F]  }
0x2f: {  	lr =	sadd.s32 s0, s3;
	s0 =	sld [smem:$0x3F96]  }
0x30: {  	s3 =	sld [smem:$0x3F99]  }
0x31: {  	[smem:$0x3FA2] =	sst s10  }
0x32: {  	s10 =	sld [smem:$0x3FA0];
	_ =	sdelay $0x3  }
0x33: {  	p0 =	seq.s32 s10, $0x1;
	s10 =	sld [smem:$0x3FA2];
	_ =	sdelay $0x3  }
0x34: {  	[smem:$0x3FA2] =	sst s10  }
0x35: {  	s10 =	sld [smem:$0x3FA1];
	_ =	sdelay $0x3  }
0x36: {  	p1 =	seq.s32 s10, $0x1;
	s10 =	sld [smem:$0x3FA2];
	_ =	sdelay $0x3  }
0x37: {  	[smem:$0x3FA2] =	sst s10  }
0x38: {  	s10 =	sld [smem:$0x3FA3]  }
0x39: {  	_ = 	snop;
	(pc) =	sbr.ind lr, $3  }
0x3a: {  	_ = 	snop  }
0x3b: {  	_ = 	snop  }
0x3c: {  	p2 =	seq.s32 s10, $0x1;
	s10 =	sld [smem:$0x3FA2]  }
0x3d: {  	_ =	shalt  }
0x3e: {  	_ =	shalt  }
0x3f: {  	_ =	shalt  }
0x40: {  	_ =	shalt  }
0x41: {  	_ =	shalt  }
0x42: {  	_ =	shalt  }
0x43: {  	_ =	shalt  }
0x44: {  	_ =	shalt  }
0x45: {  	_ =	shalt  }
0x46: {  	_ =	shalt  }
0x47: {  	_ =	shalt  }
0x48: {  	_ =	shalt  }
0x49: {  	_ =	shalt  }
0x4a: {  	_ =	shalt  }
0x4b: {  	_ =	shalt  }
0x4c: {  	_ =	shalt  }
0x4d: {  	_ =	shalt  }
0x4e: {  	_ =	shalt  }
0x4f: {  	_ =	shalt  }
0x50: {  	_ =	shalt  }
0x51: {  	_ =	shalt  }
0x52: {  	_ =	shalt  }
0x53: {  	_ =	shalt  }
0x54: {  	_ =	shalt  }
0x55: {  	_ =	shalt  }
0x56: {  	_ =	shalt  }
0x57: {  	_ =	shalt  }
0x58: {  	_ =	shalt  }
0x59: {  	_ =	shalt  }
0x5a: {  	_ =	shalt  }
0x5b: {  	_ =	shalt  }
0x5c: {  	_ =	shalt  }
0x5d: {  	_ =	shalt  }
0x5e: {  	_ =	shalt  }
0x5f: {  	_ =	shalt  }
0x60: {  	_ =	shalt  }
0x61: {  	_ =	shalt  }
0x62: {  	_ =	shalt  }
0x63: {  	_ =	shalt  }
0x64: {  	_ =	shalt  }
0x65: {  	_ =	shalt  }
0x66: {  	_ =	shalt  }
0x67: {  	_ =	shalt  }
0x68: {  	_ =	shalt  }
0x69: {  	_ =	shalt  }
0x6a: {  	_ =	shalt  }
0x6b: {  	_ =	shalt  }
0x6c: {  	_ =	shalt  }
0x6d: {  	_ =	shalt  }
0x6e: {  	_ =	shalt  }
0x6f: {  	_ =	shalt  }
0x70: {  	_ =	shalt  }
0x71: {  	_ =	shalt  }
0x72: {  	_ =	shalt  }
0x73: {  	_ =	shalt  }
0x74: {  	_ =	shalt  }
0x75: {  	_ =	shalt  }
0x76: {  	_ =	shalt  }
0x77: {  	_ =	shalt  }
0x78: {  	_ =	shalt  }
0x79: {  	_ =	shalt  }
0x7a: {  	_ =	shalt  }
0x7b: {  	_ =	shalt  }
0x7c: {  	_ =	shalt  }
0x7d: {  	_ =	shalt  }
0x7e: {  	_ =	shalt  }
0x7f: {  	_ =	shalt  }
0x80: {  	_ =	shalt  }
0x81: {  	_ =	shalt  }
0x82: {  	_ =	shalt  }
0x83: {  	_ =	shalt  }
0x84: {  	_ =	shalt  }
0x85: {  	_ =	shalt  }
0x86: {  	_ =	shalt  }
0x87: {  	_ =	shalt  }
.Lfunc_end0:
.L_simem_size_0:
called_computation.2_lowered:
.L_overlay_start_0:
0x88: {  	s2 =	sld [smem:$0x3FD9]  }
0x89: {  	s3 =	sld [smem:$0x3FFE];
	_ =	sdelay $0x1  }
0x8a: {  	s1 =	srdreg.scid  }
0x8b: {  	s0 =	sand.u32 $0x1, s1  }
0x8c: {  	s17 =	sshll.u32 s0, $0xA;
	s2 =	sadd.s32 s3, s2  }
0x8d: {  	s2 =	sadd.s32 s2, s17  }
0x8e: {  	[smem:$0x3FAE] =	sst s2  }
0x8f: {  	_ = 	snop  }
0x90: {  	s18 =	sld [smem:$0x3FD0];
	(tm) =	ssettm $0x1  }
0x91: {  	s19 =	sld [smem:$0x3FFB];
	_ =	sdelay $0x3  }
0x92: {  	_ =	strace s19  }
0x93: {  	s2 =	sld [smem:$0x3FFC];
	_ =	sdelay $0x3  }
0x94: {  	_ =	strace s2  }
0x95: {  	s2 =	sld [smem:$0x3FFD];
	_ =	sdelay $0x3  }
0x96: {  	_ =	strace s2  }
0x97: {  	_ =	strace $0x8FFFFFFF  }
0x98: {  	s20 =	sld [smem:$0x3FDB];
	_ =	sdelay $0x1  }
0x99: {  	s4 =	simm.s32 $_scs_section_size  }
0x9a: {  	s5 =	simm.s32 $_size__tile_overlayer_lowered;
	s6 =	simm.s32 $_tile_overlayer_lowered  }
0x9b: {  	s7 =	simm.s32 $0x1BFF;
	s21 =	sshll.u32 s6, $0x1;
	s4 =	sadd.s32 s4, s20  }
0x9c: {  	s22 =	simm.s32 $0x0;
	s5 =	sshll.u32 s5, $0x1;
	s6 =	sadd.s32 s21, s4  }
0x9d: {  	[timem:s22], [sflag:s7] =	dma.local [hbm:s6], s5  }
0x9e: {  	_ =	swait.ge [sflag:s7], s5  }
0x9f: {  	s5 =	ssub.s32 $0x0, s5;
	[sflag:s7] =	ssyncset.done $0x0  }
0xa0: {  	[sflag:s7] =	ssyncadd.s32 s5;
	_ =	sdelay $0x1  }
0xa1: {  	s23 =	simm.s32 $0x1B8B  }
0xa2: {  	_ =	swait.ge [sflag:s23], $0x1  }
0xa3: {  	[sflag:s23] =	ssyncset.done $0x0  }
0xa4: {  	[sflag:s23] =	ssyncadd.s32 $0xFFFFFFFF  }
0xa5: {  	s5 =	sld [smem:$0x0]  }
0xa6: {  	s6 =	sand.u32 $0xFFFFFFFE, s1  }
0xa7: {  	p0 =	sne.s32 s1, s6  }
0xa8: {  	s6 =	sshll.u32 @p0 s6, $0xE  }
0xa9: {  	s6 =	sadd.s32 @p0 $0x11B8D, s6;
	s7 =	sshll.u32 @p0 s5, $0x11  }
0xaa: {  	s6 =	sor.u32 @p0 s7, s6  }
0xab: {  	[sflag:s6] =	ssyncadd.remote.s32 @p0 $0x1;
	_ =	sdelay $0x1  }
0xac: {  	s6 =	simm.s32 @p0 $0x1B8D  }
0xad: {  	_ =	swait.eq @p0 [sflag:s6], $0x1  }
0xae: {  	[sflag:s6] =	ssyncadd.s32 @p0 $0xFFFFFFFF  }
0xaf: {  	s7 =	sshll.u32 @!p0 s1, $0xE  }
0xb0: {  	s7 =	sor.u32 @!p0 $0x4000, s7;
	s6 =	simm.s32 @!p0 $0x1B8D  }
0xb1: {  	s5 =	sshll.u32 @!p0 s5, $0x11;
	s7 =	sadd.s32 @!p0 $0x11B8D, s7;
	_ =	swait.eq @!p0 [sflag:s6], $0x1  }
0xb2: {  	s5 =	sor.u32 @!p0 s5, s7;
	[sflag:s6] =	ssyncadd.s32 @!p0 $0xFFFFFFFF  }
0xb3: {  	s25 =	simm.s32 $0x1B8E;
	s24 =	sld [smem:$0x3FFE];
	[sflag:s5] =	ssyncadd.remote.s32 @!p0 $0x1  }
0xb4: {  	s26 =	simm.s32 $execute0_lowered;
	[smem:$0x3FD2] =	sst s25  }
0xb5: {  	s6 =	sshll.u32 s26, $0x1;
	_ =	strace $0x8000004F;
	[dreg:$0x1] =	wrdreg $0xFFFFFFFF  }
0xb6: {  	s28 =	simm.s32 $_size_execute0_lowered;
	s4 =	sadd.s32 s4, s6;
	[dreg:$0x0] =	wrdreg $0x0  }
0xb7: {  	s6 =	sshll.u32 s28, $0x1;
	[dreg:$0x2] =	wrdreg s4  }
0xb8: {  	[dreg:$0x3] =	wrdreg s6  }
0xb9: {  	[dreg:$0x4] =	wrdreg $0xC0  }
0xba: {  	_ =	task [dreg:s22], $0x5FFFF  }
0xbb: {  	[dreg:$0x1] =	wrdreg $0xFFFFFFFF  }
0xbc: {  	[dreg:$0x0] =	wrdreg $0x60  }
0xbd: {  	[dreg:$0x2] =	wrdreg s24  }
0xbe: {  	[dreg:$0x3] =	wrdreg s18  }
0xbf: {  	[dreg:$0x4] =	wrdreg $0xAC000  }
0xc0: {  	[dreg:$0x5] =	wrdreg $0x9  }
0xc1: {  	_ =	task.clear_ibuf [dreg:s22], $0x6FFFF;
	_ =	strace $0x9000004F  }
0xc2: {  	s29 =	simm.s32 $0x9;
	_ =	strace $0x80000051  }
0xc3: {  	_ =	swait.ge [sflag:s29], $0x1  }
0xc4: {  	[sflag:s29] =	ssyncadd.s32 $0xFFFFFFFF  }
0xc5: {  	_ =	strace $0x90000051  }
0xc6: {  	_ =	sfence  }
0xc7: {  	s30 =	sld [smem:$0x0];
	_ =	sdelay $0x2  }
0xc8: {  	s31 =	sshll.u32 s1, $0xD;
	s1 =	sshrl.u32 s1, $0x2  }
0xc9: {  	s4 =	sand.u32 $0x4000, s31;
	s1 =	sadd.s32 s1, s30  }
0xca: {  	s0 =	sor.u32 s4, s0;
	s1 =	sshll.u32 s1, $0x11  }
0xcb: {  	s0 =	sor.u32 s1, s0  }
0xcc: {  	s0 =	sadd.s32 $0x8F2B, s0  }
0xcd: {  	[sflag:s0] =	ssyncadd.remote.s32 $0x1  }
0xce: {  	_ =	sfence.sel $0xFFFF  }
0xcf: {  	[dreg:$0x0] =	wrdreg $0xFFFFFFFF;
	(pc) =	sbr.abs _section_cstart, $3  }
0xd0: {  	[dreg:$0x1] =	wrdreg $0xFFFFFFFF  }
0xd1: {  	_ =	task.clear_ibuf [dreg:s22], $0x2FFFF;
	_ =	strace $0x9FFFFFFF  }
0xd2: {  	(tm) =	ssettm $0x7FFFFFFF  }
0xd3: {  	_ =	shalt  }
tec
execute0_lowered:
.L_overlay_start_1:
0x0: {  	(tag) =	ssettag $0x1  }
0x1: {  	s0 =	srdreg.scid;
	s18 =	stileid.u32  }
0x2: {  	s0 =	sand.u32 $0x1, s0;
	s22 =	smul.u32 $0x2800, s18  }
0x3: {  	s13 =	sor.u32 $0x10, s18;
	s11 =	smul.u32 $0x138800, s0  }
0x4: {  	s1 =	rddreg [dreg:$0x0];
	s7 =	sor.u32 $0x20, s18;
	s14 =	smul.u32 $0x2800, s13  }
0x5: {  	s2 =	simm.s32 $0x0;
	s6 =	sor.u32 $0x30, s18;
	s15 =	smul.u32 $0x2800, s7  }
0x6: {  	[smem:$0x7FF] =	sst s2;
	s5 =	sor.u32 $0x40, s18;
	s24 =	smul.u32 $0x2800, s6  }
0x7: {  	s20 =	sshll.u32 s18, $0x8;
	s2 =	sor.u32 $0x60, s18;
	s16 =	smul.u32 $0x2800, s5  }
0x8: {  	s30 =	simm.s32 $0x8400;
	s9 =	sadd.s32 s20, s1;
	s20 =	smul.u32 $0x2800, s2  }
0x9: {  	s31 =	simm.s32 $0x2;
	s8 =	sadd.s32 $0xB1600, s1;
	s6 =	smul.u32 $0xA000, s6  }
0xa: {  	s10 =	sadd.s32 $0x15000, s1;
	s3 =	ssub.s32 $0x2, s0;
	s5 =	smul.u32 $0xA000, s5  }
0xb: {  	s1 =	sor.u32 $0x70, s18;
	s2 =	smul.u32 $0xA000, s2;
	s21 =	sshrl.u32 s3, $0x1  }
0xc: {  	p0 =	sgt.u32 s1, $0x7C;
	s4 =	ssub.s32 s3, s21;
	s3 =	sor.u32 $0x50, s18  }
0xd: {  	s12 =	sadd.s32 s11, s22;
	s23 =	sadd.s32 s11, s14;
	s15 =	sadd.s32 s11, s15  }
0xe: {  	s14 =	sadd.s32 s11, s24;
	s16 =	sadd.s32 s11, s16;
	s21 =	smul.u32 $0x2800, s1  }
0xf: {  	s24 =	sadd.s32 s11, s20;
	s1 =	smul.u32 $0xA000, s1;
	s12 =	sshrl.u32 s12, $0x3  }
0x10: {  	s15 =	sshrl.u32 s15, $0x3;
	s17 =	smul.u32 $0x2800, s3;
	s26 =	sshrl.u32 s14, $0x3  }
0x11: {  	s14 =	sshrl.u32 s16, $0x3;
	s16 =	smul.u32 $0x5000, s18;
	s4 =	smax.u32 s4, $0x1  }
0x12: {  	s3 =	smul.u32 $0xA000, s3;
	s12 =	sadd.s32 s10, s12;
	s25 =	sadd.s32 s10, s15  }
0x13: {  	s22 =	sadd.s32 s10, s14;
	s1 =	sshrl.u32 s1, $0x2;
	[dreg:$0x4] =	wrdreg s12  }
0x14: {  	s12 =	sshrl.u32 s23, $0x3;
	[dreg:$0x6] =	wrdreg s25;
	s19 =	sadd.s32 s11, s17  }
0x15: {  	[dreg:$0x8] =	wrdreg s22;
	s11 =	sadd.s32 s11, s21;
	s25 =	smul.u32 $0x28000, s18  }
0x16: {  	s17 =	sshll.u32 s0, $0x7;
	s12 =	sadd.s32 s10, s12;
	s15 =	sshrl.u32 s19, $0x3  }
0x17: {  	s11 =	sshrl.u32 s11, $0x3;
	s9 =	sadd.s32 s17, s9;
	s17 =	rddreg [dreg:$0x2]  }
0x18: {  	s19 =	smul.u32 $0x2800, s0;
	[dreg:$0x5] =	wrdreg s12;
	s12 =	sadd.s32 s10, s26  }
0x19: {  	s23 =	sadd.s32 s10, s15;
	s26 =	smul.u32 $0x14000, s0;
	[dreg:$0x7] =	wrdreg s12  }
0x1a: {  	s28 =	sadd.s32 s1, s17;
	s29 =	sadd.s32 $0xD300, s9;
	[dreg:$0x9] =	wrdreg s23  }
0x1b: {  	s12 =	sshrl.u32 s24, $0x3;
	s24 =	smul.u32 $0xA000, s13;
	s13 =	simm.s32 $0x0  }
0x1c: {  	s12 =	sadd.s32 s10, s12;
	s10 =	sadd.s32 s10, s11;
	s14 =	sadd.s32 s26, s25  }
0x1d: {  	s25 =	sshll.u32 s18, $0x1;
	s26 =	smul.u32 $0xA000, s18;
	[dreg:$0xa] =	wrdreg s12  }
0x1e: {  	[dreg:$0xb] =	wrdreg s10;
	s10 =	sadd.s32 s16, s8;
	s20 =	sadd.s32 $0x10000, s14  }
0x1f: {  	s21 =	sadd.s32 $0xC000, s14;
	s15 =	sadd.s32 $0x8000, s14;
	s22 =	sadd.s32 $0x4000, s14  }
0x20: {  	s18 =	sor.u32 s0, s25;
	s25 =	sshrl.u32 s3, $0x2;
	s10 =	sadd.s32 s19, s10  }
0x21: {  	s11 =	sshrl.u32 s20, $0x3;
	s12 =	sshrl.u32 s21, $0x3;
	s15 =	sshrl.u32 s15, $0x3  }
0x22: {  	s23 =	sshrl.u32 s22, $0x3;
	_ =	strace $0x80000050;
	s19 =	smul.u32 $0xA000, s7  }
0x23: {  	[dreg:$0xc] =	wrdreg s4;
	s21 =	sshrl.u32 s26, $0x2;
	s22 =	sshrl.u32 s24, $0x2  }
0x24: {  	s24 =	sshrl.u32 s5, $0x2;
	s25 =	sadd.s32 s25, s17;
	s26 =	sshrl.u32 s2, $0x2  }
0x25: {  	s11 =	sadd.s32 s11, s8;
	s12 =	sadd.s32 s12, s8;
	s14 =	sadd.s32 s15, s8  }
0x26: {  	s16 =	sadd.s32 s23, s8;
	s20 =	sadd.s32 s21, s17;
	s21 =	sadd.s32 s22, s17  }
0x27: {  	s23 =	sshrl.u32 s6, $0x2;
	s24 =	sadd.s32 s24, s17;
	s0 =	sshrl.u32 s19, $0x2  }
0x28: {  	s26 =	sadd.s32 s26, s17;
	s23 =	sadd.s32 s23, s17;
	s22 =	sadd.s32 s0, s17  }
.LBB2_1:
0x29: {  	s0 =	simm.s32 $0x0;
	s1 =	rddreg [dreg:$0x1]  }
0x2a: {  	[tilespmem:s30], [sflag:$0x2] =	stream.linear.gather [hbm4b:s1+s0], $0x2800, $0x38;
	[tilespmem:$0x1E480] =	vst v63  }
0x2b: {  	_ =	swait.ge [sflag:s31], $0x2800  }
0x2c: {  	[sflag:s31] =	ssyncset.done $0x0  }
0x2d: {  	[sflag:s31] =	ssyncadd.s32 $0xFFFFD800  }
0x2e: {  	[spmem:s20] =	stream.linear.scatter [tilespmem:s30], [sflag:$0x2], $0x2800, $0x38;
	[tilespmem:$0x1E480] =	vst v63  }
0x2f: {  	_ =	swait.ge [sflag:s31], $0x2800  }
0x30: {  	[sflag:s31] =	ssyncset.done $0x0  }
0x31: {  	[sflag:s31] =	ssyncadd.s32 $0xFFFFD800  }
0x32: {  	[spmem:s21] =	stream.linear.scatter [tilespmem:s30], [sflag:$0x2], $0x2800, $0x38;
	[tilespmem:$0x1E480] =	vst v63  }
0x33: {  	_ =	swait.ge [sflag:s31], $0x2800  }
0x34: {  	[sflag:s31] =	ssyncset.done $0x0  }
0x35: {  	[sflag:s31] =	ssyncadd.s32 $0xFFFFD800  }
0x36: {  	[spmem:s22] =	stream.linear.scatter [tilespmem:s30], [sflag:$0x2], $0x2800, $0x38;
	[tilespmem:$0x1E480] =	vst v63  }
0x37: {  	_ =	swait.ge [sflag:s31], $0x2800  }
0x38: {  	[sflag:s31] =	ssyncset.done $0x0  }
0x39: {  	[sflag:s31] =	ssyncadd.s32 $0xFFFFD800  }
0x3a: {  	[spmem:s23] =	stream.linear.scatter [tilespmem:s30], [sflag:$0x2], $0x2800, $0x38;
	[tilespmem:$0x1E480] =	vst v63  }
0x3b: {  	_ =	swait.ge [sflag:s31], $0x2800  }
0x3c: {  	[sflag:s31] =	ssyncset.done $0x0  }
0x3d: {  	[sflag:s31] =	ssyncadd.s32 $0xFFFFD800  }
0x3e: {  	[spmem:s24] =	stream.linear.scatter [tilespmem:s30], [sflag:$0x2], $0x2800, $0x38;
	[tilespmem:$0x1E480] =	vst v63  }
0x3f: {  	_ =	swait.ge [sflag:s31], $0x2800  }
0x40: {  	[sflag:s31] =	ssyncset.done $0x0  }
0x41: {  	[sflag:s31] =	ssyncadd.s32 $0xFFFFD800  }
0x42: {  	[spmem:s25] =	stream.linear.scatter [tilespmem:s30], [sflag:$0x2], $0x2800, $0x38;
	[tilespmem:$0x1E480] =	vst v63  }
0x43: {  	_ =	swait.ge [sflag:s31], $0x2800  }
0x44: {  	[sflag:s31] =	ssyncset.done $0x0  }
0x45: {  	[sflag:s31] =	ssyncadd.s32 $0xFFFFD800  }
0x46: {  	[spmem:s26] =	stream.linear.scatter [tilespmem:s30], [sflag:$0x2], $0x2800, $0x38;
	[tilespmem:$0x1E480] =	vst v63  }
0x47: {  	_ =	swait.ge [sflag:s31], $0x2800  }
0x48: {  	[sflag:s31] =	ssyncset.done $0x0  }
0x49: {  	s0 =	simm.s32 @!p0 $0x8400;
	[sflag:s31] =	ssyncadd.s32 $0xFFFFD800  }
0x4a: {  	[spmem:s28] =	stream.linear.scatter @!p0 [tilespmem:s0], [sflag:$0x2], $0x2800, $0x38;
	[tilespmem:$0x1E480] =	vst v63  }
0x4b: {  	s0 =	simm.s32 @!p0 $0x2  }
0x4c: {  	_ =	swait.ge @!p0 [sflag:s0], $0x2800  }
0x4d: {  	[sflag:s0] =	ssyncset.done @!p0 $0x0  }
0x4e: {  	p1 =	sgt.u32 s18, $0x7C;
	[sflag:s0] =	ssyncadd.s32 @!p0 $0xFFFFD800  }
0x4f: {  	s1 =	simm.s32 @!p1 $0x3;
	s0 =	simm.s32 @!p1 $0x0;
	[bflag:$0x0] =	sbarrier.arrive $0xFFFF  }
0x50: {  	[tilespmem:s0], [sflag:$0x3] =	stream.linear.gather @!p1 [hbm4b:s29+s0], $0x280, $0x38;
	[tilespmem:$0x1E480] =	vst v63  }
0x51: {  	_ =	swait.ge @!p1 [sflag:s1], $0x280  }
0x52: {  	[sflag:s1] =	ssyncset.done @!p1 $0x0;
	p1 =	por p1, p1  }
0x53: {  	[sflag:s1] =	ssyncadd.s32 @!p1 $0xFFFFFD80;
	s2 =	sadd.s32 @!p1 $0x0, s10;
	s3 =	simm.s32 @!p1 $0x400  }
0x54: {  	[tilespmem:s3], [sflag:$0x1] =	stream.linear.gather @!p1 [hbm4b:s2+s0], $0x4000, $0x38;
	[tilespmem:$0x1E480] =	vst v63  }
0x55: {  	s4 =	simm.s32 @!p1 $0x4400;
	s5 =	simm.s32 @!p1 $0x1;
	s2 =	sadd.s32 @!p1 $0x0, s16  }
0x56: {  	[tilespmem:s4], [sflag:$0x1] =	stream.linear.gather @!p1 [hbm4b:s2+s0], $0x4000, $0x38;
	[tilespmem:$0x1E480] =	vst v63  }
0x57: {  	_ =	swait.ge @!p1 [sflag:s5], $0x4000  }
0x58: {  	[sflag:s5] =	ssyncset.done @!p1 $0x0  }
0x59: {  	s2 =	simm.s32 @!p1 $0x80;
	[sflag:s5] =	ssyncadd.s32 @!p1 $0xFFFFC000  }
0x5a: {  	[spmem:s17] =	stream.indirect.scatter.add.f32 @!p1 [tilespmem:s3], [sflag:$0x3], $0x80, s0, s2, $0xb8;
	[tilespmem:$0x1E480] =	vst v63  }
0x5b: {  	_ =	swait.ge @!p1 [sflag:s1], $0x4000  }
0x5c: {  	[sflag:s1] =	ssyncset.done @!p1 $0x0  }
0x5d: {  	s6 =	sadd.s32 @!p1 $0x0, s14;
	[sflag:s1] =	ssyncadd.s32 @!p1 $0xFFFFC000  }
0x5e: {  	[tilespmem:s3], [sflag:$0x1] =	stream.linear.gather @!p1 [hbm4b:s6+s0], $0x4000, $0x38;
	[tilespmem:$0x1E480] =	vst v63  }
0x5f: {  	_ =	swait.ge @!p1 [sflag:s5], $0x4000  }
0x60: {  	[sflag:s5] =	ssyncset.done @!p1 $0x0  }
0x61: {  	[sflag:s5] =	ssyncadd.s32 @!p1 $0xFFFFC000  }
0x62: {  	[spmem:s17] =	stream.indirect.scatter.add.f32 @!p1 [tilespmem:s4], [sflag:$0x3], $0x80, s2, s2, $0xb8;
	[tilespmem:$0x1E480] =	vst v63  }
0x63: {  	_ =	swait.ge @!p1 [sflag:s1], $0x4000  }
0x64: {  	[sflag:s1] =	ssyncset.done @!p1 $0x0  }
0x65: {  	s6 =	sadd.s32 @!p1 $0x0, s12;
	[sflag:s1] =	ssyncadd.s32 @!p1 $0xFFFFC000  }
0x66: {  	[tilespmem:s4], [sflag:$0x1] =	stream.linear.gather @!p1 [hbm4b:s6+s0], $0x4000, $0x38;
	[tilespmem:$0x1E480] =	vst v63  }
0x67: {  	_ =	swait.ge @!p1 [sflag:s5], $0x4000  }
0x68: {  	[sflag:s5] =	ssyncset.done @!p1 $0x0  }
0x69: {  	s6 =	simm.s32 @!p1 $0x100;
	[sflag:s5] =	ssyncadd.s32 @!p1 $0xFFFFC000  }
0x6a: {  	[spmem:s17] =	stream.indirect.scatter.add.f32 @!p1 [tilespmem:s3], [sflag:$0x3], $0x80, s6, s2, $0xb8;
	[tilespmem:$0x1E480] =	vst v63  }
0x6b: {  	_ =	swait.ge @!p1 [sflag:s1], $0x4000  }
0x6c: {  	[sflag:s1] =	ssyncset.done @!p1 $0x0  }
0x6d: {  	s6 =	sadd.s32 @!p1 $0x0, s11;
	[sflag:s1] =	ssyncadd.s32 @!p1 $0xFFFFC000  }
0x6e: {  	[tilespmem:s3], [sflag:$0x1] =	stream.linear.gather @!p1 [hbm4b:s6+s0], $0x4000, $0x38;
	[tilespmem:$0x1E480] =	vst v63  }
0x6f: {  	_ =	swait.ge @!p1 [sflag:s5], $0x4000  }
0x70: {  	[sflag:s5] =	ssyncset.done @!p1 $0x0  }
0x71: {  	s0 =	simm.s32 @!p1 $0x180;
	[sflag:s5] =	ssyncadd.s32 @!p1 $0xFFFFC000  }
0x72: {  	[spmem:s17] =	stream.indirect.scatter.add.f32 @!p1 [tilespmem:s4], [sflag:$0x3], $0x80, s0, s2, $0xb8;
	[tilespmem:$0x1E480] =	vst v63  }
0x73: {  	_ =	swait.ge @!p1 [sflag:s1], $0x4000  }
0x74: {  	[sflag:s1] =	ssyncset.done @!p1 $0x0  }
0x75: {  	[sflag:s1] =	ssyncadd.s32 @!p1 $0xFFFFC000  }
0x76: {  	_ =	swait.ge @!p1 [sflag:s5], $0x4000  }
0x77: {  	s15 =	simm.s32 $0xA0000;
	[sflag:s5] =	ssyncset.done @!p1 $0x0  }
0x78: {  	s6 =	simm.s32 @!p1 $0x2;
	s0 =	simm.s32 @!p1 $0x200;
	[sflag:s5] =	ssyncadd.s32 @!p1 $0xFFFFC000  }
0x79: {  	[spmem:s17] =	stream.indirect.scatter.add.f32 @!p1 [tilespmem:s3], [sflag:$0x2], $0x80, s0, s2, $0xb8;
	[tilespmem:$0x1E480] =	vst v63  }
0x7a: {  	s1 =	simm.s32 $0x50000;
	s2 =	sadd.s32 $0x20, s18;
	_ =	swait.ge @!p1 [sflag:s6], $0x4000  }
0x7b: {  	s0 =	sadd.s32 $0x1000, s29;
	p3 =	sgt.u32 s2, $0x7C;
	[sflag:s6] =	ssyncset.done @!p1 $0x0  }
.LBB2_2:
0x7c: {  	s5 =	simm.s32 @!p3 $0x0;
	s3 =	simm.s32 @!p3 $0x3;
	[sflag:s6] =	ssyncadd.s32 @!p1 $0xFFFFC000  }
0x7d: {  	[tilespmem:s5], [sflag:$0x3] =	stream.linear.gather @!p3 [hbm4b:s0+s5], $0x280, $0x38;
	[tilespmem:$0x1E480] =	vst v63  }
0x7e: {  	s8 =	smov.u32 s15;
	s15 =	sadd.s32 $0x50000, s15;
	_ =	swait.ge @!p3 [sflag:s3], $0x280  }
0x7f: {  	p1 =	por p3, p3;
	p2 =	sne.s32 s15, $0x140000;
	[sflag:s3] =	ssyncset.done @!p3 $0x0  }
0x80: {  	s6 =	sadd.s32 @!p1 s1, s10;
	s4 =	simm.s32 @!p1 $0x400;
	[sflag:s3] =	ssyncadd.s32 @!p1 $0xFFFFFD80  }
0x81: {  	[tilespmem:s4], [sflag:$0x1] =	stream.linear.gather @!p1 [hbm4b:s6+s5], $0x4000, $0x38;
	[tilespmem:$0x1E480] =	vst v63  }
0x82: {  	s7 =	sadd.s32 @!p1 s1, s16;
	s9 =	simm.s32 @!p1 $0x4400;
	s6 =	simm.s32 @!p1 $0x1  }
0x83: {  	[tilespmem:s9], [sflag:$0x1] =	stream.linear.gather @!p1 [hbm4b:s7+s5], $0x4000, $0x38;
	[tilespmem:$0x1E480] =	vst v63  }
0x84: {  	_ =	swait.ge @!p1 [sflag:s6], $0x4000  }
0x85: {  	[sflag:s6] =	ssyncset.done @!p1 $0x0  }
0x86: {  	s7 =	simm.s32 @!p1 $0x80;
	[sflag:s6] =	ssyncadd.s32 @!p1 $0xFFFFC000  }
0x87: {  	[spmem:s17] =	stream.indirect.scatter.add.f32 @!p1 [tilespmem:s4], [sflag:$0x3], $0x80, s5, s7, $0xb8;
	[tilespmem:$0x1E480] =	vst v63  }
0x88: {  	_ =	swait.ge @!p1 [sflag:s3], $0x4000  }
0x89: {  	[sflag:s3] =	ssyncset.done @!p1 $0x0  }
0x8a: {  	s19 =	sadd.s32 @!p1 s1, s14;
	[sflag:s3] =	ssyncadd.s32 @!p1 $0xFFFFC000  }
0x8b: {  	[tilespmem:s4], [sflag:$0x1] =	stream.linear.gather @!p1 [hbm4b:s19+s5], $0x4000, $0x38;
	[tilespmem:$0x1E480] =	vst v63  }
0x8c: {  	_ =	swait.ge @!p1 [sflag:s6], $0x4000  }
0x8d: {  	[sflag:s6] =	ssyncset.done @!p1 $0x0  }
0x8e: {  	[sflag:s6] =	ssyncadd.s32 @!p1 $0xFFFFC000  }
0x8f: {  	[spmem:s17] =	stream.indirect.scatter.add.f32 @!p1 [tilespmem:s9], [sflag:$0x3], $0x80, s7, s7, $0xb8;
	[tilespmem:$0x1E480] =	vst v63  }
0x90: {  	_ =	swait.ge @!p1 [sflag:s3], $0x4000  }
0x91: {  	[sflag:s3] =	ssyncset.done @!p1 $0x0  }
0x92: {  	s19 =	sadd.s32 @!p1 s1, s12;
	[sflag:s3] =	ssyncadd.s32 @!p1 $0xFFFFC000  }
0x93: {  	[tilespmem:s9], [sflag:$0x1] =	stream.linear.gather @!p1 [hbm4b:s19+s5], $0x4000, $0x38;
	[tilespmem:$0x1E480] =	vst v63  }
0x94: {  	_ =	swait.ge @!p1 [sflag:s6], $0x4000  }
0x95: {  	[sflag:s6] =	ssyncset.done @!p1 $0x0  }
0x96: {  	s19 =	simm.s32 @!p1 $0x100;
	[sflag:s6] =	ssyncadd.s32 @!p1 $0xFFFFC000  }
0x97: {  	[spmem:s17] =	stream.indirect.scatter.add.f32 @!p1 [tilespmem:s4], [sflag:$0x3], $0x80, s19, s7, $0xb8;
	[tilespmem:$0x1E480] =	vst v63  }
0x98: {  	_ =	swait.ge @!p1 [sflag:s3], $0x4000  }
0x99: {  	[sflag:s3] =	ssyncset.done @!p1 $0x0  }
0x9a: {  	s19 =	sadd.s32 @!p1 s1, s11;
	s1 =	smov.u32 s8;
	[sflag:s3] =	ssyncadd.s32 @!p1 $0xFFFFC000  }
0x9b: {  	[tilespmem:s4], [sflag:$0x1] =	stream.linear.gather @!p1 [hbm4b:s19+s5], $0x4000, $0x38;
	[tilespmem:$0x1E480] =	vst v63  }
0x9c: {  	_ =	swait.ge @!p1 [sflag:s6], $0x4000  }
0x9d: {  	[sflag:s6] =	ssyncset.done @!p1 $0x0  }
0x9e: {  	s5 =	simm.s32 @!p1 $0x180;
	[sflag:s6] =	ssyncadd.s32 @!p1 $0xFFFFC000  }
0x9f: {  	[spmem:s17] =	stream.indirect.scatter.add.f32 @!p1 [tilespmem:s9], [sflag:$0x3], $0x80, s5, s7, $0xb8;
	[tilespmem:$0x1E480] =	vst v63  }
0xa0: {  	_ =	swait.ge @!p1 [sflag:s3], $0x4000  }
0xa1: {  	[sflag:s3] =	ssyncset.done @!p1 $0x0  }
0xa2: {  	[sflag:s3] =	ssyncadd.s32 @!p1 $0xFFFFC000  }
0xa3: {  	_ =	swait.ge @!p1 [sflag:s6], $0x4000  }
.Ltmp0:
0xa4: {  	[sflag:s6] =	ssyncset.done @!p1 $0x0;
	(pc) =	sbr.rel @p2 .LBB2_2-.Ltmp0, $4  }
0xa5: {  	s3 =	simm.s32 @!p1 $0x200;
	[sflag:s6] =	ssyncadd.s32 @!p1 $0xFFFFC000;
	s6 =	simm.s32 @!p1 $0x2  }
0xa6: {  	[spmem:s17] =	stream.indirect.scatter.add.f32 @!p1 [tilespmem:s4], [sflag:$0x2], $0x80, s3, s7, $0xb8;
	[tilespmem:$0x1E480] =	vst v63  }
0xa7: {  	s2 =	sadd.s32 $0x20, s2;
	_ =	swait.ge @!p1 [sflag:s6], $0x4000  }
0xa8: {  	s0 =	sadd.s32 $0x1000, s0;
	p3 =	sgt.u32 s2, $0x7C;
	[sflag:s6] =	ssyncset.done @!p1 $0x0  }
0xa9: {  	s2 =	simm.s32 @!p3 $0x0;
	s3 =	simm.s32 @!p3 $0x3;
	[sflag:s6] =	ssyncadd.s32 @!p1 $0xFFFFC000  }
0xaa: {  	[tilespmem:s2], [sflag:$0x3] =	stream.linear.gather @!p3 [hbm4b:s0+s2], $0x280, $0x38;
	[tilespmem:$0x1E480] =	vst v63  }
0xab: {  	_ =	swait.ge @!p3 [sflag:s3], $0x280  }
0xac: {  	p1 =	por p3, p3;
	[sflag:s3] =	ssyncset.done @!p3 $0x0  }
0xad: {  	s0 =	sadd.s32 @!p1 s1, s10;
	s4 =	simm.s32 @!p1 $0x400;
	[sflag:s3] =	ssyncadd.s32 @!p1 $0xFFFFFD80  }
0xae: {  	[tilespmem:s4], [sflag:$0x1] =	stream.linear.gather @!p1 [hbm4b:s0+s2], $0x4000, $0x38;
	[tilespmem:$0x1E480] =	vst v63  }
0xaf: {  	s5 =	simm.s32 @!p1 $0x4400;
	s6 =	simm.s32 @!p1 $0x1;
	s0 =	sadd.s32 @!p1 s1, s16  }
0xb0: {  	[tilespmem:s5], [sflag:$0x1] =	stream.linear.gather @!p1 [hbm4b:s0+s2], $0x4000, $0x38;
	[tilespmem:$0x1E480] =	vst v63  }
0xb1: {  	_ =	swait.ge @!p1 [sflag:s6], $0x4000  }
0xb2: {  	[sflag:s6] =	ssyncset.done @!p1 $0x0  }
0xb3: {  	s0 =	simm.s32 @!p1 $0x80;
	[sflag:s6] =	ssyncadd.s32 @!p1 $0xFFFFC000  }
0xb4: {  	[spmem:s17] =	stream.indirect.scatter.add.f32 @!p1 [tilespmem:s4], [sflag:$0x3], $0x80, s2, s0, $0xb8;
	[tilespmem:$0x1E480] =	vst v63  }
0xb5: {  	_ =	swait.ge @!p1 [sflag:s3], $0x4000  }
0xb6: {  	[sflag:s3] =	ssyncset.done @!p1 $0x0  }
0xb7: {  	s7 =	sadd.s32 @!p1 s1, s14;
	[sflag:s3] =	ssyncadd.s32 @!p1 $0xFFFFC000  }
0xb8: {  	[tilespmem:s4], [sflag:$0x1] =	stream.linear.gather @!p1 [hbm4b:s7+s2], $0x4000, $0x38;
	[tilespmem:$0x1E480] =	vst v63  }
0xb9: {  	_ =	swait.ge @!p1 [sflag:s6], $0x4000  }
0xba: {  	[sflag:s6] =	ssyncset.done @!p1 $0x0  }
0xbb: {  	[sflag:s6] =	ssyncadd.s32 @!p1 $0xFFFFC000  }
0xbc: {  	[spmem:s17] =	stream.indirect.scatter.add.f32 @!p1 [tilespmem:s5], [sflag:$0x3], $0x80, s0, s0, $0xb8;
	[tilespmem:$0x1E480] =	vst v63  }
0xbd: {  	_ =	swait.ge @!p1 [sflag:s3], $0x4000  }
0xbe: {  	[sflag:s3] =	ssyncset.done @!p1 $0x0  }
0xbf: {  	s7 =	sadd.s32 @!p1 s1, s12;
	[sflag:s3] =	ssyncadd.s32 @!p1 $0xFFFFC000  }
0xc0: {  	[tilespmem:s5], [sflag:$0x1] =	stream.linear.gather @!p1 [hbm4b:s7+s2], $0x4000, $0x38;
	[tilespmem:$0x1E480] =	vst v63  }
0xc1: {  	_ =	swait.ge @!p1 [sflag:s6], $0x4000  }
0xc2: {  	[sflag:s6] =	ssyncset.done @!p1 $0x0  }
0xc3: {  	s7 =	simm.s32 @!p1 $0x100;
	[sflag:s6] =	ssyncadd.s32 @!p1 $0xFFFFC000  }
0xc4: {  	[spmem:s17] =	stream.indirect.scatter.add.f32 @!p1 [tilespmem:s4], [sflag:$0x3], $0x80, s7, s0, $0xb8;
	[tilespmem:$0x1E480] =	vst v63  }
0xc5: {  	_ =	swait.ge @!p1 [sflag:s3], $0x4000  }
0xc6: {  	[sflag:s3] =	ssyncset.done @!p1 $0x0  }
0xc7: {  	s1 =	sadd.s32 @!p1 s1, s11;
	[sflag:s3] =	ssyncadd.s32 @!p1 $0xFFFFC000  }
0xc8: {  	[tilespmem:s4], [sflag:$0x1] =	stream.linear.gather @!p1 [hbm4b:s1+s2], $0x4000, $0x38;
	[tilespmem:$0x1E480] =	vst v63  }
0xc9: {  	_ =	swait.ge @!p1 [sflag:s6], $0x4000  }
0xca: {  	[sflag:s6] =	ssyncset.done @!p1 $0x0  }
0xcb: {  	s1 =	simm.s32 @!p1 $0x180;
	[sflag:s6] =	ssyncadd.s32 @!p1 $0xFFFFC000  }
0xcc: {  	[spmem:s17] =	stream.indirect.scatter.add.f32 @!p1 [tilespmem:s5], [sflag:$0x3], $0x80, s1, s0, $0xb8;
	[tilespmem:$0x1E480] =	vst v63  }
0xcd: {  	_ =	swait.ge @!p1 [sflag:s3], $0x4000  }
0xce: {  	[sflag:s3] =	ssyncset.done @!p1 $0x0  }
0xcf: {  	[sflag:s3] =	ssyncadd.s32 @!p1 $0xFFFFC000  }
0xd0: {  	_ =	swait.ge @!p1 [sflag:s6], $0x4000  }
0xd1: {  	[sflag:s6] =	ssyncset.done @!p1 $0x0  }
0xd2: {  	s1 =	simm.s32 @!p1 $0x200;
	[sflag:s6] =	ssyncadd.s32 @!p1 $0xFFFFC000  }
0xd3: {  	[spmem:s17] =	stream.indirect.scatter.add.f32 @!p1 [tilespmem:s4], [sflag:$0x2], $0x80, s1, s0, $0xb8;
	[tilespmem:$0x1E480] =	vst v63  }
0xd4: {  	s0 =	simm.s32 @!p1 $0x2  }
0xd5: {  	_ =	swait.ge @!p1 [sflag:s0], $0x4000  }
0xd6: {  	[sflag:s0] =	ssyncset.done @!p1 $0x0  }
0xd7: {  	s5 =	stileid.u32;
	[sflag:s0] =	ssyncadd.s32 @!p1 $0xFFFFC000  }
0xd8: {  	s0 =	sshll.u32 s5, $0x6;
	[bflag:$0x0] =	sbarrier.arrive $0xFFFF  }
0xd9: {  	s6 =	sshrl.u32 s20, $0x3;
	s0 =	sor.u32 $0x1C02, s0;
	s7 =	rddreg [dreg:$0x4]  }
0xda: {  	[hbm:s7], [sflag:s0] =	dma.local [spmem:s6], $0x500  }
0xdb: {  	_ =	swait.ge [sflag:s31], $0x500  }
0xdc: {  	[sflag:s31] =	ssyncset.done $0x0  }
0xdd: {  	s8 =	sshrl.u32 s21, $0x3;
	s9 =	rddreg [dreg:$0x5];
	[sflag:s31] =	ssyncadd.s32 $0xFFFFFB00  }
0xde: {  	[hbm:s9], [sflag:s0] =	dma.local [spmem:s8], $0x500  }
0xdf: {  	_ =	swait.ge [sflag:s31], $0x500  }
0xe0: {  	[sflag:s31] =	ssyncset.done $0x0  }
0xe1: {  	s15 =	sshrl.u32 s22, $0x3;
	s19 =	rddreg [dreg:$0x6];
	[sflag:s31] =	ssyncadd.s32 $0xFFFFFB00  }
0xe2: {  	[hbm:s19], [sflag:s0] =	dma.local [spmem:s15], $0x500  }
0xe3: {  	_ =	swait.ge [sflag:s31], $0x500  }
0xe4: {  	[sflag:s31] =	ssyncset.done $0x0  }
0xe5: {  	s3 =	sshrl.u32 s23, $0x3;
	s4 =	rddreg [dreg:$0x7];
	[sflag:s31] =	ssyncadd.s32 $0xFFFFFB00  }
0xe6: {  	[hbm:s4], [sflag:s0] =	dma.local [spmem:s3], $0x500  }
0xe7: {  	_ =	swait.ge [sflag:s31], $0x500  }
0xe8: {  	[sflag:s31] =	ssyncset.done $0x0  }
0xe9: {  	s5 =	sshrl.u32 s24, $0x3;
	s6 =	rddreg [dreg:$0x8];
	[sflag:s31] =	ssyncadd.s32 $0xFFFFFB00  }
0xea: {  	[hbm:s6], [sflag:s0] =	dma.local [spmem:s5], $0x500  }
0xeb: {  	_ =	swait.ge [sflag:s31], $0x500  }
0xec: {  	[sflag:s31] =	ssyncset.done $0x0  }
0xed: {  	s7 =	sshrl.u32 s25, $0x3;
	s8 =	rddreg [dreg:$0x9];
	[sflag:s31] =	ssyncadd.s32 $0xFFFFFB00  }
0xee: {  	[hbm:s8], [sflag:s0] =	dma.local [spmem:s7], $0x500  }
0xef: {  	_ =	swait.ge [sflag:s31], $0x500  }
0xf0: {  	[sflag:s31] =	ssyncset.done $0x0  }
0xf1: {  	s9 =	sshrl.u32 s26, $0x3;
	s15 =	rddreg [dreg:$0xa];
	[sflag:s31] =	ssyncadd.s32 $0xFFFFFB00  }
0xf2: {  	[hbm:s15], [sflag:s0] =	dma.local [spmem:s9], $0x500  }
0xf3: {  	_ =	swait.ge [sflag:s31], $0x500  }
0xf4: {  	[sflag:s31] =	ssyncset.done $0x0  }
0xf5: {  	s1 =	sshrl.u32 @!p0 s28, $0x3;
	s2 =	rddreg [dreg:$0xb];
	[sflag:s31] =	ssyncadd.s32 $0xFFFFFB00  }
0xf6: {  	[hbm:s2], [sflag:s0] =	dma.local @!p0 [spmem:s1], $0x500  }
0xf7: {  	s0 =	simm.s32 @!p0 $0x2  }
0xf8: {  	_ =	swait.ge @!p0 [sflag:s0], $0x500  }
0xf9: {  	s13 =	sadd.s32 $0x1, s13;
	s19 =	rddreg [dreg:$0xc]  }
0xfa: {  	p1 =	sne.s32 s13, s19  }
.Ltmp1:
0xfb: {  	_ = 	snop;
	(pc) =	sbr.rel @p1 .LBB2_1-.Ltmp1, $3  }
0xfc: {  	_ =	sdelay $0x1  }
0xfd: {  	[sflag:s0] =	ssyncset.done @!p0 $0x0  }
0xfe: {  	[sflag:s0] =	ssyncadd.s32 @!p0 $0xFFFFFB00  }
0xff: {  	_ =	sfence.sel $0x180000  }
0x100: {  	[bflag:$0x0] =	sbarrier.arrive $0xFFFF  }
0x101: {  	_ =	strace $0x90000050  }
0x102: {  	s0 =	stileid.u32;
	[bflag:$0x2] =	sbarrier.arrive $0xFFFF  }
0x103: {  	p0 =	sne.s32 s0, $0x0;
	s0 =	rddreg [dreg:$0x3]  }
0x104: {  	s0 =	sadd.s32 @!p0 $0x100000, s0  }
0x105: {  	[sflag:s0] =	ssyncadd.tile.s32 @!p0 $0x1;
	_ =	shalt  }
.Lfunc_end2:
_tile_overlayer_lowered:
.L_overlay_start_2:
0x106: {  	(tag) =	ssettag $0x2  }
0x107: {  	s0 =	rddreg [dreg:$0x0];
	s2 =	stileid.u32  }
0x108: {  	s1 =	rddreg [dreg:$0x1];
	p0 =	sne.s32 s2, $0x0  }
0x109: {  	s3 =	rddreg [dreg:$0x2];
	[bflag:$0x3] =	sbarrier.arrive $0xFFFF;
	s2 =	simm.s32 @!p0 $0x1C02  }
0x10a: {  	[timem:s3], [sflag:s2] =	dma.local @!p0 [hbm:s0], s1  }
0x10b: {  	s0 =	simm.s32 @!p0 $0x2  }
0x10c: {  	_ =	swait.ge @!p0 [sflag:s0], s1  }
0x10d: {  	s1 =	ssub.s32 @!p0 $0x0, s1;
	[sflag:s0] =	ssyncset.done @!p0 $0x0  }
0x10e: {  	[sflag:s0] =	ssyncadd.s32 @!p0 s1  }
0x10f: {  	[bflag:$0x3] =	sbarrier.arrive $0xFFFF  }
0x110: {  	_ =	shalt  }

// kernel: kernel.19.cloned.1.call-start
scs
__scs_entry_jumppad:
0x0: {  	(pc) =	sbr.rel $0x88, $3  }
0x1: {  	(tag) =	ssettag $0x0;
	lr =	simm.s32 $0x1  }
0x2: {  	[smem:$0x3F87] =	sst lr;
	_ =	strace $0xD0000000  }
0x3: {  	_ = 	snop  }
0x4: {  	_ = 	snop  }
0x5: {  	_ = 	snop  }
0x6: {  	_ = 	snop  }
0x7: {  	_ = 	snop  }
__scs_overlays_trampoline_lowered:
0x8: {  	[smem:$0x3F96] =	sst s0  }
0x9: {  	[smem:$0x3F97] =	sst s1  }
0xa: {  	[smem:$0x3F98] =	sst s2  }
0xb: {  	[smem:$0x3F99] =	sst s3  }
0xc: {  	[smem:$0x3F9A] =	sst s4  }
0xd: {  	[smem:$0x3F9B] =	sst s5  }
0xe: {  	[smem:$0x3F9C] =	sst s6  }
0xf: {  	[smem:$0x3F9D] =	sst s7  }
0x10: {  	[smem:$0x3F9E] =	sst s8  }
0x11: {  	[smem:$0x3F9F] =	sst s9;
	s0 =	simm.s32 @!p0 $0x0  }
0x12: {  	s1 =	sld [smem:$0x3F85];
	s0 =	simm.s32 @p0 $0x1  }
0x13: {  	[smem:$0x3FA0] =	sst s0;
	s0 =	simm.s32 @!p1 $0x0  }
0x14: {  	s2 =	sld [smem:$0x3F84];
	s0 =	simm.s32 @p1 $0x1  }
0x15: {  	[smem:$0x3FA1] =	sst s0;
	s0 =	simm.s32 @!p2 $0x0  }
0x16: {  	s3 =	sld [smem:$0x3FDB];
	s0 =	simm.s32 @p2 $0x1  }
0x17: {  	s4 =	simm.s32 $0x1BF5;
	[smem:$0x3FA3] =	sst s0  }
0x18: {  	s0 =	sld [smem:$0x3F86];
	_ =	swait.ge [sflag:s4], $0x0  }
0x19: {  	s7 =	sld [smem:$0x3F87]  }
0x1a: {  	s8 =	sadd.s32 $0xFFFFE003, lr  }
0x1b: {  	s9 =	sadd.s32 $0xFFFFFEF7, lr;
	s5 =	simm.s32 $0xFFFFFFFF;
	p2 =	slt.u32 s8, $0xFFFFF086  }
0x1c: {  	p1 =	slt.u32 s9, $0xF7A;
	s5 =	simm.s32 @!p2 $0x0  }
0x1d: {  	s5 =	simm.s32 @p1 $0x1;
	p0 =	seq.s32 s7, s2  }
0x1e: {  	s7 =	smul.u32 @!p0 $0xF7A, s2;
	p2 =	seq.s32 @!p0 s5, $0x0  }
0x1f: {  	s9 =	smul.u32 $0xF7A, s1;
	s8 =	simm.s32 @!p0 $0x1BF5;
	p2 =	por !p2, p0  }
0x20: {  	[sflag:s8] =	ssyncset.s32 @!p0 $0xFFFFF086;
	s6 =	sadd.s32 @!p0 s3, s7;
	s7 =	simm.s32 @!p0 $0x108  }
0x21: {  	s3 =	sadd.s32 s3, s9;
	s6 =	sadd.s32 @!p0 $0x88, s6;
	s7 =	simm.s32 @p2 $0x1082  }
0x22: {  	[simem:s7], [sflag:s8] =	dma.local @!p0 [hbm:s6], $0xF7A  }
0x23: {  	s9 =	sor.u32 $0xD0000000, s2;
	s6 =	simm.s32 $0x108;
	_ =	swait.ge @!p0 [sflag:s8], $0x0  }
0x24: {  	s3 =	sadd.s32 $0x88, s3;
	s6 =	simm.s32 @!p1 $0x1082;
	[sflag:s4] =	ssyncset.s32 $0xFFFFF086  }
0x25: {  	[simem:s6], [sflag:s4] =	dma.local [hbm:s3], $0xF7A  }
0x26: {  	[smem:$0x3F87] =	sst s1;
	(tag) =	ssettag s2;
	_ =	strace s9  }
0x27: {  	s1 =	sld [smem:$0x3F97]  }
0x28: {  	s2 =	sld [smem:$0x3F98]  }
0x29: {  	s4 =	sld [smem:$0x3F9A]  }
0x2a: {  	p0 =	seq.s32 s5, $0x0;
	s5 =	sld [smem:$0x3F9B]  }
0x2b: {  	s6 =	sld [smem:$0x3F9C]  }
0x2c: {  	s7 =	sld [smem:$0x3F9D]  }
0x2d: {  	s3 =	simm.s32 $0x108;
	s8 =	sld [smem:$0x3F9E]  }
0x2e: {  	s3 =	simm.s32 @!p0 $0x1082;
	s9 =	sld [smem:$0x3F9F]  }
0x2f: {  	lr =	sadd.s32 s0, s3;
	s0 =	sld [smem:$0x3F96]  }
0x30: {  	s3 =	sld [smem:$0x3F99]  }
0x31: {  	[smem:$0x3FA2] =	sst s10  }
0x32: {  	s10 =	sld [smem:$0x3FA0];
	_ =	sdelay $0x3  }
0x33: {  	p0 =	seq.s32 s10, $0x1;
	s10 =	sld [smem:$0x3FA2];
	_ =	sdelay $0x3  }
0x34: {  	[smem:$0x3FA2] =	sst s10  }
0x35: {  	s10 =	sld [smem:$0x3FA1];
	_ =	sdelay $0x3  }
0x36: {  	p1 =	seq.s32 s10, $0x1;
	s10 =	sld [smem:$0x3FA2];
	_ =	sdelay $0x3  }
0x37: {  	[smem:$0x3FA2] =	sst s10  }
0x38: {  	s10 =	sld [smem:$0x3FA3]  }
0x39: {  	_ = 	snop;
	(pc) =	sbr.ind lr, $3  }
0x3a: {  	_ = 	snop  }
0x3b: {  	_ = 	snop  }
0x3c: {  	p2 =	seq.s32 s10, $0x1;
	s10 =	sld [smem:$0x3FA2]  }
0x3d: {  	_ =	shalt  }
0x3e: {  	_ =	shalt  }
0x3f: {  	_ =	shalt  }
0x40: {  	_ =	shalt  }
0x41: {  	_ =	shalt  }
0x42: {  	_ =	shalt  }
0x43: {  	_ =	shalt  }
0x44: {  	_ =	shalt  }
0x45: {  	_ =	shalt  }
0x46: {  	_ =	shalt  }
0x47: {  	_ =	shalt  }
0x48: {  	_ =	shalt  }
0x49: {  	_ =	shalt  }
0x4a: {  	_ =	shalt  }
0x4b: {  	_ =	shalt  }
0x4c: {  	_ =	shalt  }
0x4d: {  	_ =	shalt  }
0x4e: {  	_ =	shalt  }
0x4f: {  	_ =	shalt  }
0x50: {  	_ =	shalt  }
0x51: {  	_ =	shalt  }
0x52: {  	_ =	shalt  }
0x53: {  	_ =	shalt  }
0x54: {  	_ =	shalt  }
0x55: {  	_ =	shalt  }
0x56: {  	_ =	shalt  }
0x57: {  	_ =	shalt  }
0x58: {  	_ =	shalt  }
0x59: {  	_ =	shalt  }
0x5a: {  	_ =	shalt  }
0x5b: {  	_ =	shalt  }
0x5c: {  	_ =	shalt  }
0x5d: {  	_ =	shalt  }
0x5e: {  	_ =	shalt  }
0x5f: {  	_ =	shalt  }
0x60: {  	_ =	shalt  }
0x61: {  	_ =	shalt  }
0x62: {  	_ =	shalt  }
0x63: {  	_ =	shalt  }
0x64: {  	_ =	shalt  }
0x65: {  	_ =	shalt  }
0x66: {  	_ =	shalt  }
0x67: {  	_ =	shalt  }
0x68: {  	_ =	shalt  }
0x69: {  	_ =	shalt  }
0x6a: {  	_ =	shalt  }
0x6b: {  	_ =	shalt  }
0x6c: {  	_ =	shalt  }
0x6d: {  	_ =	shalt  }
0x6e: {  	_ =	shalt  }
0x6f: {  	_ =	shalt  }
0x70: {  	_ =	shalt  }
0x71: {  	_ =	shalt  }
0x72: {  	_ =	shalt  }
0x73: {  	_ =	shalt  }
0x74: {  	_ =	shalt  }
0x75: {  	_ =	shalt  }
0x76: {  	_ =	shalt  }
0x77: {  	_ =	shalt  }
0x78: {  	_ =	shalt  }
0x79: {  	_ =	shalt  }
0x7a: {  	_ =	shalt  }
0x7b: {  	_ =	shalt  }
0x7c: {  	_ =	shalt  }
0x7d: {  	_ =	shalt  }
0x7e: {  	_ =	shalt  }
0x7f: {  	_ =	shalt  }
0x80: {  	_ =	shalt  }
0x81: {  	_ =	shalt  }
0x82: {  	_ =	shalt  }
0x83: {  	_ =	shalt  }
0x84: {  	_ =	shalt  }
0x85: {  	_ =	shalt  }
0x86: {  	_ =	shalt  }
0x87: {  	_ =	shalt  }
.Lfunc_end0:
.L_simem_size_0:
called_computation.3_lowered:
.L_overlay_start_0:
0x88: {  	s2 =	sld [smem:$0x3FD9]  }
0x89: {  	s3 =	sld [smem:$0x3FFE];
	_ =	sdelay $0x1  }
0x8a: {  	s1 =	srdreg.scid  }
0x8b: {  	s0 =	sand.u32 $0x1, s1  }
0x8c: {  	s17 =	sshll.u32 s0, $0xA;
	s2 =	sadd.s32 s3, s2  }
0x8d: {  	s2 =	sadd.s32 s2, s17  }
0x8e: {  	[smem:$0x3FAE] =	sst s2  }
0x8f: {  	_ = 	snop  }
0x90: {  	s18 =	sld [smem:$0x3FD0];
	(tm) =	ssettm $0x1  }
0x91: {  	s19 =	sld [smem:$0x3FFB];
	_ =	sdelay $0x3  }
0x92: {  	_ =	strace s19  }
0x93: {  	s2 =	sld [smem:$0x3FFC];
	_ =	sdelay $0x3  }
0x94: {  	_ =	strace s2  }
0x95: {  	s2 =	sld [smem:$0x3FFD];
	_ =	sdelay $0x3  }
0x96: {  	_ =	strace s2  }
0x97: {  	_ =	strace $0x8FFFFFFF  }
0x98: {  	s20 =	sld [smem:$0x3FDB];
	_ =	sdelay $0x1  }
0x99: {  	s4 =	simm.s32 $_scs_section_size  }
0x9a: {  	s5 =	simm.s32 $_size__tile_overlayer_lowered;
	s6 =	simm.s32 $_tile_overlayer_lowered  }
0x9b: {  	s7 =	simm.s32 $0x1BFF;
	s21 =	sshll.u32 s6, $0x1;
	s4 =	sadd.s32 s4, s20  }
0x9c: {  	s22 =	simm.s32 $0x0;
	s5 =	sshll.u32 s5, $0x1;
	s6 =	sadd.s32 s21, s4  }
0x9d: {  	[timem:s22], [sflag:s7] =	dma.local [hbm:s6], s5  }
0x9e: {  	_ =	swait.ge [sflag:s7], s5  }
0x9f: {  	s5 =	ssub.s32 $0x0, s5;
	[sflag:s7] =	ssyncset.done $0x0  }
0xa0: {  	[sflag:s7] =	ssyncadd.s32 s5;
	_ =	sdelay $0x1  }
0xa1: {  	s23 =	simm.s32 $0x1B8B  }
0xa2: {  	_ =	swait.ge [sflag:s23], $0x1  }
0xa3: {  	[sflag:s23] =	ssyncset.done $0x0  }
0xa4: {  	[sflag:s23] =	ssyncadd.s32 $0xFFFFFFFF  }
0xa5: {  	s5 =	sld [smem:$0x0]  }
0xa6: {  	s6 =	sand.u32 $0xFFFFFFFE, s1  }
0xa7: {  	p0 =	sne.s32 s1, s6  }
0xa8: {  	s6 =	sshll.u32 @p0 s6, $0xE  }
0xa9: {  	s6 =	sadd.s32 @p0 $0x11B8D, s6;
	s7 =	sshll.u32 @p0 s5, $0x11  }
0xaa: {  	s6 =	sor.u32 @p0 s7, s6  }
0xab: {  	[sflag:s6] =	ssyncadd.remote.s32 @p0 $0x1;
	_ =	sdelay $0x1  }
0xac: {  	s6 =	simm.s32 @p0 $0x1B8D  }
0xad: {  	_ =	swait.eq @p0 [sflag:s6], $0x1  }
0xae: {  	[sflag:s6] =	ssyncadd.s32 @p0 $0xFFFFFFFF  }
0xaf: {  	s7 =	sshll.u32 @!p0 s1, $0xE  }
0xb0: {  	s7 =	sor.u32 @!p0 $0x4000, s7;
	s6 =	simm.s32 @!p0 $0x1B8D  }
0xb1: {  	s5 =	sshll.u32 @!p0 s5, $0x11;
	s7 =	sadd.s32 @!p0 $0x11B8D, s7;
	_ =	swait.eq @!p0 [sflag:s6], $0x1  }
0xb2: {  	s5 =	sor.u32 @!p0 s5, s7;
	[sflag:s6] =	ssyncadd.s32 @!p0 $0xFFFFFFFF  }
0xb3: {  	s25 =	simm.s32 $0x1B8E;
	s24 =	sld [smem:$0x3FFE];
	[sflag:s5] =	ssyncadd.remote.s32 @!p0 $0x1  }
0xb4: {  	s26 =	simm.s32 $execute0_lowered;
	[smem:$0x3FD2] =	sst s25  }
0xb5: {  	s6 =	sshll.u32 s26, $0x1;
	_ =	strace $0x8000004C;
	[dreg:$0x1] =	wrdreg $0xFFFFFFFF  }
0xb6: {  	s28 =	simm.s32 $_size_execute0_lowered;
	s4 =	sadd.s32 s4, s6;
	[dreg:$0x0] =	wrdreg $0x0  }
0xb7: {  	s6 =	sshll.u32 s28, $0x1;
	[dreg:$0x2] =	wrdreg s4  }
0xb8: {  	[dreg:$0x3] =	wrdreg s6  }
0xb9: {  	[dreg:$0x4] =	wrdreg $0xC0  }
0xba: {  	_ =	task [dreg:s22], $0x5FFFF  }
0xbb: {  	[dreg:$0x1] =	wrdreg $0xFFFFFFFF  }
0xbc: {  	[dreg:$0x0] =	wrdreg $0x60  }
0xbd: {  	[dreg:$0x2] =	wrdreg s24  }
0xbe: {  	[dreg:$0x3] =	wrdreg s18  }
0xbf: {  	[dreg:$0x4] =	wrdreg $0xAC000  }
0xc0: {  	[dreg:$0x5] =	wrdreg $0xA  }
0xc1: {  	_ =	task.clear_ibuf [dreg:s22], $0x6FFFF;
	_ =	strace $0x9000004C  }
0xc2: {  	s29 =	simm.s32 $0xA;
	_ =	strace $0x8000004E  }
0xc3: {  	_ =	swait.ge [sflag:s29], $0x1  }
0xc4: {  	[sflag:s29] =	ssyncadd.s32 $0xFFFFFFFF  }
0xc5: {  	_ =	strace $0x9000004E  }
0xc6: {  	_ =	sfence  }
0xc7: {  	s30 =	sld [smem:$0x0];
	_ =	sdelay $0x2  }
0xc8: {  	s31 =	sshll.u32 s1, $0xD;
	s1 =	sshrl.u32 s1, $0x2  }
0xc9: {  	s4 =	sand.u32 $0x4000, s31;
	s1 =	sadd.s32 s1, s30  }
0xca: {  	s0 =	sor.u32 s4, s0;
	s1 =	sshll.u32 s1, $0x11  }
0xcb: {  	s0 =	sor.u32 s1, s0  }
0xcc: {  	s0 =	sadd.s32 $0x8F2B, s0  }
0xcd: {  	[sflag:s0] =	ssyncadd.remote.s32 $0x1  }
0xce: {  	_ =	sfence.sel $0xFFFF  }
0xcf: {  	[dreg:$0x0] =	wrdreg $0xFFFFFFFF;
	(pc) =	sbr.abs _section_cstart, $3  }
0xd0: {  	[dreg:$0x1] =	wrdreg $0xFFFFFFFF  }
0xd1: {  	_ =	task.clear_ibuf [dreg:s22], $0x2FFFF;
	_ =	strace $0x9FFFFFFF  }
0xd2: {  	(tm) =	ssettm $0x7FFFFFFF  }
0xd3: {  	_ =	shalt  }
tec
execute0_lowered:
.L_overlay_start_1:
0x0: {  	(tag) =	ssettag $0x1  }
0x1: {  	s0 =	srdreg.scid;
	s18 =	stileid.u32  }
0x2: {  	s0 =	sand.u32 $0x1, s0;
	s22 =	smul.u32 $0x2800, s18  }
0x3: {  	s13 =	sor.u32 $0x10, s18;
	s11 =	smul.u32 $0x138800, s0  }
0x4: {  	s1 =	rddreg [dreg:$0x0];
	s7 =	sor.u32 $0x20, s18;
	s14 =	smul.u32 $0x2800, s13  }
0x5: {  	s2 =	simm.s32 $0x0;
	s6 =	sor.u32 $0x30, s18;
	s15 =	smul.u32 $0x2800, s7  }
0x6: {  	[smem:$0x7FF] =	sst s2;
	s5 =	sor.u32 $0x40, s18;
	s24 =	smul.u32 $0x2800, s6  }
0x7: {  	s20 =	sshll.u32 s18, $0x8;
	s2 =	sor.u32 $0x60, s18;
	s16 =	smul.u32 $0x2800, s5  }
0x8: {  	s30 =	simm.s32 $0x8400;
	s9 =	sadd.s32 s20, s1;
	s20 =	smul.u32 $0x2800, s2  }
0x9: {  	s31 =	simm.s32 $0x2;
	s8 =	sadd.s32 $0x545400, s1;
	s6 =	smul.u32 $0xA000, s6  }
0xa: {  	s10 =	sadd.s32 $0x63400, s1;
	s3 =	ssub.s32 $0x2, s0;
	s5 =	smul.u32 $0xA000, s5  }
0xb: {  	s1 =	sor.u32 $0x70, s18;
	s2 =	smul.u32 $0xA000, s2;
	s21 =	sshrl.u32 s3, $0x1  }
0xc: {  	p0 =	sgt.u32 s1, $0x7C;
	s4 =	ssub.s32 s3, s21;
	s3 =	sor.u32 $0x50, s18  }
0xd: {  	s12 =	sadd.s32 s11, s22;
	s23 =	sadd.s32 s11, s14;
	s15 =	sadd.s32 s11, s15  }
0xe: {  	s14 =	sadd.s32 s11, s24;
	s16 =	sadd.s32 s11, s16;
	s21 =	smul.u32 $0x2800, s1  }
0xf: {  	s24 =	sadd.s32 s11, s20;
	s1 =	smul.u32 $0xA000, s1;
	s12 =	sshrl.u32 s12, $0x3  }
0x10: {  	s15 =	sshrl.u32 s15, $0x3;
	s17 =	smul.u32 $0x2800, s3;
	s26 =	sshrl.u32 s14, $0x3  }
0x11: {  	s14 =	sshrl.u32 s16, $0x3;
	s16 =	smul.u32 $0x5000, s18;
	s4 =	smax.u32 s4, $0x1  }
0x12: {  	s3 =	smul.u32 $0xA000, s3;
	s12 =	sadd.s32 s10, s12;
	s25 =	sadd.s32 s10, s15  }
0x13: {  	s22 =	sadd.s32 s10, s14;
	s1 =	sshrl.u32 s1, $0x2;
	[dreg:$0x4] =	wrdreg s12  }
0x14: {  	s12 =	sshrl.u32 s23, $0x3;
	[dreg:$0x6] =	wrdreg s25;
	s19 =	sadd.s32 s11, s17  }
0x15: {  	[dreg:$0x8] =	wrdreg s22;
	s11 =	sadd.s32 s11, s21;
	s25 =	smul.u32 $0x28000, s18  }
0x16: {  	s17 =	sshll.u32 s0, $0x7;
	s12 =	sadd.s32 s10, s12;
	s15 =	sshrl.u32 s19, $0x3  }
0x17: {  	s11 =	sshrl.u32 s11, $0x3;
	s9 =	sadd.s32 s17, s9;
	s17 =	rddreg [dreg:$0x2]  }
0x18: {  	s19 =	smul.u32 $0x2800, s0;
	[dreg:$0x5] =	wrdreg s12;
	s12 =	sadd.s32 s10, s26  }
0x19: {  	s23 =	sadd.s32 s10, s15;
	s26 =	smul.u32 $0x14000, s0;
	[dreg:$0x7] =	wrdreg s12  }
0x1a: {  	s28 =	sadd.s32 s1, s17;
	s29 =	sadd.s32 $0x11180, s9;
	[dreg:$0x9] =	wrdreg s23  }
0x1b: {  	s12 =	sshrl.u32 s24, $0x3;
	s24 =	smul.u32 $0xA000, s13;
	s13 =	simm.s32 $0x0  }
0x1c: {  	s12 =	sadd.s32 s10, s12;
	s10 =	sadd.s32 s10, s11;
	s14 =	sadd.s32 s26, s25  }
0x1d: {  	s25 =	sshll.u32 s18, $0x1;
	s26 =	smul.u32 $0xA000, s18;
	[dreg:$0xa] =	wrdreg s12  }
0x1e: {  	[dreg:$0xb] =	wrdreg s10;
	s10 =	sadd.s32 s16, s8;
	s20 =	sadd.s32 $0x10000, s14  }
0x1f: {  	s21 =	sadd.s32 $0xC000, s14;
	s15 =	sadd.s32 $0x8000, s14;
	s22 =	sadd.s32 $0x4000, s14  }
0x20: {  	s18 =	sor.u32 s0, s25;
	s25 =	sshrl.u32 s3, $0x2;
	s10 =	sadd.s32 s19, s10  }
0x21: {  	s11 =	sshrl.u32 s20, $0x3;
	s12 =	sshrl.u32 s21, $0x3;
	s15 =	sshrl.u32 s15, $0x3  }
0x22: {  	s23 =	sshrl.u32 s22, $0x3;
	_ =	strace $0x8000004D;
	s19 =	smul.u32 $0xA000, s7  }
0x23: {  	[dreg:$0xc] =	wrdreg s4;
	s21 =	sshrl.u32 s26, $0x2;
	s22 =	sshrl.u32 s24, $0x2  }
0x24: {  	s24 =	sshrl.u32 s5, $0x2;
	s25 =	sadd.s32 s25, s17;
	s26 =	sshrl.u32 s2, $0x2  }
0x25: {  	s11 =	sadd.s32 s11, s8;
	s12 =	sadd.s32 s12, s8;
	s14 =	sadd.s32 s15, s8  }
0x26: {  	s16 =	sadd.s32 s23, s8;
	s20 =	sadd.s32 s21, s17;
	s21 =	sadd.s32 s22, s17  }
0x27: {  	s23 =	sshrl.u32 s6, $0x2;
	s24 =	sadd.s32 s24, s17;
	s0 =	sshrl.u32 s19, $0x2  }
0x28: {  	s26 =	sadd.s32 s26, s17;
	s23 =	sadd.s32 s23, s17;
	s22 =	sadd.s32 s0, s17  }
.LBB2_1:
0x29: {  	s0 =	simm.s32 $0x0;
	s1 =	rddreg [dreg:$0x1]  }
0x2a: {  	[tilespmem:s30], [sflag:$0x2] =	stream.linear.gather [hbm4b:s1+s0], $0x2800, $0x38;
	[tilespmem:$0x1E480] =	vst v63  }
0x2b: {  	_ =	swait.ge [sflag:s31], $0x2800  }
0x2c: {  	[sflag:s31] =	ssyncset.done $0x0  }
0x2d: {  	[sflag:s31] =	ssyncadd.s32 $0xFFFFD800  }
0x2e: {  	[spmem:s20] =	stream.linear.scatter [tilespmem:s30], [sflag:$0x2], $0x2800, $0x38;
	[tilespmem:$0x1E480] =	vst v63  }
0x2f: {  	_ =	swait.ge [sflag:s31], $0x2800  }
0x30: {  	[sflag:s31] =	ssyncset.done $0x0  }
0x31: {  	[sflag:s31] =	ssyncadd.s32 $0xFFFFD800  }
0x32: {  	[spmem:s21] =	stream.linear.scatter [tilespmem:s30], [sflag:$0x2], $0x2800, $0x38;
	[tilespmem:$0x1E480] =	vst v63  }
0x33: {  	_ =	swait.ge [sflag:s31], $0x2800  }
0x34: {  	[sflag:s31] =	ssyncset.done $0x0  }
0x35: {  	[sflag:s31] =	ssyncadd.s32 $0xFFFFD800  }
0x36: {  	[spmem:s22] =	stream.linear.scatter [tilespmem:s30], [sflag:$0x2], $0x2800, $0x38;
	[tilespmem:$0x1E480] =	vst v63  }
0x37: {  	_ =	swait.ge [sflag:s31], $0x2800  }
0x38: {  	[sflag:s31] =	ssyncset.done $0x0  }
0x39: {  	[sflag:s31] =	ssyncadd.s32 $0xFFFFD800  }
0x3a: {  	[spmem:s23] =	stream.linear.scatter [tilespmem:s30], [sflag:$0x2], $0x2800, $0x38;
	[tilespmem:$0x1E480] =	vst v63  }
0x3b: {  	_ =	swait.ge [sflag:s31], $0x2800  }
0x3c: {  	[sflag:s31] =	ssyncset.done $0x0  }
0x3d: {  	[sflag:s31] =	ssyncadd.s32 $0xFFFFD800  }
0x3e: {  	[spmem:s24] =	stream.linear.scatter [tilespmem:s30], [sflag:$0x2], $0x2800, $0x38;
	[tilespmem:$0x1E480] =	vst v63  }
0x3f: {  	_ =	swait.ge [sflag:s31], $0x2800  }
0x40: {  	[sflag:s31] =	ssyncset.done $0x0  }
0x41: {  	[sflag:s31] =	ssyncadd.s32 $0xFFFFD800  }
0x42: {  	[spmem:s25] =	stream.linear.scatter [tilespmem:s30], [sflag:$0x2], $0x2800, $0x38;
	[tilespmem:$0x1E480] =	vst v63  }
0x43: {  	_ =	swait.ge [sflag:s31], $0x2800  }
0x44: {  	[sflag:s31] =	ssyncset.done $0x0  }
0x45: {  	[sflag:s31] =	ssyncadd.s32 $0xFFFFD800  }
0x46: {  	[spmem:s26] =	stream.linear.scatter [tilespmem:s30], [sflag:$0x2], $0x2800, $0x38;
	[tilespmem:$0x1E480] =	vst v63  }
0x47: {  	_ =	swait.ge [sflag:s31], $0x2800  }
0x48: {  	[sflag:s31] =	ssyncset.done $0x0  }
0x49: {  	s0 =	simm.s32 @!p0 $0x8400;
	[sflag:s31] =	ssyncadd.s32 $0xFFFFD800  }
0x4a: {  	[spmem:s28] =	stream.linear.scatter @!p0 [tilespmem:s0], [sflag:$0x2], $0x2800, $0x38;
	[tilespmem:$0x1E480] =	vst v63  }
0x4b: {  	s0 =	simm.s32 @!p0 $0x2  }
0x4c: {  	_ =	swait.ge @!p0 [sflag:s0], $0x2800  }
0x4d: {  	[sflag:s0] =	ssyncset.done @!p0 $0x0  }
0x4e: {  	p1 =	sgt.u32 s18, $0x7C;
	[sflag:s0] =	ssyncadd.s32 @!p0 $0xFFFFD800  }
0x4f: {  	s1 =	simm.s32 @!p1 $0x3;
	s0 =	simm.s32 @!p1 $0x0;
	[bflag:$0x0] =	sbarrier.arrive $0xFFFF  }
0x50: {  	[tilespmem:s0], [sflag:$0x3] =	stream.linear.gather @!p1 [hbm4b:s29+s0], $0x280, $0x38;
	[tilespmem:$0x1E480] =	vst v63  }
0x51: {  	_ =	swait.ge @!p1 [sflag:s1], $0x280  }
0x52: {  	[sflag:s1] =	ssyncset.done @!p1 $0x0;
	p1 =	por p1, p1  }
0x53: {  	[sflag:s1] =	ssyncadd.s32 @!p1 $0xFFFFFD80;
	s2 =	sadd.s32 @!p1 $0x0, s10;
	s3 =	simm.s32 @!p1 $0x400  }
0x54: {  	[tilespmem:s3], [sflag:$0x1] =	stream.linear.gather @!p1 [hbm4b:s2+s0], $0x4000, $0x38;
	[tilespmem:$0x1E480] =	vst v63  }
0x55: {  	s4 =	simm.s32 @!p1 $0x4400;
	s5 =	simm.s32 @!p1 $0x1;
	s2 =	sadd.s32 @!p1 $0x0, s16  }
0x56: {  	[tilespmem:s4], [sflag:$0x1] =	stream.linear.gather @!p1 [hbm4b:s2+s0], $0x4000, $0x38;
	[tilespmem:$0x1E480] =	vst v63  }
0x57: {  	_ =	swait.ge @!p1 [sflag:s5], $0x4000  }
0x58: {  	[sflag:s5] =	ssyncset.done @!p1 $0x0  }
0x59: {  	s2 =	simm.s32 @!p1 $0x80;
	[sflag:s5] =	ssyncadd.s32 @!p1 $0xFFFFC000  }
0x5a: {  	[spmem:s17] =	stream.indirect.scatter.add.f32 @!p1 [tilespmem:s3], [sflag:$0x3], $0x80, s0, s2, $0xb8;
	[tilespmem:$0x1E480] =	vst v63  }
0x5b: {  	_ =	swait.ge @!p1 [sflag:s1], $0x4000  }
0x5c: {  	[sflag:s1] =	ssyncset.done @!p1 $0x0  }
0x5d: {  	s6 =	sadd.s32 @!p1 $0x0, s14;
	[sflag:s1] =	ssyncadd.s32 @!p1 $0xFFFFC000  }
0x5e: {  	[tilespmem:s3], [sflag:$0x1] =	stream.linear.gather @!p1 [hbm4b:s6+s0], $0x4000, $0x38;
	[tilespmem:$0x1E480] =	vst v63  }
0x5f: {  	_ =	swait.ge @!p1 [sflag:s5], $0x4000  }
0x60: {  	[sflag:s5] =	ssyncset.done @!p1 $0x0  }
0x61: {  	[sflag:s5] =	ssyncadd.s32 @!p1 $0xFFFFC000  }
0x62: {  	[spmem:s17] =	stream.indirect.scatter.add.f32 @!p1 [tilespmem:s4], [sflag:$0x3], $0x80, s2, s2, $0xb8;
	[tilespmem:$0x1E480] =	vst v63  }
0x63: {  	_ =	swait.ge @!p1 [sflag:s1], $0x4000  }
0x64: {  	[sflag:s1] =	ssyncset.done @!p1 $0x0  }
0x65: {  	s6 =	sadd.s32 @!p1 $0x0, s12;
	[sflag:s1] =	ssyncadd.s32 @!p1 $0xFFFFC000  }
0x66: {  	[tilespmem:s4], [sflag:$0x1] =	stream.linear.gather @!p1 [hbm4b:s6+s0], $0x4000, $0x38;
	[tilespmem:$0x1E480] =	vst v63  }
0x67: {  	_ =	swait.ge @!p1 [sflag:s5], $0x4000  }
0x68: {  	[sflag:s5] =	ssyncset.done @!p1 $0x0  }
0x69: {  	s6 =	simm.s32 @!p1 $0x100;
	[sflag:s5] =	ssyncadd.s32 @!p1 $0xFFFFC000  }
0x6a: {  	[spmem:s17] =	stream.indirect.scatter.add.f32 @!p1 [tilespmem:s3], [sflag:$0x3], $0x80, s6, s2, $0xb8;
	[tilespmem:$0x1E480] =	vst v63  }
0x6b: {  	_ =	swait.ge @!p1 [sflag:s1], $0x4000  }
0x6c: {  	[sflag:s1] =	ssyncset.done @!p1 $0x0  }
0x6d: {  	s6 =	sadd.s32 @!p1 $0x0, s11;
	[sflag:s1] =	ssyncadd.s32 @!p1 $0xFFFFC000  }
0x6e: {  	[tilespmem:s3], [sflag:$0x1] =	stream.linear.gather @!p1 [hbm4b:s6+s0], $0x4000, $0x38;
	[tilespmem:$0x1E480] =	vst v63  }
0x6f: {  	_ =	swait.ge @!p1 [sflag:s5], $0x4000  }
0x70: {  	[sflag:s5] =	ssyncset.done @!p1 $0x0  }
0x71: {  	s0 =	simm.s32 @!p1 $0x180;
	[sflag:s5] =	ssyncadd.s32 @!p1 $0xFFFFC000  }
0x72: {  	[spmem:s17] =	stream.indirect.scatter.add.f32 @!p1 [tilespmem:s4], [sflag:$0x3], $0x80, s0, s2, $0xb8;
	[tilespmem:$0x1E480] =	vst v63  }
0x73: {  	_ =	swait.ge @!p1 [sflag:s1], $0x4000  }
0x74: {  	[sflag:s1] =	ssyncset.done @!p1 $0x0  }
0x75: {  	[sflag:s1] =	ssyncadd.s32 @!p1 $0xFFFFC000  }
0x76: {  	_ =	swait.ge @!p1 [sflag:s5], $0x4000  }
0x77: {  	s15 =	simm.s32 $0xA0000;
	[sflag:s5] =	ssyncset.done @!p1 $0x0  }
0x78: {  	s6 =	simm.s32 @!p1 $0x2;
	s0 =	simm.s32 @!p1 $0x200;
	[sflag:s5] =	ssyncadd.s32 @!p1 $0xFFFFC000  }
0x79: {  	[spmem:s17] =	stream.indirect.scatter.add.f32 @!p1 [tilespmem:s3], [sflag:$0x2], $0x80, s0, s2, $0xb8;
	[tilespmem:$0x1E480] =	vst v63  }
0x7a: {  	s1 =	simm.s32 $0x50000;
	s2 =	sadd.s32 $0x20, s18;
	_ =	swait.ge @!p1 [sflag:s6], $0x4000  }
0x7b: {  	s0 =	sadd.s32 $0x1000, s29;
	p3 =	sgt.u32 s2, $0x7C;
	[sflag:s6] =	ssyncset.done @!p1 $0x0  }
.LBB2_2:
0x7c: {  	s5 =	simm.s32 @!p3 $0x0;
	s3 =	simm.s32 @!p3 $0x3;
	[sflag:s6] =	ssyncadd.s32 @!p1 $0xFFFFC000  }
0x7d: {  	[tilespmem:s5], [sflag:$0x3] =	stream.linear.gather @!p3 [hbm4b:s0+s5], $0x280, $0x38;
	[tilespmem:$0x1E480] =	vst v63  }
0x7e: {  	s8 =	smov.u32 s15;
	s15 =	sadd.s32 $0x50000, s15;
	_ =	swait.ge @!p3 [sflag:s3], $0x280  }
0x7f: {  	p1 =	por p3, p3;
	p2 =	sne.s32 s15, $0x140000;
	[sflag:s3] =	ssyncset.done @!p3 $0x0  }
0x80: {  	s6 =	sadd.s32 @!p1 s1, s10;
	s4 =	simm.s32 @!p1 $0x400;
	[sflag:s3] =	ssyncadd.s32 @!p1 $0xFFFFFD80  }
0x81: {  	[tilespmem:s4], [sflag:$0x1] =	stream.linear.gather @!p1 [hbm4b:s6+s5], $0x4000, $0x38;
	[tilespmem:$0x1E480] =	vst v63  }
0x82: {  	s7 =	sadd.s32 @!p1 s1, s16;
	s9 =	simm.s32 @!p1 $0x4400;
	s6 =	simm.s32 @!p1 $0x1  }
0x83: {  	[tilespmem:s9], [sflag:$0x1] =	stream.linear.gather @!p1 [hbm4b:s7+s5], $0x4000, $0x38;
	[tilespmem:$0x1E480] =	vst v63  }
0x84: {  	_ =	swait.ge @!p1 [sflag:s6], $0x4000  }
0x85: {  	[sflag:s6] =	ssyncset.done @!p1 $0x0  }
0x86: {  	s7 =	simm.s32 @!p1 $0x80;
	[sflag:s6] =	ssyncadd.s32 @!p1 $0xFFFFC000  }
0x87: {  	[spmem:s17] =	stream.indirect.scatter.add.f32 @!p1 [tilespmem:s4], [sflag:$0x3], $0x80, s5, s7, $0xb8;
	[tilespmem:$0x1E480] =	vst v63  }
0x88: {  	_ =	swait.ge @!p1 [sflag:s3], $0x4000  }
0x89: {  	[sflag:s3] =	ssyncset.done @!p1 $0x0  }
0x8a: {  	s19 =	sadd.s32 @!p1 s1, s14;
	[sflag:s3] =	ssyncadd.s32 @!p1 $0xFFFFC000  }
0x8b: {  	[tilespmem:s4], [sflag:$0x1] =	stream.linear.gather @!p1 [hbm4b:s19+s5], $0x4000, $0x38;
	[tilespmem:$0x1E480] =	vst v63  }
0x8c: {  	_ =	swait.ge @!p1 [sflag:s6], $0x4000  }
0x8d: {  	[sflag:s6] =	ssyncset.done @!p1 $0x0  }
0x8e: {  	[sflag:s6] =	ssyncadd.s32 @!p1 $0xFFFFC000  }
0x8f: {  	[spmem:s17] =	stream.indirect.scatter.add.f32 @!p1 [tilespmem:s9], [sflag:$0x3], $0x80, s7, s7, $0xb8;
	[tilespmem:$0x1E480] =	vst v63  }
0x90: {  	_ =	swait.ge @!p1 [sflag:s3], $0x4000  }
0x91: {  	[sflag:s3] =	ssyncset.done @!p1 $0x0  }
0x92: {  	s19 =	sadd.s32 @!p1 s1, s12;
	[sflag:s3] =	ssyncadd.s32 @!p1 $0xFFFFC000  }
0x93: {  	[tilespmem:s9], [sflag:$0x1] =	stream.linear.gather @!p1 [hbm4b:s19+s5], $0x4000, $0x38;
	[tilespmem:$0x1E480] =	vst v63  }
0x94: {  	_ =	swait.ge @!p1 [sflag:s6], $0x4000  }
0x95: {  	[sflag:s6] =	ssyncset.done @!p1 $0x0  }
0x96: {  	s19 =	simm.s32 @!p1 $0x100;
	[sflag:s6] =	ssyncadd.s32 @!p1 $0xFFFFC000  }
0x97: {  	[spmem:s17] =	stream.indirect.scatter.add.f32 @!p1 [tilespmem:s4], [sflag:$0x3], $0x80, s19, s7, $0xb8;
	[tilespmem:$0x1E480] =	vst v63  }
0x98: {  	_ =	swait.ge @!p1 [sflag:s3], $0x4000  }
0x99: {  	[sflag:s3] =	ssyncset.done @!p1 $0x0  }
0x9a: {  	s19 =	sadd.s32 @!p1 s1, s11;
	s1 =	smov.u32 s8;
	[sflag:s3] =	ssyncadd.s32 @!p1 $0xFFFFC000  }
0x9b: {  	[tilespmem:s4], [sflag:$0x1] =	stream.linear.gather @!p1 [hbm4b:s19+s5], $0x4000, $0x38;
	[tilespmem:$0x1E480] =	vst v63  }
0x9c: {  	_ =	swait.ge @!p1 [sflag:s6], $0x4000  }
0x9d: {  	[sflag:s6] =	ssyncset.done @!p1 $0x0  }
0x9e: {  	s5 =	simm.s32 @!p1 $0x180;
	[sflag:s6] =	ssyncadd.s32 @!p1 $0xFFFFC000  }
0x9f: {  	[spmem:s17] =	stream.indirect.scatter.add.f32 @!p1 [tilespmem:s9], [sflag:$0x3], $0x80, s5, s7, $0xb8;
	[tilespmem:$0x1E480] =	vst v63  }
0xa0: {  	_ =	swait.ge @!p1 [sflag:s3], $0x4000  }
0xa1: {  	[sflag:s3] =	ssyncset.done @!p1 $0x0  }
0xa2: {  	[sflag:s3] =	ssyncadd.s32 @!p1 $0xFFFFC000  }
0xa3: {  	_ =	swait.ge @!p1 [sflag:s6], $0x4000  }
.Ltmp0:
0xa4: {  	[sflag:s6] =	ssyncset.done @!p1 $0x0;
	(pc) =	sbr.rel @p2 .LBB2_2-.Ltmp0, $4  }
0xa5: {  	s3 =	simm.s32 @!p1 $0x200;
	[sflag:s6] =	ssyncadd.s32 @!p1 $0xFFFFC000;
	s6 =	simm.s32 @!p1 $0x2  }
0xa6: {  	[spmem:s17] =	stream.indirect.scatter.add.f32 @!p1 [tilespmem:s4], [sflag:$0x2], $0x80, s3, s7, $0xb8;
	[tilespmem:$0x1E480] =	vst v63  }
0xa7: {  	s2 =	sadd.s32 $0x20, s2;
	_ =	swait.ge @!p1 [sflag:s6], $0x4000  }
0xa8: {  	s0 =	sadd.s32 $0x1000, s0;
	p3 =	sgt.u32 s2, $0x7C;
	[sflag:s6] =	ssyncset.done @!p1 $0x0  }
0xa9: {  	s2 =	simm.s32 @!p3 $0x0;
	s3 =	simm.s32 @!p3 $0x3;
	[sflag:s6] =	ssyncadd.s32 @!p1 $0xFFFFC000  }
0xaa: {  	[tilespmem:s2], [sflag:$0x3] =	stream.linear.gather @!p3 [hbm4b:s0+s2], $0x280, $0x38;
	[tilespmem:$0x1E480] =	vst v63  }
0xab: {  	_ =	swait.ge @!p3 [sflag:s3], $0x280  }
0xac: {  	p1 =	por p3, p3;
	[sflag:s3] =	ssyncset.done @!p3 $0x0  }
0xad: {  	s0 =	sadd.s32 @!p1 s1, s10;
	s4 =	simm.s32 @!p1 $0x400;
	[sflag:s3] =	ssyncadd.s32 @!p1 $0xFFFFFD80  }
0xae: {  	[tilespmem:s4], [sflag:$0x1] =	stream.linear.gather @!p1 [hbm4b:s0+s2], $0x4000, $0x38;
	[tilespmem:$0x1E480] =	vst v63  }
0xaf: {  	s5 =	simm.s32 @!p1 $0x4400;
	s6 =	simm.s32 @!p1 $0x1;
	s0 =	sadd.s32 @!p1 s1, s16  }
0xb0: {  	[tilespmem:s5], [sflag:$0x1] =	stream.linear.gather @!p1 [hbm4b:s0+s2], $0x4000, $0x38;
	[tilespmem:$0x1E480] =	vst v63  }
0xb1: {  	_ =	swait.ge @!p1 [sflag:s6], $0x4000  }
0xb2: {  	[sflag:s6] =	ssyncset.done @!p1 $0x0  }
0xb3: {  	s0 =	simm.s32 @!p1 $0x80;
	[sflag:s6] =	ssyncadd.s32 @!p1 $0xFFFFC000  }
0xb4: {  	[spmem:s17] =	stream.indirect.scatter.add.f32 @!p1 [tilespmem:s4], [sflag:$0x3], $0x80, s2, s0, $0xb8;
	[tilespmem:$0x1E480] =	vst v63  }
0xb5: {  	_ =	swait.ge @!p1 [sflag:s3], $0x4000  }
0xb6: {  	[sflag:s3] =	ssyncset.done @!p1 $0x0  }
0xb7: {  	s7 =	sadd.s32 @!p1 s1, s14;
	[sflag:s3] =	ssyncadd.s32 @!p1 $0xFFFFC000  }
0xb8: {  	[tilespmem:s4], [sflag:$0x1] =	stream.linear.gather @!p1 [hbm4b:s7+s2], $0x4000, $0x38;
	[tilespmem:$0x1E480] =	vst v63  }
0xb9: {  	_ =	swait.ge @!p1 [sflag:s6], $0x4000  }
0xba: {  	[sflag:s6] =	ssyncset.done @!p1 $0x0  }
0xbb: {  	[sflag:s6] =	ssyncadd.s32 @!p1 $0xFFFFC000  }
0xbc: {  	[spmem:s17] =	stream.indirect.scatter.add.f32 @!p1 [tilespmem:s5], [sflag:$0x3], $0x80, s0, s0, $0xb8;
	[tilespmem:$0x1E480] =	vst v63  }
0xbd: {  	_ =	swait.ge @!p1 [sflag:s3], $0x4000  }
0xbe: {  	[sflag:s3] =	ssyncset.done @!p1 $0x0  }
0xbf: {  	s7 =	sadd.s32 @!p1 s1, s12;
	[sflag:s3] =	ssyncadd.s32 @!p1 $0xFFFFC000  }
0xc0: {  	[tilespmem:s5], [sflag:$0x1] =	stream.linear.gather @!p1 [hbm4b:s7+s2], $0x4000, $0x38;
	[tilespmem:$0x1E480] =	vst v63  }
0xc1: {  	_ =	swait.ge @!p1 [sflag:s6], $0x4000  }
0xc2: {  	[sflag:s6] =	ssyncset.done @!p1 $0x0  }
0xc3: {  	s7 =	simm.s32 @!p1 $0x100;
	[sflag:s6] =	ssyncadd.s32 @!p1 $0xFFFFC000  }
0xc4: {  	[spmem:s17] =	stream.indirect.scatter.add.f32 @!p1 [tilespmem:s4], [sflag:$0x3], $0x80, s7, s0, $0xb8;
	[tilespmem:$0x1E480] =	vst v63  }
0xc5: {  	_ =	swait.ge @!p1 [sflag:s3], $0x4000  }
0xc6: {  	[sflag:s3] =	ssyncset.done @!p1 $0x0  }
0xc7: {  	s1 =	sadd.s32 @!p1 s1, s11;
	[sflag:s3] =	ssyncadd.s32 @!p1 $0xFFFFC000  }
0xc8: {  	[tilespmem:s4], [sflag:$0x1] =	stream.linear.gather @!p1 [hbm4b:s1+s2], $0x4000, $0x38;
	[tilespmem:$0x1E480] =	vst v63  }
0xc9: {  	_ =	swait.ge @!p1 [sflag:s6], $0x4000  }
0xca: {  	[sflag:s6] =	ssyncset.done @!p1 $0x0  }
0xcb: {  	s1 =	simm.s32 @!p1 $0x180;
	[sflag:s6] =	ssyncadd.s32 @!p1 $0xFFFFC000  }
0xcc: {  	[spmem:s17] =	stream.indirect.scatter.add.f32 @!p1 [tilespmem:s5], [sflag:$0x3], $0x80, s1, s0, $0xb8;
	[tilespmem:$0x1E480] =	vst v63  }
0xcd: {  	_ =	swait.ge @!p1 [sflag:s3], $0x4000  }
0xce: {  	[sflag:s3] =	ssyncset.done @!p1 $0x0  }
0xcf: {  	[sflag:s3] =	ssyncadd.s32 @!p1 $0xFFFFC000  }
0xd0: {  	_ =	swait.ge @!p1 [sflag:s6], $0x4000  }
0xd1: {  	[sflag:s6] =	ssyncset.done @!p1 $0x0  }
0xd2: {  	s1 =	simm.s32 @!p1 $0x200;
	[sflag:s6] =	ssyncadd.s32 @!p1 $0xFFFFC000  }
0xd3: {  	[spmem:s17] =	stream.indirect.scatter.add.f32 @!p1 [tilespmem:s4], [sflag:$0x2], $0x80, s1, s0, $0xb8;
	[tilespmem:$0x1E480] =	vst v63  }
0xd4: {  	s0 =	simm.s32 @!p1 $0x2  }
0xd5: {  	_ =	swait.ge @!p1 [sflag:s0], $0x4000  }
0xd6: {  	[sflag:s0] =	ssyncset.done @!p1 $0x0  }
0xd7: {  	s5 =	stileid.u32;
	[sflag:s0] =	ssyncadd.s32 @!p1 $0xFFFFC000  }
0xd8: {  	s0 =	sshll.u32 s5, $0x6;
	[bflag:$0x0] =	sbarrier.arrive $0xFFFF  }
0xd9: {  	s6 =	sshrl.u32 s20, $0x3;
	s0 =	sor.u32 $0x1C02, s0;
	s7 =	rddreg [dreg:$0x4]  }
0xda: {  	[hbm:s7], [sflag:s0] =	dma.local [spmem:s6], $0x500  }
0xdb: {  	_ =	swait.ge [sflag:s31], $0x500  }
0xdc: {  	[sflag:s31] =	ssyncset.done $0x0  }
0xdd: {  	s8 =	sshrl.u32 s21, $0x3;
	s9 =	rddreg [dreg:$0x5];
	[sflag:s31] =	ssyncadd.s32 $0xFFFFFB00  }
0xde: {  	[hbm:s9], [sflag:s0] =	dma.local [spmem:s8], $0x500  }
0xdf: {  	_ =	swait.ge [sflag:s31], $0x500  }
0xe0: {  	[sflag:s31] =	ssyncset.done $0x0  }
0xe1: {  	s15 =	sshrl.u32 s22, $0x3;
	s19 =	rddreg [dreg:$0x6];
	[sflag:s31] =	ssyncadd.s32 $0xFFFFFB00  }
0xe2: {  	[hbm:s19], [sflag:s0] =	dma.local [spmem:s15], $0x500  }
0xe3: {  	_ =	swait.ge [sflag:s31], $0x500  }
0xe4: {  	[sflag:s31] =	ssyncset.done $0x0  }
0xe5: {  	s3 =	sshrl.u32 s23, $0x3;
	s4 =	rddreg [dreg:$0x7];
	[sflag:s31] =	ssyncadd.s32 $0xFFFFFB00  }
0xe6: {  	[hbm:s4], [sflag:s0] =	dma.local [spmem:s3], $0x500  }
0xe7: {  	_ =	swait.ge [sflag:s31], $0x500  }
0xe8: {  	[sflag:s31] =	ssyncset.done $0x0  }
0xe9: {  	s5 =	sshrl.u32 s24, $0x3;
	s6 =	rddreg [dreg:$0x8];
	[sflag:s31] =	ssyncadd.s32 $0xFFFFFB00  }
0xea: {  	[hbm:s6], [sflag:s0] =	dma.local [spmem:s5], $0x500  }
0xeb: {  	_ =	swait.ge [sflag:s31], $0x500  }
0xec: {  	[sflag:s31] =	ssyncset.done $0x0  }
0xed: {  	s7 =	sshrl.u32 s25, $0x3;
	s8 =	rddreg [dreg:$0x9];
	[sflag:s31] =	ssyncadd.s32 $0xFFFFFB00  }
0xee: {  	[hbm:s8], [sflag:s0] =	dma.local [spmem:s7], $0x500  }
0xef: {  	_ =	swait.ge [sflag:s31], $0x500  }
0xf0: {  	[sflag:s31] =	ssyncset.done $0x0  }
0xf1: {  	s9 =	sshrl.u32 s26, $0x3;
	s15 =	rddreg [dreg:$0xa];
	[sflag:s31] =	ssyncadd.s32 $0xFFFFFB00  }
0xf2: {  	[hbm:s15], [sflag:s0] =	dma.local [spmem:s9], $0x500  }
0xf3: {  	_ =	swait.ge [sflag:s31], $0x500  }
0xf4: {  	[sflag:s31] =	ssyncset.done $0x0  }
0xf5: {  	s1 =	sshrl.u32 @!p0 s28, $0x3;
	s2 =	rddreg [dreg:$0xb];
	[sflag:s31] =	ssyncadd.s32 $0xFFFFFB00  }
0xf6: {  	[hbm:s2], [sflag:s0] =	dma.local @!p0 [spmem:s1], $0x500  }
0xf7: {  	s0 =	simm.s32 @!p0 $0x2  }
0xf8: {  	_ =	swait.ge @!p0 [sflag:s0], $0x500  }
0xf9: {  	s13 =	sadd.s32 $0x1, s13;
	s19 =	rddreg [dreg:$0xc]  }
0xfa: {  	p1 =	sne.s32 s13, s19  }
.Ltmp1:
0xfb: {  	_ = 	snop;
	(pc) =	sbr.rel @p1 .LBB2_1-.Ltmp1, $3  }
0xfc: {  	_ =	sdelay $0x1  }
0xfd: {  	[sflag:s0] =	ssyncset.done @!p0 $0x0  }
0xfe: {  	[sflag:s0] =	ssyncadd.s32 @!p0 $0xFFFFFB00  }
0xff: {  	_ =	sfence.sel $0x180000  }
0x100: {  	[bflag:$0x0] =	sbarrier.arrive $0xFFFF  }
0x101: {  	_ =	strace $0x9000004D  }
0x102: {  	s0 =	stileid.u32;
	[bflag:$0x2] =	sbarrier.arrive $0xFFFF  }
0x103: {  	p0 =	sne.s32 s0, $0x0;
	s0 =	rddreg [dreg:$0x3]  }
0x104: {  	s0 =	sadd.s32 @!p0 $0x100000, s0  }
0x105: {  	[sflag:s0] =	ssyncadd.tile.s32 @!p0 $0x1;
	_ =	shalt  }
.Lfunc_end2:
_tile_overlayer_lowered:
.L_overlay_start_2:
0x106: {  	(tag) =	ssettag $0x2  }
0x107: {  	s0 =	rddreg [dreg:$0x0];
	s2 =	stileid.u32  }
0x108: {  	s1 =	rddreg [dreg:$0x1];
	p0 =	sne.s32 s2, $0x0  }
0x109: {  	s3 =	rddreg [dreg:$0x2];
	[bflag:$0x3] =	sbarrier.arrive $0xFFFF;
	s2 =	simm.s32 @!p0 $0x1C02  }
0x10a: {  	[timem:s3], [sflag:s2] =	dma.local @!p0 [hbm:s0], s1  }
0x10b: {  	s0 =	simm.s32 @!p0 $0x2  }
0x10c: {  	_ =	swait.ge @!p0 [sflag:s0], s1  }
0x10d: {  	s1 =	ssub.s32 @!p0 $0x0, s1;
	[sflag:s0] =	ssyncset.done @!p0 $0x0  }
0x10e: {  	[sflag:s0] =	ssyncadd.s32 @!p0 s1  }
0x10f: {  	[bflag:$0x3] =	sbarrier.arrive $0xFFFF  }
0x110: {  	_ =	shalt  }

</sc_bundles>
